<compile_context>
chip_gen: v7x
topology: tpu7x:2x2x1
jax: 0.10.2.dev20260603
libtpu: 0.0.44.dev20260713+nightly
codegen_flags: <defaults>
</compile_context>

<pallas_src>
import functools
import jax
import jax.numpy as jnp
from jax import lax
from jax.experimental import pallas as pl
from jax.experimental.pallas import tpu as pltpu
from jax.experimental.pallas import tpu_sc as plsc

N = 10000
NP = 10240
E = 320000
DIN = 128
H1 = 128
H2 = 96
OUT = 20
OUTP = 32
GPAD = 128
GRID = 200
P = 66

NC = 2
NS = 16
NW = NC * NS
EPW = E // NW
EK = 80
ENCH = EPW // EK
PPW = NP // NW
PB = 64

_MESH = plsc.VectorSubcoreMesh(core_axis_name="c", subcore_axis_name="s")


def _zero_buf(zb):
    z16 = jnp.zeros((16,), jnp.float32)
    for i in range(16):
        for j in range(8):
            zb[i, pl.ds(j * 16, 16)] = z16


@functools.partial(
    pl.kernel,
    out_type=jax.ShapeDtypeStruct((NC, NP, DIN), jnp.float32),
    mesh=_MESH,
    scratch_types=[
        pltpu.VMEM((EK,), jnp.int32),
        pltpu.VMEM((EK,), jnp.int32),
        pltpu.VMEM((EK, DIN), jnp.float32),
        pltpu.VMEM((16, DIN), jnp.float32),
        pltpu.VMEM_SHARED((NP, DIN), jnp.float32),
        pltpu.SemaphoreType.DMA,
    ],
)
def _segsum(feats, srci, dsti, out, src_v, dst_v, rows_v, zb, acc, sem):
    cid = lax.axis_index("c")
    sid = lax.axis_index("s")
    wid = sid * NC + cid
    rpt = NP // NS

    _zero_buf(zb)

    def zacc(i, carry):
        pltpu.sync_copy(zb, acc.at[pl.ds(sid * rpt + i * 16, 16)])
        return carry
    lax.fori_loop(0, rpt // 16, zacc, 0)
    plsc.subcore_barrier()

    base0 = wid * EPW

    def body(kk, carry):
        base = base0 + kk * EK
        pltpu.sync_copy(srci.at[pl.ds(base, EK)], src_v)
        pltpu.sync_copy(dsti.at[pl.ds(base, EK)], dst_v)
        pltpu.async_copy(feats.at[src_v], rows_v, sem).wait()
        pltpu.sync_copy(rows_v, acc.at[dst_v], add=True)
        return carry
    lax.fori_loop(0, ENCH, body, 0)
    plsc.subcore_barrier()

    pltpu.sync_copy(acc.at[pl.ds(sid * rpt, rpt)],
                    out.at[cid, pl.ds(sid * rpt, rpt)])


def _tc1(p, W0):
    def body(p_ref, w0_ref, h_ref):
        agg = p_ref[0] + p_ref[1]
        h_ref[...] = jnp.maximum(
            jnp.dot(agg, w0_ref[...], preferred_element_type=jnp.float32), 0.0)

    return pl.pallas_call(
        body,
        out_shape=jax.ShapeDtypeStruct((NP, H1), jnp.float32),
    )(p, W0)


def _tc_h1(q, W1):
    def body(q_ref, w1_ref, h_ref):
        agg = q_ref[0] + q_ref[1]
        h_ref[...] = jnp.maximum(
            jnp.dot(agg, w1_ref[...], preferred_element_type=jnp.float32), 0.0)

    return pl.pallas_call(
        body,
        out_shape=jax.ShapeDtypeStruct((NP, H2), jnp.float32),
    )(q, W1)


def _tc2(bev3, h1, Wfp, bfp):
    def body(bev_ref, h1_ref, wf_ref, bf_ref, pw_ref, hw_ref):
        bev = bev_ref[...]
        ninf = jnp.float32(-jnp.inf)

        a = jnp.max(bev[0:198].reshape(P, 3, GRID, H2), axis=1)
        sh = bev[2:200].reshape(P, 3, GRID, H2)
        b = jnp.concatenate(
            [jnp.full((1, GRID, H2), ninf, jnp.float32), sh[:P - 1, 0]], axis=0)
        o1 = jnp.maximum(jnp.maximum(a, b), sh[:, 1])

        cols = []
        for j in range(P):
            lo = max(3 * j - 1, 0)
            hi = 3 * j + 4
            cols.append(jnp.max(o1[:, lo:hi, :], axis=1, keepdims=True))
        pooled = jnp.concatenate(cols, axis=1).reshape(P * P, H2)

        pw_ref[...] = jnp.dot(pooled, wf_ref[...],
                              preferred_element_type=jnp.float32)
        hw_ref[...] = jnp.dot(h1_ref[...], wf_ref[:, :OUTP],
                              preferred_element_type=jnp.float32) + bf_ref[...]

    return pl.pallas_call(
        body,
        out_shape=(
            jax.ShapeDtypeStruct((P * P, GPAD), jnp.float32),
            jax.ShapeDtypeStruct((NP, OUTP), jnp.float32),
        ),
    )(bev3, h1, Wfp, bfp)


@functools.partial(
    pl.kernel,
    out_type=jax.ShapeDtypeStruct((NP, OUTP), jnp.float32),
    mesh=_MESH,
    scratch_types=[
        pltpu.VMEM((PB,), jnp.int32),
        pltpu.VMEM((PB, OUTP), jnp.float32),
        pltpu.VMEM((PB, GPAD), jnp.float32),
        pltpu.SemaphoreType.DMA,
    ],
)
def _final_sc(h1w, pooledw, pidx, out, pidx_v, hw_v, g_v, sem):
    cid = lax.axis_index("c")
    sid = lax.axis_index("s")
    wid = sid * NC + cid

    for u in range(PPW // PB):
        base = wid * PPW + u * PB
        pltpu.sync_copy(pidx.at[pl.ds(base, PB)], pidx_v)
        pltpu.sync_copy(h1w.at[pl.ds(base, PB)], hw_v)
        pltpu.async_copy(pooledw.at[pidx_v], g_v, sem).wait()

        def row(i, carry):
            for j in range(OUTP // 16):
                hw_v[i, pl.ds(j * 16, 16)] = (hw_v[i, pl.ds(j * 16, 16)]
                                              + g_v[i, pl.ds(j * 16, 16)])
            return carry
        lax.fori_loop(0, PB, row, 0)

        pltpu.sync_copy(hw_v, out.at[pl.ds(base, PB)])


def kernel(x, edge_index, coords, W0, W1, Wf, bf):
    src = edge_index[0]
    dst = edge_index[1]

    p = _segsum(x, src, dst)
    h0 = _tc1(p, W0)
    q = _segsum(h0, src, dst)
    h1 = _tc_h1(q, W1)

    xy = coords[:, :2] * (2.0 * 50.0) - 50.0
    px = jnp.clip(jnp.floor((xy[:, 0] + 50.0) / 0.5).astype(jnp.int32),
                  0, GRID - 1)
    py = jnp.clip((GRID - jnp.floor((xy[:, 1] + 50.0) / 0.5)).astype(jnp.int32)
                  - 1, 0, GRID - 1)
    bev = jnp.zeros((GRID, GRID, H2), jnp.float32).at[py, px].add(h1[:N])

    ppy = jnp.clip((py + 1) // 3, 0, P - 1)
    ppx = jnp.clip((px + 1) // 3, 0, P - 1)
    pidx = jnp.pad(ppy * P + ppx, (0, NP - N))

    Wfp = jnp.pad(Wf, ((0, 0), (0, GPAD - OUT)))
    bfp = jnp.pad(bf, (0, OUTP - OUT)).reshape(1, OUTP)
    pooledW, h1W = _tc2(bev, h1, Wfp, bfp)
    outp = _final_sc(h1W, pooledW, pidx)
    return outp[:N, :OUT]

# --- scband reference (transcript-rebuilt; emitter-appended) ---
"""Pipeline reference for scband-mink-unet-base-bev-46179488367035 (READ-ONLY COPY).

The authoritative reference and input builder live on the scoring server;
editing this copy changes nothing except your own understanding.
"""

import jax, jax.numpy as jnp
import numpy as np

N = 10000
EDG = 320000
DIN = 128
H1 = 128
H2 = 96
OUT = 20
GRID = 200
VOX = 0.5
BOUND = 50.0


def setup_inputs(seed: int = 0) -> dict:
    key = jax.random.key(seed)
    ks = jax.random.split(key, 8)
    x = jax.random.normal(ks[0], (N, DIN), dtype=jnp.float32)
    edge_index = jax.random.randint(ks[1], (2, EDG), 0, N, dtype=jnp.int32)
    coords = jax.random.uniform(ks[2], (N, 3), dtype=jnp.float32)
    W0 = jax.random.normal(ks[3], (DIN, H1), dtype=jnp.float32) * (1.0 / np.sqrt(DIN))
    W1 = jax.random.normal(ks[4], (H1, H2), dtype=jnp.float32) * (1.0 / np.sqrt(H1))
    Wf = jax.random.normal(ks[5], (H2, OUT), dtype=jnp.float32) * (1.0 / np.sqrt(H2))
    bf = jnp.zeros((OUT,), dtype=jnp.float32)
    return {"x": x, "edge_index": edge_index, "coords": coords, "W0": W0, "W1": W1, "Wf": Wf, "bf": bf}


def reference(x, edge_index, coords, W0, W1, Wf, bf):
    src = edge_index[0]
    dst = edge_index[1]
    # sparse-conv-style message passing (gather neighbor feats, aggregate, linear, bn-free relu)
    agg0 = jax.ops.segment_sum(x[src], dst, num_segments=N)
    h0 = jax.nn.relu(agg0 @ W0)
    agg1 = jax.ops.segment_sum(h0[src], dst, num_segments=N)
    h1 = jax.nn.relu(agg1 @ W1)
    # sparse2super: BEV top-view x-y projection onto a dense grid within mapping bounds
    xy = coords[:, :2] * (2.0 * BOUND) - BOUND
    px = jnp.clip(jnp.floor((xy[:, 0] + BOUND) / VOX).astype(jnp.int32), 0, GRID - 1)
    py = jnp.clip((GRID - jnp.floor((xy[:, 1] + BOUND) / VOX)).astype(jnp.int32) - 1, 0, GRID - 1)
    bev = jnp.zeros((GRID, GRID, H2), dtype=jnp.float32).at[py, px].add(h1)
    # MaxPool2d(kernel=5, stride=3, padding=1)
    pooled = jax.lax.reduce_window(bev, -jnp.inf, jax.lax.max, (5, 5, 1), (3, 3, 1), [(1, 1), (1, 1), (0, 0)])
    Pp = pooled.shape[0]
    ppy = jnp.clip((py + 1) // 3, 0, Pp - 1)
    ppx = jnp.clip((px + 1) // 3, 0, Pp - 1)
    g = pooled[ppy, ppx]
    # final 1x1 conv head over fused point + BEV context features
    out = (h1 + g) @ Wf + bf
    return out

if __name__ == "__main__":
    import jax
    _d = setup_inputs()
    print(jax.jit(kernel)(*tuple(_d.values())))

</pallas_src>

<mosaic_0001>
#map = affine_map<(d0, d1) -> (0, 0)>
#map1 = affine_map<(d0, d1) -> (0)>
#map2 = affine_map<(d0, d1) -> (0, 0, 0)>
module attributes {stable_mosaic.version = 14 : i64} {
  func.func @_segsum(%arg0: i32, %arg1: i32, %arg2: memref<10000x128xf32, #tpu.memory_space<hbm>>, %arg3: memref<320000xi32, #tpu.memory_space<hbm>>, %arg4: memref<320000xi32, #tpu.memory_space<hbm>>, %arg5: memref<2x10240x128xf32, #tpu.memory_space<hbm>>, %arg6: memref<80xi32, #tpu.memory_space<vmem>>, %arg7: memref<80xi32, #tpu.memory_space<vmem>>, %arg8: memref<80x128xf32, #tpu.memory_space<vmem>>, %arg9: memref<16x128xf32, #tpu.memory_space<vmem>>, %arg10: memref<10240x128xf32, #tpu.memory_space<vmem_shared>>, %arg11: memref<!tpu.dma_semaphore, #tpu.memory_space<semaphore_mem>>) attributes {dimension_semantics = [#tpu.dimension_semantics<core_parallel>, #tpu.dimension_semantics<subcore_parallel>], iteration_bounds = array<i64: 2, 16>, scalar_prefetch = 0 : i64, scratch_operands = 6 : i64, tpu.core_type = #tpu.core_type<sc_vector_subcore>, window_params = [{transform_indices = #map}, {transform_indices = #map1}, {transform_indices = #map1}, {transform_indices = #map2}]} {
    %mul3A = arith.constant 2 : i32
    %mul3A_0 = arith.muli %arg1, %mul3A : i32
    %add3A = arith.addi %mul3A_0, %arg0 : i32
    %broadcast_in_dim3A = arith.constant 0.000000e+00 : f32
    %broadcast_in_dim3A_1 = vector.broadcast %broadcast_in_dim3A : f32 to vector<16xf32>
    %swap3A = arith.constant 0 : i32
    %swap3A_2 = arith.index_cast %swap3A : i32 to index
    %swap3A_3 = arith.constant 0 : index
    %swap3A_4 = tpu.vector_load %arg9[%swap3A_2, %swap3A_3] {strides = array<i32>} : memref<16x128xf32, #tpu.memory_space<vmem>>, vector<1x16xf32>,
    %swap3A_5 = vector.shape_cast %swap3A_4 : vector<1x16xf32> to vector<16xf32>
    %swap3A_6 = vector.shape_cast %broadcast_in_dim3A_1 : vector<16xf32> to vector<1x16xf32>
    tpu.vector_store %arg9[%swap3A_2, %swap3A_3], %swap3A_6 {strides = array<i32>} : memref<16x128xf32, #tpu.memory_space<vmem>>, vector<1x16xf32>,
    %swap3A_7 = arith.constant 0 : i32
    %swap3A_8 = arith.index_cast %swap3A_7 : i32 to index
    %swap3A_9 = arith.constant 16 : index
    %swap3A_10 = tpu.vector_load %arg9[%swap3A_8, %swap3A_9] {strides = array<i32>} : memref<16x128xf32, #tpu.memory_space<vmem>>, vector<1x16xf32>,
    %swap3A_11 = vector.shape_cast %swap3A_10 : vector<1x16xf32> to vector<16xf32>
    %swap3A_12 = vector.shape_cast %broadcast_in_dim3A_1 : vector<16xf32> to vector<1x16xf32>
    tpu.vector_store %arg9[%swap3A_8, %swap3A_9], %swap3A_12 {strides = array<i32>} : memref<16x128xf32, #tpu.memory_space<vmem>>, vector<1x16xf32>,
    %swap3A_13 = arith.constant 0 : i32
    %swap3A_14 = arith.index_cast %swap3A_13 : i32 to index
    %swap3A_15 = arith.constant 32 : index
    %swap3A_16 = tpu.vector_load %arg9[%swap3A_14, %swap3A_15] {strides = array<i32>} : memref<16x128xf32, #tpu.memory_space<vmem>>, vector<1x16xf32>,
    %swap3A_17 = vector.shape_cast %swap3A_16 : vector<1x16xf32> to vector<16xf32>
    %swap3A_18 = vector.shape_cast %broadcast_in_dim3A_1 : vector<16xf32> to vector<1x16xf32>
    tpu.vector_store %arg9[%swap3A_14, %swap3A_15], %swap3A_18 {strides = array<i32>} : memref<16x128xf32, #tpu.memory_space<vmem>>, vector<1x16xf32>,
    %swap3A_19 = arith.constant 0 : i32
    %swap3A_20 = arith.index_cast %swap3A_19 : i32 to index
    %swap3A_21 = arith.constant 48 : index
    %swap3A_22 = tpu.vector_load %arg9[%swap3A_20, %swap3A_21] {strides = array<i32>} : memref<16x128xf32, #tpu.memory_space<vmem>>, vector<1x16xf32>,
    %swap3A_23 = vector.shape_cast %swap3A_22 : vector<1x16xf32> to vector<16xf32>
    %swap3A_24 = vector.shape_cast %broadcast_in_dim3A_1 : vector<16xf32> to vector<1x16xf32>
    tpu.vector_store %arg9[%swap3A_20, %swap3A_21], %swap3A_24 {strides = array<i32>} : memref<16x128xf32, #tpu.memory_space<vmem>>, vector<1x16xf32>,
    %swap3A_25 = arith.constant 0 : i32
    %swap3A_26 = arith.index_cast %swap3A_25 : i32 to index
    %swap3A_27 = arith.constant 64 : index
    %swap3A_28 = tpu.vector_load %arg9[%swap3A_26, %swap3A_27] {strides = array<i32>} : memref<16x128xf32, #tpu.memory_space<vmem>>, vector<1x16xf32>,
    %swap3A_29 = vector.shape_cast %swap3A_28 : vector<1x16xf32> to vector<16xf32>
    %swap3A_30 = vector.shape_cast %broadcast_in_dim3A_1 : vector<16xf32> to vector<1x16xf32>
    tpu.vector_store %arg9[%swap3A_26, %swap3A_27], %swap3A_30 {strides = array<i32>} : memref<16x128xf32, #tpu.memory_space<vmem>>, vector<1x16xf32>,
    %swap3A_31 = arith.constant 0 : i32
    %swap3A_32 = arith.index_cast %swap3A_31 : i32 to index
    %swap3A_33 = arith.constant 80 : index
    %swap3A_34 = tpu.vector_load %arg9[%swap3A_32, %swap3A_33] {strides = array<i32>} : memref<16x128xf32, #tpu.memory_space<vmem>>, vector<1x16xf32>,
    %swap3A_35 = vector.shape_cast %swap3A_34 : vector<1x16xf32> to vector<16xf32>
    %swap3A_36 = vector.shape_cast %broadcast_in_dim3A_1 : vector<16xf32> to vector<1x16xf32>
    tpu.vector_store %arg9[%swap3A_32, %swap3A_33], %swap3A_36 {strides = array<i32>} : memref<16x128xf32, #tpu.memory_space<vmem>>, vector<1x16xf32>,
    %swap3A_37 = arith.constant 0 : i32
    %swap3A_38 = arith.index_cast %swap3A_37 : i32 to index
    %swap3A_39 = arith.constant 96 : index
    %swap3A_40 = tpu.vector_load %arg9[%swap3A_38, %swap3A_39] {strides = array<i32>} : memref<16x128xf32, #tpu.memory_space<vmem>>, vector<1x16xf32>,
    %swap3A_41 = vector.shape_cast %swap3A_40 : vector<1x16xf32> to vector<16xf32>
    %swap3A_42 = vector.shape_cast %broadcast_in_dim3A_1 : vector<16xf32> to vector<1x16xf32>
    tpu.vector_store %arg9[%swap3A_38, %swap3A_39], %swap3A_42 {strides = array<i32>} : memref<16x128xf32, #tpu.memory_space<vmem>>, vector<1x16xf32>,
    %swap3A_43 = arith.constant 0 : i32
    %swap3A_44 = arith.index_cast %swap3A_43 : i32 to index
    %swap3A_45 = arith.constant 112 : index
    %swap3A_46 = tpu.vector_load %arg9[%swap3A_44, %swap3A_45] {strides = array<i32>} : memref<16x128xf32, #tpu.memory_space<vmem>>, vector<1x16xf32>,
    %swap3A_47 = vector.shape_cast %swap3A_46 : vector<1x16xf32> to vector<16xf32>
    %swap3A_48 = vector.shape_cast %broadcast_in_dim3A_1 : vector<16xf32> to vector<1x16xf32>
    tpu.vector_store %arg9[%swap3A_44, %swap3A_45], %swap3A_48 {strides = array<i32>} : memref<16x128xf32, #tpu.memory_space<vmem>>, vector<1x16xf32>,
    %swap3A_49 = arith.constant 1 : i32
    %swap3A_50 = arith.index_cast %swap3A_49 : i32 to index
    %swap3A_51 = arith.constant 0 : index
    %swap3A_52 = tpu.vector_load %arg9[%swap3A_50, %swap3A_51] {strides = array<i32>} : memref<16x128xf32, #tpu.memory_space<vmem>>, vector<1x16xf32>,
    %swap3A_53 = vector.shape_cast %swap3A_52 : vector<1x16xf32> to vector<16xf32>
    %swap3A_54 = vector.shape_cast %broadcast_in_dim3A_1 : vector<16xf32> to vector<1x16xf32>
    tpu.vector_store %arg9[%swap3A_50, %swap3A_51], %swap3A_54 {strides = array<i32>} : memref<16x128xf32, #tpu.memory_space<vmem>>, vector<1x16xf32>,
    %swap3A_55 = arith.constant 1 : i32
    %swap3A_56 = arith.index_cast %swap3A_55 : i32 to index
    %swap3A_57 = arith.constant 16 : index
    %swap3A_58 = tpu.vector_load %arg9[%swap3A_56, %swap3A_57] {strides = array<i32>} : memref<16x128xf32, #tpu.memory_space<vmem>>, vector<1x16xf32>,
    %swap3A_59 = vector.shape_cast %swap3A_58 : vector<1x16xf32> to vector<16xf32>
    %swap3A_60 = vector.shape_cast %broadcast_in_dim3A_1 : vector<16xf32> to vector<1x16xf32>
    tpu.vector_store %arg9[%swap3A_56, %swap3A_57], %swap3A_60 {strides = array<i32>} : memref<16x128xf32, #tpu.memory_space<vmem>>, vector<1x16xf32>,
    %swap3A_61 = arith.constant 1 : i32
    %swap3A_62 = arith.index_cast %swap3A_61 : i32 to index
    %swap3A_63 = arith.constant 32 : index
    %swap3A_64 = tpu.vector_load %arg9[%swap3A_62, %swap3A_63] {strides = array<i32>} : memref<16x128xf32, #tpu.memory_space<vmem>>, vector<1x16xf32>,
    %swap3A_65 = vector.shape_cast %swap3A_64 : vector<1x16xf32> to vector<16xf32>
    %swap3A_66 = vector.shape_cast %broadcast_in_dim3A_1 : vector<16xf32> to vector<1x16xf32>
    tpu.vector_store %arg9[%swap3A_62, %swap3A_63], %swap3A_66 {strides = array<i32>} : memref<16x128xf32, #tpu.memory_space<vmem>>, vector<1x16xf32>,
    %swap3A_67 = arith.constant 1 : i32
    %swap3A_68 = arith.index_cast %swap3A_67 : i32 to index
    %swap3A_69 = arith.constant 48 : index
    %swap3A_70 = tpu.vector_load %arg9[%swap3A_68, %swap3A_69] {strides = array<i32>} : memref<16x128xf32, #tpu.memory_space<vmem>>, vector<1x16xf32>,
    %swap3A_71 = vector.shape_cast %swap3A_70 : vector<1x16xf32> to vector<16xf32>
    %swap3A_72 = vector.shape_cast %broadcast_in_dim3A_1 : vector<16xf32> to vector<1x16xf32>
    tpu.vector_store %arg9[%swap3A_68, %swap3A_69], %swap3A_72 {strides = array<i32>} : memref<16x128xf32, #tpu.memory_space<vmem>>, vector<1x16xf32>,
    %swap3A_73 = arith.constant 1 : i32
    %swap3A_74 = arith.index_cast %swap3A_73 : i32 to index
    %swap3A_75 = arith.constant 64 : index
    %swap3A_76 = tpu.vector_load %arg9[%swap3A_74, %swap3A_75] {strides = array<i32>} : memref<16x128xf32, #tpu.memory_space<vmem>>, vector<1x16xf32>,
    %swap3A_77 = vector.shape_cast %swap3A_76 : vector<1x16xf32> to vector<16xf32>
    %swap3A_78 = vector.shape_cast %broadcast_in_dim3A_1 : vector<16xf32> to vector<1x16xf32>
    tpu.vector_store %arg9[%swap3A_74, %swap3A_75], %swap3A_78 {strides = array<i32>} : memref<16x128xf32, #tpu.memory_space<vmem>>, vector<1x16xf32>,
    %swap3A_79 = arith.constant 1 : i32
    %swap3A_80 = arith.index_cast %swap3A_79 : i32 to index
    %swap3A_81 = arith.constant 80 : index
    %swap3A_82 = tpu.vector_load %arg9[%swap3A_80, %swap3A_81] {strides = array<i32>} : memref<16x128xf32, #tpu.memory_space<vmem>>, vector<1x16xf32>,
    %swap3A_83 = vector.shape_cast %swap3A_82 : vector<1x16xf32> to vector<16xf32>
    %swap3A_84 = vector.shape_cast %broadcast_in_dim3A_1 : vector<16xf32> to vector<1x16xf32>
    tpu.vector_store %arg9[%swap3A_80, %swap3A_81], %swap3A_84 {strides = array<i32>} : memref<16x128xf32, #tpu.memory_space<vmem>>, vector<1x16xf32>,
    %swap3A_85 = arith.constant 1 : i32
    %swap3A_86 = arith.index_cast %swap3A_85 : i32 to index
    %swap3A_87 = arith.constant 96 : index
    %swap3A_88 = tpu.vector_load %arg9[%swap3A_86, %swap3A_87] {strides = array<i32>} : memref<16x128xf32, #tpu.memory_space<vmem>>, vector<1x16xf32>,
    %swap3A_89 = vector.shape_cast %swap3A_88 : vector<1x16xf32> to vector<16xf32>
    %swap3A_90 = vector.shape_cast %broadcast_in_dim3A_1 : vector<16xf32> to vector<1x16xf32>
    tpu.vector_store %arg9[%swap3A_86, %swap3A_87], %swap3A_90 {strides = array<i32>} : memref<16x128xf32, #tpu.memory_space<vmem>>, vector<1x16xf32>,
    %swap3A_91 = arith.constant 1 : i32
    %swap3A_92 = arith.index_cast %swap3A_91 : i32 to index
    %swap3A_93 = arith.constant 112 : index
    %swap3A_94 = tpu.vector_load %arg9[%swap3A_92, %swap3A_93] {strides = array<i32>} : memref<16x128xf32, #tpu.memory_space<vmem>>, vector<1x16xf32>,
    %swap3A_95 = vector.shape_cast %swap3A_94 : vector<1x16xf32> to vector<16xf32>
    %swap3A_96 = vector.shape_cast %broadcast_in_dim3A_1 : vector<16xf32> to vector<1x16xf32>
    tpu.vector_store %arg9[%swap3A_92, %swap3A_93], %swap3A_96 {strides = array<i32>} : memref<16x128xf32, #tpu.memory_space<vmem>>, vector<1x16xf32>,
    %swap3A_97 = arith.constant 2 : i32
    %swap3A_98 = arith.index_cast %swap3A_97 : i32 to index
    %swap3A_99 = arith.constant 0 : index
    %swap3A_100 = tpu.vector_load %arg9[%swap3A_98, %swap3A_99] {strides = array<i32>} : memref<16x128xf32, #tpu.memory_space<vmem>>, vector<1x16xf32>,
    %swap3A_101 = vector.shape_cast %swap3A_100 : vector<1x16xf32> to vector<16xf32>
    %swap3A_102 = vector.shape_cast %broadcast_in_dim3A_1 : vector<16xf32> to vector<1x16xf32>
    tpu.vector_store %arg9[%swap3A_98, %swap3A_99], %swap3A_102 {strides = array<i32>} : memref<16x128xf32, #tpu.memory_space<vmem>>, vector<1x16xf32>,
    %swap3A_103 = arith.constant 2 : i32
    %swap3A_104 = arith.index_cast %swap3A_103 : i32 to index
    %swap3A_105 = arith.constant 16 : index
    %swap3A_106 = tpu.vector_load %arg9[%swap3A_104, %swap3A_105] {strides = array<i32>} : memref<16x128xf32, #tpu.memory_space<vmem>>, vector<1x16xf32>,
    %swap3A_107 = vector.shape_cast %swap3A_106 : vector<1x16xf32> to vector<16xf32>
    %swap3A_108 = vector.shape_cast %broadcast_in_dim3A_1 : vector<16xf32> to vector<1x16xf32>
    tpu.vector_store %arg9[%swap3A_104, %swap3A_105], %swap3A_108 {strides = array<i32>} : memref<16x128xf32, #tpu.memory_space<vmem>>, vector<1x16xf32>,
    %swap3A_109 = arith.constant 2 : i32
    %swap3A_110 = arith.index_cast %swap3A_109 : i32 to index
    %swap3A_111 = arith.constant 32 : index
    %swap3A_112 = tpu.vector_load %arg9[%swap3A_110, %swap3A_111] {strides = array<i32>} : memref<16x128xf32, #tpu.memory_space<vmem>>, vector<1x16xf32>,
    %swap3A_113 = vector.shape_cast %swap3A_112 : vector<1x16xf32> to vector<16xf32>
    %swap3A_114 = vector.shape_cast %broadcast_in_dim3A_1 : vector<16xf32> to vector<1x16xf32>
    tpu.vector_store %arg9[%swap3A_110, %swap3A_111], %swap3A_114 {strides = array<i32>} : memref<16x128xf32, #tpu.memory_space<vmem>>, vector<1x16xf32>,
    %swap3A_115 = arith.constant 2 : i32
    %swap3A_116 = arith.index_cast %swap3A_115 : i32 to index
    %swap3A_117 = arith.constant 48 : index
    %swap3A_118 = tpu.vector_load %arg9[%swap3A_116, %swap3A_117] {strides = array<i32>} : memref<16x128xf32, #tpu.memory_space<vmem>>, vector<1x16xf32>,
    %swap3A_119 = vector.shape_cast %swap3A_118 : vector<1x16xf32> to vector<16xf32>
    %swap3A_120 = vector.shape_cast %broadcast_in_dim3A_1 : vector<16xf32> to vector<1x16xf32>
    tpu.vector_store %arg9[%swap3A_116, %swap3A_117], %swap3A_120 {strides = array<i32>} : memref<16x128xf32, #tpu.memory_space<vmem>>, vector<1x16xf32>,
    %swap3A_121 = arith.constant 2 : i32
    %swap3A_122 = arith.index_cast %swap3A_121 : i32 to index
    %swap3A_123 = arith.constant 64 : index
    %swap3A_124 = tpu.vector_load %arg9[%swap3A_122, %swap3A_123] {strides = array<i32>} : memref<16x128xf32, #tpu.memory_space<vmem>>, vector<1x16xf32>,
    %swap3A_125 = vector.shape_cast %swap3A_124 : vector<1x16xf32> to vector<16xf32>
    %swap3A_126 = vector.shape_cast %broadcast_in_dim3A_1 : vector<16xf32> to vector<1x16xf32>
    tpu.vector_store %arg9[%swap3A_122, %swap3A_123], %swap3A_126 {strides = array<i32>} : memref<16x128xf32, #tpu.memory_space<vmem>>, vector<1x16xf32>,
    %swap3A_127 = arith.constant 2 : i32
    %swap3A_128 = arith.index_cast %swap3A_127 : i32 to index
    %swap3A_129 = arith.constant 80 : index
    %swap3A_130 = tpu.vector_load %arg9[%swap3A_128, %swap3A_129] {strides = array<i32>} : memref<16x128xf32, #tpu.memory_space<vmem>>, vector<1x16xf32>,
    %swap3A_131 = vector.shape_cast %swap3A_130 : vector<1x16xf32> to vector<16xf32>
    %swap3A_132 = vector.shape_cast %broadcast_in_dim3A_1 : vector<16xf32> to vector<1x16xf32>
    tpu.vector_store %arg9[%swap3A_128, %swap3A_129], %swap3A_132 {strides = array<i32>} : memref<16x128xf32, #tpu.memory_space<vmem>>, vector<1x16xf32>,
    %swap3A_133 = arith.constant 2 : i32
    %swap3A_134 = arith.index_cast %swap3A_133 : i32 to index
    %swap3A_135 = arith.constant 96 : index
    %swap3A_136 = tpu.vector_load %arg9[%swap3A_134, %swap3A_135] {strides = array<i32>} : memref<16x128xf32, #tpu.memory_space<vmem>>, vector<1x16xf32>,
    %swap3A_137 = vector.shape_cast %swap3A_136 : vector<1x16xf32> to vector<16xf32>
    %swap3A_138 = vector.shape_cast %broadcast_in_dim3A_1 : vector<16xf32> to vector<1x16xf32>
    tpu.vector_store %arg9[%swap3A_134, %swap3A_135], %swap3A_138 {strides = array<i32>} : memref<16x128xf32, #tpu.memory_space<vmem>>, vector<1x16xf32>,
    %swap3A_139 = arith.constant 2 : i32
    %swap3A_140 = arith.index_cast %swap3A_139 : i32 to index
    %swap3A_141 = arith.constant 112 : index
    %swap3A_142 = tpu.vector_load %arg9[%swap3A_140, %swap3A_141] {strides = array<i32>} : memref<16x128xf32, #tpu.memory_space<vmem>>, vector<1x16xf32>,
    %swap3A_143 = vector.shape_cast %swap3A_142 : vector<1x16xf32> to vector<16xf32>
    %swap3A_144 = vector.shape_cast %broadcast_in_dim3A_1 : vector<16xf32> to vector<1x16xf32>
    tpu.vector_store %arg9[%swap3A_140, %swap3A_141], %swap3A_144 {strides = array<i32>} : memref<16x128xf32, #tpu.memory_space<vmem>>, vector<1x16xf32>,
    %swap3A_145 = arith.constant 3 : i32
    %swap3A_146 = arith.index_cast %swap3A_145 : i32 to index
    %swap3A_147 = arith.constant 0 : index
    %swap3A_148 = tpu.vector_load %arg9[%swap3A_146, %swap3A_147] {strides = array<i32>} : memref<16x128xf32, #tpu.memory_space<vmem>>, vector<1x16xf32>,
    %swap3A_149 = vector.shape_cast %swap3A_148 : vector<1x16xf32> to vector<16xf32>
    %swap3A_150 = vector.shape_cast %broadcast_in_dim3A_1 : vector<16xf32> to vector<1x16xf32>
    tpu.vector_store %arg9[%swap3A_146, %swap3A_147], %swap3A_150 {strides = array<i32>} : memref<16x128xf32, #tpu.memory_space<vmem>>, vector<1x16xf32>,
    %swap3A_151 = arith.constant 3 : i32
    %swap3A_152 = arith.index_cast %swap3A_151 : i32 to index
    %swap3A_153 = arith.constant 16 : index
    %swap3A_154 = tpu.vector_load %arg9[%swap3A_152, %swap3A_153] {strides = array<i32>} : memref<16x128xf32, #tpu.memory_space<vmem>>, vector<1x16xf32>,
    %swap3A_155 = vector.shape_cast %swap3A_154 : vector<1x16xf32> to vector<16xf32>
    %swap3A_156 = vector.shape_cast %broadcast_in_dim3A_1 : vector<16xf32> to vector<1x16xf32>
    tpu.vector_store %arg9[%swap3A_152, %swap3A_153], %swap3A_156 {strides = array<i32>} : memref<16x128xf32, #tpu.memory_space<vmem>>, vector<1x16xf32>,
    %swap3A_157 = arith.constant 3 : i32
    %swap3A_158 = arith.index_cast %swap3A_157 : i32 to index
    %swap3A_159 = arith.constant 32 : index
    %swap3A_160 = tpu.vector_load %arg9[%swap3A_158, %swap3A_159] {strides = array<i32>} : memref<16x128xf32, #tpu.memory_space<vmem>>, vector<1x16xf32>,
    %swap3A_161 = vector.shape_cast %swap3A_160 : vector<1x16xf32> to vector<16xf32>
    %swap3A_162 = vector.shape_cast %broadcast_in_dim3A_1 : vector<16xf32> to vector<1x16xf32>
    tpu.vector_store %arg9[%swap3A_158, %swap3A_159], %swap3A_162 {strides = array<i32>} : memref<16x128xf32, #tpu.memory_space<vmem>>, vector<1x16xf32>,
    %swap3A_163 = arith.constant 3 : i32
    %swap3A_164 = arith.index_cast %swap3A_163 : i32 to index
    %swap3A_165 = arith.constant 48 : index
    %swap3A_166 = tpu.vector_load %arg9[%swap3A_164, %swap3A_165] {strides = array<i32>} : memref<16x128xf32, #tpu.memory_space<vmem>>, vector<1x16xf32>,
    %swap3A_167 = vector.shape_cast %swap3A_166 : vector<1x16xf32> to vector<16xf32>
    %swap3A_168 = vector.shape_cast %broadcast_in_dim3A_1 : vector<16xf32> to vector<1x16xf32>
    tpu.vector_store %arg9[%swap3A_164, %swap3A_165], %swap3A_168 {strides = array<i32>} : memref<16x128xf32, #tpu.memory_space<vmem>>, vector<1x16xf32>,
    %swap3A_169 = arith.constant 3 : i32
    %swap3A_170 = arith.index_cast %swap3A_169 : i32 to index
    %swap3A_171 = arith.constant 64 : index
    %swap3A_172 = tpu.vector_load %arg9[%swap3A_170, %swap3A_171] {strides = array<i32>} : memref<16x128xf32, #tpu.memory_space<vmem>>, vector<1x16xf32>,
    %swap3A_173 = vector.shape_cast %swap3A_172 : vector<1x16xf32> to vector<16xf32>
    %swap3A_174 = vector.shape_cast %broadcast_in_dim3A_1 : vector<16xf32> to vector<1x16xf32>
    tpu.vector_store %arg9[%swap3A_170, %swap3A_171], %swap3A_174 {strides = array<i32>} : memref<16x128xf32, #tpu.memory_space<vmem>>, vector<1x16xf32>,
    %swap3A_175 = arith.constant 3 : i32
    %swap3A_176 = arith.index_cast %swap3A_175 : i32 to index
    %swap3A_177 = arith.constant 80 : index
    %swap3A_178 = tpu.vector_load %arg9[%swap3A_176, %swap3A_177] {strides = array<i32>} : memref<16x128xf32, #tpu.memory_space<vmem>>, vector<1x16xf32>,
    %swap3A_179 = vector.shape_cast %swap3A_178 : vector<1x16xf32> to vector<16xf32>
    %swap3A_180 = vector.shape_cast %broadcast_in_dim3A_1 : vector<16xf32> to vector<1x16xf32>
    tpu.vector_store %arg9[%swap3A_176, %swap3A_177], %swap3A_180 {strides = array<i32>} : memref<16x128xf32, #tpu.memory_space<vmem>>, vector<1x16xf32>,
    %swap3A_181 = arith.constant 3 : i32
    %swap3A_182 = arith.index_cast %swap3A_181 : i32 to index
    %swap3A_183 = arith.constant 96 : index
    %swap3A_184 = tpu.vector_load %arg9[%swap3A_182, %swap3A_183] {strides = array<i32>} : memref<16x128xf32, #tpu.memory_space<vmem>>, vector<1x16xf32>,
    %swap3A_185 = vector.shape_cast %swap3A_184 : vector<1x16xf32> to vector<16xf32>
    %swap3A_186 = vector.shape_cast %broadcast_in_dim3A_1 : vector<16xf32> to vector<1x16xf32>
    tpu.vector_store %arg9[%swap3A_182, %swap3A_183], %swap3A_186 {strides = array<i32>} : memref<16x128xf32, #tpu.memory_space<vmem>>, vector<1x16xf32>,
    %swap3A_187 = arith.constant 3 : i32
    %swap3A_188 = arith.index_cast %swap3A_187 : i32 to index
    %swap3A_189 = arith.constant 112 : index
    %swap3A_190 = tpu.vector_load %arg9[%swap3A_188, %swap3A_189] {strides = array<i32>} : memref<16x128xf32, #tpu.memory_space<vmem>>, vector<1x16xf32>,
    %swap3A_191 = vector.shape_cast %swap3A_190 : vector<1x16xf32> to vector<16xf32>
    %swap3A_192 = vector.shape_cast %broadcast_in_dim3A_1 : vector<16xf32> to vector<1x16xf32>
    tpu.vector_store %arg9[%swap3A_188, %swap3A_189], %swap3A_192 {strides = array<i32>} : memref<16x128xf32, #tpu.memory_space<vmem>>, vector<1x16xf32>,
    %swap3A_193 = arith.constant 4 : i32
    %swap3A_194 = arith.index_cast %swap3A_193 : i32 to index
    %swap3A_195 = arith.constant 0 : index
    %swap3A_196 = tpu.vector_load %arg9[%swap3A_194, %swap3A_195] {strides = array<i32>} : memref<16x128xf32, #tpu.memory_space<vmem>>, vector<1x16xf32>,
    %swap3A_197 = vector.shape_cast %swap3A_196 : vector<1x16xf32> to vector<16xf32>
    %swap3A_198 = vector.shape_cast %broadcast_in_dim3A_1 : vector<16xf32> to vector<1x16xf32>
    tpu.vector_store %arg9[%swap3A_194, %swap3A_195], %swap3A_198 {strides = array<i32>} : memref<16x128xf32, #tpu.memory_space<vmem>>, vector<1x16xf32>,
    %swap3A_199 = arith.constant 4 : i32
    %swap3A_200 = arith.index_cast %swap3A_199 : i32 to index
    %swap3A_201 = arith.constant 16 : index
    %swap3A_202 = tpu.vector_load %arg9[%swap3A_200, %swap3A_201] {strides = array<i32>} : memref<16x128xf32, #tpu.memory_space<vmem>>, vector<1x16xf32>,
    %swap3A_203 = vector.shape_cast %swap3A_202 : vector<1x16xf32> to vector<16xf32>
    %swap3A_204 = vector.shape_cast %broadcast_in_dim3A_1 : vector<16xf32> to vector<1x16xf32>
    tpu.vector_store %arg9[%swap3A_200, %swap3A_201], %swap3A_204 {strides = array<i32>} : memref<16x128xf32, #tpu.memory_space<vmem>>, vector<1x16xf32>,
    %swap3A_205 = arith.constant 4 : i32
    %swap3A_206 = arith.index_cast %swap3A_205 : i32 to index
    %swap3A_207 = arith.constant 32 : index
    %swap3A_208 = tpu.vector_load %arg9[%swap3A_206, %swap3A_207] {strides = array<i32>} : memref<16x128xf32, #tpu.memory_space<vmem>>, vector<1x16xf32>,
    %swap3A_209 = vector.shape_cast %swap3A_208 : vector<1x16xf32> to vector<16xf32>
    %swap3A_210 = vector.shape_cast %broadcast_in_dim3A_1 : vector<16xf32> to vector<1x16xf32>
    tpu.vector_store %arg9[%swap3A_206, %swap3A_207], %swap3A_210 {strides = array<i32>} : memref<16x128xf32, #tpu.memory_space<vmem>>, vector<1x16xf32>,
    %swap3A_211 = arith.constant 4 : i32
    %swap3A_212 = arith.index_cast %swap3A_211 : i32 to index
    %swap3A_213 = arith.constant 48 : index
    %swap3A_214 = tpu.vector_load %arg9[%swap3A_212, %swap3A_213] {strides = array<i32>} : memref<16x128xf32, #tpu.memory_space<vmem>>, vector<1x16xf32>,
    %swap3A_215 = vector.shape_cast %swap3A_214 : vector<1x16xf32> to vector<16xf32>
    %swap3A_216 = vector.shape_cast %broadcast_in_dim3A_1 : vector<16xf32> to vector<1x16xf32>
    tpu.vector_store %arg9[%swap3A_212, %swap3A_213], %swap3A_216 {strides = array<i32>} : memref<16x128xf32, #tpu.memory_space<vmem>>, vector<1x16xf32>,
    %swap3A_217 = arith.constant 4 : i32
    %swap3A_218 = arith.index_cast %swap3A_217 : i32 to index
    %swap3A_219 = arith.constant 64 : index
    %swap3A_220 = tpu.vector_load %arg9[%swap3A_218, %swap3A_219] {strides = array<i32>} : memref<16x128xf32, #tpu.memory_space<vmem>>, vector<1x16xf32>,
    %swap3A_221 = vector.shape_cast %swap3A_220 : vector<1x16xf32> to vector<16xf32>
    %swap3A_222 = vector.shape_cast %broadcast_in_dim3A_1 : vector<16xf32> to vector<1x16xf32>
    tpu.vector_store %arg9[%swap3A_218, %swap3A_219], %swap3A_222 {strides = array<i32>} : memref<16x128xf32, #tpu.memory_space<vmem>>, vector<1x16xf32>,
    %swap3A_223 = arith.constant 4 : i32
    %swap3A_224 = arith.index_cast %swap3A_223 : i32 to index
    %swap3A_225 = arith.constant 80 : index
    %swap3A_226 = tpu.vector_load %arg9[%swap3A_224, %swap3A_225] {strides = array<i32>} : memref<16x128xf32, #tpu.memory_space<vmem>>, vector<1x16xf32>,
    %swap3A_227 = vector.shape_cast %swap3A_226 : vector<1x16xf32> to vector<16xf32>
    %swap3A_228 = vector.shape_cast %broadcast_in_dim3A_1 : vector<16xf32> to vector<1x16xf32>
    tpu.vector_store %arg9[%swap3A_224, %swap3A_225], %swap3A_228 {strides = array<i32>} : memref<16x128xf32, #tpu.memory_space<vmem>>, vector<1x16xf32>,
    %swap3A_229 = arith.constant 4 : i32
    %swap3A_230 = arith.index_cast %swap3A_229 : i32 to index
    %swap3A_231 = arith.constant 96 : index
    %swap3A_232 = tpu.vector_load %arg9[%swap3A_230, %swap3A_231] {strides = array<i32>} : memref<16x128xf32, #tpu.memory_space<vmem>>, vector<1x16xf32>,
    %swap3A_233 = vector.shape_cast %swap3A_232 : vector<1x16xf32> to vector<16xf32>
    %swap3A_234 = vector.shape_cast %broadcast_in_dim3A_1 : vector<16xf32> to vector<1x16xf32>
    tpu.vector_store %arg9[%swap3A_230, %swap3A_231], %swap3A_234 {strides = array<i32>} : memref<16x128xf32, #tpu.memory_space<vmem>>, vector<1x16xf32>,
    %swap3A_235 = arith.constant 4 : i32
    %swap3A_236 = arith.index_cast %swap3A_235 : i32 to index
    %swap3A_237 = arith.constant 112 : index
    %swap3A_238 = tpu.vector_load %arg9[%swap3A_236, %swap3A_237] {strides = array<i32>} : memref<16x128xf32, #tpu.memory_space<vmem>>, vector<1x16xf32>,
    %swap3A_239 = vector.shape_cast %swap3A_238 : vector<1x16xf32> to vector<16xf32>
    %swap3A_240 = vector.shape_cast %broadcast_in_dim3A_1 : vector<16xf32> to vector<1x16xf32>
    tpu.vector_store %arg9[%swap3A_236, %swap3A_237], %swap3A_240 {strides = array<i32>} : memref<16x128xf32, #tpu.memory_space<vmem>>, vector<1x16xf32>,
    %swap3A_241 = arith.constant 5 : i32
    %swap3A_242 = arith.index_cast %swap3A_241 : i32 to index
    %swap3A_243 = arith.constant 0 : index
    %swap3A_244 = tpu.vector_load %arg9[%swap3A_242, %swap3A_243] {strides = array<i32>} : memref<16x128xf32, #tpu.memory_space<vmem>>, vector<1x16xf32>,
    %swap3A_245 = vector.shape_cast %swap3A_244 : vector<1x16xf32> to vector<16xf32>
    %swap3A_246 = vector.shape_cast %broadcast_in_dim3A_1 : vector<16xf32> to vector<1x16xf32>
    tpu.vector_store %arg9[%swap3A_242, %swap3A_243], %swap3A_246 {strides = array<i32>} : memref<16x128xf32, #tpu.memory_space<vmem>>, vector<1x16xf32>,
    %swap3A_247 = arith.constant 5 : i32
    %swap3A_248 = arith.index_cast %swap3A_247 : i32 to index
    %swap3A_249 = arith.constant 16 : index
    %swap3A_250 = tpu.vector_load %arg9[%swap3A_248, %swap3A_249] {strides = array<i32>} : memref<16x128xf32, #tpu.memory_space<vmem>>, vector<1x16xf32>,
    %swap3A_251 = vector.shape_cast %swap3A_250 : vector<1x16xf32> to vector<16xf32>
    %swap3A_252 = vector.shape_cast %broadcast_in_dim3A_1 : vector<16xf32> to vector<1x16xf32>
    tpu.vector_store %arg9[%swap3A_248, %swap3A_249], %swap3A_252 {strides = array<i32>} : memref<16x128xf32, #tpu.memory_space<vmem>>, vector<1x16xf32>,
    %swap3A_253 = arith.constant 5 : i32
    %swap3A_254 = arith.index_cast %swap3A_253 : i32 to index
    %swap3A_255 = arith.constant 32 : index
    %swap3A_256 = tpu.vector_load %arg9[%swap3A_254, %swap3A_255] {strides = array<i32>} : memref<16x128xf32, #tpu.memory_space<vmem>>, vector<1x16xf32>,
    %swap3A_257 = vector.shape_cast %swap3A_256 : vector<1x16xf32> to vector<16xf32>
    %swap3A_258 = vector.shape_cast %broadcast_in_dim3A_1 : vector<16xf32> to vector<1x16xf32>
    tpu.vector_store %arg9[%swap3A_254, %swap3A_255], %swap3A_258 {strides = array<i32>} : memref<16x128xf32, #tpu.memory_space<vmem>>, vector<1x16xf32>,
    %swap3A_259 = arith.constant 5 : i32
    %swap3A_260 = arith.index_cast %swap3A_259 : i32 to index
    %swap3A_261 = arith.constant 48 : index
    %swap3A_262 = tpu.vector_load %arg9[%swap3A_260, %swap3A_261] {strides = array<i32>} : memref<16x128xf32, #tpu.memory_space<vmem>>, vector<1x16xf32>,
    %swap3A_263 = vector.shape_cast %swap3A_262 : vector<1x16xf32> to vector<16xf32>
    %swap3A_264 = vector.shape_cast %broadcast_in_dim3A_1 : vector<16xf32> to vector<1x16xf32>
    tpu.vector_store %arg9[%swap3A_260, %swap3A_261], %swap3A_264 {strides = array<i32>} : memref<16x128xf32, #tpu.memory_space<vmem>>, vector<1x16xf32>,
    %swap3A_265 = arith.constant 5 : i32
    %swap3A_266 = arith.index_cast %swap3A_265 : i32 to index
    %swap3A_267 = arith.constant 64 : index
    %swap3A_268 = tpu.vector_load %arg9[%swap3A_266, %swap3A_267] {strides = array<i32>} : memref<16x128xf32, #tpu.memory_space<vmem>>, vector<1x16xf32>,
    %swap3A_269 = vector.shape_cast %swap3A_268 : vector<1x16xf32> to vector<16xf32>
    %swap3A_270 = vector.shape_cast %broadcast_in_dim3A_1 : vector<16xf32> to vector<1x16xf32>
    tpu.vector_store %arg9[%swap3A_266, %swap3A_267], %swap3A_270 {strides = array<i32>} : memref<16x128xf32, #tpu.memory_space<vmem>>, vector<1x16xf32>,
    %swap3A_271 = arith.constant 5 : i32
    %swap3A_272 = arith.index_cast %swap3A_271 : i32 to index
    %swap3A_273 = arith.constant 80 : index
    %swap3A_274 = tpu.vector_load %arg9[%swap3A_272, %swap3A_273] {strides = array<i32>} : memref<16x128xf32, #tpu.memory_space<vmem>>, vector<1x16xf32>,
    %swap3A_275 = vector.shape_cast %swap3A_274 : vector<1x16xf32> to vector<16xf32>
    %swap3A_276 = vector.shape_cast %broadcast_in_dim3A_1 : vector<16xf32> to vector<1x16xf32>
    tpu.vector_store %arg9[%swap3A_272, %swap3A_273], %swap3A_276 {strides = array<i32>} : memref<16x128xf32, #tpu.memory_space<vmem>>, vector<1x16xf32>,
    %swap3A_277 = arith.constant 5 : i32
    %swap3A_278 = arith.index_cast %swap3A_277 : i32 to index
    %swap3A_279 = arith.constant 96 : index
    %swap3A_280 = tpu.vector_load %arg9[%swap3A_278, %swap3A_279] {strides = array<i32>} : memref<16x128xf32, #tpu.memory_space<vmem>>, vector<1x16xf32>,
    %swap3A_281 = vector.shape_cast %swap3A_280 : vector<1x16xf32> to vector<16xf32>
    %swap3A_282 = vector.shape_cast %broadcast_in_dim3A_1 : vector<16xf32> to vector<1x16xf32>
    tpu.vector_store %arg9[%swap3A_278, %swap3A_279], %swap3A_282 {strides = array<i32>} : memref<16x128xf32, #tpu.memory_space<vmem>>, vector<1x16xf32>,
    %swap3A_283 = arith.constant 5 : i32
    %swap3A_284 = arith.index_cast %swap3A_283 : i32 to index
    %swap3A_285 = arith.constant 112 : index
    %swap3A_286 = tpu.vector_load %arg9[%swap3A_284, %swap3A_285] {strides = array<i32>} : memref<16x128xf32, #tpu.memory_space<vmem>>, vector<1x16xf32>,
    %swap3A_287 = vector.shape_cast %swap3A_286 : vector<1x16xf32> to vector<16xf32>
    %swap3A_288 = vector.shape_cast %broadcast_in_dim3A_1 : vector<16xf32> to vector<1x16xf32>
    tpu.vector_store %arg9[%swap3A_284, %swap3A_285], %swap3A_288 {strides = array<i32>} : memref<16x128xf32, #tpu.memory_space<vmem>>, vector<1x16xf32>,
    %swap3A_289 = arith.constant 6 : i32
    %swap3A_290 = arith.index_cast %swap3A_289 : i32 to index
    %swap3A_291 = arith.constant 0 : index
    %swap3A_292 = tpu.vector_load %arg9[%swap3A_290, %swap3A_291] {strides = array<i32>} : memref<16x128xf32, #tpu.memory_space<vmem>>, vector<1x16xf32>,
    %swap3A_293 = vector.shape_cast %swap3A_292 : vector<1x16xf32> to vector<16xf32>
    %swap3A_294 = vector.shape_cast %broadcast_in_dim3A_1 : vector<16xf32> to vector<1x16xf32>
    tpu.vector_store %arg9[%swap3A_290, %swap3A_291], %swap3A_294 {strides = array<i32>} : memref<16x128xf32, #tpu.memory_space<vmem>>, vector<1x16xf32>,
    %swap3A_295 = arith.constant 6 : i32
    %swap3A_296 = arith.index_cast %swap3A_295 : i32 to index
    %swap3A_297 = arith.constant 16 : index
    %swap3A_298 = tpu.vector_load %arg9[%swap3A_296, %swap3A_297] {strides = array<i32>} : memref<16x128xf32, #tpu.memory_space<vmem>>, vector<1x16xf32>,
    %swap3A_299 = vector.shape_cast %swap3A_298 : vector<1x16xf32> to vector<16xf32>
    %swap3A_300 = vector.shape_cast %broadcast_in_dim3A_1 : vector<16xf32> to vector<1x16xf32>
    tpu.vector_store %arg9[%swap3A_296, %swap3A_297], %swap3A_300 {strides = array<i32>} : memref<16x128xf32, #tpu.memory_space<vmem>>, vector<1x16xf32>,
    %swap3A_301 = arith.constant 6 : i32
    %swap3A_302 = arith.index_cast %swap3A_301 : i32 to index
    %swap3A_303 = arith.constant 32 : index
    %swap3A_304 = tpu.vector_load %arg9[%swap3A_302, %swap3A_303] {strides = array<i32>} : memref<16x128xf32, #tpu.memory_space<vmem>>, vector<1x16xf32>,
    %swap3A_305 = vector.shape_cast %swap3A_304 : vector<1x16xf32> to vector<16xf32>
    %swap3A_306 = vector.shape_cast %broadcast_in_dim3A_1 : vector<16xf32> to vector<1x16xf32>
    tpu.vector_store %arg9[%swap3A_302, %swap3A_303], %swap3A_306 {strides = array<i32>} : memref<16x128xf32, #tpu.memory_space<vmem>>, vector<1x16xf32>,
    %swap3A_307 = arith.constant 6 : i32
    %swap3A_308 = arith.index_cast %swap3A_307 : i32 to index
    %swap3A_309 = arith.constant 48 : index
    %swap3A_310 = tpu.vector_load %arg9[%swap3A_308, %swap3A_309] {strides = array<i32>} : memref<16x128xf32, #tpu.memory_space<vmem>>, vector<1x16xf32>,
    %swap3A_311 = vector.shape_cast %swap3A_310 : vector<1x16xf32> to vector<16xf32>
    %swap3A_312 = vector.shape_cast %broadcast_in_dim3A_1 : vector<16xf32> to vector<1x16xf32>
    tpu.vector_store %arg9[%swap3A_308, %swap3A_309], %swap3A_312 {strides = array<i32>} : memref<16x128xf32, #tpu.memory_space<vmem>>, vector<1x16xf32>,
    %swap3A_313 = arith.constant 6 : i32
    %swap3A_314 = arith.index_cast %swap3A_313 : i32 to index
    %swap3A_315 = arith.constant 64 : index
    %swap3A_316 = tpu.vector_load %arg9[%swap3A_314, %swap3A_315] {strides = array<i32>} : memref<16x128xf32, #tpu.memory_space<vmem>>, vector<1x16xf32>,
    %swap3A_317 = vector.shape_cast %swap3A_316 : vector<1x16xf32> to vector<16xf32>
    %swap3A_318 = vector.shape_cast %broadcast_in_dim3A_1 : vector<16xf32> to vector<1x16xf32>
    tpu.vector_store %arg9[%swap3A_314, %swap3A_315], %swap3A_318 {strides = array<i32>} : memref<16x128xf32, #tpu.memory_space<vmem>>, vector<1x16xf32>,
    %swap3A_319 = arith.constant 6 : i32
    %swap3A_320 = arith.index_cast %swap3A_319 : i32 to index
    %swap3A_321 = arith.constant 80 : index
    %swap3A_322 = tpu.vector_load %arg9[%swap3A_320, %swap3A_321] {strides = array<i32>} : memref<16x128xf32, #tpu.memory_space<vmem>>, vector<1x16xf32>,
    %swap3A_323 = vector.shape_cast %swap3A_322 : vector<1x16xf32> to vector<16xf32>
    %swap3A_324 = vector.shape_cast %broadcast_in_dim3A_1 : vector<16xf32> to vector<1x16xf32>
    tpu.vector_store %arg9[%swap3A_320, %swap3A_321], %swap3A_324 {strides = array<i32>} : memref<16x128xf32, #tpu.memory_space<vmem>>, vector<1x16xf32>,
    %swap3A_325 = arith.constant 6 : i32
    %swap3A_326 = arith.index_cast %swap3A_325 : i32 to index
    %swap3A_327 = arith.constant 96 : index
    %swap3A_328 = tpu.vector_load %arg9[%swap3A_326, %swap3A_327] {strides = array<i32>} : memref<16x128xf32, #tpu.memory_space<vmem>>, vector<1x16xf32>,
    %swap3A_329 = vector.shape_cast %swap3A_328 : vector<1x16xf32> to vector<16xf32>
    %swap3A_330 = vector.shape_cast %broadcast_in_dim3A_1 : vector<16xf32> to vector<1x16xf32>
    tpu.vector_store %arg9[%swap3A_326, %swap3A_327], %swap3A_330 {strides = array<i32>} : memref<16x128xf32, #tpu.memory_space<vmem>>, vector<1x16xf32>,
    %swap3A_331 = arith.constant 6 : i32
    %swap3A_332 = arith.index_cast %swap3A_331 : i32 to index
    %swap3A_333 = arith.constant 112 : index
    %swap3A_334 = tpu.vector_load %arg9[%swap3A_332, %swap3A_333] {strides = array<i32>} : memref<16x128xf32, #tpu.memory_space<vmem>>, vector<1x16xf32>,
    %swap3A_335 = vector.shape_cast %swap3A_334 : vector<1x16xf32> to vector<16xf32>
    %swap3A_336 = vector.shape_cast %broadcast_in_dim3A_1 : vector<16xf32> to vector<1x16xf32>
    tpu.vector_store %arg9[%swap3A_332, %swap3A_333], %swap3A_336 {strides = array<i32>} : memref<16x128xf32, #tpu.memory_space<vmem>>, vector<1x16xf32>,
    %swap3A_337 = arith.constant 7 : i32
    %swap3A_338 = arith.index_cast %swap3A_337 : i32 to index
    %swap3A_339 = arith.constant 0 : index
    %swap3A_340 = tpu.vector_load %arg9[%swap3A_338, %swap3A_339] {strides = array<i32>} : memref<16x128xf32, #tpu.memory_space<vmem>>, vector<1x16xf32>,
    %swap3A_341 = vector.shape_cast %swap3A_340 : vector<1x16xf32> to vector<16xf32>
    %swap3A_342 = vector.shape_cast %broadcast_in_dim3A_1 : vector<16xf32> to vector<1x16xf32>
    tpu.vector_store %arg9[%swap3A_338, %swap3A_339], %swap3A_342 {strides = array<i32>} : memref<16x128xf32, #tpu.memory_space<vmem>>, vector<1x16xf32>,
    %swap3A_343 = arith.constant 7 : i32
    %swap3A_344 = arith.index_cast %swap3A_343 : i32 to index
    %swap3A_345 = arith.constant 16 : index
    %swap3A_346 = tpu.vector_load %arg9[%swap3A_344, %swap3A_345] {strides = array<i32>} : memref<16x128xf32, #tpu.memory_space<vmem>>, vector<1x16xf32>,
    %swap3A_347 = vector.shape_cast %swap3A_346 : vector<1x16xf32> to vector<16xf32>
    %swap3A_348 = vector.shape_cast %broadcast_in_dim3A_1 : vector<16xf32> to vector<1x16xf32>
    tpu.vector_store %arg9[%swap3A_344, %swap3A_345], %swap3A_348 {strides = array<i32>} : memref<16x128xf32, #tpu.memory_space<vmem>>, vector<1x16xf32>,
    %swap3A_349 = arith.constant 7 : i32
    %swap3A_350 = arith.index_cast %swap3A_349 : i32 to index
    %swap3A_351 = arith.constant 32 : index
    %swap3A_352 = tpu.vector_load %arg9[%swap3A_350, %swap3A_351] {strides = array<i32>} : memref<16x128xf32, #tpu.memory_space<vmem>>, vector<1x16xf32>,
    %swap3A_353 = vector.shape_cast %swap3A_352 : vector<1x16xf32> to vector<16xf32>
    %swap3A_354 = vector.shape_cast %broadcast_in_dim3A_1 : vector<16xf32> to vector<1x16xf32>
    tpu.vector_store %arg9[%swap3A_350, %swap3A_351], %swap3A_354 {strides = array<i32>} : memref<16x128xf32, #tpu.memory_space<vmem>>, vector<1x16xf32>,
    %swap3A_355 = arith.constant 7 : i32
    %swap3A_356 = arith.index_cast %swap3A_355 : i32 to index
    %swap3A_357 = arith.constant 48 : index
    %swap3A_358 = tpu.vector_load %arg9[%swap3A_356, %swap3A_357] {strides = array<i32>} : memref<16x128xf32, #tpu.memory_space<vmem>>, vector<1x16xf32>,
    %swap3A_359 = vector.shape_cast %swap3A_358 : vector<1x16xf32> to vector<16xf32>
    %swap3A_360 = vector.shape_cast %broadcast_in_dim3A_1 : vector<16xf32> to vector<1x16xf32>
    tpu.vector_store %arg9[%swap3A_356, %swap3A_357], %swap3A_360 {strides = array<i32>} : memref<16x128xf32, #tpu.memory_space<vmem>>, vector<1x16xf32>,
    %swap3A_361 = arith.constant 7 : i32
    %swap3A_362 = arith.index_cast %swap3A_361 : i32 to index
    %swap3A_363 = arith.constant 64 : index
    %swap3A_364 = tpu.vector_load %arg9[%swap3A_362, %swap3A_363] {strides = array<i32>} : memref<16x128xf32, #tpu.memory_space<vmem>>, vector<1x16xf32>,
    %swap3A_365 = vector.shape_cast %swap3A_364 : vector<1x16xf32> to vector<16xf32>
    %swap3A_366 = vector.shape_cast %broadcast_in_dim3A_1 : vector<16xf32> to vector<1x16xf32>
    tpu.vector_store %arg9[%swap3A_362, %swap3A_363], %swap3A_366 {strides = array<i32>} : memref<16x128xf32, #tpu.memory_space<vmem>>, vector<1x16xf32>,
    %swap3A_367 = arith.constant 7 : i32
    %swap3A_368 = arith.index_cast %swap3A_367 : i32 to index
    %swap3A_369 = arith.constant 80 : index
    %swap3A_370 = tpu.vector_load %arg9[%swap3A_368, %swap3A_369] {strides = array<i32>} : memref<16x128xf32, #tpu.memory_space<vmem>>, vector<1x16xf32>,
    %swap3A_371 = vector.shape_cast %swap3A_370 : vector<1x16xf32> to vector<16xf32>
    %swap3A_372 = vector.shape_cast %broadcast_in_dim3A_1 : vector<16xf32> to vector<1x16xf32>
    tpu.vector_store %arg9[%swap3A_368, %swap3A_369], %swap3A_372 {strides = array<i32>} : memref<16x128xf32, #tpu.memory_space<vmem>>, vector<1x16xf32>,
    %swap3A_373 = arith.constant 7 : i32
    %swap3A_374 = arith.index_cast %swap3A_373 : i32 to index
    %swap3A_375 = arith.constant 96 : index
    %swap3A_376 = tpu.vector_load %arg9[%swap3A_374, %swap3A_375] {strides = array<i32>} : memref<16x128xf32, #tpu.memory_space<vmem>>, vector<1x16xf32>,
    %swap3A_377 = vector.shape_cast %swap3A_376 : vector<1x16xf32> to vector<16xf32>
    %swap3A_378 = vector.shape_cast %broadcast_in_dim3A_1 : vector<16xf32> to vector<1x16xf32>
    tpu.vector_store %arg9[%swap3A_374, %swap3A_375], %swap3A_378 {strides = array<i32>} : memref<16x128xf32, #tpu.memory_space<vmem>>, vector<1x16xf32>,
    %swap3A_379 = arith.constant 7 : i32
    %swap3A_380 = arith.index_cast %swap3A_379 : i32 to index
    %swap3A_381 = arith.constant 112 : index
    %swap3A_382 = tpu.vector_load %arg9[%swap3A_380, %swap3A_381] {strides = array<i32>} : memref<16x128xf32, #tpu.memory_space<vmem>>, vector<1x16xf32>,
    %swap3A_383 = vector.shape_cast %swap3A_382 : vector<1x16xf32> to vector<16xf32>
    %swap3A_384 = vector.shape_cast %broadcast_in_dim3A_1 : vector<16xf32> to vector<1x16xf32>
    tpu.vector_store %arg9[%swap3A_380, %swap3A_381], %swap3A_384 {strides = array<i32>} : memref<16x128xf32, #tpu.memory_space<vmem>>, vector<1x16xf32>,
    %swap3A_385 = arith.constant 8 : i32
    %swap3A_386 = arith.index_cast %swap3A_385 : i32 to index
    %swap3A_387 = arith.constant 0 : index
    %swap3A_388 = tpu.vector_load %arg9[%swap3A_386, %swap3A_387] {strides = array<i32>} : memref<16x128xf32, #tpu.memory_space<vmem>>, vector<1x16xf32>,
    %swap3A_389 = vector.shape_cast %swap3A_388 : vector<1x16xf32> to vector<16xf32>
    %swap3A_390 = vector.shape_cast %broadcast_in_dim3A_1 : vector<16xf32> to vector<1x16xf32>
    tpu.vector_store %arg9[%swap3A_386, %swap3A_387], %swap3A_390 {strides = array<i32>} : memref<16x128xf32, #tpu.memory_space<vmem>>, vector<1x16xf32>,
    %swap3A_391 = arith.constant 8 : i32
    %swap3A_392 = arith.index_cast %swap3A_391 : i32 to index
    %swap3A_393 = arith.constant 16 : index
    %swap3A_394 = tpu.vector_load %arg9[%swap3A_392, %swap3A_393] {strides = array<i32>} : memref<16x128xf32, #tpu.memory_space<vmem>>, vector<1x16xf32>,
    %swap3A_395 = vector.shape_cast %swap3A_394 : vector<1x16xf32> to vector<16xf32>
    %swap3A_396 = vector.shape_cast %broadcast_in_dim3A_1 : vector<16xf32> to vector<1x16xf32>
    tpu.vector_store %arg9[%swap3A_392, %swap3A_393], %swap3A_396 {strides = array<i32>} : memref<16x128xf32, #tpu.memory_space<vmem>>, vector<1x16xf32>,
    %swap3A_397 = arith.constant 8 : i32
    %swap3A_398 = arith.index_cast %swap3A_397 : i32 to index
    %swap3A_399 = arith.constant 32 : index
    %swap3A_400 = tpu.vector_load %arg9[%swap3A_398, %swap3A_399] {strides = array<i32>} : memref<16x128xf32, #tpu.memory_space<vmem>>, vector<1x16xf32>,
    %swap3A_401 = vector.shape_cast %swap3A_400 : vector<1x16xf32> to vector<16xf32>
    %swap3A_402 = vector.shape_cast %broadcast_in_dim3A_1 : vector<16xf32> to vector<1x16xf32>
    tpu.vector_store %arg9[%swap3A_398, %swap3A_399], %swap3A_402 {strides = array<i32>} : memref<16x128xf32, #tpu.memory_space<vmem>>, vector<1x16xf32>,
    %swap3A_403 = arith.constant 8 : i32
    %swap3A_404 = arith.index_cast %swap3A_403 : i32 to index
    %swap3A_405 = arith.constant 48 : index
    %swap3A_406 = tpu.vector_load %arg9[%swap3A_404, %swap3A_405] {strides = array<i32>} : memref<16x128xf32, #tpu.memory_space<vmem>>, vector<1x16xf32>,
    %swap3A_407 = vector.shape_cast %swap3A_406 : vector<1x16xf32> to vector<16xf32>
    %swap3A_408 = vector.shape_cast %broadcast_in_dim3A_1 : vector<16xf32> to vector<1x16xf32>
    tpu.vector_store %arg9[%swap3A_404, %swap3A_405], %swap3A_408 {strides = array<i32>} : memref<16x128xf32, #tpu.memory_space<vmem>>, vector<1x16xf32>,
    %swap3A_409 = arith.constant 8 : i32
    %swap3A_410 = arith.index_cast %swap3A_409 : i32 to index
    %swap3A_411 = arith.constant 64 : index
    %swap3A_412 = tpu.vector_load %arg9[%swap3A_410, %swap3A_411] {strides = array<i32>} : memref<16x128xf32, #tpu.memory_space<vmem>>, vector<1x16xf32>,
    %swap3A_413 = vector.shape_cast %swap3A_412 : vector<1x16xf32> to vector<16xf32>
    %swap3A_414 = vector.shape_cast %broadcast_in_dim3A_1 : vector<16xf32> to vector<1x16xf32>
    tpu.vector_store %arg9[%swap3A_410, %swap3A_411], %swap3A_414 {strides = array<i32>} : memref<16x128xf32, #tpu.memory_space<vmem>>, vector<1x16xf32>,
    %swap3A_415 = arith.constant 8 : i32
    %swap3A_416 = arith.index_cast %swap3A_415 : i32 to index
    %swap3A_417 = arith.constant 80 : index
    %swap3A_418 = tpu.vector_load %arg9[%swap3A_416, %swap3A_417] {strides = array<i32>} : memref<16x128xf32, #tpu.memory_space<vmem>>, vector<1x16xf32>,
    %swap3A_419 = vector.shape_cast %swap3A_418 : vector<1x16xf32> to vector<16xf32>
    %swap3A_420 = vector.shape_cast %broadcast_in_dim3A_1 : vector<16xf32> to vector<1x16xf32>
    tpu.vector_store %arg9[%swap3A_416, %swap3A_417], %swap3A_420 {strides = array<i32>} : memref<16x128xf32, #tpu.memory_space<vmem>>, vector<1x16xf32>,
    %swap3A_421 = arith.constant 8 : i32
    %swap3A_422 = arith.index_cast %swap3A_421 : i32 to index
    %swap3A_423 = arith.constant 96 : index
    %swap3A_424 = tpu.vector_load %arg9[%swap3A_422, %swap3A_423] {strides = array<i32>} : memref<16x128xf32, #tpu.memory_space<vmem>>, vector<1x16xf32>,
    %swap3A_425 = vector.shape_cast %swap3A_424 : vector<1x16xf32> to vector<16xf32>
    %swap3A_426 = vector.shape_cast %broadcast_in_dim3A_1 : vector<16xf32> to vector<1x16xf32>
    tpu.vector_store %arg9[%swap3A_422, %swap3A_423], %swap3A_426 {strides = array<i32>} : memref<16x128xf32, #tpu.memory_space<vmem>>, vector<1x16xf32>,
    %swap3A_427 = arith.constant 8 : i32
    %swap3A_428 = arith.index_cast %swap3A_427 : i32 to index
    %swap3A_429 = arith.constant 112 : index
    %swap3A_430 = tpu.vector_load %arg9[%swap3A_428, %swap3A_429] {strides = array<i32>} : memref<16x128xf32, #tpu.memory_space<vmem>>, vector<1x16xf32>,
    %swap3A_431 = vector.shape_cast %swap3A_430 : vector<1x16xf32> to vector<16xf32>
    %swap3A_432 = vector.shape_cast %broadcast_in_dim3A_1 : vector<16xf32> to vector<1x16xf32>
    tpu.vector_store %arg9[%swap3A_428, %swap3A_429], %swap3A_432 {strides = array<i32>} : memref<16x128xf32, #tpu.memory_space<vmem>>, vector<1x16xf32>,
    %swap3A_433 = arith.constant 9 : i32
    %swap3A_434 = arith.index_cast %swap3A_433 : i32 to index
    %swap3A_435 = arith.constant 0 : index
    %swap3A_436 = tpu.vector_load %arg9[%swap3A_434, %swap3A_435] {strides = array<i32>} : memref<16x128xf32, #tpu.memory_space<vmem>>, vector<1x16xf32>,
    %swap3A_437 = vector.shape_cast %swap3A_436 : vector<1x16xf32> to vector<16xf32>
    %swap3A_438 = vector.shape_cast %broadcast_in_dim3A_1 : vector<16xf32> to vector<1x16xf32>
    tpu.vector_store %arg9[%swap3A_434, %swap3A_435], %swap3A_438 {strides = array<i32>} : memref<16x128xf32, #tpu.memory_space<vmem>>, vector<1x16xf32>,
    %swap3A_439 = arith.constant 9 : i32
    %swap3A_440 = arith.index_cast %swap3A_439 : i32 to index
    %swap3A_441 = arith.constant 16 : index
    %swap3A_442 = tpu.vector_load %arg9[%swap3A_440, %swap3A_441] {strides = array<i32>} : memref<16x128xf32, #tpu.memory_space<vmem>>, vector<1x16xf32>,
    %swap3A_443 = vector.shape_cast %swap3A_442 : vector<1x16xf32> to vector<16xf32>
    %swap3A_444 = vector.shape_cast %broadcast_in_dim3A_1 : vector<16xf32> to vector<1x16xf32>
    tpu.vector_store %arg9[%swap3A_440, %swap3A_441], %swap3A_444 {strides = array<i32>} : memref<16x128xf32, #tpu.memory_space<vmem>>, vector<1x16xf32>,
    %swap3A_445 = arith.constant 9 : i32
    %swap3A_446 = arith.index_cast %swap3A_445 : i32 to index
    %swap3A_447 = arith.constant 32 : index
    %swap3A_448 = tpu.vector_load %arg9[%swap3A_446, %swap3A_447] {strides = array<i32>} : memref<16x128xf32, #tpu.memory_space<vmem>>, vector<1x16xf32>,
    %swap3A_449 = vector.shape_cast %swap3A_448 : vector<1x16xf32> to vector<16xf32>
    %swap3A_450 = vector.shape_cast %broadcast_in_dim3A_1 : vector<16xf32> to vector<1x16xf32>
    tpu.vector_store %arg9[%swap3A_446, %swap3A_447], %swap3A_450 {strides = array<i32>} : memref<16x128xf32, #tpu.memory_space<vmem>>, vector<1x16xf32>,
    %swap3A_451 = arith.constant 9 : i32
    %swap3A_452 = arith.index_cast %swap3A_451 : i32 to index
    %swap3A_453 = arith.constant 48 : index
    %swap3A_454 = tpu.vector_load %arg9[%swap3A_452, %swap3A_453] {strides = array<i32>} : memref<16x128xf32, #tpu.memory_space<vmem>>, vector<1x16xf32>,
    %swap3A_455 = vector.shape_cast %swap3A_454 : vector<1x16xf32> to vector<16xf32>
    %swap3A_456 = vector.shape_cast %broadcast_in_dim3A_1 : vector<16xf32> to vector<1x16xf32>
    tpu.vector_store %arg9[%swap3A_452, %swap3A_453], %swap3A_456 {strides = array<i32>} : memref<16x128xf32, #tpu.memory_space<vmem>>, vector<1x16xf32>,
    %swap3A_457 = arith.constant 9 : i32
    %swap3A_458 = arith.index_cast %swap3A_457 : i32 to index
    %swap3A_459 = arith.constant 64 : index
    %swap3A_460 = tpu.vector_load %arg9[%swap3A_458, %swap3A_459] {strides = array<i32>} : memref<16x128xf32, #tpu.memory_space<vmem>>, vector<1x16xf32>,
    %swap3A_461 = vector.shape_cast %swap3A_460 : vector<1x16xf32> to vector<16xf32>
    %swap3A_462 = vector.shape_cast %broadcast_in_dim3A_1 : vector<16xf32> to vector<1x16xf32>
    tpu.vector_store %arg9[%swap3A_458, %swap3A_459], %swap3A_462 {strides = array<i32>} : memref<16x128xf32, #tpu.memory_space<vmem>>, vector<1x16xf32>,
    %swap3A_463 = arith.constant 9 : i32
    %swap3A_464 = arith.index_cast %swap3A_463 : i32 to index
    %swap3A_465 = arith.constant 80 : index
    %swap3A_466 = tpu.vector_load %arg9[%swap3A_464, %swap3A_465] {strides = array<i32>} : memref<16x128xf32, #tpu.memory_space<vmem>>, vector<1x16xf32>,
    %swap3A_467 = vector.shape_cast %swap3A_466 : vector<1x16xf32> to vector<16xf32>
    %swap3A_468 = vector.shape_cast %broadcast_in_dim3A_1 : vector<16xf32> to vector<1x16xf32>
    tpu.vector_store %arg9[%swap3A_464, %swap3A_465], %swap3A_468 {strides = array<i32>} : memref<16x128xf32, #tpu.memory_space<vmem>>, vector<1x16xf32>,
    %swap3A_469 = arith.constant 9 : i32
    %swap3A_470 = arith.index_cast %swap3A_469 : i32 to index
    %swap3A_471 = arith.constant 96 : index
    %swap3A_472 = tpu.vector_load %arg9[%swap3A_470, %swap3A_471] {strides = array<i32>} : memref<16x128xf32, #tpu.memory_space<vmem>>, vector<1x16xf32>,
    %swap3A_473 = vector.shape_cast %swap3A_472 : vector<1x16xf32> to vector<16xf32>
    %swap3A_474 = vector.shape_cast %broadcast_in_dim3A_1 : vector<16xf32> to vector<1x16xf32>
    tpu.vector_store %arg9[%swap3A_470, %swap3A_471], %swap3A_474 {strides = array<i32>} : memref<16x128xf32, #tpu.memory_space<vmem>>, vector<1x16xf32>,
    %swap3A_475 = arith.constant 9 : i32
    %swap3A_476 = arith.index_cast %swap3A_475 : i32 to index
    %swap3A_477 = arith.constant 112 : index
    %swap3A_478 = tpu.vector_load %arg9[%swap3A_476, %swap3A_477] {strides = array<i32>} : memref<16x128xf32, #tpu.memory_space<vmem>>, vector<1x16xf32>,
    %swap3A_479 = vector.shape_cast %swap3A_478 : vector<1x16xf32> to vector<16xf32>
    %swap3A_480 = vector.shape_cast %broadcast_in_dim3A_1 : vector<16xf32> to vector<1x16xf32>
    tpu.vector_store %arg9[%swap3A_476, %swap3A_477], %swap3A_480 {strides = array<i32>} : memref<16x128xf32, #tpu.memory_space<vmem>>, vector<1x16xf32>,
    %swap3A_481 = arith.constant 10 : i32
    %swap3A_482 = arith.index_cast %swap3A_481 : i32 to index
    %swap3A_483 = arith.constant 0 : index
    %swap3A_484 = tpu.vector_load %arg9[%swap3A_482, %swap3A_483] {strides = array<i32>} : memref<16x128xf32, #tpu.memory_space<vmem>>, vector<1x16xf32>,
    %swap3A_485 = vector.shape_cast %swap3A_484 : vector<1x16xf32> to vector<16xf32>
    %swap3A_486 = vector.shape_cast %broadcast_in_dim3A_1 : vector<16xf32> to vector<1x16xf32>
    tpu.vector_store %arg9[%swap3A_482, %swap3A_483], %swap3A_486 {strides = array<i32>} : memref<16x128xf32, #tpu.memory_space<vmem>>, vector<1x16xf32>,
    %swap3A_487 = arith.constant 10 : i32
    %swap3A_488 = arith.index_cast %swap3A_487 : i32 to index
    %swap3A_489 = arith.constant 16 : index
    %swap3A_490 = tpu.vector_load %arg9[%swap3A_488, %swap3A_489] {strides = array<i32>} : memref<16x128xf32, #tpu.memory_space<vmem>>, vector<1x16xf32>,
    %swap3A_491 = vector.shape_cast %swap3A_490 : vector<1x16xf32> to vector<16xf32>
    %swap3A_492 = vector.shape_cast %broadcast_in_dim3A_1 : vector<16xf32> to vector<1x16xf32>
    tpu.vector_store %arg9[%swap3A_488, %swap3A_489], %swap3A_492 {strides = array<i32>} : memref<16x128xf32, #tpu.memory_space<vmem>>, vector<1x16xf32>,
    %swap3A_493 = arith.constant 10 : i32
    %swap3A_494 = arith.index_cast %swap3A_493 : i32 to index
    %swap3A_495 = arith.constant 32 : index
    %swap3A_496 = tpu.vector_load %arg9[%swap3A_494, %swap3A_495] {strides = array<i32>} : memref<16x128xf32, #tpu.memory_space<vmem>>, vector<1x16xf32>,
    %swap3A_497 = vector.shape_cast %swap3A_496 : vector<1x16xf32> to vector<16xf32>
    %swap3A_498 = vector.shape_cast %broadcast_in_dim3A_1 : vector<16xf32> to vector<1x16xf32>
    tpu.vector_store %arg9[%swap3A_494, %swap3A_495], %swap3A_498 {strides = array<i32>} : memref<16x128xf32, #tpu.memory_space<vmem>>, vector<1x16xf32>,
    %swap3A_499 = arith.constant 10 : i32
    %swap3A_500 = arith.index_cast %swap3A_499 : i32 to index
    %swap3A_501 = arith.constant 48 : index
    %swap3A_502 = tpu.vector_load %arg9[%swap3A_500, %swap3A_501] {strides = array<i32>} : memref<16x128xf32, #tpu.memory_space<vmem>>, vector<1x16xf32>,
    %swap3A_503 = vector.shape_cast %swap3A_502 : vector<1x16xf32> to vector<16xf32>
    %swap3A_504 = vector.shape_cast %broadcast_in_dim3A_1 : vector<16xf32> to vector<1x16xf32>
    tpu.vector_store %arg9[%swap3A_500, %swap3A_501], %swap3A_504 {strides = array<i32>} : memref<16x128xf32, #tpu.memory_space<vmem>>, vector<1x16xf32>,
    %swap3A_505 = arith.constant 10 : i32
    %swap3A_506 = arith.index_cast %swap3A_505 : i32 to index
    %swap3A_507 = arith.constant 64 : index
    %swap3A_508 = tpu.vector_load %arg9[%swap3A_506, %swap3A_507] {strides = array<i32>} : memref<16x128xf32, #tpu.memory_space<vmem>>, vector<1x16xf32>,
    %swap3A_509 = vector.shape_cast %swap3A_508 : vector<1x16xf32> to vector<16xf32>
    %swap3A_510 = vector.shape_cast %broadcast_in_dim3A_1 : vector<16xf32> to vector<1x16xf32>
    tpu.vector_store %arg9[%swap3A_506, %swap3A_507], %swap3A_510 {strides = array<i32>} : memref<16x128xf32, #tpu.memory_space<vmem>>, vector<1x16xf32>,
    %swap3A_511 = arith.constant 10 : i32
    %swap3A_512 = arith.index_cast %swap3A_511 : i32 to index
    %swap3A_513 = arith.constant 80 : index
    %swap3A_514 = tpu.vector_load %arg9[%swap3A_512, %swap3A_513] {strides = array<i32>} : memref<16x128xf32, #tpu.memory_space<vmem>>, vector<1x16xf32>,
    %swap3A_515 = vector.shape_cast %swap3A_514 : vector<1x16xf32> to vector<16xf32>
    %swap3A_516 = vector.shape_cast %broadcast_in_dim3A_1 : vector<16xf32> to vector<1x16xf32>
    tpu.vector_store %arg9[%swap3A_512, %swap3A_513], %swap3A_516 {strides = array<i32>} : memref<16x128xf32, #tpu.memory_space<vmem>>, vector<1x16xf32>,
    %swap3A_517 = arith.constant 10 : i32
    %swap3A_518 = arith.index_cast %swap3A_517 : i32 to index
    %swap3A_519 = arith.constant 96 : index
    %swap3A_520 = tpu.vector_load %arg9[%swap3A_518, %swap3A_519] {strides = array<i32>} : memref<16x128xf32, #tpu.memory_space<vmem>>, vector<1x16xf32>,
    %swap3A_521 = vector.shape_cast %swap3A_520 : vector<1x16xf32> to vector<16xf32>
    %swap3A_522 = vector.shape_cast %broadcast_in_dim3A_1 : vector<16xf32> to vector<1x16xf32>
    tpu.vector_store %arg9[%swap3A_518, %swap3A_519], %swap3A_522 {strides = array<i32>} : memref<16x128xf32, #tpu.memory_space<vmem>>, vector<1x16xf32>,
    %swap3A_523 = arith.constant 10 : i32
    %swap3A_524 = arith.index_cast %swap3A_523 : i32 to index
    %swap3A_525 = arith.constant 112 : index
    %swap3A_526 = tpu.vector_load %arg9[%swap3A_524, %swap3A_525] {strides = array<i32>} : memref<16x128xf32, #tpu.memory_space<vmem>>, vector<1x16xf32>,
    %swap3A_527 = vector.shape_cast %swap3A_526 : vector<1x16xf32> to vector<16xf32>
    %swap3A_528 = vector.shape_cast %broadcast_in_dim3A_1 : vector<16xf32> to vector<1x16xf32>
    tpu.vector_store %arg9[%swap3A_524, %swap3A_525], %swap3A_528 {strides = array<i32>} : memref<16x128xf32, #tpu.memory_space<vmem>>, vector<1x16xf32>,
    %swap3A_529 = arith.constant 11 : i32
    %swap3A_530 = arith.index_cast %swap3A_529 : i32 to index
    %swap3A_531 = arith.constant 0 : index
    %swap3A_532 = tpu.vector_load %arg9[%swap3A_530, %swap3A_531] {strides = array<i32>} : memref<16x128xf32, #tpu.memory_space<vmem>>, vector<1x16xf32>,
    %swap3A_533 = vector.shape_cast %swap3A_532 : vector<1x16xf32> to vector<16xf32>
    %swap3A_534 = vector.shape_cast %broadcast_in_dim3A_1 : vector<16xf32> to vector<1x16xf32>
    tpu.vector_store %arg9[%swap3A_530, %swap3A_531], %swap3A_534 {strides = array<i32>} : memref<16x128xf32, #tpu.memory_space<vmem>>, vector<1x16xf32>,
    %swap3A_535 = arith.constant 11 : i32
    %swap3A_536 = arith.index_cast %swap3A_535 : i32 to index
    %swap3A_537 = arith.constant 16 : index
    %swap3A_538 = tpu.vector_load %arg9[%swap3A_536, %swap3A_537] {strides = array<i32>} : memref<16x128xf32, #tpu.memory_space<vmem>>, vector<1x16xf32>,
    %swap3A_539 = vector.shape_cast %swap3A_538 : vector<1x16xf32> to vector<16xf32>
    %swap3A_540 = vector.shape_cast %broadcast_in_dim3A_1 : vector<16xf32> to vector<1x16xf32>
    tpu.vector_store %arg9[%swap3A_536, %swap3A_537], %swap3A_540 {strides = array<i32>} : memref<16x128xf32, #tpu.memory_space<vmem>>, vector<1x16xf32>,
    %swap3A_541 = arith.constant 11 : i32
    %swap3A_542 = arith.index_cast %swap3A_541 : i32 to index
    %swap3A_543 = arith.constant 32 : index
    %swap3A_544 = tpu.vector_load %arg9[%swap3A_542, %swap3A_543] {strides = array<i32>} : memref<16x128xf32, #tpu.memory_space<vmem>>, vector<1x16xf32>,
    %swap3A_545 = vector.shape_cast %swap3A_544 : vector<1x16xf32> to vector<16xf32>
    %swap3A_546 = vector.shape_cast %broadcast_in_dim3A_1 : vector<16xf32> to vector<1x16xf32>
    tpu.vector_store %arg9[%swap3A_542, %swap3A_543], %swap3A_546 {strides = array<i32>} : memref<16x128xf32, #tpu.memory_space<vmem>>, vector<1x16xf32>,
    %swap3A_547 = arith.constant 11 : i32
    %swap3A_548 = arith.index_cast %swap3A_547 : i32 to index
    %swap3A_549 = arith.constant 48 : index
    %swap3A_550 = tpu.vector_load %arg9[%swap3A_548, %swap3A_549] {strides = array<i32>} : memref<16x128xf32, #tpu.memory_space<vmem>>, vector<1x16xf32>,
    %swap3A_551 = vector.shape_cast %swap3A_550 : vector<1x16xf32> to vector<16xf32>
    %swap3A_552 = vector.shape_cast %broadcast_in_dim3A_1 : vector<16xf32> to vector<1x16xf32>
    tpu.vector_store %arg9[%swap3A_548, %swap3A_549], %swap3A_552 {strides = array<i32>} : memref<16x128xf32, #tpu.memory_space<vmem>>, vector<1x16xf32>,
    %swap3A_553 = arith.constant 11 : i32
    %swap3A_554 = arith.index_cast %swap3A_553 : i32 to index
    %swap3A_555 = arith.constant 64 : index
    %swap3A_556 = tpu.vector_load %arg9[%swap3A_554, %swap3A_555] {strides = array<i32>} : memref<16x128xf32, #tpu.memory_space<vmem>>, vector<1x16xf32>,
    %swap3A_557 = vector.shape_cast %swap3A_556 : vector<1x16xf32> to vector<16xf32>
    %swap3A_558 = vector.shape_cast %broadcast_in_dim3A_1 : vector<16xf32> to vector<1x16xf32>
    tpu.vector_store %arg9[%swap3A_554, %swap3A_555], %swap3A_558 {strides = array<i32>} : memref<16x128xf32, #tpu.memory_space<vmem>>, vector<1x16xf32>,
    %swap3A_559 = arith.constant 11 : i32
    %swap3A_560 = arith.index_cast %swap3A_559 : i32 to index
    %swap3A_561 = arith.constant 80 : index
    %swap3A_562 = tpu.vector_load %arg9[%swap3A_560, %swap3A_561] {strides = array<i32>} : memref<16x128xf32, #tpu.memory_space<vmem>>, vector<1x16xf32>,
    %swap3A_563 = vector.shape_cast %swap3A_562 : vector<1x16xf32> to vector<16xf32>
    %swap3A_564 = vector.shape_cast %broadcast_in_dim3A_1 : vector<16xf32> to vector<1x16xf32>
    tpu.vector_store %arg9[%swap3A_560, %swap3A_561], %swap3A_564 {strides = array<i32>} : memref<16x128xf32, #tpu.memory_space<vmem>>, vector<1x16xf32>,
    %swap3A_565 = arith.constant 11 : i32
    %swap3A_566 = arith.index_cast %swap3A_565 : i32 to index
    %swap3A_567 = arith.constant 96 : index
    %swap3A_568 = tpu.vector_load %arg9[%swap3A_566, %swap3A_567] {strides = array<i32>} : memref<16x128xf32, #tpu.memory_space<vmem>>, vector<1x16xf32>,
    %swap3A_569 = vector.shape_cast %swap3A_568 : vector<1x16xf32> to vector<16xf32>
    %swap3A_570 = vector.shape_cast %broadcast_in_dim3A_1 : vector<16xf32> to vector<1x16xf32>
    tpu.vector_store %arg9[%swap3A_566, %swap3A_567], %swap3A_570 {strides = array<i32>} : memref<16x128xf32, #tpu.memory_space<vmem>>, vector<1x16xf32>,
    %swap3A_571 = arith.constant 11 : i32
    %swap3A_572 = arith.index_cast %swap3A_571 : i32 to index
    %swap3A_573 = arith.constant 112 : index
    %swap3A_574 = tpu.vector_load %arg9[%swap3A_572, %swap3A_573] {strides = array<i32>} : memref<16x128xf32, #tpu.memory_space<vmem>>, vector<1x16xf32>,
    %swap3A_575 = vector.shape_cast %swap3A_574 : vector<1x16xf32> to vector<16xf32>
    %swap3A_576 = vector.shape_cast %broadcast_in_dim3A_1 : vector<16xf32> to vector<1x16xf32>
    tpu.vector_store %arg9[%swap3A_572, %swap3A_573], %swap3A_576 {strides = array<i32>} : memref<16x128xf32, #tpu.memory_space<vmem>>, vector<1x16xf32>,
    %swap3A_577 = arith.constant 12 : i32
    %swap3A_578 = arith.index_cast %swap3A_577 : i32 to index
    %swap3A_579 = arith.constant 0 : index
    %swap3A_580 = tpu.vector_load %arg9[%swap3A_578, %swap3A_579] {strides = array<i32>} : memref<16x128xf32, #tpu.memory_space<vmem>>, vector<1x16xf32>,
    %swap3A_581 = vector.shape_cast %swap3A_580 : vector<1x16xf32> to vector<16xf32>
    %swap3A_582 = vector.shape_cast %broadcast_in_dim3A_1 : vector<16xf32> to vector<1x16xf32>
    tpu.vector_store %arg9[%swap3A_578, %swap3A_579], %swap3A_582 {strides = array<i32>} : memref<16x128xf32, #tpu.memory_space<vmem>>, vector<1x16xf32>,
    %swap3A_583 = arith.constant 12 : i32
    %swap3A_584 = arith.index_cast %swap3A_583 : i32 to index
    %swap3A_585 = arith.constant 16 : index
    %swap3A_586 = tpu.vector_load %arg9[%swap3A_584, %swap3A_585] {strides = array<i32>} : memref<16x128xf32, #tpu.memory_space<vmem>>, vector<1x16xf32>,
    %swap3A_587 = vector.shape_cast %swap3A_586 : vector<1x16xf32> to vector<16xf32>
    %swap3A_588 = vector.shape_cast %broadcast_in_dim3A_1 : vector<16xf32> to vector<1x16xf32>
    tpu.vector_store %arg9[%swap3A_584, %swap3A_585], %swap3A_588 {strides = array<i32>} : memref<16x128xf32, #tpu.memory_space<vmem>>, vector<1x16xf32>,
    %swap3A_589 = arith.constant 12 : i32
    %swap3A_590 = arith.index_cast %swap3A_589 : i32 to index
    %swap3A_591 = arith.constant 32 : index
    %swap3A_592 = tpu.vector_load %arg9[%swap3A_590, %swap3A_591] {strides = array<i32>} : memref<16x128xf32, #tpu.memory_space<vmem>>, vector<1x16xf32>,
    %swap3A_593 = vector.shape_cast %swap3A_592 : vector<1x16xf32> to vector<16xf32>
    %swap3A_594 = vector.shape_cast %broadcast_in_dim3A_1 : vector<16xf32> to vector<1x16xf32>
    tpu.vector_store %arg9[%swap3A_590, %swap3A_591], %swap3A_594 {strides = array<i32>} : memref<16x128xf32, #tpu.memory_space<vmem>>, vector<1x16xf32>,
    %swap3A_595 = arith.constant 12 : i32
    %swap3A_596 = arith.index_cast %swap3A_595 : i32 to index
    %swap3A_597 = arith.constant 48 : index
    %swap3A_598 = tpu.vector_load %arg9[%swap3A_596, %swap3A_597] {strides = array<i32>} : memref<16x128xf32, #tpu.memory_space<vmem>>, vector<1x16xf32>,
    %swap3A_599 = vector.shape_cast %swap3A_598 : vector<1x16xf32> to vector<16xf32>
    %swap3A_600 = vector.shape_cast %broadcast_in_dim3A_1 : vector<16xf32> to vector<1x16xf32>
    tpu.vector_store %arg9[%swap3A_596, %swap3A_597], %swap3A_600 {strides = array<i32>} : memref<16x128xf32, #tpu.memory_space<vmem>>, vector<1x16xf32>,
    %swap3A_601 = arith.constant 12 : i32
    %swap3A_602 = arith.index_cast %swap3A_601 : i32 to index
    %swap3A_603 = arith.constant 64 : index
    %swap3A_604 = tpu.vector_load %arg9[%swap3A_602, %swap3A_603] {strides = array<i32>} : memref<16x128xf32, #tpu.memory_space<vmem>>, vector<1x16xf32>,
    %swap3A_605 = vector.shape_cast %swap3A_604 : vector<1x16xf32> to vector<16xf32>
    %swap3A_606 = vector.shape_cast %broadcast_in_dim3A_1 : vector<16xf32> to vector<1x16xf32>
    tpu.vector_store %arg9[%swap3A_602, %swap3A_603], %swap3A_606 {strides = array<i32>} : memref<16x128xf32, #tpu.memory_space<vmem>>, vector<1x16xf32>,
    %swap3A_607 = arith.constant 12 : i32
    %swap3A_608 = arith.index_cast %swap3A_607 : i32 to index
    %swap3A_609 = arith.constant 80 : index
    %swap3A_610 = tpu.vector_load %arg9[%swap3A_608, %swap3A_609] {strides = array<i32>} : memref<16x128xf32, #tpu.memory_space<vmem>>, vector<1x16xf32>,
    %swap3A_611 = vector.shape_cast %swap3A_610 : vector<1x16xf32> to vector<16xf32>
    %swap3A_612 = vector.shape_cast %broadcast_in_dim3A_1 : vector<16xf32> to vector<1x16xf32>
    tpu.vector_store %arg9[%swap3A_608, %swap3A_609], %swap3A_612 {strides = array<i32>} : memref<16x128xf32, #tpu.memory_space<vmem>>, vector<1x16xf32>,
    %swap3A_613 = arith.constant 12 : i32
    %swap3A_614 = arith.index_cast %swap3A_613 : i32 to index
    %swap3A_615 = arith.constant 96 : index
    %swap3A_616 = tpu.vector_load %arg9[%swap3A_614, %swap3A_615] {strides = array<i32>} : memref<16x128xf32, #tpu.memory_space<vmem>>, vector<1x16xf32>,
    %swap3A_617 = vector.shape_cast %swap3A_616 : vector<1x16xf32> to vector<16xf32>
    %swap3A_618 = vector.shape_cast %broadcast_in_dim3A_1 : vector<16xf32> to vector<1x16xf32>
    tpu.vector_store %arg9[%swap3A_614, %swap3A_615], %swap3A_618 {strides = array<i32>} : memref<16x128xf32, #tpu.memory_space<vmem>>, vector<1x16xf32>,
    %swap3A_619 = arith.constant 12 : i32
    %swap3A_620 = arith.index_cast %swap3A_619 : i32 to index
    %swap3A_621 = arith.constant 112 : index
    %swap3A_622 = tpu.vector_load %arg9[%swap3A_620, %swap3A_621] {strides = array<i32>} : memref<16x128xf32, #tpu.memory_space<vmem>>, vector<1x16xf32>,
    %swap3A_623 = vector.shape_cast %swap3A_622 : vector<1x16xf32> to vector<16xf32>
    %swap3A_624 = vector.shape_cast %broadcast_in_dim3A_1 : vector<16xf32> to vector<1x16xf32>
    tpu.vector_store %arg9[%swap3A_620, %swap3A_621], %swap3A_624 {strides = array<i32>} : memref<16x128xf32, #tpu.memory_space<vmem>>, vector<1x16xf32>,
    %swap3A_625 = arith.constant 13 : i32
    %swap3A_626 = arith.index_cast %swap3A_625 : i32 to index
    %swap3A_627 = arith.constant 0 : index
    %swap3A_628 = tpu.vector_load %arg9[%swap3A_626, %swap3A_627] {strides = array<i32>} : memref<16x128xf32, #tpu.memory_space<vmem>>, vector<1x16xf32>,
    %swap3A_629 = vector.shape_cast %swap3A_628 : vector<1x16xf32> to vector<16xf32>
    %swap3A_630 = vector.shape_cast %broadcast_in_dim3A_1 : vector<16xf32> to vector<1x16xf32>
    tpu.vector_store %arg9[%swap3A_626, %swap3A_627], %swap3A_630 {strides = array<i32>} : memref<16x128xf32, #tpu.memory_space<vmem>>, vector<1x16xf32>,
    %swap3A_631 = arith.constant 13 : i32
    %swap3A_632 = arith.index_cast %swap3A_631 : i32 to index
    %swap3A_633 = arith.constant 16 : index
    %swap3A_634 = tpu.vector_load %arg9[%swap3A_632, %swap3A_633] {strides = array<i32>} : memref<16x128xf32, #tpu.memory_space<vmem>>, vector<1x16xf32>,
    %swap3A_635 = vector.shape_cast %swap3A_634 : vector<1x16xf32> to vector<16xf32>
    %swap3A_636 = vector.shape_cast %broadcast_in_dim3A_1 : vector<16xf32> to vector<1x16xf32>
    tpu.vector_store %arg9[%swap3A_632, %swap3A_633], %swap3A_636 {strides = array<i32>} : memref<16x128xf32, #tpu.memory_space<vmem>>, vector<1x16xf32>,
    %swap3A_637 = arith.constant 13 : i32
    %swap3A_638 = arith.index_cast %swap3A_637 : i32 to index
    %swap3A_639 = arith.constant 32 : index
    %swap3A_640 = tpu.vector_load %arg9[%swap3A_638, %swap3A_639] {strides = array<i32>} : memref<16x128xf32, #tpu.memory_space<vmem>>, vector<1x16xf32>,
    %swap3A_641 = vector.shape_cast %swap3A_640 : vector<1x16xf32> to vector<16xf32>
    %swap3A_642 = vector.shape_cast %broadcast_in_dim3A_1 : vector<16xf32> to vector<1x16xf32>
    tpu.vector_store %arg9[%swap3A_638, %swap3A_639], %swap3A_642 {strides = array<i32>} : memref<16x128xf32, #tpu.memory_space<vmem>>, vector<1x16xf32>,
    %swap3A_643 = arith.constant 13 : i32
    %swap3A_644 = arith.index_cast %swap3A_643 : i32 to index
    %swap3A_645 = arith.constant 48 : index
    %swap3A_646 = tpu.vector_load %arg9[%swap3A_644, %swap3A_645] {strides = array<i32>} : memref<16x128xf32, #tpu.memory_space<vmem>>, vector<1x16xf32>,
    %swap3A_647 = vector.shape_cast %swap3A_646 : vector<1x16xf32> to vector<16xf32>
    %swap3A_648 = vector.shape_cast %broadcast_in_dim3A_1 : vector<16xf32> to vector<1x16xf32>
    tpu.vector_store %arg9[%swap3A_644, %swap3A_645], %swap3A_648 {strides = array<i32>} : memref<16x128xf32, #tpu.memory_space<vmem>>, vector<1x16xf32>,
    %swap3A_649 = arith.constant 13 : i32
    %swap3A_650 = arith.index_cast %swap3A_649 : i32 to index
    %swap3A_651 = arith.constant 64 : index
    %swap3A_652 = tpu.vector_load %arg9[%swap3A_650, %swap3A_651] {strides = array<i32>} : memref<16x128xf32, #tpu.memory_space<vmem>>, vector<1x16xf32>,
    %swap3A_653 = vector.shape_cast %swap3A_652 : vector<1x16xf32> to vector<16xf32>
    %swap3A_654 = vector.shape_cast %broadcast_in_dim3A_1 : vector<16xf32> to vector<1x16xf32>
    tpu.vector_store %arg9[%swap3A_650, %swap3A_651], %swap3A_654 {strides = array<i32>} : memref<16x128xf32, #tpu.memory_space<vmem>>, vector<1x16xf32>,
    %swap3A_655 = arith.constant 13 : i32
    %swap3A_656 = arith.index_cast %swap3A_655 : i32 to index
    %swap3A_657 = arith.constant 80 : index
    %swap3A_658 = tpu.vector_load %arg9[%swap3A_656, %swap3A_657] {strides = array<i32>} : memref<16x128xf32, #tpu.memory_space<vmem>>, vector<1x16xf32>,
    %swap3A_659 = vector.shape_cast %swap3A_658 : vector<1x16xf32> to vector<16xf32>
    %swap3A_660 = vector.shape_cast %broadcast_in_dim3A_1 : vector<16xf32> to vector<1x16xf32>
    tpu.vector_store %arg9[%swap3A_656, %swap3A_657], %swap3A_660 {strides = array<i32>} : memref<16x128xf32, #tpu.memory_space<vmem>>, vector<1x16xf32>,
    %swap3A_661 = arith.constant 13 : i32
    %swap3A_662 = arith.index_cast %swap3A_661 : i32 to index
    %swap3A_663 = arith.constant 96 : index
    %swap3A_664 = tpu.vector_load %arg9[%swap3A_662, %swap3A_663] {strides = array<i32>} : memref<16x128xf32, #tpu.memory_space<vmem>>, vector<1x16xf32>,
    %swap3A_665 = vector.shape_cast %swap3A_664 : vector<1x16xf32> to vector<16xf32>
    %swap3A_666 = vector.shape_cast %broadcast_in_dim3A_1 : vector<16xf32> to vector<1x16xf32>
    tpu.vector_store %arg9[%swap3A_662, %swap3A_663], %swap3A_666 {strides = array<i32>} : memref<16x128xf32, #tpu.memory_space<vmem>>, vector<1x16xf32>,
    %swap3A_667 = arith.constant 13 : i32
    %swap3A_668 = arith.index_cast %swap3A_667 : i32 to index
    %swap3A_669 = arith.constant 112 : index
    %swap3A_670 = tpu.vector_load %arg9[%swap3A_668, %swap3A_669] {strides = array<i32>} : memref<16x128xf32, #tpu.memory_space<vmem>>, vector<1x16xf32>,
    %swap3A_671 = vector.shape_cast %swap3A_670 : vector<1x16xf32> to vector<16xf32>
    %swap3A_672 = vector.shape_cast %broadcast_in_dim3A_1 : vector<16xf32> to vector<1x16xf32>
    tpu.vector_store %arg9[%swap3A_668, %swap3A_669], %swap3A_672 {strides = array<i32>} : memref<16x128xf32, #tpu.memory_space<vmem>>, vector<1x16xf32>,
    %swap3A_673 = arith.constant 14 : i32
    %swap3A_674 = arith.index_cast %swap3A_673 : i32 to index
    %swap3A_675 = arith.constant 0 : index
    %swap3A_676 = tpu.vector_load %arg9[%swap3A_674, %swap3A_675] {strides = array<i32>} : memref<16x128xf32, #tpu.memory_space<vmem>>, vector<1x16xf32>,
    %swap3A_677 = vector.shape_cast %swap3A_676 : vector<1x16xf32> to vector<16xf32>
    %swap3A_678 = vector.shape_cast %broadcast_in_dim3A_1 : vector<16xf32> to vector<1x16xf32>
    tpu.vector_store %arg9[%swap3A_674, %swap3A_675], %swap3A_678 {strides = array<i32>} : memref<16x128xf32, #tpu.memory_space<vmem>>, vector<1x16xf32>,
    %swap3A_679 = arith.constant 14 : i32
    %swap3A_680 = arith.index_cast %swap3A_679 : i32 to index
    %swap3A_681 = arith.constant 16 : index
    %swap3A_682 = tpu.vector_load %arg9[%swap3A_680, %swap3A_681] {strides = array<i32>} : memref<16x128xf32, #tpu.memory_space<vmem>>, vector<1x16xf32>,
    %swap3A_683 = vector.shape_cast %swap3A_682 : vector<1x16xf32> to vector<16xf32>
    %swap3A_684 = vector.shape_cast %broadcast_in_dim3A_1 : vector<16xf32> to vector<1x16xf32>
    tpu.vector_store %arg9[%swap3A_680, %swap3A_681], %swap3A_684 {strides = array<i32>} : memref<16x128xf32, #tpu.memory_space<vmem>>, vector<1x16xf32>,
    %swap3A_685 = arith.constant 14 : i32
    %swap3A_686 = arith.index_cast %swap3A_685 : i32 to index
    %swap3A_687 = arith.constant 32 : index
    %swap3A_688 = tpu.vector_load %arg9[%swap3A_686, %swap3A_687] {strides = array<i32>} : memref<16x128xf32, #tpu.memory_space<vmem>>, vector<1x16xf32>,
    %swap3A_689 = vector.shape_cast %swap3A_688 : vector<1x16xf32> to vector<16xf32>
    %swap3A_690 = vector.shape_cast %broadcast_in_dim3A_1 : vector<16xf32> to vector<1x16xf32>
    tpu.vector_store %arg9[%swap3A_686, %swap3A_687], %swap3A_690 {strides = array<i32>} : memref<16x128xf32, #tpu.memory_space<vmem>>, vector<1x16xf32>,
    %swap3A_691 = arith.constant 14 : i32
    %swap3A_692 = arith.index_cast %swap3A_691 : i32 to index
    %swap3A_693 = arith.constant 48 : index
    %swap3A_694 = tpu.vector_load %arg9[%swap3A_692, %swap3A_693] {strides = array<i32>} : memref<16x128xf32, #tpu.memory_space<vmem>>, vector<1x16xf32>,
    %swap3A_695 = vector.shape_cast %swap3A_694 : vector<1x16xf32> to vector<16xf32>
    %swap3A_696 = vector.shape_cast %broadcast_in_dim3A_1 : vector<16xf32> to vector<1x16xf32>
    tpu.vector_store %arg9[%swap3A_692, %swap3A_693], %swap3A_696 {strides = array<i32>} : memref<16x128xf32, #tpu.memory_space<vmem>>, vector<1x16xf32>,
    %swap3A_697 = arith.constant 14 : i32
    %swap3A_698 = arith.index_cast %swap3A_697 : i32 to index
    %swap3A_699 = arith.constant 64 : index
    %swap3A_700 = tpu.vector_load %arg9[%swap3A_698, %swap3A_699] {strides = array<i32>} : memref<16x128xf32, #tpu.memory_space<vmem>>, vector<1x16xf32>,
    %swap3A_701 = vector.shape_cast %swap3A_700 : vector<1x16xf32> to vector<16xf32>
    %swap3A_702 = vector.shape_cast %broadcast_in_dim3A_1 : vector<16xf32> to vector<1x16xf32>
    tpu.vector_store %arg9[%swap3A_698, %swap3A_699], %swap3A_702 {strides = array<i32>} : memref<16x128xf32, #tpu.memory_space<vmem>>, vector<1x16xf32>,
    %swap3A_703 = arith.constant 14 : i32
    %swap3A_704 = arith.index_cast %swap3A_703 : i32 to index
    %swap3A_705 = arith.constant 80 : index
    %swap3A_706 = tpu.vector_load %arg9[%swap3A_704, %swap3A_705] {strides = array<i32>} : memref<16x128xf32, #tpu.memory_space<vmem>>, vector<1x16xf32>,
    %swap3A_707 = vector.shape_cast %swap3A_706 : vector<1x16xf32> to vector<16xf32>
    %swap3A_708 = vector.shape_cast %broadcast_in_dim3A_1 : vector<16xf32> to vector<1x16xf32>
    tpu.vector_store %arg9[%swap3A_704, %swap3A_705], %swap3A_708 {strides = array<i32>} : memref<16x128xf32, #tpu.memory_space<vmem>>, vector<1x16xf32>,
    %swap3A_709 = arith.constant 14 : i32
    %swap3A_710 = arith.index_cast %swap3A_709 : i32 to index
    %swap3A_711 = arith.constant 96 : index
    %swap3A_712 = tpu.vector_load %arg9[%swap3A_710, %swap3A_711] {strides = array<i32>} : memref<16x128xf32, #tpu.memory_space<vmem>>, vector<1x16xf32>,
    %swap3A_713 = vector.shape_cast %swap3A_712 : vector<1x16xf32> to vector<16xf32>
    %swap3A_714 = vector.shape_cast %broadcast_in_dim3A_1 : vector<16xf32> to vector<1x16xf32>
    tpu.vector_store %arg9[%swap3A_710, %swap3A_711], %swap3A_714 {strides = array<i32>} : memref<16x128xf32, #tpu.memory_space<vmem>>, vector<1x16xf32>,
    %swap3A_715 = arith.constant 14 : i32
    %swap3A_716 = arith.index_cast %swap3A_715 : i32 to index
    %swap3A_717 = arith.constant 112 : index
    %swap3A_718 = tpu.vector_load %arg9[%swap3A_716, %swap3A_717] {strides = array<i32>} : memref<16x128xf32, #tpu.memory_space<vmem>>, vector<1x16xf32>,
    %swap3A_719 = vector.shape_cast %swap3A_718 : vector<1x16xf32> to vector<16xf32>
    %swap3A_720 = vector.shape_cast %broadcast_in_dim3A_1 : vector<16xf32> to vector<1x16xf32>
    tpu.vector_store %arg9[%swap3A_716, %swap3A_717], %swap3A_720 {strides = array<i32>} : memref<16x128xf32, #tpu.memory_space<vmem>>, vector<1x16xf32>,
    %swap3A_721 = arith.constant 15 : i32
    %swap3A_722 = arith.index_cast %swap3A_721 : i32 to index
    %swap3A_723 = arith.constant 0 : index
    %swap3A_724 = tpu.vector_load %arg9[%swap3A_722, %swap3A_723] {strides = array<i32>} : memref<16x128xf32, #tpu.memory_space<vmem>>, vector<1x16xf32>,
    %swap3A_725 = vector.shape_cast %swap3A_724 : vector<1x16xf32> to vector<16xf32>
    %swap3A_726 = vector.shape_cast %broadcast_in_dim3A_1 : vector<16xf32> to vector<1x16xf32>
    tpu.vector_store %arg9[%swap3A_722, %swap3A_723], %swap3A_726 {strides = array<i32>} : memref<16x128xf32, #tpu.memory_space<vmem>>, vector<1x16xf32>,
    %swap3A_727 = arith.constant 15 : i32
    %swap3A_728 = arith.index_cast %swap3A_727 : i32 to index
    %swap3A_729 = arith.constant 16 : index
    %swap3A_730 = tpu.vector_load %arg9[%swap3A_728, %swap3A_729] {strides = array<i32>} : memref<16x128xf32, #tpu.memory_space<vmem>>, vector<1x16xf32>,
    %swap3A_731 = vector.shape_cast %swap3A_730 : vector<1x16xf32> to vector<16xf32>
    %swap3A_732 = vector.shape_cast %broadcast_in_dim3A_1 : vector<16xf32> to vector<1x16xf32>
    tpu.vector_store %arg9[%swap3A_728, %swap3A_729], %swap3A_732 {strides = array<i32>} : memref<16x128xf32, #tpu.memory_space<vmem>>, vector<1x16xf32>,
    %swap3A_733 = arith.constant 15 : i32
    %swap3A_734 = arith.index_cast %swap3A_733 : i32 to index
    %swap3A_735 = arith.constant 32 : index
    %swap3A_736 = tpu.vector_load %arg9[%swap3A_734, %swap3A_735] {strides = array<i32>} : memref<16x128xf32, #tpu.memory_space<vmem>>, vector<1x16xf32>,
    %swap3A_737 = vector.shape_cast %swap3A_736 : vector<1x16xf32> to vector<16xf32>
    %swap3A_738 = vector.shape_cast %broadcast_in_dim3A_1 : vector<16xf32> to vector<1x16xf32>
    tpu.vector_store %arg9[%swap3A_734, %swap3A_735], %swap3A_738 {strides = array<i32>} : memref<16x128xf32, #tpu.memory_space<vmem>>, vector<1x16xf32>,
    %swap3A_739 = arith.constant 15 : i32
    %swap3A_740 = arith.index_cast %swap3A_739 : i32 to index
    %swap3A_741 = arith.constant 48 : index
    %swap3A_742 = tpu.vector_load %arg9[%swap3A_740, %swap3A_741] {strides = array<i32>} : memref<16x128xf32, #tpu.memory_space<vmem>>, vector<1x16xf32>,
    %swap3A_743 = vector.shape_cast %swap3A_742 : vector<1x16xf32> to vector<16xf32>
    %swap3A_744 = vector.shape_cast %broadcast_in_dim3A_1 : vector<16xf32> to vector<1x16xf32>
    tpu.vector_store %arg9[%swap3A_740, %swap3A_741], %swap3A_744 {strides = array<i32>} : memref<16x128xf32, #tpu.memory_space<vmem>>, vector<1x16xf32>,
    %swap3A_745 = arith.constant 15 : i32
    %swap3A_746 = arith.index_cast %swap3A_745 : i32 to index
    %swap3A_747 = arith.constant 64 : index
    %swap3A_748 = tpu.vector_load %arg9[%swap3A_746, %swap3A_747] {strides = array<i32>} : memref<16x128xf32, #tpu.memory_space<vmem>>, vector<1x16xf32>,
    %swap3A_749 = vector.shape_cast %swap3A_748 : vector<1x16xf32> to vector<16xf32>
    %swap3A_750 = vector.shape_cast %broadcast_in_dim3A_1 : vector<16xf32> to vector<1x16xf32>
    tpu.vector_store %arg9[%swap3A_746, %swap3A_747], %swap3A_750 {strides = array<i32>} : memref<16x128xf32, #tpu.memory_space<vmem>>, vector<1x16xf32>,
    %swap3A_751 = arith.constant 15 : i32
    %swap3A_752 = arith.index_cast %swap3A_751 : i32 to index
    %swap3A_753 = arith.constant 80 : index
    %swap3A_754 = tpu.vector_load %arg9[%swap3A_752, %swap3A_753] {strides = array<i32>} : memref<16x128xf32, #tpu.memory_space<vmem>>, vector<1x16xf32>,
    %swap3A_755 = vector.shape_cast %swap3A_754 : vector<1x16xf32> to vector<16xf32>
    %swap3A_756 = vector.shape_cast %broadcast_in_dim3A_1 : vector<16xf32> to vector<1x16xf32>
    tpu.vector_store %arg9[%swap3A_752, %swap3A_753], %swap3A_756 {strides = array<i32>} : memref<16x128xf32, #tpu.memory_space<vmem>>, vector<1x16xf32>,
    %swap3A_757 = arith.constant 15 : i32
    %swap3A_758 = arith.index_cast %swap3A_757 : i32 to index
    %swap3A_759 = arith.constant 96 : index
    %swap3A_760 = tpu.vector_load %arg9[%swap3A_758, %swap3A_759] {strides = array<i32>} : memref<16x128xf32, #tpu.memory_space<vmem>>, vector<1x16xf32>,
    %swap3A_761 = vector.shape_cast %swap3A_760 : vector<1x16xf32> to vector<16xf32>
    %swap3A_762 = vector.shape_cast %broadcast_in_dim3A_1 : vector<16xf32> to vector<1x16xf32>
    tpu.vector_store %arg9[%swap3A_758, %swap3A_759], %swap3A_762 {strides = array<i32>} : memref<16x128xf32, #tpu.memory_space<vmem>>, vector<1x16xf32>,
    %swap3A_763 = arith.constant 15 : i32
    %swap3A_764 = arith.index_cast %swap3A_763 : i32 to index
    %swap3A_765 = arith.constant 112 : index
    %swap3A_766 = tpu.vector_load %arg9[%swap3A_764, %swap3A_765] {strides = array<i32>} : memref<16x128xf32, #tpu.memory_space<vmem>>, vector<1x16xf32>,
    %swap3A_767 = vector.shape_cast %swap3A_766 : vector<1x16xf32> to vector<16xf32>
    %swap3A_768 = vector.shape_cast %broadcast_in_dim3A_1 : vector<16xf32> to vector<1x16xf32>
    tpu.vector_store %arg9[%swap3A_764, %swap3A_765], %swap3A_768 {strides = array<i32>} : memref<16x128xf32, #tpu.memory_space<vmem>>, vector<1x16xf32>,
    %scan3A = arith.constant 0 : i32
    %scan3A_769 = arith.constant 0 : i32
    %scan3A_770 = arith.constant 40 : i32
    %scan3A_771 = arith.addi %scan3A_769, %scan3A_770 : i32
    %scan3A_772 = arith.constant 1 : i32
    scf.for %scan3A_787 = %scan3A_769 to %scan3A_771 step %scan3A_772  : i32 {
      %mul3A_788 = arith.constant 640 : i32
      %mul3A_789 = arith.muli %arg1, %mul3A_788 : i32
      %mul3A_790 = arith.constant 16 : i32
      %mul3A_791 = arith.muli %scan3A_787, %mul3A_790 : i32
      %add3A_792 = arith.addi %mul3A_789, %mul3A_791 : i32
      "tpu.region"() ({
        %run_scoped3A = tpu.sem_alloc : memref<!tpu.dma_semaphore, #tpu.memory_space<semaphore_mem>>
        %dma_start3A = arith.constant 0 : i32
        %dma_start3A_793 = tpu.memref_slice %arg10[%add3A_792, %dma_start3A] : memref<10240x128xf32, #tpu.memory_space<vmem_shared>> -> memref<16x128xf32, #tpu.memory_space<vmem_shared>>
        %dma_start3A_794 = arith.constant 0 : i32
        %dma_start3A_795 = tpu.memref_slice %arg10[%add3A_792, %dma_start3A_794] : memref<10240x128xf32, #tpu.memory_space<vmem_shared>> -> memref<16x128xf32, #tpu.memory_space<vmem_shared>>
        tpu.enqueue_dma source(%arg9 : memref<16x128xf32, #tpu.memory_space<vmem>>) target(%dma_start3A_795 : memref<16x128xf32, #tpu.memory_space<vmem_shared>>) target_semaphore(%run_scoped3A : memref<!tpu.dma_semaphore, #tpu.memory_space<semaphore_mem>>)
        %dma_wait3A = arith.constant 0 : i32
        %dma_wait3A_796 = tpu.memref_slice %arg10[%add3A_792, %dma_wait3A] : memref<10240x128xf32, #tpu.memory_space<vmem_shared>> -> memref<16x128xf32, #tpu.memory_space<vmem_shared>>
        %dma_wait3A_797 = arith.constant 0 : i32
        %dma_wait3A_798 = tpu.memref_slice %arg10[%add3A_792, %dma_wait3A_797] : memref<10240x128xf32, #tpu.memory_space<vmem_shared>> -> memref<16x128xf32, #tpu.memory_space<vmem_shared>>
        tpu.wait_dma2 semaphore(%run_scoped3A : memref<!tpu.dma_semaphore, #tpu.memory_space<semaphore_mem>>) src(%arg9 : memref<16x128xf32, #tpu.memory_space<vmem>>) dst(%dma_wait3A_798 : memref<16x128xf32, #tpu.memory_space<vmem_shared>>)
        tpu.yield
      }) : () -> ()
    }
    %scan3A_773 = arith.constant 40 : i32
    %barrier3A = arith.constant 0 : index
    tpu.barrier barrier_id(%barrier3A)
    %mul3A_774 = arith.constant 10000 : i32
    %mul3A_775 = arith.muli %add3A, %mul3A_774 : i32
    %scan3A_776 = arith.constant 0 : i32
    %scan3A_777 = arith.constant 0 : i32
    %scan3A_778 = arith.constant 125 : i32
    %scan3A_779 = arith.addi %scan3A_777, %scan3A_778 : i32
    %scan3A_780 = arith.constant 1 : i32
    scf.for %scan3A_787 = %scan3A_777 to %scan3A_779 step %scan3A_780  : i32 {
      %mul3A_788 = arith.constant 80 : i32
      %mul3A_789 = arith.muli %scan3A_787, %mul3A_788 : i32
      %add3A_790 = arith.addi %mul3A_775, %mul3A_789 : i32
      "tpu.region"() ({
        %run_scoped3A = tpu.sem_alloc : memref<!tpu.dma_semaphore, #tpu.memory_space<semaphore_mem>>
        %dma_start3A_795 = tpu.memref_slice %arg3[%add3A_790] : memref<320000xi32, #tpu.memory_space<hbm>> -> memref<80xi32, #tpu.memory_space<hbm>>
        %dma_start3A_796 = tpu.memref_slice %arg3[%add3A_790] : memref<320000xi32, #tpu.memory_space<hbm>> -> memref<80xi32, #tpu.memory_space<hbm>>
        tpu.enqueue_dma source(%dma_start3A_796 : memref<80xi32, #tpu.memory_space<hbm>>) target(%arg6 : memref<80xi32, #tpu.memory_space<vmem>>) target_semaphore(%run_scoped3A : memref<!tpu.dma_semaphore, #tpu.memory_space<semaphore_mem>>)
        %dma_wait3A_797 = tpu.memref_slice %arg3[%add3A_790] : memref<320000xi32, #tpu.memory_space<hbm>> -> memref<80xi32, #tpu.memory_space<hbm>>
        %dma_wait3A_798 = tpu.memref_slice %arg3[%add3A_790] : memref<320000xi32, #tpu.memory_space<hbm>> -> memref<80xi32, #tpu.memory_space<hbm>>
        tpu.wait_dma2 semaphore(%run_scoped3A : memref<!tpu.dma_semaphore, #tpu.memory_space<semaphore_mem>>) src(%dma_wait3A_798 : memref<80xi32, #tpu.memory_space<hbm>>) dst(%arg6 : memref<80xi32, #tpu.memory_space<vmem>>)
        tpu.yield
      }) : () -> ()
      "tpu.region"() ({
        %run_scoped3A = tpu.sem_alloc : memref<!tpu.dma_semaphore, #tpu.memory_space<semaphore_mem>>
        %dma_start3A_795 = tpu.memref_slice %arg4[%add3A_790] : memref<320000xi32, #tpu.memory_space<hbm>> -> memref<80xi32, #tpu.memory_space<hbm>>
        %dma_start3A_796 = tpu.memref_slice %arg4[%add3A_790] : memref<320000xi32, #tpu.memory_space<hbm>> -> memref<80xi32, #tpu.memory_space<hbm>>
        tpu.enqueue_dma source(%dma_start3A_796 : memref<80xi32, #tpu.memory_space<hbm>>) target(%arg7 : memref<80xi32, #tpu.memory_space<vmem>>) target_semaphore(%run_scoped3A : memref<!tpu.dma_semaphore, #tpu.memory_space<semaphore_mem>>)
        %dma_wait3A_797 = tpu.memref_slice %arg4[%add3A_790] : memref<320000xi32, #tpu.memory_space<hbm>> -> memref<80xi32, #tpu.memory_space<hbm>>
        %dma_wait3A_798 = tpu.memref_slice %arg4[%add3A_790] : memref<320000xi32, #tpu.memory_space<hbm>> -> memref<80xi32, #tpu.memory_space<hbm>>
        tpu.wait_dma2 semaphore(%run_scoped3A : memref<!tpu.dma_semaphore, #tpu.memory_space<semaphore_mem>>) src(%dma_wait3A_798 : memref<80xi32, #tpu.memory_space<hbm>>) dst(%arg7 : memref<80xi32, #tpu.memory_space<vmem>>)
        tpu.yield
      }) : () -> ()
      %dma_start3A = arith.constant 0 : i32
      %dma_start3A_791 = arith.constant 0 : i32
      %dma_start3A_792 = tpu.memref_slice %arg2[%dma_start3A, %dma_start3A_791] : memref<10000x128xf32, #tpu.memory_space<hbm>> -> memref<10000x128xf32, #tpu.memory_space<hbm>>
      tpu.enqueue_indirect_dma source(%dma_start3A_792 : memref<10000x128xf32, #tpu.memory_space<hbm>>) target(%arg8 : memref<80x128xf32, #tpu.memory_space<vmem>>) offsets(%arg6 : memref<80xi32, #tpu.memory_space<vmem>>) semaphore(%arg11 : memref<!tpu.dma_semaphore, #tpu.memory_space<semaphore_mem>>)
      %dma_wait3A = arith.constant 0 : i32
      %dma_wait3A_793 = arith.constant 0 : i32
      %dma_wait3A_794 = tpu.memref_slice %arg2[%dma_wait3A, %dma_wait3A_793] : memref<10000x128xf32, #tpu.memory_space<hbm>> -> memref<10000x128xf32, #tpu.memory_space<hbm>>
      tpu.wait_indirect_dma semaphore(%arg11 : memref<!tpu.dma_semaphore, #tpu.memory_space<semaphore_mem>>) src(%dma_wait3A_794 : memref<10000x128xf32, #tpu.memory_space<hbm>>) dst(%arg8 : memref<80x128xf32, #tpu.memory_space<vmem>>)
      "tpu.region"() ({
        %run_scoped3A = tpu.sem_alloc : memref<!tpu.dma_semaphore, #tpu.memory_space<semaphore_mem>>
        %dma_start3A_795 = arith.constant 0 : i32
        %dma_start3A_796 = arith.constant 0 : i32
        %dma_start3A_797 = tpu.memref_slice %arg10[%dma_start3A_795, %dma_start3A_796] : memref<10240x128xf32, #tpu.memory_space<vmem_shared>> -> memref<10240x128xf32, #tpu.memory_space<vmem_shared>>
        tpu.enqueue_indirect_dma source(%arg8 : memref<80x128xf32, #tpu.memory_space<vmem>>) target(%dma_start3A_797 : memref<10240x128xf32, #tpu.memory_space<vmem_shared>>) offsets(%arg7 : memref<80xi32, #tpu.memory_space<vmem>>) semaphore(%run_scoped3A : memref<!tpu.dma_semaphore, #tpu.memory_space<semaphore_mem>>) {add = true}
        %dma_wait3A_798 = arith.constant 0 : i32
        %dma_wait3A_799 = arith.constant 0 : i32
        %dma_wait3A_800 = tpu.memref_slice %arg10[%dma_wait3A_798, %dma_wait3A_799] : memref<10240x128xf32, #tpu.memory_space<vmem_shared>> -> memref<10240x128xf32, #tpu.memory_space<vmem_shared>>
        tpu.wait_indirect_dma semaphore(%run_scoped3A : memref<!tpu.dma_semaphore, #tpu.memory_space<semaphore_mem>>) src(%arg8 : memref<80x128xf32, #tpu.memory_space<vmem>>) dst(%dma_wait3A_800 : memref<10240x128xf32, #tpu.memory_space<vmem_shared>>)
        tpu.yield
      }) : () -> ()
    }
    %scan3A_781 = arith.constant 125 : i32
    %barrier3A_782 = arith.constant 0 : index
    tpu.barrier barrier_id(%barrier3A_782)
    %mul3A_783 = arith.constant 640 : i32
    %mul3A_784 = arith.muli %arg1, %mul3A_783 : i32
    %mul3A_785 = arith.constant 640 : i32
    %mul3A_786 = arith.muli %arg1, %mul3A_785 : i32
    "tpu.region"() ({
      %run_scoped3A = tpu.sem_alloc : memref<!tpu.dma_semaphore, #tpu.memory_space<semaphore_mem>>
      %dma_start3A = arith.constant 0 : i32
      %dma_start3A_787 = tpu.memref_slice %arg5[%arg0, %mul3A_786, %dma_start3A] : memref<2x10240x128xf32, #tpu.memory_space<hbm>> -> memref<1x640x128xf32, #tpu.memory_space<hbm>>
      %dma_start3A_788 = tpu.memref_squeeze %dma_start3A_787 : memref<1x640x128xf32, #tpu.memory_space<hbm>> -> memref<640x128xf32, #tpu.memory_space<hbm>>
      %dma_start3A_789 = arith.constant 0 : i32
      %dma_start3A_790 = tpu.memref_slice %arg10[%mul3A_784, %dma_start3A_789] : memref<10240x128xf32, #tpu.memory_space<vmem_shared>> -> memref<640x128xf32, #tpu.memory_space<vmem_shared>>
      tpu.enqueue_dma source(%dma_start3A_790 : memref<640x128xf32, #tpu.memory_space<vmem_shared>>) target(%dma_start3A_788 : memref<640x128xf32, #tpu.memory_space<hbm>>) target_semaphore(%run_scoped3A : memref<!tpu.dma_semaphore, #tpu.memory_space<semaphore_mem>>)
      %dma_wait3A = arith.constant 0 : i32
      %dma_wait3A_791 = tpu.memref_slice %arg5[%arg0, %mul3A_786, %dma_wait3A] : memref<2x10240x128xf32, #tpu.memory_space<hbm>> -> memref<1x640x128xf32, #tpu.memory_space<hbm>>
      %dma_wait3A_792 = tpu.memref_squeeze %dma_wait3A_791 : memref<1x640x128xf32, #tpu.memory_space<hbm>> -> memref<640x128xf32, #tpu.memory_space<hbm>>
      %dma_wait3A_793 = arith.constant 0 : i32
      %dma_wait3A_794 = tpu.memref_slice %arg10[%mul3A_784, %dma_wait3A_793] : memref<10240x128xf32, #tpu.memory_space<vmem_shared>> -> memref<640x128xf32, #tpu.memory_space<vmem_shared>>
      tpu.wait_dma2 semaphore(%run_scoped3A : memref<!tpu.dma_semaphore, #tpu.memory_space<semaphore_mem>>) src(%dma_wait3A_794 : memref<640x128xf32, #tpu.memory_space<vmem_shared>>) dst(%dma_wait3A_792 : memref<640x128xf32, #tpu.memory_space<hbm>>)
      tpu.yield
    }) : () -> ()
    return
  }
}

#map = affine_map<(d0, d1) -> (0, 0)>
#map1 = affine_map<(d0, d1) -> (0)>
#map2 = affine_map<(d0, d1) -> (0, 0, 0)>
module attributes {stable_mosaic.version = 14 : i64} {
  func.func @_segsum(%arg0: i32, %arg1: i32, %arg2: memref<10240x128xf32, #tpu.memory_space<hbm>>, %arg3: memref<320000xi32, #tpu.memory_space<hbm>>, %arg4: memref<320000xi32, #tpu.memory_space<hbm>>, %arg5: memref<2x10240x128xf32, #tpu.memory_space<hbm>>, %arg6: memref<80xi32, #tpu.memory_space<vmem>>, %arg7: memref<80xi32, #tpu.memory_space<vmem>>, %arg8: memref<80x128xf32, #tpu.memory_space<vmem>>, %arg9: memref<16x128xf32, #tpu.memory_space<vmem>>, %arg10: memref<10240x128xf32, #tpu.memory_space<vmem_shared>>, %arg11: memref<!tpu.dma_semaphore, #tpu.memory_space<semaphore_mem>>) attributes {dimension_semantics = [#tpu.dimension_semantics<core_parallel>, #tpu.dimension_semantics<subcore_parallel>], iteration_bounds = array<i64: 2, 16>, scalar_prefetch = 0 : i64, scratch_operands = 6 : i64, tpu.core_type = #tpu.core_type<sc_vector_subcore>, window_params = [{transform_indices = #map}, {transform_indices = #map1}, {transform_indices = #map1}, {transform_indices = #map2}]} {
    %mul3A = arith.constant 2 : i32
    %mul3A_0 = arith.muli %arg1, %mul3A : i32
    %add3A = arith.addi %mul3A_0, %arg0 : i32
    %broadcast_in_dim3A = arith.constant 0.000000e+00 : f32
    %broadcast_in_dim3A_1 = vector.broadcast %broadcast_in_dim3A : f32 to vector<16xf32>
    %swap3A = arith.constant 0 : i32
    %swap3A_2 = arith.index_cast %swap3A : i32 to index
    %swap3A_3 = arith.constant 0 : index
    %swap3A_4 = tpu.vector_load %arg9[%swap3A_2, %swap3A_3] {strides = array<i32>} : memref<16x128xf32, #tpu.memory_space<vmem>>, vector<1x16xf32>,
    %swap3A_5 = vector.shape_cast %swap3A_4 : vector<1x16xf32> to vector<16xf32>
    %swap3A_6 = vector.shape_cast %broadcast_in_dim3A_1 : vector<16xf32> to vector<1x16xf32>
    tpu.vector_store %arg9[%swap3A_2, %swap3A_3], %swap3A_6 {strides = array<i32>} : memref<16x128xf32, #tpu.memory_space<vmem>>, vector<1x16xf32>,
    %swap3A_7 = arith.constant 0 : i32
    %swap3A_8 = arith.index_cast %swap3A_7 : i32 to index
    %swap3A_9 = arith.constant 16 : index
    %swap3A_10 = tpu.vector_load %arg9[%swap3A_8, %swap3A_9] {strides = array<i32>} : memref<16x128xf32, #tpu.memory_space<vmem>>, vector<1x16xf32>,
    %swap3A_11 = vector.shape_cast %swap3A_10 : vector<1x16xf32> to vector<16xf32>
    %swap3A_12 = vector.shape_cast %broadcast_in_dim3A_1 : vector<16xf32> to vector<1x16xf32>
    tpu.vector_store %arg9[%swap3A_8, %swap3A_9], %swap3A_12 {strides = array<i32>} : memref<16x128xf32, #tpu.memory_space<vmem>>, vector<1x16xf32>,
    %swap3A_13 = arith.constant 0 : i32
    %swap3A_14 = arith.index_cast %swap3A_13 : i32 to index
    %swap3A_15 = arith.constant 32 : index
    %swap3A_16 = tpu.vector_load %arg9[%swap3A_14, %swap3A_15] {strides = array<i32>} : memref<16x128xf32, #tpu.memory_space<vmem>>, vector<1x16xf32>,
    %swap3A_17 = vector.shape_cast %swap3A_16 : vector<1x16xf32> to vector<16xf32>
    %swap3A_18 = vector.shape_cast %broadcast_in_dim3A_1 : vector<16xf32> to vector<1x16xf32>
    tpu.vector_store %arg9[%swap3A_14, %swap3A_15], %swap3A_18 {strides = array<i32>} : memref<16x128xf32, #tpu.memory_space<vmem>>, vector<1x16xf32>,
    %swap3A_19 = arith.constant 0 : i32
    %swap3A_20 = arith.index_cast %swap3A_19 : i32 to index
    %swap3A_21 = arith.constant 48 : index
    %swap3A_22 = tpu.vector_load %arg9[%swap3A_20, %swap3A_21] {strides = array<i32>} : memref<16x128xf32, #tpu.memory_space<vmem>>, vector<1x16xf32>,
    %swap3A_23 = vector.shape_cast %swap3A_22 : vector<1x16xf32> to vector<16xf32>
    %swap3A_24 = vector.shape_cast %broadcast_in_dim3A_1 : vector<16xf32> to vector<1x16xf32>
    tpu.vector_store %arg9[%swap3A_20, %swap3A_21], %swap3A_24 {strides = array<i32>} : memref<16x128xf32, #tpu.memory_space<vmem>>, vector<1x16xf32>,
    %swap3A_25 = arith.constant 0 : i32
    %swap3A_26 = arith.index_cast %swap3A_25 : i32 to index
    %swap3A_27 = arith.constant 64 : index
    %swap3A_28 = tpu.vector_load %arg9[%swap3A_26, %swap3A_27] {strides = array<i32>} : memref<16x128xf32, #tpu.memory_space<vmem>>, vector<1x16xf32>,
    %swap3A_29 = vector.shape_cast %swap3A_28 : vector<1x16xf32> to vector<16xf32>
    %swap3A_30 = vector.shape_cast %broadcast_in_dim3A_1 : vector<16xf32> to vector<1x16xf32>
    tpu.vector_store %arg9[%swap3A_26, %swap3A_27], %swap3A_30 {strides = array<i32>} : memref<16x128xf32, #tpu.memory_space<vmem>>, vector<1x16xf32>,
    %swap3A_31 = arith.constant 0 : i32
    %swap3A_32 = arith.index_cast %swap3A_31 : i32 to index
    %swap3A_33 = arith.constant 80 : index
    %swap3A_34 = tpu.vector_load %arg9[%swap3A_32, %swap3A_33] {strides = array<i32>} : memref<16x128xf32, #tpu.memory_space<vmem>>, vector<1x16xf32>,
    %swap3A_35 = vector.shape_cast %swap3A_34 : vector<1x16xf32> to vector<16xf32>
    %swap3A_36 = vector.shape_cast %broadcast_in_dim3A_1 : vector<16xf32> to vector<1x16xf32>
    tpu.vector_store %arg9[%swap3A_32, %swap3A_33], %swap3A_36 {strides = array<i32>} : memref<16x128xf32, #tpu.memory_space<vmem>>, vector<1x16xf32>,
    %swap3A_37 = arith.constant 0 : i32
    %swap3A_38 = arith.index_cast %swap3A_37 : i32 to index
    %swap3A_39 = arith.constant 96 : index
    %swap3A_40 = tpu.vector_load %arg9[%swap3A_38, %swap3A_39] {strides = array<i32>} : memref<16x128xf32, #tpu.memory_space<vmem>>, vector<1x16xf32>,
    %swap3A_41 = vector.shape_cast %swap3A_40 : vector<1x16xf32> to vector<16xf32>
    %swap3A_42 = vector.shape_cast %broadcast_in_dim3A_1 : vector<16xf32> to vector<1x16xf32>
    tpu.vector_store %arg9[%swap3A_38, %swap3A_39], %swap3A_42 {strides = array<i32>} : memref<16x128xf32, #tpu.memory_space<vmem>>, vector<1x16xf32>,
    %swap3A_43 = arith.constant 0 : i32
    %swap3A_44 = arith.index_cast %swap3A_43 : i32 to index
    %swap3A_45 = arith.constant 112 : index
    %swap3A_46 = tpu.vector_load %arg9[%swap3A_44, %swap3A_45] {strides = array<i32>} : memref<16x128xf32, #tpu.memory_space<vmem>>, vector<1x16xf32>,
    %swap3A_47 = vector.shape_cast %swap3A_46 : vector<1x16xf32> to vector<16xf32>
    %swap3A_48 = vector.shape_cast %broadcast_in_dim3A_1 : vector<16xf32> to vector<1x16xf32>
    tpu.vector_store %arg9[%swap3A_44, %swap3A_45], %swap3A_48 {strides = array<i32>} : memref<16x128xf32, #tpu.memory_space<vmem>>, vector<1x16xf32>,
    %swap3A_49 = arith.constant 1 : i32
    %swap3A_50 = arith.index_cast %swap3A_49 : i32 to index
    %swap3A_51 = arith.constant 0 : index
    %swap3A_52 = tpu.vector_load %arg9[%swap3A_50, %swap3A_51] {strides = array<i32>} : memref<16x128xf32, #tpu.memory_space<vmem>>, vector<1x16xf32>,
    %swap3A_53 = vector.shape_cast %swap3A_52 : vector<1x16xf32> to vector<16xf32>
    %swap3A_54 = vector.shape_cast %broadcast_in_dim3A_1 : vector<16xf32> to vector<1x16xf32>
    tpu.vector_store %arg9[%swap3A_50, %swap3A_51], %swap3A_54 {strides = array<i32>} : memref<16x128xf32, #tpu.memory_space<vmem>>, vector<1x16xf32>,
    %swap3A_55 = arith.constant 1 : i32
    %swap3A_56 = arith.index_cast %swap3A_55 : i32 to index
    %swap3A_57 = arith.constant 16 : index
    %swap3A_58 = tpu.vector_load %arg9[%swap3A_56, %swap3A_57] {strides = array<i32>} : memref<16x128xf32, #tpu.memory_space<vmem>>, vector<1x16xf32>,
    %swap3A_59 = vector.shape_cast %swap3A_58 : vector<1x16xf32> to vector<16xf32>
    %swap3A_60 = vector.shape_cast %broadcast_in_dim3A_1 : vector<16xf32> to vector<1x16xf32>
    tpu.vector_store %arg9[%swap3A_56, %swap3A_57], %swap3A_60 {strides = array<i32>} : memref<16x128xf32, #tpu.memory_space<vmem>>, vector<1x16xf32>,
    %swap3A_61 = arith.constant 1 : i32
    %swap3A_62 = arith.index_cast %swap3A_61 : i32 to index
    %swap3A_63 = arith.constant 32 : index
    %swap3A_64 = tpu.vector_load %arg9[%swap3A_62, %swap3A_63] {strides = array<i32>} : memref<16x128xf32, #tpu.memory_space<vmem>>, vector<1x16xf32>,
    %swap3A_65 = vector.shape_cast %swap3A_64 : vector<1x16xf32> to vector<16xf32>
    %swap3A_66 = vector.shape_cast %broadcast_in_dim3A_1 : vector<16xf32> to vector<1x16xf32>
    tpu.vector_store %arg9[%swap3A_62, %swap3A_63], %swap3A_66 {strides = array<i32>} : memref<16x128xf32, #tpu.memory_space<vmem>>, vector<1x16xf32>,
    %swap3A_67 = arith.constant 1 : i32
    %swap3A_68 = arith.index_cast %swap3A_67 : i32 to index
    %swap3A_69 = arith.constant 48 : index
    %swap3A_70 = tpu.vector_load %arg9[%swap3A_68, %swap3A_69] {strides = array<i32>} : memref<16x128xf32, #tpu.memory_space<vmem>>, vector<1x16xf32>,
    %swap3A_71 = vector.shape_cast %swap3A_70 : vector<1x16xf32> to vector<16xf32>
    %swap3A_72 = vector.shape_cast %broadcast_in_dim3A_1 : vector<16xf32> to vector<1x16xf32>
    tpu.vector_store %arg9[%swap3A_68, %swap3A_69], %swap3A_72 {strides = array<i32>} : memref<16x128xf32, #tpu.memory_space<vmem>>, vector<1x16xf32>,
    %swap3A_73 = arith.constant 1 : i32
    %swap3A_74 = arith.index_cast %swap3A_73 : i32 to index
    %swap3A_75 = arith.constant 64 : index
    %swap3A_76 = tpu.vector_load %arg9[%swap3A_74, %swap3A_75] {strides = array<i32>} : memref<16x128xf32, #tpu.memory_space<vmem>>, vector<1x16xf32>,
    %swap3A_77 = vector.shape_cast %swap3A_76 : vector<1x16xf32> to vector<16xf32>
    %swap3A_78 = vector.shape_cast %broadcast_in_dim3A_1 : vector<16xf32> to vector<1x16xf32>
    tpu.vector_store %arg9[%swap3A_74, %swap3A_75], %swap3A_78 {strides = array<i32>} : memref<16x128xf32, #tpu.memory_space<vmem>>, vector<1x16xf32>,
    %swap3A_79 = arith.constant 1 : i32
    %swap3A_80 = arith.index_cast %swap3A_79 : i32 to index
    %swap3A_81 = arith.constant 80 : index
    %swap3A_82 = tpu.vector_load %arg9[%swap3A_80, %swap3A_81] {strides = array<i32>} : memref<16x128xf32, #tpu.memory_space<vmem>>, vector<1x16xf32>,
    %swap3A_83 = vector.shape_cast %swap3A_82 : vector<1x16xf32> to vector<16xf32>
    %swap3A_84 = vector.shape_cast %broadcast_in_dim3A_1 : vector<16xf32> to vector<1x16xf32>
    tpu.vector_store %arg9[%swap3A_80, %swap3A_81], %swap3A_84 {strides = array<i32>} : memref<16x128xf32, #tpu.memory_space<vmem>>, vector<1x16xf32>,
    %swap3A_85 = arith.constant 1 : i32
    %swap3A_86 = arith.index_cast %swap3A_85 : i32 to index
    %swap3A_87 = arith.constant 96 : index
    %swap3A_88 = tpu.vector_load %arg9[%swap3A_86, %swap3A_87] {strides = array<i32>} : memref<16x128xf32, #tpu.memory_space<vmem>>, vector<1x16xf32>,
    %swap3A_89 = vector.shape_cast %swap3A_88 : vector<1x16xf32> to vector<16xf32>
    %swap3A_90 = vector.shape_cast %broadcast_in_dim3A_1 : vector<16xf32> to vector<1x16xf32>
    tpu.vector_store %arg9[%swap3A_86, %swap3A_87], %swap3A_90 {strides = array<i32>} : memref<16x128xf32, #tpu.memory_space<vmem>>, vector<1x16xf32>,
    %swap3A_91 = arith.constant 1 : i32
    %swap3A_92 = arith.index_cast %swap3A_91 : i32 to index
    %swap3A_93 = arith.constant 112 : index
    %swap3A_94 = tpu.vector_load %arg9[%swap3A_92, %swap3A_93] {strides = array<i32>} : memref<16x128xf32, #tpu.memory_space<vmem>>, vector<1x16xf32>,
    %swap3A_95 = vector.shape_cast %swap3A_94 : vector<1x16xf32> to vector<16xf32>
    %swap3A_96 = vector.shape_cast %broadcast_in_dim3A_1 : vector<16xf32> to vector<1x16xf32>
    tpu.vector_store %arg9[%swap3A_92, %swap3A_93], %swap3A_96 {strides = array<i32>} : memref<16x128xf32, #tpu.memory_space<vmem>>, vector<1x16xf32>,
    %swap3A_97 = arith.constant 2 : i32
    %swap3A_98 = arith.index_cast %swap3A_97 : i32 to index
    %swap3A_99 = arith.constant 0 : index
    %swap3A_100 = tpu.vector_load %arg9[%swap3A_98, %swap3A_99] {strides = array<i32>} : memref<16x128xf32, #tpu.memory_space<vmem>>, vector<1x16xf32>,
    %swap3A_101 = vector.shape_cast %swap3A_100 : vector<1x16xf32> to vector<16xf32>
    %swap3A_102 = vector.shape_cast %broadcast_in_dim3A_1 : vector<16xf32> to vector<1x16xf32>
    tpu.vector_store %arg9[%swap3A_98, %swap3A_99], %swap3A_102 {strides = array<i32>} : memref<16x128xf32, #tpu.memory_space<vmem>>, vector<1x16xf32>,
    %swap3A_103 = arith.constant 2 : i32
    %swap3A_104 = arith.index_cast %swap3A_103 : i32 to index
    %swap3A_105 = arith.constant 16 : index
    %swap3A_106 = tpu.vector_load %arg9[%swap3A_104, %swap3A_105] {strides = array<i32>} : memref<16x128xf32, #tpu.memory_space<vmem>>, vector<1x16xf32>,
    %swap3A_107 = vector.shape_cast %swap3A_106 : vector<1x16xf32> to vector<16xf32>
    %swap3A_108 = vector.shape_cast %broadcast_in_dim3A_1 : vector<16xf32> to vector<1x16xf32>
    tpu.vector_store %arg9[%swap3A_104, %swap3A_105], %swap3A_108 {strides = array<i32>} : memref<16x128xf32, #tpu.memory_space<vmem>>, vector<1x16xf32>,
    %swap3A_109 = arith.constant 2 : i32
    %swap3A_110 = arith.index_cast %swap3A_109 : i32 to index
    %swap3A_111 = arith.constant 32 : index
    %swap3A_112 = tpu.vector_load %arg9[%swap3A_110, %swap3A_111] {strides = array<i32>} : memref<16x128xf32, #tpu.memory_space<vmem>>, vector<1x16xf32>,
    %swap3A_113 = vector.shape_cast %swap3A_112 : vector<1x16xf32> to vector<16xf32>
    %swap3A_114 = vector.shape_cast %broadcast_in_dim3A_1 : vector<16xf32> to vector<1x16xf32>
    tpu.vector_store %arg9[%swap3A_110, %swap3A_111], %swap3A_114 {strides = array<i32>} : memref<16x128xf32, #tpu.memory_space<vmem>>, vector<1x16xf32>,
    %swap3A_115 = arith.constant 2 : i32
    %swap3A_116 = arith.index_cast %swap3A_115 : i32 to index
    %swap3A_117 = arith.constant 48 : index
    %swap3A_118 = tpu.vector_load %arg9[%swap3A_116, %swap3A_117] {strides = array<i32>} : memref<16x128xf32, #tpu.memory_space<vmem>>, vector<1x16xf32>,
    %swap3A_119 = vector.shape_cast %swap3A_118 : vector<1x16xf32> to vector<16xf32>
    %swap3A_120 = vector.shape_cast %broadcast_in_dim3A_1 : vector<16xf32> to vector<1x16xf32>
    tpu.vector_store %arg9[%swap3A_116, %swap3A_117], %swap3A_120 {strides = array<i32>} : memref<16x128xf32, #tpu.memory_space<vmem>>, vector<1x16xf32>,
    %swap3A_121 = arith.constant 2 : i32
    %swap3A_122 = arith.index_cast %swap3A_121 : i32 to index
    %swap3A_123 = arith.constant 64 : index
    %swap3A_124 = tpu.vector_load %arg9[%swap3A_122, %swap3A_123] {strides = array<i32>} : memref<16x128xf32, #tpu.memory_space<vmem>>, vector<1x16xf32>,
    %swap3A_125 = vector.shape_cast %swap3A_124 : vector<1x16xf32> to vector<16xf32>
    %swap3A_126 = vector.shape_cast %broadcast_in_dim3A_1 : vector<16xf32> to vector<1x16xf32>
    tpu.vector_store %arg9[%swap3A_122, %swap3A_123], %swap3A_126 {strides = array<i32>} : memref<16x128xf32, #tpu.memory_space<vmem>>, vector<1x16xf32>,
    %swap3A_127 = arith.constant 2 : i32
    %swap3A_128 = arith.index_cast %swap3A_127 : i32 to index
    %swap3A_129 = arith.constant 80 : index
    %swap3A_130 = tpu.vector_load %arg9[%swap3A_128, %swap3A_129] {strides = array<i32>} : memref<16x128xf32, #tpu.memory_space<vmem>>, vector<1x16xf32>,
    %swap3A_131 = vector.shape_cast %swap3A_130 : vector<1x16xf32> to vector<16xf32>
    %swap3A_132 = vector.shape_cast %broadcast_in_dim3A_1 : vector<16xf32> to vector<1x16xf32>
    tpu.vector_store %arg9[%swap3A_128, %swap3A_129], %swap3A_132 {strides = array<i32>} : memref<16x128xf32, #tpu.memory_space<vmem>>, vector<1x16xf32>,
    %swap3A_133 = arith.constant 2 : i32
    %swap3A_134 = arith.index_cast %swap3A_133 : i32 to index
    %swap3A_135 = arith.constant 96 : index
    %swap3A_136 = tpu.vector_load %arg9[%swap3A_134, %swap3A_135] {strides = array<i32>} : memref<16x128xf32, #tpu.memory_space<vmem>>, vector<1x16xf32>,
    %swap3A_137 = vector.shape_cast %swap3A_136 : vector<1x16xf32> to vector<16xf32>
    %swap3A_138 = vector.shape_cast %broadcast_in_dim3A_1 : vector<16xf32> to vector<1x16xf32>
    tpu.vector_store %arg9[%swap3A_134, %swap3A_135], %swap3A_138 {strides = array<i32>} : memref<16x128xf32, #tpu.memory_space<vmem>>, vector<1x16xf32>,
    %swap3A_139 = arith.constant 2 : i32
    %swap3A_140 = arith.index_cast %swap3A_139 : i32 to index
    %swap3A_141 = arith.constant 112 : index
    %swap3A_142 = tpu.vector_load %arg9[%swap3A_140, %swap3A_141] {strides = array<i32>} : memref<16x128xf32, #tpu.memory_space<vmem>>, vector<1x16xf32>,
    %swap3A_143 = vector.shape_cast %swap3A_142 : vector<1x16xf32> to vector<16xf32>
    %swap3A_144 = vector.shape_cast %broadcast_in_dim3A_1 : vector<16xf32> to vector<1x16xf32>
    tpu.vector_store %arg9[%swap3A_140, %swap3A_141], %swap3A_144 {strides = array<i32>} : memref<16x128xf32, #tpu.memory_space<vmem>>, vector<1x16xf32>,
    %swap3A_145 = arith.constant 3 : i32
    %swap3A_146 = arith.index_cast %swap3A_145 : i32 to index
    %swap3A_147 = arith.constant 0 : index
    %swap3A_148 = tpu.vector_load %arg9[%swap3A_146, %swap3A_147] {strides = array<i32>} : memref<16x128xf32, #tpu.memory_space<vmem>>, vector<1x16xf32>,
    %swap3A_149 = vector.shape_cast %swap3A_148 : vector<1x16xf32> to vector<16xf32>
    %swap3A_150 = vector.shape_cast %broadcast_in_dim3A_1 : vector<16xf32> to vector<1x16xf32>
    tpu.vector_store %arg9[%swap3A_146, %swap3A_147], %swap3A_150 {strides = array<i32>} : memref<16x128xf32, #tpu.memory_space<vmem>>, vector<1x16xf32>,
    %swap3A_151 = arith.constant 3 : i32
    %swap3A_152 = arith.index_cast %swap3A_151 : i32 to index
    %swap3A_153 = arith.constant 16 : index
    %swap3A_154 = tpu.vector_load %arg9[%swap3A_152, %swap3A_153] {strides = array<i32>} : memref<16x128xf32, #tpu.memory_space<vmem>>, vector<1x16xf32>,
    %swap3A_155 = vector.shape_cast %swap3A_154 : vector<1x16xf32> to vector<16xf32>
    %swap3A_156 = vector.shape_cast %broadcast_in_dim3A_1 : vector<16xf32> to vector<1x16xf32>
    tpu.vector_store %arg9[%swap3A_152, %swap3A_153], %swap3A_156 {strides = array<i32>} : memref<16x128xf32, #tpu.memory_space<vmem>>, vector<1x16xf32>,
    %swap3A_157 = arith.constant 3 : i32
    %swap3A_158 = arith.index_cast %swap3A_157 : i32 to index
    %swap3A_159 = arith.constant 32 : index
    %swap3A_160 = tpu.vector_load %arg9[%swap3A_158, %swap3A_159] {strides = array<i32>} : memref<16x128xf32, #tpu.memory_space<vmem>>, vector<1x16xf32>,
    %swap3A_161 = vector.shape_cast %swap3A_160 : vector<1x16xf32> to vector<16xf32>
    %swap3A_162 = vector.shape_cast %broadcast_in_dim3A_1 : vector<16xf32> to vector<1x16xf32>
    tpu.vector_store %arg9[%swap3A_158, %swap3A_159], %swap3A_162 {strides = array<i32>} : memref<16x128xf32, #tpu.memory_space<vmem>>, vector<1x16xf32>,
    %swap3A_163 = arith.constant 3 : i32
    %swap3A_164 = arith.index_cast %swap3A_163 : i32 to index
    %swap3A_165 = arith.constant 48 : index
    %swap3A_166 = tpu.vector_load %arg9[%swap3A_164, %swap3A_165] {strides = array<i32>} : memref<16x128xf32, #tpu.memory_space<vmem>>, vector<1x16xf32>,
    %swap3A_167 = vector.shape_cast %swap3A_166 : vector<1x16xf32> to vector<16xf32>
    %swap3A_168 = vector.shape_cast %broadcast_in_dim3A_1 : vector<16xf32> to vector<1x16xf32>
    tpu.vector_store %arg9[%swap3A_164, %swap3A_165], %swap3A_168 {strides = array<i32>} : memref<16x128xf32, #tpu.memory_space<vmem>>, vector<1x16xf32>,
    %swap3A_169 = arith.constant 3 : i32
    %swap3A_170 = arith.index_cast %swap3A_169 : i32 to index
    %swap3A_171 = arith.constant 64 : index
    %swap3A_172 = tpu.vector_load %arg9[%swap3A_170, %swap3A_171] {strides = array<i32>} : memref<16x128xf32, #tpu.memory_space<vmem>>, vector<1x16xf32>,
    %swap3A_173 = vector.shape_cast %swap3A_172 : vector<1x16xf32> to vector<16xf32>
    %swap3A_174 = vector.shape_cast %broadcast_in_dim3A_1 : vector<16xf32> to vector<1x16xf32>
    tpu.vector_store %arg9[%swap3A_170, %swap3A_171], %swap3A_174 {strides = array<i32>} : memref<16x128xf32, #tpu.memory_space<vmem>>, vector<1x16xf32>,
    %swap3A_175 = arith.constant 3 : i32
    %swap3A_176 = arith.index_cast %swap3A_175 : i32 to index
    %swap3A_177 = arith.constant 80 : index
    %swap3A_178 = tpu.vector_load %arg9[%swap3A_176, %swap3A_177] {strides = array<i32>} : memref<16x128xf32, #tpu.memory_space<vmem>>, vector<1x16xf32>,
    %swap3A_179 = vector.shape_cast %swap3A_178 : vector<1x16xf32> to vector<16xf32>
    %swap3A_180 = vector.shape_cast %broadcast_in_dim3A_1 : vector<16xf32> to vector<1x16xf32>
    tpu.vector_store %arg9[%swap3A_176, %swap3A_177], %swap3A_180 {strides = array<i32>} : memref<16x128xf32, #tpu.memory_space<vmem>>, vector<1x16xf32>,
    %swap3A_181 = arith.constant 3 : i32
    %swap3A_182 = arith.index_cast %swap3A_181 : i32 to index
    %swap3A_183 = arith.constant 96 : index
    %swap3A_184 = tpu.vector_load %arg9[%swap3A_182, %swap3A_183] {strides = array<i32>} : memref<16x128xf32, #tpu.memory_space<vmem>>, vector<1x16xf32>,
    %swap3A_185 = vector.shape_cast %swap3A_184 : vector<1x16xf32> to vector<16xf32>
    %swap3A_186 = vector.shape_cast %broadcast_in_dim3A_1 : vector<16xf32> to vector<1x16xf32>
    tpu.vector_store %arg9[%swap3A_182, %swap3A_183], %swap3A_186 {strides = array<i32>} : memref<16x128xf32, #tpu.memory_space<vmem>>, vector<1x16xf32>,
    %swap3A_187 = arith.constant 3 : i32
    %swap3A_188 = arith.index_cast %swap3A_187 : i32 to index
    %swap3A_189 = arith.constant 112 : index
    %swap3A_190 = tpu.vector_load %arg9[%swap3A_188, %swap3A_189] {strides = array<i32>} : memref<16x128xf32, #tpu.memory_space<vmem>>, vector<1x16xf32>,
    %swap3A_191 = vector.shape_cast %swap3A_190 : vector<1x16xf32> to vector<16xf32>
    %swap3A_192 = vector.shape_cast %broadcast_in_dim3A_1 : vector<16xf32> to vector<1x16xf32>
    tpu.vector_store %arg9[%swap3A_188, %swap3A_189], %swap3A_192 {strides = array<i32>} : memref<16x128xf32, #tpu.memory_space<vmem>>, vector<1x16xf32>,
    %swap3A_193 = arith.constant 4 : i32
    %swap3A_194 = arith.index_cast %swap3A_193 : i32 to index
    %swap3A_195 = arith.constant 0 : index
    %swap3A_196 = tpu.vector_load %arg9[%swap3A_194, %swap3A_195] {strides = array<i32>} : memref<16x128xf32, #tpu.memory_space<vmem>>, vector<1x16xf32>,
    %swap3A_197 = vector.shape_cast %swap3A_196 : vector<1x16xf32> to vector<16xf32>
    %swap3A_198 = vector.shape_cast %broadcast_in_dim3A_1 : vector<16xf32> to vector<1x16xf32>
    tpu.vector_store %arg9[%swap3A_194, %swap3A_195], %swap3A_198 {strides = array<i32>} : memref<16x128xf32, #tpu.memory_space<vmem>>, vector<1x16xf32>,
    %swap3A_199 = arith.constant 4 : i32
    %swap3A_200 = arith.index_cast %swap3A_199 : i32 to index
    %swap3A_201 = arith.constant 16 : index
    %swap3A_202 = tpu.vector_load %arg9[%swap3A_200, %swap3A_201] {strides = array<i32>} : memref<16x128xf32, #tpu.memory_space<vmem>>, vector<1x16xf32>,
    %swap3A_203 = vector.shape_cast %swap3A_202 : vector<1x16xf32> to vector<16xf32>
    %swap3A_204 = vector.shape_cast %broadcast_in_dim3A_1 : vector<16xf32> to vector<1x16xf32>
    tpu.vector_store %arg9[%swap3A_200, %swap3A_201], %swap3A_204 {strides = array<i32>} : memref<16x128xf32, #tpu.memory_space<vmem>>, vector<1x16xf32>,
    %swap3A_205 = arith.constant 4 : i32
    %swap3A_206 = arith.index_cast %swap3A_205 : i32 to index
    %swap3A_207 = arith.constant 32 : index
    %swap3A_208 = tpu.vector_load %arg9[%swap3A_206, %swap3A_207] {strides = array<i32>} : memref<16x128xf32, #tpu.memory_space<vmem>>, vector<1x16xf32>,
    %swap3A_209 = vector.shape_cast %swap3A_208 : vector<1x16xf32> to vector<16xf32>
    %swap3A_210 = vector.shape_cast %broadcast_in_dim3A_1 : vector<16xf32> to vector<1x16xf32>
    tpu.vector_store %arg9[%swap3A_206, %swap3A_207], %swap3A_210 {strides = array<i32>} : memref<16x128xf32, #tpu.memory_space<vmem>>, vector<1x16xf32>,
    %swap3A_211 = arith.constant 4 : i32
    %swap3A_212 = arith.index_cast %swap3A_211 : i32 to index
    %swap3A_213 = arith.constant 48 : index
    %swap3A_214 = tpu.vector_load %arg9[%swap3A_212, %swap3A_213] {strides = array<i32>} : memref<16x128xf32, #tpu.memory_space<vmem>>, vector<1x16xf32>,
    %swap3A_215 = vector.shape_cast %swap3A_214 : vector<1x16xf32> to vector<16xf32>
    %swap3A_216 = vector.shape_cast %broadcast_in_dim3A_1 : vector<16xf32> to vector<1x16xf32>
    tpu.vector_store %arg9[%swap3A_212, %swap3A_213], %swap3A_216 {strides = array<i32>} : memref<16x128xf32, #tpu.memory_space<vmem>>, vector<1x16xf32>,
    %swap3A_217 = arith.constant 4 : i32
    %swap3A_218 = arith.index_cast %swap3A_217 : i32 to index
    %swap3A_219 = arith.constant 64 : index
    %swap3A_220 = tpu.vector_load %arg9[%swap3A_218, %swap3A_219] {strides = array<i32>} : memref<16x128xf32, #tpu.memory_space<vmem>>, vector<1x16xf32>,
    %swap3A_221 = vector.shape_cast %swap3A_220 : vector<1x16xf32> to vector<16xf32>
    %swap3A_222 = vector.shape_cast %broadcast_in_dim3A_1 : vector<16xf32> to vector<1x16xf32>
    tpu.vector_store %arg9[%swap3A_218, %swap3A_219], %swap3A_222 {strides = array<i32>} : memref<16x128xf32, #tpu.memory_space<vmem>>, vector<1x16xf32>,
    %swap3A_223 = arith.constant 4 : i32
    %swap3A_224 = arith.index_cast %swap3A_223 : i32 to index
    %swap3A_225 = arith.constant 80 : index
    %swap3A_226 = tpu.vector_load %arg9[%swap3A_224, %swap3A_225] {strides = array<i32>} : memref<16x128xf32, #tpu.memory_space<vmem>>, vector<1x16xf32>,
    %swap3A_227 = vector.shape_cast %swap3A_226 : vector<1x16xf32> to vector<16xf32>
    %swap3A_228 = vector.shape_cast %broadcast_in_dim3A_1 : vector<16xf32> to vector<1x16xf32>
    tpu.vector_store %arg9[%swap3A_224, %swap3A_225], %swap3A_228 {strides = array<i32>} : memref<16x128xf32, #tpu.memory_space<vmem>>, vector<1x16xf32>,
    %swap3A_229 = arith.constant 4 : i32
    %swap3A_230 = arith.index_cast %swap3A_229 : i32 to index
    %swap3A_231 = arith.constant 96 : index
    %swap3A_232 = tpu.vector_load %arg9[%swap3A_230, %swap3A_231] {strides = array<i32>} : memref<16x128xf32, #tpu.memory_space<vmem>>, vector<1x16xf32>,
    %swap3A_233 = vector.shape_cast %swap3A_232 : vector<1x16xf32> to vector<16xf32>
    %swap3A_234 = vector.shape_cast %broadcast_in_dim3A_1 : vector<16xf32> to vector<1x16xf32>
    tpu.vector_store %arg9[%swap3A_230, %swap3A_231], %swap3A_234 {strides = array<i32>} : memref<16x128xf32, #tpu.memory_space<vmem>>, vector<1x16xf32>,
    %swap3A_235 = arith.constant 4 : i32
    %swap3A_236 = arith.index_cast %swap3A_235 : i32 to index
    %swap3A_237 = arith.constant 112 : index
    %swap3A_238 = tpu.vector_load %arg9[%swap3A_236, %swap3A_237] {strides = array<i32>} : memref<16x128xf32, #tpu.memory_space<vmem>>, vector<1x16xf32>,
    %swap3A_239 = vector.shape_cast %swap3A_238 : vector<1x16xf32> to vector<16xf32>
    %swap3A_240 = vector.shape_cast %broadcast_in_dim3A_1 : vector<16xf32> to vector<1x16xf32>
    tpu.vector_store %arg9[%swap3A_236, %swap3A_237], %swap3A_240 {strides = array<i32>} : memref<16x128xf32, #tpu.memory_space<vmem>>, vector<1x16xf32>,
    %swap3A_241 = arith.constant 5 : i32
    %swap3A_242 = arith.index_cast %swap3A_241 : i32 to index
    %swap3A_243 = arith.constant 0 : index
    %swap3A_244 = tpu.vector_load %arg9[%swap3A_242, %swap3A_243] {strides = array<i32>} : memref<16x128xf32, #tpu.memory_space<vmem>>, vector<1x16xf32>,
    %swap3A_245 = vector.shape_cast %swap3A_244 : vector<1x16xf32> to vector<16xf32>
    %swap3A_246 = vector.shape_cast %broadcast_in_dim3A_1 : vector<16xf32> to vector<1x16xf32>
    tpu.vector_store %arg9[%swap3A_242, %swap3A_243], %swap3A_246 {strides = array<i32>} : memref<16x128xf32, #tpu.memory_space<vmem>>, vector<1x16xf32>,
    %swap3A_247 = arith.constant 5 : i32
    %swap3A_248 = arith.index_cast %swap3A_247 : i32 to index
    %swap3A_249 = arith.constant 16 : index
    %swap3A_250 = tpu.vector_load %arg9[%swap3A_248, %swap3A_249] {strides = array<i32>} : memref<16x128xf32, #tpu.memory_space<vmem>>, vector<1x16xf32>,
    %swap3A_251 = vector.shape_cast %swap3A_250 : vector<1x16xf32> to vector<16xf32>
    %swap3A_252 = vector.shape_cast %broadcast_in_dim3A_1 : vector<16xf32> to vector<1x16xf32>
    tpu.vector_store %arg9[%swap3A_248, %swap3A_249], %swap3A_252 {strides = array<i32>} : memref<16x128xf32, #tpu.memory_space<vmem>>, vector<1x16xf32>,
    %swap3A_253 = arith.constant 5 : i32
    %swap3A_254 = arith.index_cast %swap3A_253 : i32 to index
    %swap3A_255 = arith.constant 32 : index
    %swap3A_256 = tpu.vector_load %arg9[%swap3A_254, %swap3A_255] {strides = array<i32>} : memref<16x128xf32, #tpu.memory_space<vmem>>, vector<1x16xf32>,
    %swap3A_257 = vector.shape_cast %swap3A_256 : vector<1x16xf32> to vector<16xf32>
    %swap3A_258 = vector.shape_cast %broadcast_in_dim3A_1 : vector<16xf32> to vector<1x16xf32>
    tpu.vector_store %arg9[%swap3A_254, %swap3A_255], %swap3A_258 {strides = array<i32>} : memref<16x128xf32, #tpu.memory_space<vmem>>, vector<1x16xf32>,
    %swap3A_259 = arith.constant 5 : i32
    %swap3A_260 = arith.index_cast %swap3A_259 : i32 to index
    %swap3A_261 = arith.constant 48 : index
    %swap3A_262 = tpu.vector_load %arg9[%swap3A_260, %swap3A_261] {strides = array<i32>} : memref<16x128xf32, #tpu.memory_space<vmem>>, vector<1x16xf32>,
    %swap3A_263 = vector.shape_cast %swap3A_262 : vector<1x16xf32> to vector<16xf32>
    %swap3A_264 = vector.shape_cast %broadcast_in_dim3A_1 : vector<16xf32> to vector<1x16xf32>
    tpu.vector_store %arg9[%swap3A_260, %swap3A_261], %swap3A_264 {strides = array<i32>} : memref<16x128xf32, #tpu.memory_space<vmem>>, vector<1x16xf32>,
    %swap3A_265 = arith.constant 5 : i32
    %swap3A_266 = arith.index_cast %swap3A_265 : i32 to index
    %swap3A_267 = arith.constant 64 : index
    %swap3A_268 = tpu.vector_load %arg9[%swap3A_266, %swap3A_267] {strides = array<i32>} : memref<16x128xf32, #tpu.memory_space<vmem>>, vector<1x16xf32>,
    %swap3A_269 = vector.shape_cast %swap3A_268 : vector<1x16xf32> to vector<16xf32>
    %swap3A_270 = vector.shape_cast %broadcast_in_dim3A_1 : vector<16xf32> to vector<1x16xf32>
    tpu.vector_store %arg9[%swap3A_266, %swap3A_267], %swap3A_270 {strides = array<i32>} : memref<16x128xf32, #tpu.memory_space<vmem>>, vector<1x16xf32>,
    %swap3A_271 = arith.constant 5 : i32
    %swap3A_272 = arith.index_cast %swap3A_271 : i32 to index
    %swap3A_273 = arith.constant 80 : index
    %swap3A_274 = tpu.vector_load %arg9[%swap3A_272, %swap3A_273] {strides = array<i32>} : memref<16x128xf32, #tpu.memory_space<vmem>>, vector<1x16xf32>,
    %swap3A_275 = vector.shape_cast %swap3A_274 : vector<1x16xf32> to vector<16xf32>
    %swap3A_276 = vector.shape_cast %broadcast_in_dim3A_1 : vector<16xf32> to vector<1x16xf32>
    tpu.vector_store %arg9[%swap3A_272, %swap3A_273], %swap3A_276 {strides = array<i32>} : memref<16x128xf32, #tpu.memory_space<vmem>>, vector<1x16xf32>,
    %swap3A_277 = arith.constant 5 : i32
    %swap3A_278 = arith.index_cast %swap3A_277 : i32 to index
    %swap3A_279 = arith.constant 96 : index
    %swap3A_280 = tpu.vector_load %arg9[%swap3A_278, %swap3A_279] {strides = array<i32>} : memref<16x128xf32, #tpu.memory_space<vmem>>, vector<1x16xf32>,
    %swap3A_281 = vector.shape_cast %swap3A_280 : vector<1x16xf32> to vector<16xf32>
    %swap3A_282 = vector.shape_cast %broadcast_in_dim3A_1 : vector<16xf32> to vector<1x16xf32>
    tpu.vector_store %arg9[%swap3A_278, %swap3A_279], %swap3A_282 {strides = array<i32>} : memref<16x128xf32, #tpu.memory_space<vmem>>, vector<1x16xf32>,
    %swap3A_283 = arith.constant 5 : i32
    %swap3A_284 = arith.index_cast %swap3A_283 : i32 to index
    %swap3A_285 = arith.constant 112 : index
    %swap3A_286 = tpu.vector_load %arg9[%swap3A_284, %swap3A_285] {strides = array<i32>} : memref<16x128xf32, #tpu.memory_space<vmem>>, vector<1x16xf32>,
    %swap3A_287 = vector.shape_cast %swap3A_286 : vector<1x16xf32> to vector<16xf32>
    %swap3A_288 = vector.shape_cast %broadcast_in_dim3A_1 : vector<16xf32> to vector<1x16xf32>
    tpu.vector_store %arg9[%swap3A_284, %swap3A_285], %swap3A_288 {strides = array<i32>} : memref<16x128xf32, #tpu.memory_space<vmem>>, vector<1x16xf32>,
    %swap3A_289 = arith.constant 6 : i32
    %swap3A_290 = arith.index_cast %swap3A_289 : i32 to index
    %swap3A_291 = arith.constant 0 : index
    %swap3A_292 = tpu.vector_load %arg9[%swap3A_290, %swap3A_291] {strides = array<i32>} : memref<16x128xf32, #tpu.memory_space<vmem>>, vector<1x16xf32>,
    %swap3A_293 = vector.shape_cast %swap3A_292 : vector<1x16xf32> to vector<16xf32>
    %swap3A_294 = vector.shape_cast %broadcast_in_dim3A_1 : vector<16xf32> to vector<1x16xf32>
    tpu.vector_store %arg9[%swap3A_290, %swap3A_291], %swap3A_294 {strides = array<i32>} : memref<16x128xf32, #tpu.memory_space<vmem>>, vector<1x16xf32>,
    %swap3A_295 = arith.constant 6 : i32
    %swap3A_296 = arith.index_cast %swap3A_295 : i32 to index
    %swap3A_297 = arith.constant 16 : index
    %swap3A_298 = tpu.vector_load %arg9[%swap3A_296, %swap3A_297] {strides = array<i32>} : memref<16x128xf32, #tpu.memory_space<vmem>>, vector<1x16xf32>,
    %swap3A_299 = vector.shape_cast %swap3A_298 : vector<1x16xf32> to vector<16xf32>
    %swap3A_300 = vector.shape_cast %broadcast_in_dim3A_1 : vector<16xf32> to vector<1x16xf32>
    tpu.vector_store %arg9[%swap3A_296, %swap3A_297], %swap3A_300 {strides = array<i32>} : memref<16x128xf32, #tpu.memory_space<vmem>>, vector<1x16xf32>,
    %swap3A_301 = arith.constant 6 : i32
    %swap3A_302 = arith.index_cast %swap3A_301 : i32 to index
    %swap3A_303 = arith.constant 32 : index
    %swap3A_304 = tpu.vector_load %arg9[%swap3A_302, %swap3A_303] {strides = array<i32>} : memref<16x128xf32, #tpu.memory_space<vmem>>, vector<1x16xf32>,
    %swap3A_305 = vector.shape_cast %swap3A_304 : vector<1x16xf32> to vector<16xf32>
    %swap3A_306 = vector.shape_cast %broadcast_in_dim3A_1 : vector<16xf32> to vector<1x16xf32>
    tpu.vector_store %arg9[%swap3A_302, %swap3A_303], %swap3A_306 {strides = array<i32>} : memref<16x128xf32, #tpu.memory_space<vmem>>, vector<1x16xf32>,
    %swap3A_307 = arith.constant 6 : i32
    %swap3A_308 = arith.index_cast %swap3A_307 : i32 to index
    %swap3A_309 = arith.constant 48 : index
    %swap3A_310 = tpu.vector_load %arg9[%swap3A_308, %swap3A_309] {strides = array<i32>} : memref<16x128xf32, #tpu.memory_space<vmem>>, vector<1x16xf32>,
    %swap3A_311 = vector.shape_cast %swap3A_310 : vector<1x16xf32> to vector<16xf32>
    %swap3A_312 = vector.shape_cast %broadcast_in_dim3A_1 : vector<16xf32> to vector<1x16xf32>
    tpu.vector_store %arg9[%swap3A_308, %swap3A_309], %swap3A_312 {strides = array<i32>} : memref<16x128xf32, #tpu.memory_space<vmem>>, vector<1x16xf32>,
    %swap3A_313 = arith.constant 6 : i32
    %swap3A_314 = arith.index_cast %swap3A_313 : i32 to index
    %swap3A_315 = arith.constant 64 : index
    %swap3A_316 = tpu.vector_load %arg9[%swap3A_314, %swap3A_315] {strides = array<i32>} : memref<16x128xf32, #tpu.memory_space<vmem>>, vector<1x16xf32>,
    %swap3A_317 = vector.shape_cast %swap3A_316 : vector<1x16xf32> to vector<16xf32>
    %swap3A_318 = vector.shape_cast %broadcast_in_dim3A_1 : vector<16xf32> to vector<1x16xf32>
    tpu.vector_store %arg9[%swap3A_314, %swap3A_315], %swap3A_318 {strides = array<i32>} : memref<16x128xf32, #tpu.memory_space<vmem>>, vector<1x16xf32>,
    %swap3A_319 = arith.constant 6 : i32
    %swap3A_320 = arith.index_cast %swap3A_319 : i32 to index
    %swap3A_321 = arith.constant 80 : index
    %swap3A_322 = tpu.vector_load %arg9[%swap3A_320, %swap3A_321] {strides = array<i32>} : memref<16x128xf32, #tpu.memory_space<vmem>>, vector<1x16xf32>,
    %swap3A_323 = vector.shape_cast %swap3A_322 : vector<1x16xf32> to vector<16xf32>
    %swap3A_324 = vector.shape_cast %broadcast_in_dim3A_1 : vector<16xf32> to vector<1x16xf32>
    tpu.vector_store %arg9[%swap3A_320, %swap3A_321], %swap3A_324 {strides = array<i32>} : memref<16x128xf32, #tpu.memory_space<vmem>>, vector<1x16xf32>,
    %swap3A_325 = arith.constant 6 : i32
    %swap3A_326 = arith.index_cast %swap3A_325 : i32 to index
    %swap3A_327 = arith.constant 96 : index
    %swap3A_328 = tpu.vector_load %arg9[%swap3A_326, %swap3A_327] {strides = array<i32>} : memref<16x128xf32, #tpu.memory_space<vmem>>, vector<1x16xf32>,
    %swap3A_329 = vector.shape_cast %swap3A_328 : vector<1x16xf32> to vector<16xf32>
    %swap3A_330 = vector.shape_cast %broadcast_in_dim3A_1 : vector<16xf32> to vector<1x16xf32>
    tpu.vector_store %arg9[%swap3A_326, %swap3A_327], %swap3A_330 {strides = array<i32>} : memref<16x128xf32, #tpu.memory_space<vmem>>, vector<1x16xf32>,
    %swap3A_331 = arith.constant 6 : i32
    %swap3A_332 = arith.index_cast %swap3A_331 : i32 to index
    %swap3A_333 = arith.constant 112 : index
    %swap3A_334 = tpu.vector_load %arg9[%swap3A_332, %swap3A_333] {strides = array<i32>} : memref<16x128xf32, #tpu.memory_space<vmem>>, vector<1x16xf32>,
    %swap3A_335 = vector.shape_cast %swap3A_334 : vector<1x16xf32> to vector<16xf32>
    %swap3A_336 = vector.shape_cast %broadcast_in_dim3A_1 : vector<16xf32> to vector<1x16xf32>
    tpu.vector_store %arg9[%swap3A_332, %swap3A_333], %swap3A_336 {strides = array<i32>} : memref<16x128xf32, #tpu.memory_space<vmem>>, vector<1x16xf32>,
    %swap3A_337 = arith.constant 7 : i32
    %swap3A_338 = arith.index_cast %swap3A_337 : i32 to index
    %swap3A_339 = arith.constant 0 : index
    %swap3A_340 = tpu.vector_load %arg9[%swap3A_338, %swap3A_339] {strides = array<i32>} : memref<16x128xf32, #tpu.memory_space<vmem>>, vector<1x16xf32>,
    %swap3A_341 = vector.shape_cast %swap3A_340 : vector<1x16xf32> to vector<16xf32>
    %swap3A_342 = vector.shape_cast %broadcast_in_dim3A_1 : vector<16xf32> to vector<1x16xf32>
    tpu.vector_store %arg9[%swap3A_338, %swap3A_339], %swap3A_342 {strides = array<i32>} : memref<16x128xf32, #tpu.memory_space<vmem>>, vector<1x16xf32>,
    %swap3A_343 = arith.constant 7 : i32
    %swap3A_344 = arith.index_cast %swap3A_343 : i32 to index
    %swap3A_345 = arith.constant 16 : index
    %swap3A_346 = tpu.vector_load %arg9[%swap3A_344, %swap3A_345] {strides = array<i32>} : memref<16x128xf32, #tpu.memory_space<vmem>>, vector<1x16xf32>,
    %swap3A_347 = vector.shape_cast %swap3A_346 : vector<1x16xf32> to vector<16xf32>
    %swap3A_348 = vector.shape_cast %broadcast_in_dim3A_1 : vector<16xf32> to vector<1x16xf32>
    tpu.vector_store %arg9[%swap3A_344, %swap3A_345], %swap3A_348 {strides = array<i32>} : memref<16x128xf32, #tpu.memory_space<vmem>>, vector<1x16xf32>,
    %swap3A_349 = arith.constant 7 : i32
    %swap3A_350 = arith.index_cast %swap3A_349 : i32 to index
    %swap3A_351 = arith.constant 32 : index
    %swap3A_352 = tpu.vector_load %arg9[%swap3A_350, %swap3A_351] {strides = array<i32>} : memref<16x128xf32, #tpu.memory_space<vmem>>, vector<1x16xf32>,
    %swap3A_353 = vector.shape_cast %swap3A_352 : vector<1x16xf32> to vector<16xf32>
    %swap3A_354 = vector.shape_cast %broadcast_in_dim3A_1 : vector<16xf32> to vector<1x16xf32>
    tpu.vector_store %arg9[%swap3A_350, %swap3A_351], %swap3A_354 {strides = array<i32>} : memref<16x128xf32, #tpu.memory_space<vmem>>, vector<1x16xf32>,
    %swap3A_355 = arith.constant 7 : i32
    %swap3A_356 = arith.index_cast %swap3A_355 : i32 to index
    %swap3A_357 = arith.constant 48 : index
    %swap3A_358 = tpu.vector_load %arg9[%swap3A_356, %swap3A_357] {strides = array<i32>} : memref<16x128xf32, #tpu.memory_space<vmem>>, vector<1x16xf32>,
    %swap3A_359 = vector.shape_cast %swap3A_358 : vector<1x16xf32> to vector<16xf32>
    %swap3A_360 = vector.shape_cast %broadcast_in_dim3A_1 : vector<16xf32> to vector<1x16xf32>
    tpu.vector_store %arg9[%swap3A_356, %swap3A_357], %swap3A_360 {strides = array<i32>} : memref<16x128xf32, #tpu.memory_space<vmem>>, vector<1x16xf32>,
    %swap3A_361 = arith.constant 7 : i32
    %swap3A_362 = arith.index_cast %swap3A_361 : i32 to index
    %swap3A_363 = arith.constant 64 : index
    %swap3A_364 = tpu.vector_load %arg9[%swap3A_362, %swap3A_363] {strides = array<i32>} : memref<16x128xf32, #tpu.memory_space<vmem>>, vector<1x16xf32>,
    %swap3A_365 = vector.shape_cast %swap3A_364 : vector<1x16xf32> to vector<16xf32>
    %swap3A_366 = vector.shape_cast %broadcast_in_dim3A_1 : vector<16xf32> to vector<1x16xf32>
    tpu.vector_store %arg9[%swap3A_362, %swap3A_363], %swap3A_366 {strides = array<i32>} : memref<16x128xf32, #tpu.memory_space<vmem>>, vector<1x16xf32>,
    %swap3A_367 = arith.constant 7 : i32
    %swap3A_368 = arith.index_cast %swap3A_367 : i32 to index
    %swap3A_369 = arith.constant 80 : index
    %swap3A_370 = tpu.vector_load %arg9[%swap3A_368, %swap3A_369] {strides = array<i32>} : memref<16x128xf32, #tpu.memory_space<vmem>>, vector<1x16xf32>,
    %swap3A_371 = vector.shape_cast %swap3A_370 : vector<1x16xf32> to vector<16xf32>
    %swap3A_372 = vector.shape_cast %broadcast_in_dim3A_1 : vector<16xf32> to vector<1x16xf32>
    tpu.vector_store %arg9[%swap3A_368, %swap3A_369], %swap3A_372 {strides = array<i32>} : memref<16x128xf32, #tpu.memory_space<vmem>>, vector<1x16xf32>,
    %swap3A_373 = arith.constant 7 : i32
    %swap3A_374 = arith.index_cast %swap3A_373 : i32 to index
    %swap3A_375 = arith.constant 96 : index
    %swap3A_376 = tpu.vector_load %arg9[%swap3A_374, %swap3A_375] {strides = array<i32>} : memref<16x128xf32, #tpu.memory_space<vmem>>, vector<1x16xf32>,
    %swap3A_377 = vector.shape_cast %swap3A_376 : vector<1x16xf32> to vector<16xf32>
    %swap3A_378 = vector.shape_cast %broadcast_in_dim3A_1 : vector<16xf32> to vector<1x16xf32>
    tpu.vector_store %arg9[%swap3A_374, %swap3A_375], %swap3A_378 {strides = array<i32>} : memref<16x128xf32, #tpu.memory_space<vmem>>, vector<1x16xf32>,
    %swap3A_379 = arith.constant 7 : i32
    %swap3A_380 = arith.index_cast %swap3A_379 : i32 to index
    %swap3A_381 = arith.constant 112 : index
    %swap3A_382 = tpu.vector_load %arg9[%swap3A_380, %swap3A_381] {strides = array<i32>} : memref<16x128xf32, #tpu.memory_space<vmem>>, vector<1x16xf32>,
    %swap3A_383 = vector.shape_cast %swap3A_382 : vector<1x16xf32> to vector<16xf32>
    %swap3A_384 = vector.shape_cast %broadcast_in_dim3A_1 : vector<16xf32> to vector<1x16xf32>
    tpu.vector_store %arg9[%swap3A_380, %swap3A_381], %swap3A_384 {strides = array<i32>} : memref<16x128xf32, #tpu.memory_space<vmem>>, vector<1x16xf32>,
    %swap3A_385 = arith.constant 8 : i32
    %swap3A_386 = arith.index_cast %swap3A_385 : i32 to index
    %swap3A_387 = arith.constant 0 : index
    %swap3A_388 = tpu.vector_load %arg9[%swap3A_386, %swap3A_387] {strides = array<i32>} : memref<16x128xf32, #tpu.memory_space<vmem>>, vector<1x16xf32>,
    %swap3A_389 = vector.shape_cast %swap3A_388 : vector<1x16xf32> to vector<16xf32>
    %swap3A_390 = vector.shape_cast %broadcast_in_dim3A_1 : vector<16xf32> to vector<1x16xf32>
    tpu.vector_store %arg9[%swap3A_386, %swap3A_387], %swap3A_390 {strides = array<i32>} : memref<16x128xf32, #tpu.memory_space<vmem>>, vector<1x16xf32>,
    %swap3A_391 = arith.constant 8 : i32
    %swap3A_392 = arith.index_cast %swap3A_391 : i32 to index
    %swap3A_393 = arith.constant 16 : index
    %swap3A_394 = tpu.vector_load %arg9[%swap3A_392, %swap3A_393] {strides = array<i32>} : memref<16x128xf32, #tpu.memory_space<vmem>>, vector<1x16xf32>,
    %swap3A_395 = vector.shape_cast %swap3A_394 : vector<1x16xf32> to vector<16xf32>
    %swap3A_396 = vector.shape_cast %broadcast_in_dim3A_1 : vector<16xf32> to vector<1x16xf32>
    tpu.vector_store %arg9[%swap3A_392, %swap3A_393], %swap3A_396 {strides = array<i32>} : memref<16x128xf32, #tpu.memory_space<vmem>>, vector<1x16xf32>,
    %swap3A_397 = arith.constant 8 : i32
    %swap3A_398 = arith.index_cast %swap3A_397 : i32 to index
    %swap3A_399 = arith.constant 32 : index
    %swap3A_400 = tpu.vector_load %arg9[%swap3A_398, %swap3A_399] {strides = array<i32>} : memref<16x128xf32, #tpu.memory_space<vmem>>, vector<1x16xf32>,
    %swap3A_401 = vector.shape_cast %swap3A_400 : vector<1x16xf32> to vector<16xf32>
    %swap3A_402 = vector.shape_cast %broadcast_in_dim3A_1 : vector<16xf32> to vector<1x16xf32>
    tpu.vector_store %arg9[%swap3A_398, %swap3A_399], %swap3A_402 {strides = array<i32>} : memref<16x128xf32, #tpu.memory_space<vmem>>, vector<1x16xf32>,
    %swap3A_403 = arith.constant 8 : i32
    %swap3A_404 = arith.index_cast %swap3A_403 : i32 to index
    %swap3A_405 = arith.constant 48 : index
    %swap3A_406 = tpu.vector_load %arg9[%swap3A_404, %swap3A_405] {strides = array<i32>} : memref<16x128xf32, #tpu.memory_space<vmem>>, vector<1x16xf32>,
    %swap3A_407 = vector.shape_cast %swap3A_406 : vector<1x16xf32> to vector<16xf32>
    %swap3A_408 = vector.shape_cast %broadcast_in_dim3A_1 : vector<16xf32> to vector<1x16xf32>
    tpu.vector_store %arg9[%swap3A_404, %swap3A_405], %swap3A_408 {strides = array<i32>} : memref<16x128xf32, #tpu.memory_space<vmem>>, vector<1x16xf32>,
    %swap3A_409 = arith.constant 8 : i32
    %swap3A_410 = arith.index_cast %swap3A_409 : i32 to index
    %swap3A_411 = arith.constant 64 : index
    %swap3A_412 = tpu.vector_load %arg9[%swap3A_410, %swap3A_411] {strides = array<i32>} : memref<16x128xf32, #tpu.memory_space<vmem>>, vector<1x16xf32>,
    %swap3A_413 = vector.shape_cast %swap3A_412 : vector<1x16xf32> to vector<16xf32>
    %swap3A_414 = vector.shape_cast %broadcast_in_dim3A_1 : vector<16xf32> to vector<1x16xf32>
    tpu.vector_store %arg9[%swap3A_410, %swap3A_411], %swap3A_414 {strides = array<i32>} : memref<16x128xf32, #tpu.memory_space<vmem>>, vector<1x16xf32>,
    %swap3A_415 = arith.constant 8 : i32
    %swap3A_416 = arith.index_cast %swap3A_415 : i32 to index
    %swap3A_417 = arith.constant 80 : index
    %swap3A_418 = tpu.vector_load %arg9[%swap3A_416, %swap3A_417] {strides = array<i32>} : memref<16x128xf32, #tpu.memory_space<vmem>>, vector<1x16xf32>,
    %swap3A_419 = vector.shape_cast %swap3A_418 : vector<1x16xf32> to vector<16xf32>
    %swap3A_420 = vector.shape_cast %broadcast_in_dim3A_1 : vector<16xf32> to vector<1x16xf32>
    tpu.vector_store %arg9[%swap3A_416, %swap3A_417], %swap3A_420 {strides = array<i32>} : memref<16x128xf32, #tpu.memory_space<vmem>>, vector<1x16xf32>,
    %swap3A_421 = arith.constant 8 : i32
    %swap3A_422 = arith.index_cast %swap3A_421 : i32 to index
    %swap3A_423 = arith.constant 96 : index
    %swap3A_424 = tpu.vector_load %arg9[%swap3A_422, %swap3A_423] {strides = array<i32>} : memref<16x128xf32, #tpu.memory_space<vmem>>, vector<1x16xf32>,
    %swap3A_425 = vector.shape_cast %swap3A_424 : vector<1x16xf32> to vector<16xf32>
    %swap3A_426 = vector.shape_cast %broadcast_in_dim3A_1 : vector<16xf32> to vector<1x16xf32>
    tpu.vector_store %arg9[%swap3A_422, %swap3A_423], %swap3A_426 {strides = array<i32>} : memref<16x128xf32, #tpu.memory_space<vmem>>, vector<1x16xf32>,
    %swap3A_427 = arith.constant 8 : i32
    %swap3A_428 = arith.index_cast %swap3A_427 : i32 to index
    %swap3A_429 = arith.constant 112 : index
    %swap3A_430 = tpu.vector_load %arg9[%swap3A_428, %swap3A_429] {strides = array<i32>} : memref<16x128xf32, #tpu.memory_space<vmem>>, vector<1x16xf32>,
    %swap3A_431 = vector.shape_cast %swap3A_430 : vector<1x16xf32> to vector<16xf32>
    %swap3A_432 = vector.shape_cast %broadcast_in_dim3A_1 : vector<16xf32> to vector<1x16xf32>
    tpu.vector_store %arg9[%swap3A_428, %swap3A_429], %swap3A_432 {strides = array<i32>} : memref<16x128xf32, #tpu.memory_space<vmem>>, vector<1x16xf32>,
    %swap3A_433 = arith.constant 9 : i32
    %swap3A_434 = arith.index_cast %swap3A_433 : i32 to index
    %swap3A_435 = arith.constant 0 : index
    %swap3A_436 = tpu.vector_load %arg9[%swap3A_434, %swap3A_435] {strides = array<i32>} : memref<16x128xf32, #tpu.memory_space<vmem>>, vector<1x16xf32>,
    %swap3A_437 = vector.shape_cast %swap3A_436 : vector<1x16xf32> to vector<16xf32>
    %swap3A_438 = vector.shape_cast %broadcast_in_dim3A_1 : vector<16xf32> to vector<1x16xf32>
    tpu.vector_store %arg9[%swap3A_434, %swap3A_435], %swap3A_438 {strides = array<i32>} : memref<16x128xf32, #tpu.memory_space<vmem>>, vector<1x16xf32>,
    %swap3A_439 = arith.constant 9 : i32
    %swap3A_440 = arith.index_cast %swap3A_439 : i32 to index
    %swap3A_441 = arith.constant 16 : index
    %swap3A_442 = tpu.vector_load %arg9[%swap3A_440, %swap3A_441] {strides = array<i32>} : memref<16x128xf32, #tpu.memory_space<vmem>>, vector<1x16xf32>,
    %swap3A_443 = vector.shape_cast %swap3A_442 : vector<1x16xf32> to vector<16xf32>
    %swap3A_444 = vector.shape_cast %broadcast_in_dim3A_1 : vector<16xf32> to vector<1x16xf32>
    tpu.vector_store %arg9[%swap3A_440, %swap3A_441], %swap3A_444 {strides = array<i32>} : memref<16x128xf32, #tpu.memory_space<vmem>>, vector<1x16xf32>,
    %swap3A_445 = arith.constant 9 : i32
    %swap3A_446 = arith.index_cast %swap3A_445 : i32 to index
    %swap3A_447 = arith.constant 32 : index
    %swap3A_448 = tpu.vector_load %arg9[%swap3A_446, %swap3A_447] {strides = array<i32>} : memref<16x128xf32, #tpu.memory_space<vmem>>, vector<1x16xf32>,
    %swap3A_449 = vector.shape_cast %swap3A_448 : vector<1x16xf32> to vector<16xf32>
    %swap3A_450 = vector.shape_cast %broadcast_in_dim3A_1 : vector<16xf32> to vector<1x16xf32>
    tpu.vector_store %arg9[%swap3A_446, %swap3A_447], %swap3A_450 {strides = array<i32>} : memref<16x128xf32, #tpu.memory_space<vmem>>, vector<1x16xf32>,
    %swap3A_451 = arith.constant 9 : i32
    %swap3A_452 = arith.index_cast %swap3A_451 : i32 to index
    %swap3A_453 = arith.constant 48 : index
    %swap3A_454 = tpu.vector_load %arg9[%swap3A_452, %swap3A_453] {strides = array<i32>} : memref<16x128xf32, #tpu.memory_space<vmem>>, vector<1x16xf32>,
    %swap3A_455 = vector.shape_cast %swap3A_454 : vector<1x16xf32> to vector<16xf32>
    %swap3A_456 = vector.shape_cast %broadcast_in_dim3A_1 : vector<16xf32> to vector<1x16xf32>
    tpu.vector_store %arg9[%swap3A_452, %swap3A_453], %swap3A_456 {strides = array<i32>} : memref<16x128xf32, #tpu.memory_space<vmem>>, vector<1x16xf32>,
    %swap3A_457 = arith.constant 9 : i32
    %swap3A_458 = arith.index_cast %swap3A_457 : i32 to index
    %swap3A_459 = arith.constant 64 : index
    %swap3A_460 = tpu.vector_load %arg9[%swap3A_458, %swap3A_459] {strides = array<i32>} : memref<16x128xf32, #tpu.memory_space<vmem>>, vector<1x16xf32>,
    %swap3A_461 = vector.shape_cast %swap3A_460 : vector<1x16xf32> to vector<16xf32>
    %swap3A_462 = vector.shape_cast %broadcast_in_dim3A_1 : vector<16xf32> to vector<1x16xf32>
    tpu.vector_store %arg9[%swap3A_458, %swap3A_459], %swap3A_462 {strides = array<i32>} : memref<16x128xf32, #tpu.memory_space<vmem>>, vector<1x16xf32>,
    %swap3A_463 = arith.constant 9 : i32
    %swap3A_464 = arith.index_cast %swap3A_463 : i32 to index
    %swap3A_465 = arith.constant 80 : index
    %swap3A_466 = tpu.vector_load %arg9[%swap3A_464, %swap3A_465] {strides = array<i32>} : memref<16x128xf32, #tpu.memory_space<vmem>>, vector<1x16xf32>,
    %swap3A_467 = vector.shape_cast %swap3A_466 : vector<1x16xf32> to vector<16xf32>
    %swap3A_468 = vector.shape_cast %broadcast_in_dim3A_1 : vector<16xf32> to vector<1x16xf32>
    tpu.vector_store %arg9[%swap3A_464, %swap3A_465], %swap3A_468 {strides = array<i32>} : memref<16x128xf32, #tpu.memory_space<vmem>>, vector<1x16xf32>,
    %swap3A_469 = arith.constant 9 : i32
    %swap3A_470 = arith.index_cast %swap3A_469 : i32 to index
    %swap3A_471 = arith.constant 96 : index
    %swap3A_472 = tpu.vector_load %arg9[%swap3A_470, %swap3A_471] {strides = array<i32>} : memref<16x128xf32, #tpu.memory_space<vmem>>, vector<1x16xf32>,
    %swap3A_473 = vector.shape_cast %swap3A_472 : vector<1x16xf32> to vector<16xf32>
    %swap3A_474 = vector.shape_cast %broadcast_in_dim3A_1 : vector<16xf32> to vector<1x16xf32>
    tpu.vector_store %arg9[%swap3A_470, %swap3A_471], %swap3A_474 {strides = array<i32>} : memref<16x128xf32, #tpu.memory_space<vmem>>, vector<1x16xf32>,
    %swap3A_475 = arith.constant 9 : i32
    %swap3A_476 = arith.index_cast %swap3A_475 : i32 to index
    %swap3A_477 = arith.constant 112 : index
    %swap3A_478 = tpu.vector_load %arg9[%swap3A_476, %swap3A_477] {strides = array<i32>} : memref<16x128xf32, #tpu.memory_space<vmem>>, vector<1x16xf32>,
    %swap3A_479 = vector.shape_cast %swap3A_478 : vector<1x16xf32> to vector<16xf32>
    %swap3A_480 = vector.shape_cast %broadcast_in_dim3A_1 : vector<16xf32> to vector<1x16xf32>
    tpu.vector_store %arg9[%swap3A_476, %swap3A_477], %swap3A_480 {strides = array<i32>} : memref<16x128xf32, #tpu.memory_space<vmem>>, vector<1x16xf32>,
    %swap3A_481 = arith.constant 10 : i32
    %swap3A_482 = arith.index_cast %swap3A_481 : i32 to index
    %swap3A_483 = arith.constant 0 : index
    %swap3A_484 = tpu.vector_load %arg9[%swap3A_482, %swap3A_483] {strides = array<i32>} : memref<16x128xf32, #tpu.memory_space<vmem>>, vector<1x16xf32>,
    %swap3A_485 = vector.shape_cast %swap3A_484 : vector<1x16xf32> to vector<16xf32>
    %swap3A_486 = vector.shape_cast %broadcast_in_dim3A_1 : vector<16xf32> to vector<1x16xf32>
    tpu.vector_store %arg9[%swap3A_482, %swap3A_483], %swap3A_486 {strides = array<i32>} : memref<16x128xf32, #tpu.memory_space<vmem>>, vector<1x16xf32>,
    %swap3A_487 = arith.constant 10 : i32
    %swap3A_488 = arith.index_cast %swap3A_487 : i32 to index
    %swap3A_489 = arith.constant 16 : index
    %swap3A_490 = tpu.vector_load %arg9[%swap3A_488, %swap3A_489] {strides = array<i32>} : memref<16x128xf32, #tpu.memory_space<vmem>>, vector<1x16xf32>,
    %swap3A_491 = vector.shape_cast %swap3A_490 : vector<1x16xf32> to vector<16xf32>
    %swap3A_492 = vector.shape_cast %broadcast_in_dim3A_1 : vector<16xf32> to vector<1x16xf32>
    tpu.vector_store %arg9[%swap3A_488, %swap3A_489], %swap3A_492 {strides = array<i32>} : memref<16x128xf32, #tpu.memory_space<vmem>>, vector<1x16xf32>,
    %swap3A_493 = arith.constant 10 : i32
    %swap3A_494 = arith.index_cast %swap3A_493 : i32 to index
    %swap3A_495 = arith.constant 32 : index
    %swap3A_496 = tpu.vector_load %arg9[%swap3A_494, %swap3A_495] {strides = array<i32>} : memref<16x128xf32, #tpu.memory_space<vmem>>, vector<1x16xf32>,
    %swap3A_497 = vector.shape_cast %swap3A_496 : vector<1x16xf32> to vector<16xf32>
    %swap3A_498 = vector.shape_cast %broadcast_in_dim3A_1 : vector<16xf32> to vector<1x16xf32>
    tpu.vector_store %arg9[%swap3A_494, %swap3A_495], %swap3A_498 {strides = array<i32>} : memref<16x128xf32, #tpu.memory_space<vmem>>, vector<1x16xf32>,
    %swap3A_499 = arith.constant 10 : i32
    %swap3A_500 = arith.index_cast %swap3A_499 : i32 to index
    %swap3A_501 = arith.constant 48 : index
    %swap3A_502 = tpu.vector_load %arg9[%swap3A_500, %swap3A_501] {strides = array<i32>} : memref<16x128xf32, #tpu.memory_space<vmem>>, vector<1x16xf32>,
    %swap3A_503 = vector.shape_cast %swap3A_502 : vector<1x16xf32> to vector<16xf32>
    %swap3A_504 = vector.shape_cast %broadcast_in_dim3A_1 : vector<16xf32> to vector<1x16xf32>
    tpu.vector_store %arg9[%swap3A_500, %swap3A_501], %swap3A_504 {strides = array<i32>} : memref<16x128xf32, #tpu.memory_space<vmem>>, vector<1x16xf32>,
    %swap3A_505 = arith.constant 10 : i32
    %swap3A_506 = arith.index_cast %swap3A_505 : i32 to index
    %swap3A_507 = arith.constant 64 : index
    %swap3A_508 = tpu.vector_load %arg9[%swap3A_506, %swap3A_507] {strides = array<i32>} : memref<16x128xf32, #tpu.memory_space<vmem>>, vector<1x16xf32>,
    %swap3A_509 = vector.shape_cast %swap3A_508 : vector<1x16xf32> to vector<16xf32>
    %swap3A_510 = vector.shape_cast %broadcast_in_dim3A_1 : vector<16xf32> to vector<1x16xf32>
    tpu.vector_store %arg9[%swap3A_506, %swap3A_507], %swap3A_510 {strides = array<i32>} : memref<16x128xf32, #tpu.memory_space<vmem>>, vector<1x16xf32>,
    %swap3A_511 = arith.constant 10 : i32
    %swap3A_512 = arith.index_cast %swap3A_511 : i32 to index
    %swap3A_513 = arith.constant 80 : index
    %swap3A_514 = tpu.vector_load %arg9[%swap3A_512, %swap3A_513] {strides = array<i32>} : memref<16x128xf32, #tpu.memory_space<vmem>>, vector<1x16xf32>,
    %swap3A_515 = vector.shape_cast %swap3A_514 : vector<1x16xf32> to vector<16xf32>
    %swap3A_516 = vector.shape_cast %broadcast_in_dim3A_1 : vector<16xf32> to vector<1x16xf32>
    tpu.vector_store %arg9[%swap3A_512, %swap3A_513], %swap3A_516 {strides = array<i32>} : memref<16x128xf32, #tpu.memory_space<vmem>>, vector<1x16xf32>,
    %swap3A_517 = arith.constant 10 : i32
    %swap3A_518 = arith.index_cast %swap3A_517 : i32 to index
    %swap3A_519 = arith.constant 96 : index
    %swap3A_520 = tpu.vector_load %arg9[%swap3A_518, %swap3A_519] {strides = array<i32>} : memref<16x128xf32, #tpu.memory_space<vmem>>, vector<1x16xf32>,
    %swap3A_521 = vector.shape_cast %swap3A_520 : vector<1x16xf32> to vector<16xf32>
    %swap3A_522 = vector.shape_cast %broadcast_in_dim3A_1 : vector<16xf32> to vector<1x16xf32>
    tpu.vector_store %arg9[%swap3A_518, %swap3A_519], %swap3A_522 {strides = array<i32>} : memref<16x128xf32, #tpu.memory_space<vmem>>, vector<1x16xf32>,
    %swap3A_523 = arith.constant 10 : i32
    %swap3A_524 = arith.index_cast %swap3A_523 : i32 to index
    %swap3A_525 = arith.constant 112 : index
    %swap3A_526 = tpu.vector_load %arg9[%swap3A_524, %swap3A_525] {strides = array<i32>} : memref<16x128xf32, #tpu.memory_space<vmem>>, vector<1x16xf32>,
    %swap3A_527 = vector.shape_cast %swap3A_526 : vector<1x16xf32> to vector<16xf32>
    %swap3A_528 = vector.shape_cast %broadcast_in_dim3A_1 : vector<16xf32> to vector<1x16xf32>
    tpu.vector_store %arg9[%swap3A_524, %swap3A_525], %swap3A_528 {strides = array<i32>} : memref<16x128xf32, #tpu.memory_space<vmem>>, vector<1x16xf32>,
    %swap3A_529 = arith.constant 11 : i32
    %swap3A_530 = arith.index_cast %swap3A_529 : i32 to index
    %swap3A_531 = arith.constant 0 : index
    %swap3A_532 = tpu.vector_load %arg9[%swap3A_530, %swap3A_531] {strides = array<i32>} : memref<16x128xf32, #tpu.memory_space<vmem>>, vector<1x16xf32>,
    %swap3A_533 = vector.shape_cast %swap3A_532 : vector<1x16xf32> to vector<16xf32>
    %swap3A_534 = vector.shape_cast %broadcast_in_dim3A_1 : vector<16xf32> to vector<1x16xf32>
    tpu.vector_store %arg9[%swap3A_530, %swap3A_531], %swap3A_534 {strides = array<i32>} : memref<16x128xf32, #tpu.memory_space<vmem>>, vector<1x16xf32>,
    %swap3A_535 = arith.constant 11 : i32
    %swap3A_536 = arith.index_cast %swap3A_535 : i32 to index
    %swap3A_537 = arith.constant 16 : index
    %swap3A_538 = tpu.vector_load %arg9[%swap3A_536, %swap3A_537] {strides = array<i32>} : memref<16x128xf32, #tpu.memory_space<vmem>>, vector<1x16xf32>,
    %swap3A_539 = vector.shape_cast %swap3A_538 : vector<1x16xf32> to vector<16xf32>
    %swap3A_540 = vector.shape_cast %broadcast_in_dim3A_1 : vector<16xf32> to vector<1x16xf32>
    tpu.vector_store %arg9[%swap3A_536, %swap3A_537], %swap3A_540 {strides = array<i32>} : memref<16x128xf32, #tpu.memory_space<vmem>>, vector<1x16xf32>,
    %swap3A_541 = arith.constant 11 : i32
    %swap3A_542 = arith.index_cast %swap3A_541 : i32 to index
    %swap3A_543 = arith.constant 32 : index
    %swap3A_544 = tpu.vector_load %arg9[%swap3A_542, %swap3A_543] {strides = array<i32>} : memref<16x128xf32, #tpu.memory_space<vmem>>, vector<1x16xf32>,
    %swap3A_545 = vector.shape_cast %swap3A_544 : vector<1x16xf32> to vector<16xf32>
    %swap3A_546 = vector.shape_cast %broadcast_in_dim3A_1 : vector<16xf32> to vector<1x16xf32>
    tpu.vector_store %arg9[%swap3A_542, %swap3A_543], %swap3A_546 {strides = array<i32>} : memref<16x128xf32, #tpu.memory_space<vmem>>, vector<1x16xf32>,
    %swap3A_547 = arith.constant 11 : i32
    %swap3A_548 = arith.index_cast %swap3A_547 : i32 to index
    %swap3A_549 = arith.constant 48 : index
    %swap3A_550 = tpu.vector_load %arg9[%swap3A_548, %swap3A_549] {strides = array<i32>} : memref<16x128xf32, #tpu.memory_space<vmem>>, vector<1x16xf32>,
    %swap3A_551 = vector.shape_cast %swap3A_550 : vector<1x16xf32> to vector<16xf32>
    %swap3A_552 = vector.shape_cast %broadcast_in_dim3A_1 : vector<16xf32> to vector<1x16xf32>
    tpu.vector_store %arg9[%swap3A_548, %swap3A_549], %swap3A_552 {strides = array<i32>} : memref<16x128xf32, #tpu.memory_space<vmem>>, vector<1x16xf32>,
    %swap3A_553 = arith.constant 11 : i32
    %swap3A_554 = arith.index_cast %swap3A_553 : i32 to index
    %swap3A_555 = arith.constant 64 : index
    %swap3A_556 = tpu.vector_load %arg9[%swap3A_554, %swap3A_555] {strides = array<i32>} : memref<16x128xf32, #tpu.memory_space<vmem>>, vector<1x16xf32>,
    %swap3A_557 = vector.shape_cast %swap3A_556 : vector<1x16xf32> to vector<16xf32>
    %swap3A_558 = vector.shape_cast %broadcast_in_dim3A_1 : vector<16xf32> to vector<1x16xf32>
    tpu.vector_store %arg9[%swap3A_554, %swap3A_555], %swap3A_558 {strides = array<i32>} : memref<16x128xf32, #tpu.memory_space<vmem>>, vector<1x16xf32>,
    %swap3A_559 = arith.constant 11 : i32
    %swap3A_560 = arith.index_cast %swap3A_559 : i32 to index
    %swap3A_561 = arith.constant 80 : index
    %swap3A_562 = tpu.vector_load %arg9[%swap3A_560, %swap3A_561] {strides = array<i32>} : memref<16x128xf32, #tpu.memory_space<vmem>>, vector<1x16xf32>,
    %swap3A_563 = vector.shape_cast %swap3A_562 : vector<1x16xf32> to vector<16xf32>
    %swap3A_564 = vector.shape_cast %broadcast_in_dim3A_1 : vector<16xf32> to vector<1x16xf32>
    tpu.vector_store %arg9[%swap3A_560, %swap3A_561], %swap3A_564 {strides = array<i32>} : memref<16x128xf32, #tpu.memory_space<vmem>>, vector<1x16xf32>,
    %swap3A_565 = arith.constant 11 : i32
    %swap3A_566 = arith.index_cast %swap3A_565 : i32 to index
    %swap3A_567 = arith.constant 96 : index
    %swap3A_568 = tpu.vector_load %arg9[%swap3A_566, %swap3A_567] {strides = array<i32>} : memref<16x128xf32, #tpu.memory_space<vmem>>, vector<1x16xf32>,
    %swap3A_569 = vector.shape_cast %swap3A_568 : vector<1x16xf32> to vector<16xf32>
    %swap3A_570 = vector.shape_cast %broadcast_in_dim3A_1 : vector<16xf32> to vector<1x16xf32>
    tpu.vector_store %arg9[%swap3A_566, %swap3A_567], %swap3A_570 {strides = array<i32>} : memref<16x128xf32, #tpu.memory_space<vmem>>, vector<1x16xf32>,
    %swap3A_571 = arith.constant 11 : i32
    %swap3A_572 = arith.index_cast %swap3A_571 : i32 to index
    %swap3A_573 = arith.constant 112 : index
    %swap3A_574 = tpu.vector_load %arg9[%swap3A_572, %swap3A_573] {strides = array<i32>} : memref<16x128xf32, #tpu.memory_space<vmem>>, vector<1x16xf32>,
    %swap3A_575 = vector.shape_cast %swap3A_574 : vector<1x16xf32> to vector<16xf32>
    %swap3A_576 = vector.shape_cast %broadcast_in_dim3A_1 : vector<16xf32> to vector<1x16xf32>
    tpu.vector_store %arg9[%swap3A_572, %swap3A_573], %swap3A_576 {strides = array<i32>} : memref<16x128xf32, #tpu.memory_space<vmem>>, vector<1x16xf32>,
    %swap3A_577 = arith.constant 12 : i32
    %swap3A_578 = arith.index_cast %swap3A_577 : i32 to index
    %swap3A_579 = arith.constant 0 : index
    %swap3A_580 = tpu.vector_load %arg9[%swap3A_578, %swap3A_579] {strides = array<i32>} : memref<16x128xf32, #tpu.memory_space<vmem>>, vector<1x16xf32>,
    %swap3A_581 = vector.shape_cast %swap3A_580 : vector<1x16xf32> to vector<16xf32>
    %swap3A_582 = vector.shape_cast %broadcast_in_dim3A_1 : vector<16xf32> to vector<1x16xf32>
    tpu.vector_store %arg9[%swap3A_578, %swap3A_579], %swap3A_582 {strides = array<i32>} : memref<16x128xf32, #tpu.memory_space<vmem>>, vector<1x16xf32>,
    %swap3A_583 = arith.constant 12 : i32
    %swap3A_584 = arith.index_cast %swap3A_583 : i32 to index
    %swap3A_585 = arith.constant 16 : index
    %swap3A_586 = tpu.vector_load %arg9[%swap3A_584, %swap3A_585] {strides = array<i32>} : memref<16x128xf32, #tpu.memory_space<vmem>>, vector<1x16xf32>,
    %swap3A_587 = vector.shape_cast %swap3A_586 : vector<1x16xf32> to vector<16xf32>
    %swap3A_588 = vector.shape_cast %broadcast_in_dim3A_1 : vector<16xf32> to vector<1x16xf32>
    tpu.vector_store %arg9[%swap3A_584, %swap3A_585], %swap3A_588 {strides = array<i32>} : memref<16x128xf32, #tpu.memory_space<vmem>>, vector<1x16xf32>,
    %swap3A_589 = arith.constant 12 : i32
    %swap3A_590 = arith.index_cast %swap3A_589 : i32 to index
    %swap3A_591 = arith.constant 32 : index
    %swap3A_592 = tpu.vector_load %arg9[%swap3A_590, %swap3A_591] {strides = array<i32>} : memref<16x128xf32, #tpu.memory_space<vmem>>, vector<1x16xf32>,
    %swap3A_593 = vector.shape_cast %swap3A_592 : vector<1x16xf32> to vector<16xf32>
    %swap3A_594 = vector.shape_cast %broadcast_in_dim3A_1 : vector<16xf32> to vector<1x16xf32>
    tpu.vector_store %arg9[%swap3A_590, %swap3A_591], %swap3A_594 {strides = array<i32>} : memref<16x128xf32, #tpu.memory_space<vmem>>, vector<1x16xf32>,
    %swap3A_595 = arith.constant 12 : i32
    %swap3A_596 = arith.index_cast %swap3A_595 : i32 to index
    %swap3A_597 = arith.constant 48 : index
    %swap3A_598 = tpu.vector_load %arg9[%swap3A_596, %swap3A_597] {strides = array<i32>} : memref<16x128xf32, #tpu.memory_space<vmem>>, vector<1x16xf32>,
    %swap3A_599 = vector.shape_cast %swap3A_598 : vector<1x16xf32> to vector<16xf32>
    %swap3A_600 = vector.shape_cast %broadcast_in_dim3A_1 : vector<16xf32> to vector<1x16xf32>
    tpu.vector_store %arg9[%swap3A_596, %swap3A_597], %swap3A_600 {strides = array<i32>} : memref<16x128xf32, #tpu.memory_space<vmem>>, vector<1x16xf32>,
    %swap3A_601 = arith.constant 12 : i32
    %swap3A_602 = arith.index_cast %swap3A_601 : i32 to index
    %swap3A_603 = arith.constant 64 : index
    %swap3A_604 = tpu.vector_load %arg9[%swap3A_602, %swap3A_603] {strides = array<i32>} : memref<16x128xf32, #tpu.memory_space<vmem>>, vector<1x16xf32>,
    %swap3A_605 = vector.shape_cast %swap3A_604 : vector<1x16xf32> to vector<16xf32>
    %swap3A_606 = vector.shape_cast %broadcast_in_dim3A_1 : vector<16xf32> to vector<1x16xf32>
    tpu.vector_store %arg9[%swap3A_602, %swap3A_603], %swap3A_606 {strides = array<i32>} : memref<16x128xf32, #tpu.memory_space<vmem>>, vector<1x16xf32>,
    %swap3A_607 = arith.constant 12 : i32
    %swap3A_608 = arith.index_cast %swap3A_607 : i32 to index
    %swap3A_609 = arith.constant 80 : index
    %swap3A_610 = tpu.vector_load %arg9[%swap3A_608, %swap3A_609] {strides = array<i32>} : memref<16x128xf32, #tpu.memory_space<vmem>>, vector<1x16xf32>,
    %swap3A_611 = vector.shape_cast %swap3A_610 : vector<1x16xf32> to vector<16xf32>
    %swap3A_612 = vector.shape_cast %broadcast_in_dim3A_1 : vector<16xf32> to vector<1x16xf32>
    tpu.vector_store %arg9[%swap3A_608, %swap3A_609], %swap3A_612 {strides = array<i32>} : memref<16x128xf32, #tpu.memory_space<vmem>>, vector<1x16xf32>,
    %swap3A_613 = arith.constant 12 : i32
    %swap3A_614 = arith.index_cast %swap3A_613 : i32 to index
    %swap3A_615 = arith.constant 96 : index
    %swap3A_616 = tpu.vector_load %arg9[%swap3A_614, %swap3A_615] {strides = array<i32>} : memref<16x128xf32, #tpu.memory_space<vmem>>, vector<1x16xf32>,
    %swap3A_617 = vector.shape_cast %swap3A_616 : vector<1x16xf32> to vector<16xf32>
    %swap3A_618 = vector.shape_cast %broadcast_in_dim3A_1 : vector<16xf32> to vector<1x16xf32>
    tpu.vector_store %arg9[%swap3A_614, %swap3A_615], %swap3A_618 {strides = array<i32>} : memref<16x128xf32, #tpu.memory_space<vmem>>, vector<1x16xf32>,
    %swap3A_619 = arith.constant 12 : i32
    %swap3A_620 = arith.index_cast %swap3A_619 : i32 to index
    %swap3A_621 = arith.constant 112 : index
    %swap3A_622 = tpu.vector_load %arg9[%swap3A_620, %swap3A_621] {strides = array<i32>} : memref<16x128xf32, #tpu.memory_space<vmem>>, vector<1x16xf32>,
    %swap3A_623 = vector.shape_cast %swap3A_622 : vector<1x16xf32> to vector<16xf32>
    %swap3A_624 = vector.shape_cast %broadcast_in_dim3A_1 : vector<16xf32> to vector<1x16xf32>
    tpu.vector_store %arg9[%swap3A_620, %swap3A_621], %swap3A_624 {strides = array<i32>} : memref<16x128xf32, #tpu.memory_space<vmem>>, vector<1x16xf32>,
    %swap3A_625 = arith.constant 13 : i32
    %swap3A_626 = arith.index_cast %swap3A_625 : i32 to index
    %swap3A_627 = arith.constant 0 : index
    %swap3A_628 = tpu.vector_load %arg9[%swap3A_626, %swap3A_627] {strides = array<i32>} : memref<16x128xf32, #tpu.memory_space<vmem>>, vector<1x16xf32>,
    %swap3A_629 = vector.shape_cast %swap3A_628 : vector<1x16xf32> to vector<16xf32>
    %swap3A_630 = vector.shape_cast %broadcast_in_dim3A_1 : vector<16xf32> to vector<1x16xf32>
    tpu.vector_store %arg9[%swap3A_626, %swap3A_627], %swap3A_630 {strides = array<i32>} : memref<16x128xf32, #tpu.memory_space<vmem>>, vector<1x16xf32>,
    %swap3A_631 = arith.constant 13 : i32
    %swap3A_632 = arith.index_cast %swap3A_631 : i32 to index
    %swap3A_633 = arith.constant 16 : index
    %swap3A_634 = tpu.vector_load %arg9[%swap3A_632, %swap3A_633] {strides = array<i32>} : memref<16x128xf32, #tpu.memory_space<vmem>>, vector<1x16xf32>,
    %swap3A_635 = vector.shape_cast %swap3A_634 : vector<1x16xf32> to vector<16xf32>
    %swap3A_636 = vector.shape_cast %broadcast_in_dim3A_1 : vector<16xf32> to vector<1x16xf32>
    tpu.vector_store %arg9[%swap3A_632, %swap3A_633], %swap3A_636 {strides = array<i32>} : memref<16x128xf32, #tpu.memory_space<vmem>>, vector<1x16xf32>,
    %swap3A_637 = arith.constant 13 : i32
    %swap3A_638 = arith.index_cast %swap3A_637 : i32 to index
    %swap3A_639 = arith.constant 32 : index
    %swap3A_640 = tpu.vector_load %arg9[%swap3A_638, %swap3A_639] {strides = array<i32>} : memref<16x128xf32, #tpu.memory_space<vmem>>, vector<1x16xf32>,
    %swap3A_641 = vector.shape_cast %swap3A_640 : vector<1x16xf32> to vector<16xf32>
    %swap3A_642 = vector.shape_cast %broadcast_in_dim3A_1 : vector<16xf32> to vector<1x16xf32>
    tpu.vector_store %arg9[%swap3A_638, %swap3A_639], %swap3A_642 {strides = array<i32>} : memref<16x128xf32, #tpu.memory_space<vmem>>, vector<1x16xf32>,
    %swap3A_643 = arith.constant 13 : i32
    %swap3A_644 = arith.index_cast %swap3A_643 : i32 to index
    %swap3A_645 = arith.constant 48 : index
    %swap3A_646 = tpu.vector_load %arg9[%swap3A_644, %swap3A_645] {strides = array<i32>} : memref<16x128xf32, #tpu.memory_space<vmem>>, vector<1x16xf32>,
    %swap3A_647 = vector.shape_cast %swap3A_646 : vector<1x16xf32> to vector<16xf32>
    %swap3A_648 = vector.shape_cast %broadcast_in_dim3A_1 : vector<16xf32> to vector<1x16xf32>
    tpu.vector_store %arg9[%swap3A_644, %swap3A_645], %swap3A_648 {strides = array<i32>} : memref<16x128xf32, #tpu.memory_space<vmem>>, vector<1x16xf32>,
    %swap3A_649 = arith.constant 13 : i32
    %swap3A_650 = arith.index_cast %swap3A_649 : i32 to index
    %swap3A_651 = arith.constant 64 : index
    %swap3A_652 = tpu.vector_load %arg9[%swap3A_650, %swap3A_651] {strides = array<i32>} : memref<16x128xf32, #tpu.memory_space<vmem>>, vector<1x16xf32>,
    %swap3A_653 = vector.shape_cast %swap3A_652 : vector<1x16xf32> to vector<16xf32>
    %swap3A_654 = vector.shape_cast %broadcast_in_dim3A_1 : vector<16xf32> to vector<1x16xf32>
    tpu.vector_store %arg9[%swap3A_650, %swap3A_651], %swap3A_654 {strides = array<i32>} : memref<16x128xf32, #tpu.memory_space<vmem>>, vector<1x16xf32>,
    %swap3A_655 = arith.constant 13 : i32
    %swap3A_656 = arith.index_cast %swap3A_655 : i32 to index
    %swap3A_657 = arith.constant 80 : index
    %swap3A_658 = tpu.vector_load %arg9[%swap3A_656, %swap3A_657] {strides = array<i32>} : memref<16x128xf32, #tpu.memory_space<vmem>>, vector<1x16xf32>,
    %swap3A_659 = vector.shape_cast %swap3A_658 : vector<1x16xf32> to vector<16xf32>
    %swap3A_660 = vector.shape_cast %broadcast_in_dim3A_1 : vector<16xf32> to vector<1x16xf32>
    tpu.vector_store %arg9[%swap3A_656, %swap3A_657], %swap3A_660 {strides = array<i32>} : memref<16x128xf32, #tpu.memory_space<vmem>>, vector<1x16xf32>,
    %swap3A_661 = arith.constant 13 : i32
    %swap3A_662 = arith.index_cast %swap3A_661 : i32 to index
    %swap3A_663 = arith.constant 96 : index
    %swap3A_664 = tpu.vector_load %arg9[%swap3A_662, %swap3A_663] {strides = array<i32>} : memref<16x128xf32, #tpu.memory_space<vmem>>, vector<1x16xf32>,
    %swap3A_665 = vector.shape_cast %swap3A_664 : vector<1x16xf32> to vector<16xf32>
    %swap3A_666 = vector.shape_cast %broadcast_in_dim3A_1 : vector<16xf32> to vector<1x16xf32>
    tpu.vector_store %arg9[%swap3A_662, %swap3A_663], %swap3A_666 {strides = array<i32>} : memref<16x128xf32, #tpu.memory_space<vmem>>, vector<1x16xf32>,
    %swap3A_667 = arith.constant 13 : i32
    %swap3A_668 = arith.index_cast %swap3A_667 : i32 to index
    %swap3A_669 = arith.constant 112 : index
    %swap3A_670 = tpu.vector_load %arg9[%swap3A_668, %swap3A_669] {strides = array<i32>} : memref<16x128xf32, #tpu.memory_space<vmem>>, vector<1x16xf32>,
    %swap3A_671 = vector.shape_cast %swap3A_670 : vector<1x16xf32> to vector<16xf32>
    %swap3A_672 = vector.shape_cast %broadcast_in_dim3A_1 : vector<16xf32> to vector<1x16xf32>
    tpu.vector_store %arg9[%swap3A_668, %swap3A_669], %swap3A_672 {strides = array<i32>} : memref<16x128xf32, #tpu.memory_space<vmem>>, vector<1x16xf32>,
    %swap3A_673 = arith.constant 14 : i32
    %swap3A_674 = arith.index_cast %swap3A_673 : i32 to index
    %swap3A_675 = arith.constant 0 : index
    %swap3A_676 = tpu.vector_load %arg9[%swap3A_674, %swap3A_675] {strides = array<i32>} : memref<16x128xf32, #tpu.memory_space<vmem>>, vector<1x16xf32>,
    %swap3A_677 = vector.shape_cast %swap3A_676 : vector<1x16xf32> to vector<16xf32>
    %swap3A_678 = vector.shape_cast %broadcast_in_dim3A_1 : vector<16xf32> to vector<1x16xf32>
    tpu.vector_store %arg9[%swap3A_674, %swap3A_675], %swap3A_678 {strides = array<i32>} : memref<16x128xf32, #tpu.memory_space<vmem>>, vector<1x16xf32>,
    %swap3A_679 = arith.constant 14 : i32
    %swap3A_680 = arith.index_cast %swap3A_679 : i32 to index
    %swap3A_681 = arith.constant 16 : index
    %swap3A_682 = tpu.vector_load %arg9[%swap3A_680, %swap3A_681] {strides = array<i32>} : memref<16x128xf32, #tpu.memory_space<vmem>>, vector<1x16xf32>,
    %swap3A_683 = vector.shape_cast %swap3A_682 : vector<1x16xf32> to vector<16xf32>
    %swap3A_684 = vector.shape_cast %broadcast_in_dim3A_1 : vector<16xf32> to vector<1x16xf32>
    tpu.vector_store %arg9[%swap3A_680, %swap3A_681], %swap3A_684 {strides = array<i32>} : memref<16x128xf32, #tpu.memory_space<vmem>>, vector<1x16xf32>,
    %swap3A_685 = arith.constant 14 : i32
    %swap3A_686 = arith.index_cast %swap3A_685 : i32 to index
    %swap3A_687 = arith.constant 32 : index
    %swap3A_688 = tpu.vector_load %arg9[%swap3A_686, %swap3A_687] {strides = array<i32>} : memref<16x128xf32, #tpu.memory_space<vmem>>, vector<1x16xf32>,
    %swap3A_689 = vector.shape_cast %swap3A_688 : vector<1x16xf32> to vector<16xf32>
    %swap3A_690 = vector.shape_cast %broadcast_in_dim3A_1 : vector<16xf32> to vector<1x16xf32>
    tpu.vector_store %arg9[%swap3A_686, %swap3A_687], %swap3A_690 {strides = array<i32>} : memref<16x128xf32, #tpu.memory_space<vmem>>, vector<1x16xf32>,
    %swap3A_691 = arith.constant 14 : i32
    %swap3A_692 = arith.index_cast %swap3A_691 : i32 to index
    %swap3A_693 = arith.constant 48 : index
    %swap3A_694 = tpu.vector_load %arg9[%swap3A_692, %swap3A_693] {strides = array<i32>} : memref<16x128xf32, #tpu.memory_space<vmem>>, vector<1x16xf32>,
    %swap3A_695 = vector.shape_cast %swap3A_694 : vector<1x16xf32> to vector<16xf32>
    %swap3A_696 = vector.shape_cast %broadcast_in_dim3A_1 : vector<16xf32> to vector<1x16xf32>
    tpu.vector_store %arg9[%swap3A_692, %swap3A_693], %swap3A_696 {strides = array<i32>} : memref<16x128xf32, #tpu.memory_space<vmem>>, vector<1x16xf32>,
    %swap3A_697 = arith.constant 14 : i32
    %swap3A_698 = arith.index_cast %swap3A_697 : i32 to index
    %swap3A_699 = arith.constant 64 : index
    %swap3A_700 = tpu.vector_load %arg9[%swap3A_698, %swap3A_699] {strides = array<i32>} : memref<16x128xf32, #tpu.memory_space<vmem>>, vector<1x16xf32>,
    %swap3A_701 = vector.shape_cast %swap3A_700 : vector<1x16xf32> to vector<16xf32>
    %swap3A_702 = vector.shape_cast %broadcast_in_dim3A_1 : vector<16xf32> to vector<1x16xf32>
    tpu.vector_store %arg9[%swap3A_698, %swap3A_699], %swap3A_702 {strides = array<i32>} : memref<16x128xf32, #tpu.memory_space<vmem>>, vector<1x16xf32>,
    %swap3A_703 = arith.constant 14 : i32
    %swap3A_704 = arith.index_cast %swap3A_703 : i32 to index
    %swap3A_705 = arith.constant 80 : index
    %swap3A_706 = tpu.vector_load %arg9[%swap3A_704, %swap3A_705] {strides = array<i32>} : memref<16x128xf32, #tpu.memory_space<vmem>>, vector<1x16xf32>,
    %swap3A_707 = vector.shape_cast %swap3A_706 : vector<1x16xf32> to vector<16xf32>
    %swap3A_708 = vector.shape_cast %broadcast_in_dim3A_1 : vector<16xf32> to vector<1x16xf32>
    tpu.vector_store %arg9[%swap3A_704, %swap3A_705], %swap3A_708 {strides = array<i32>} : memref<16x128xf32, #tpu.memory_space<vmem>>, vector<1x16xf32>,
    %swap3A_709 = arith.constant 14 : i32
    %swap3A_710 = arith.index_cast %swap3A_709 : i32 to index
    %swap3A_711 = arith.constant 96 : index
    %swap3A_712 = tpu.vector_load %arg9[%swap3A_710, %swap3A_711] {strides = array<i32>} : memref<16x128xf32, #tpu.memory_space<vmem>>, vector<1x16xf32>,
    %swap3A_713 = vector.shape_cast %swap3A_712 : vector<1x16xf32> to vector<16xf32>
    %swap3A_714 = vector.shape_cast %broadcast_in_dim3A_1 : vector<16xf32> to vector<1x16xf32>
    tpu.vector_store %arg9[%swap3A_710, %swap3A_711], %swap3A_714 {strides = array<i32>} : memref<16x128xf32, #tpu.memory_space<vmem>>, vector<1x16xf32>,
    %swap3A_715 = arith.constant 14 : i32
    %swap3A_716 = arith.index_cast %swap3A_715 : i32 to index
    %swap3A_717 = arith.constant 112 : index
    %swap3A_718 = tpu.vector_load %arg9[%swap3A_716, %swap3A_717] {strides = array<i32>} : memref<16x128xf32, #tpu.memory_space<vmem>>, vector<1x16xf32>,
    %swap3A_719 = vector.shape_cast %swap3A_718 : vector<1x16xf32> to vector<16xf32>
    %swap3A_720 = vector.shape_cast %broadcast_in_dim3A_1 : vector<16xf32> to vector<1x16xf32>
    tpu.vector_store %arg9[%swap3A_716, %swap3A_717], %swap3A_720 {strides = array<i32>} : memref<16x128xf32, #tpu.memory_space<vmem>>, vector<1x16xf32>,
    %swap3A_721 = arith.constant 15 : i32
    %swap3A_722 = arith.index_cast %swap3A_721 : i32 to index
    %swap3A_723 = arith.constant 0 : index
    %swap3A_724 = tpu.vector_load %arg9[%swap3A_722, %swap3A_723] {strides = array<i32>} : memref<16x128xf32, #tpu.memory_space<vmem>>, vector<1x16xf32>,
    %swap3A_725 = vector.shape_cast %swap3A_724 : vector<1x16xf32> to vector<16xf32>
    %swap3A_726 = vector.shape_cast %broadcast_in_dim3A_1 : vector<16xf32> to vector<1x16xf32>
    tpu.vector_store %arg9[%swap3A_722, %swap3A_723], %swap3A_726 {strides = array<i32>} : memref<16x128xf32, #tpu.memory_space<vmem>>, vector<1x16xf32>,
    %swap3A_727 = arith.constant 15 : i32
    %swap3A_728 = arith.index_cast %swap3A_727 : i32 to index
    %swap3A_729 = arith.constant 16 : index
    %swap3A_730 = tpu.vector_load %arg9[%swap3A_728, %swap3A_729] {strides = array<i32>} : memref<16x128xf32, #tpu.memory_space<vmem>>, vector<1x16xf32>,
    %swap3A_731 = vector.shape_cast %swap3A_730 : vector<1x16xf32> to vector<16xf32>
    %swap3A_732 = vector.shape_cast %broadcast_in_dim3A_1 : vector<16xf32> to vector<1x16xf32>
    tpu.vector_store %arg9[%swap3A_728, %swap3A_729], %swap3A_732 {strides = array<i32>} : memref<16x128xf32, #tpu.memory_space<vmem>>, vector<1x16xf32>,
    %swap3A_733 = arith.constant 15 : i32
    %swap3A_734 = arith.index_cast %swap3A_733 : i32 to index
    %swap3A_735 = arith.constant 32 : index
    %swap3A_736 = tpu.vector_load %arg9[%swap3A_734, %swap3A_735] {strides = array<i32>} : memref<16x128xf32, #tpu.memory_space<vmem>>, vector<1x16xf32>,
    %swap3A_737 = vector.shape_cast %swap3A_736 : vector<1x16xf32> to vector<16xf32>
    %swap3A_738 = vector.shape_cast %broadcast_in_dim3A_1 : vector<16xf32> to vector<1x16xf32>
    tpu.vector_store %arg9[%swap3A_734, %swap3A_735], %swap3A_738 {strides = array<i32>} : memref<16x128xf32, #tpu.memory_space<vmem>>, vector<1x16xf32>,
    %swap3A_739 = arith.constant 15 : i32
    %swap3A_740 = arith.index_cast %swap3A_739 : i32 to index
    %swap3A_741 = arith.constant 48 : index
    %swap3A_742 = tpu.vector_load %arg9[%swap3A_740, %swap3A_741] {strides = array<i32>} : memref<16x128xf32, #tpu.memory_space<vmem>>, vector<1x16xf32>,
    %swap3A_743 = vector.shape_cast %swap3A_742 : vector<1x16xf32> to vector<16xf32>
    %swap3A_744 = vector.shape_cast %broadcast_in_dim3A_1 : vector<16xf32> to vector<1x16xf32>
    tpu.vector_store %arg9[%swap3A_740, %swap3A_741], %swap3A_744 {strides = array<i32>} : memref<16x128xf32, #tpu.memory_space<vmem>>, vector<1x16xf32>,
    %swap3A_745 = arith.constant 15 : i32
    %swap3A_746 = arith.index_cast %swap3A_745 : i32 to index
    %swap3A_747 = arith.constant 64 : index
    %swap3A_748 = tpu.vector_load %arg9[%swap3A_746, %swap3A_747] {strides = array<i32>} : memref<16x128xf32, #tpu.memory_space<vmem>>, vector<1x16xf32>,
    %swap3A_749 = vector.shape_cast %swap3A_748 : vector<1x16xf32> to vector<16xf32>
    %swap3A_750 = vector.shape_cast %broadcast_in_dim3A_1 : vector<16xf32> to vector<1x16xf32>
    tpu.vector_store %arg9[%swap3A_746, %swap3A_747], %swap3A_750 {strides = array<i32>} : memref<16x128xf32, #tpu.memory_space<vmem>>, vector<1x16xf32>,
    %swap3A_751 = arith.constant 15 : i32
    %swap3A_752 = arith.index_cast %swap3A_751 : i32 to index
    %swap3A_753 = arith.constant 80 : index
    %swap3A_754 = tpu.vector_load %arg9[%swap3A_752, %swap3A_753] {strides = array<i32>} : memref<16x128xf32, #tpu.memory_space<vmem>>, vector<1x16xf32>,
    %swap3A_755 = vector.shape_cast %swap3A_754 : vector<1x16xf32> to vector<16xf32>
    %swap3A_756 = vector.shape_cast %broadcast_in_dim3A_1 : vector<16xf32> to vector<1x16xf32>
    tpu.vector_store %arg9[%swap3A_752, %swap3A_753], %swap3A_756 {strides = array<i32>} : memref<16x128xf32, #tpu.memory_space<vmem>>, vector<1x16xf32>,
    %swap3A_757 = arith.constant 15 : i32
    %swap3A_758 = arith.index_cast %swap3A_757 : i32 to index
    %swap3A_759 = arith.constant 96 : index
    %swap3A_760 = tpu.vector_load %arg9[%swap3A_758, %swap3A_759] {strides = array<i32>} : memref<16x128xf32, #tpu.memory_space<vmem>>, vector<1x16xf32>,
    %swap3A_761 = vector.shape_cast %swap3A_760 : vector<1x16xf32> to vector<16xf32>
    %swap3A_762 = vector.shape_cast %broadcast_in_dim3A_1 : vector<16xf32> to vector<1x16xf32>
    tpu.vector_store %arg9[%swap3A_758, %swap3A_759], %swap3A_762 {strides = array<i32>} : memref<16x128xf32, #tpu.memory_space<vmem>>, vector<1x16xf32>,
    %swap3A_763 = arith.constant 15 : i32
    %swap3A_764 = arith.index_cast %swap3A_763 : i32 to index
    %swap3A_765 = arith.constant 112 : index
    %swap3A_766 = tpu.vector_load %arg9[%swap3A_764, %swap3A_765] {strides = array<i32>} : memref<16x128xf32, #tpu.memory_space<vmem>>, vector<1x16xf32>,
    %swap3A_767 = vector.shape_cast %swap3A_766 : vector<1x16xf32> to vector<16xf32>
    %swap3A_768 = vector.shape_cast %broadcast_in_dim3A_1 : vector<16xf32> to vector<1x16xf32>
    tpu.vector_store %arg9[%swap3A_764, %swap3A_765], %swap3A_768 {strides = array<i32>} : memref<16x128xf32, #tpu.memory_space<vmem>>, vector<1x16xf32>,
    %scan3A = arith.constant 0 : i32
    %scan3A_769 = arith.constant 0 : i32
    %scan3A_770 = arith.constant 40 : i32
    %scan3A_771 = arith.addi %scan3A_769, %scan3A_770 : i32
    %scan3A_772 = arith.constant 1 : i32
    scf.for %scan3A_787 = %scan3A_769 to %scan3A_771 step %scan3A_772  : i32 {
      %mul3A_788 = arith.constant 640 : i32
      %mul3A_789 = arith.muli %arg1, %mul3A_788 : i32
      %mul3A_790 = arith.constant 16 : i32
      %mul3A_791 = arith.muli %scan3A_787, %mul3A_790 : i32
      %add3A_792 = arith.addi %mul3A_789, %mul3A_791 : i32
      "tpu.region"() ({
        %run_scoped3A = tpu.sem_alloc : memref<!tpu.dma_semaphore, #tpu.memory_space<semaphore_mem>>
        %dma_start3A = arith.constant 0 : i32
        %dma_start3A_793 = tpu.memref_slice %arg10[%add3A_792, %dma_start3A] : memref<10240x128xf32, #tpu.memory_space<vmem_shared>> -> memref<16x128xf32, #tpu.memory_space<vmem_shared>>
        %dma_start3A_794 = arith.constant 0 : i32
        %dma_start3A_795 = tpu.memref_slice %arg10[%add3A_792, %dma_start3A_794] : memref<10240x128xf32, #tpu.memory_space<vmem_shared>> -> memref<16x128xf32, #tpu.memory_space<vmem_shared>>
        tpu.enqueue_dma source(%arg9 : memref<16x128xf32, #tpu.memory_space<vmem>>) target(%dma_start3A_795 : memref<16x128xf32, #tpu.memory_space<vmem_shared>>) target_semaphore(%run_scoped3A : memref<!tpu.dma_semaphore, #tpu.memory_space<semaphore_mem>>)
        %dma_wait3A = arith.constant 0 : i32
        %dma_wait3A_796 = tpu.memref_slice %arg10[%add3A_792, %dma_wait3A] : memref<10240x128xf32, #tpu.memory_space<vmem_shared>> -> memref<16x128xf32, #tpu.memory_space<vmem_shared>>
        %dma_wait3A_797 = arith.constant 0 : i32
        %dma_wait3A_798 = tpu.memref_slice %arg10[%add3A_792, %dma_wait3A_797] : memref<10240x128xf32, #tpu.memory_space<vmem_shared>> -> memref<16x128xf32, #tpu.memory_space<vmem_shared>>
        tpu.wait_dma2 semaphore(%run_scoped3A : memref<!tpu.dma_semaphore, #tpu.memory_space<semaphore_mem>>) src(%arg9 : memref<16x128xf32, #tpu.memory_space<vmem>>) dst(%dma_wait3A_798 : memref<16x128xf32, #tpu.memory_space<vmem_shared>>)
        tpu.yield
      }) : () -> ()
    }
    %scan3A_773 = arith.constant 40 : i32
    %barrier3A = arith.constant 0 : index
    tpu.barrier barrier_id(%barrier3A)
    %mul3A_774 = arith.constant 10000 : i32
    %mul3A_775 = arith.muli %add3A, %mul3A_774 : i32
    %scan3A_776 = arith.constant 0 : i32
    %scan3A_777 = arith.constant 0 : i32
    %scan3A_778 = arith.constant 125 : i32
    %scan3A_779 = arith.addi %scan3A_777, %scan3A_778 : i32
    %scan3A_780 = arith.constant 1 : i32
    scf.for %scan3A_787 = %scan3A_777 to %scan3A_779 step %scan3A_780  : i32 {
      %mul3A_788 = arith.constant 80 : i32
      %mul3A_789 = arith.muli %scan3A_787, %mul3A_788 : i32
      %add3A_790 = arith.addi %mul3A_775, %mul3A_789 : i32
      "tpu.region"() ({
        %run_scoped3A = tpu.sem_alloc : memref<!tpu.dma_semaphore, #tpu.memory_space<semaphore_mem>>
        %dma_start3A_795 = tpu.memref_slice %arg3[%add3A_790] : memref<320000xi32, #tpu.memory_space<hbm>> -> memref<80xi32, #tpu.memory_space<hbm>>
        %dma_start3A_796 = tpu.memref_slice %arg3[%add3A_790] : memref<320000xi32, #tpu.memory_space<hbm>> -> memref<80xi32, #tpu.memory_space<hbm>>
        tpu.enqueue_dma source(%dma_start3A_796 : memref<80xi32, #tpu.memory_space<hbm>>) target(%arg6 : memref<80xi32, #tpu.memory_space<vmem>>) target_semaphore(%run_scoped3A : memref<!tpu.dma_semaphore, #tpu.memory_space<semaphore_mem>>)
        %dma_wait3A_797 = tpu.memref_slice %arg3[%add3A_790] : memref<320000xi32, #tpu.memory_space<hbm>> -> memref<80xi32, #tpu.memory_space<hbm>>
        %dma_wait3A_798 = tpu.memref_slice %arg3[%add3A_790] : memref<320000xi32, #tpu.memory_space<hbm>> -> memref<80xi32, #tpu.memory_space<hbm>>
        tpu.wait_dma2 semaphore(%run_scoped3A : memref<!tpu.dma_semaphore, #tpu.memory_space<semaphore_mem>>) src(%dma_wait3A_798 : memref<80xi32, #tpu.memory_space<hbm>>) dst(%arg6 : memref<80xi32, #tpu.memory_space<vmem>>)
        tpu.yield
      }) : () -> ()
      "tpu.region"() ({
        %run_scoped3A = tpu.sem_alloc : memref<!tpu.dma_semaphore, #tpu.memory_space<semaphore_mem>>
        %dma_start3A_795 = tpu.memref_slice %arg4[%add3A_790] : memref<320000xi32, #tpu.memory_space<hbm>> -> memref<80xi32, #tpu.memory_space<hbm>>
        %dma_start3A_796 = tpu.memref_slice %arg4[%add3A_790] : memref<320000xi32, #tpu.memory_space<hbm>> -> memref<80xi32, #tpu.memory_space<hbm>>
        tpu.enqueue_dma source(%dma_start3A_796 : memref<80xi32, #tpu.memory_space<hbm>>) target(%arg7 : memref<80xi32, #tpu.memory_space<vmem>>) target_semaphore(%run_scoped3A : memref<!tpu.dma_semaphore, #tpu.memory_space<semaphore_mem>>)
        %dma_wait3A_797 = tpu.memref_slice %arg4[%add3A_790] : memref<320000xi32, #tpu.memory_space<hbm>> -> memref<80xi32, #tpu.memory_space<hbm>>
        %dma_wait3A_798 = tpu.memref_slice %arg4[%add3A_790] : memref<320000xi32, #tpu.memory_space<hbm>> -> memref<80xi32, #tpu.memory_space<hbm>>
        tpu.wait_dma2 semaphore(%run_scoped3A : memref<!tpu.dma_semaphore, #tpu.memory_space<semaphore_mem>>) src(%dma_wait3A_798 : memref<80xi32, #tpu.memory_space<hbm>>) dst(%arg7 : memref<80xi32, #tpu.memory_space<vmem>>)
        tpu.yield
      }) : () -> ()
      %dma_start3A = arith.constant 0 : i32
      %dma_start3A_791 = arith.constant 0 : i32
      %dma_start3A_792 = tpu.memref_slice %arg2[%dma_start3A, %dma_start3A_791] : memref<10240x128xf32, #tpu.memory_space<hbm>> -> memref<10240x128xf32, #tpu.memory_space<hbm>>
      tpu.enqueue_indirect_dma source(%dma_start3A_792 : memref<10240x128xf32, #tpu.memory_space<hbm>>) target(%arg8 : memref<80x128xf32, #tpu.memory_space<vmem>>) offsets(%arg6 : memref<80xi32, #tpu.memory_space<vmem>>) semaphore(%arg11 : memref<!tpu.dma_semaphore, #tpu.memory_space<semaphore_mem>>)
      %dma_wait3A = arith.constant 0 : i32
      %dma_wait3A_793 = arith.constant 0 : i32
      %dma_wait3A_794 = tpu.memref_slice %arg2[%dma_wait3A, %dma_wait3A_793] : memref<10240x128xf32, #tpu.memory_space<hbm>> -> memref<10240x128xf32, #tpu.memory_space<hbm>>
      tpu.wait_indirect_dma semaphore(%arg11 : memref<!tpu.dma_semaphore, #tpu.memory_space<semaphore_mem>>) src(%dma_wait3A_794 : memref<10240x128xf32, #tpu.memory_space<hbm>>) dst(%arg8 : memref<80x128xf32, #tpu.memory_space<vmem>>)
      "tpu.region"() ({
        %run_scoped3A = tpu.sem_alloc : memref<!tpu.dma_semaphore, #tpu.memory_space<semaphore_mem>>
        %dma_start3A_795 = arith.constant 0 : i32
        %dma_start3A_796 = arith.constant 0 : i32
        %dma_start3A_797 = tpu.memref_slice %arg10[%dma_start3A_795, %dma_start3A_796] : memref<10240x128xf32, #tpu.memory_space<vmem_shared>> -> memref<10240x128xf32, #tpu.memory_space<vmem_shared>>
        tpu.enqueue_indirect_dma source(%arg8 : memref<80x128xf32, #tpu.memory_space<vmem>>) target(%dma_start3A_797 : memref<10240x128xf32, #tpu.memory_space<vmem_shared>>) offsets(%arg7 : memref<80xi32, #tpu.memory_space<vmem>>) semaphore(%run_scoped3A : memref<!tpu.dma_semaphore, #tpu.memory_space<semaphore_mem>>) {add = true}
        %dma_wait3A_798 = arith.constant 0 : i32
        %dma_wait3A_799 = arith.constant 0 : i32
        %dma_wait3A_800 = tpu.memref_slice %arg10[%dma_wait3A_798, %dma_wait3A_799] : memref<10240x128xf32, #tpu.memory_space<vmem_shared>> -> memref<10240x128xf32, #tpu.memory_space<vmem_shared>>
        tpu.wait_indirect_dma semaphore(%run_scoped3A : memref<!tpu.dma_semaphore, #tpu.memory_space<semaphore_mem>>) src(%arg8 : memref<80x128xf32, #tpu.memory_space<vmem>>) dst(%dma_wait3A_800 : memref<10240x128xf32, #tpu.memory_space<vmem_shared>>)
        tpu.yield
      }) : () -> ()
    }
    %scan3A_781 = arith.constant 125 : i32
    %barrier3A_782 = arith.constant 0 : index
    tpu.barrier barrier_id(%barrier3A_782)
    %mul3A_783 = arith.constant 640 : i32
    %mul3A_784 = arith.muli %arg1, %mul3A_783 : i32
    %mul3A_785 = arith.constant 640 : i32
    %mul3A_786 = arith.muli %arg1, %mul3A_785 : i32
    "tpu.region"() ({
      %run_scoped3A = tpu.sem_alloc : memref<!tpu.dma_semaphore, #tpu.memory_space<semaphore_mem>>
      %dma_start3A = arith.constant 0 : i32
      %dma_start3A_787 = tpu.memref_slice %arg5[%arg0, %mul3A_786, %dma_start3A] : memref<2x10240x128xf32, #tpu.memory_space<hbm>> -> memref<1x640x128xf32, #tpu.memory_space<hbm>>
      %dma_start3A_788 = tpu.memref_squeeze %dma_start3A_787 : memref<1x640x128xf32, #tpu.memory_space<hbm>> -> memref<640x128xf32, #tpu.memory_space<hbm>>
      %dma_start3A_789 = arith.constant 0 : i32
      %dma_start3A_790 = tpu.memref_slice %arg10[%mul3A_784, %dma_start3A_789] : memref<10240x128xf32, #tpu.memory_space<vmem_shared>> -> memref<640x128xf32, #tpu.memory_space<vmem_shared>>
      tpu.enqueue_dma source(%dma_start3A_790 : memref<640x128xf32, #tpu.memory_space<vmem_shared>>) target(%dma_start3A_788 : memref<640x128xf32, #tpu.memory_space<hbm>>) target_semaphore(%run_scoped3A : memref<!tpu.dma_semaphore, #tpu.memory_space<semaphore_mem>>)
      %dma_wait3A = arith.constant 0 : i32
      %dma_wait3A_791 = tpu.memref_slice %arg5[%arg0, %mul3A_786, %dma_wait3A] : memref<2x10240x128xf32, #tpu.memory_space<hbm>> -> memref<1x640x128xf32, #tpu.memory_space<hbm>>
      %dma_wait3A_792 = tpu.memref_squeeze %dma_wait3A_791 : memref<1x640x128xf32, #tpu.memory_space<hbm>> -> memref<640x128xf32, #tpu.memory_space<hbm>>
      %dma_wait3A_793 = arith.constant 0 : i32
      %dma_wait3A_794 = tpu.memref_slice %arg10[%mul3A_784, %dma_wait3A_793] : memref<10240x128xf32, #tpu.memory_space<vmem_shared>> -> memref<640x128xf32, #tpu.memory_space<vmem_shared>>
      tpu.wait_dma2 semaphore(%run_scoped3A : memref<!tpu.dma_semaphore, #tpu.memory_space<semaphore_mem>>) src(%dma_wait3A_794 : memref<640x128xf32, #tpu.memory_space<vmem_shared>>) dst(%dma_wait3A_792 : memref<640x128xf32, #tpu.memory_space<hbm>>)
      tpu.yield
    }) : () -> ()
    return
  }
}

#map = affine_map<(d0, d1) -> (0, 0)>
#map1 = affine_map<(d0, d1) -> (0)>
module attributes {stable_mosaic.version = 14 : i64} {
  func.func @_final_sc(%arg0: i32, %arg1: i32, %arg2: memref<10240x32xf32, #tpu.memory_space<hbm>>, %arg3: memref<4356x128xf32, #tpu.memory_space<hbm>>, %arg4: memref<10240xi32, #tpu.memory_space<hbm>>, %arg5: memref<10240x32xf32, #tpu.memory_space<hbm>>, %arg6: memref<64xi32, #tpu.memory_space<vmem>>, %arg7: memref<64x32xf32, #tpu.memory_space<vmem>>, %arg8: memref<64x128xf32, #tpu.memory_space<vmem>>, %arg9: memref<!tpu.dma_semaphore, #tpu.memory_space<semaphore_mem>>) attributes {dimension_semantics = [#tpu.dimension_semantics<core_parallel>, #tpu.dimension_semantics<subcore_parallel>], iteration_bounds = array<i64: 2, 16>, scalar_prefetch = 0 : i64, scratch_operands = 4 : i64, tpu.core_type = #tpu.core_type<sc_vector_subcore>, window_params = [{transform_indices = #map}, {transform_indices = #map}, {transform_indices = #map1}, {transform_indices = #map}]} {
    %mul3A = arith.constant 2 : i32
    %mul3A_0 = arith.muli %arg1, %mul3A : i32
    %add3A = arith.addi %mul3A_0, %arg0 : i32
    %mul3A_1 = arith.constant 320 : i32
    %mul3A_2 = arith.muli %add3A, %mul3A_1 : i32
    %add3A_3 = arith.constant 0 : i32
    %add3A_4 = arith.addi %mul3A_2, %add3A_3 : i32
    "tpu.region"() ({
      %run_scoped3A = tpu.sem_alloc : memref<!tpu.dma_semaphore, #tpu.memory_space<semaphore_mem>>
      %dma_start3A_78 = tpu.memref_slice %arg4[%add3A_4] : memref<10240xi32, #tpu.memory_space<hbm>> -> memref<64xi32, #tpu.memory_space<hbm>>
      %dma_start3A_79 = tpu.memref_slice %arg4[%add3A_4] : memref<10240xi32, #tpu.memory_space<hbm>> -> memref<64xi32, #tpu.memory_space<hbm>>
      tpu.enqueue_dma source(%dma_start3A_79 : memref<64xi32, #tpu.memory_space<hbm>>) target(%arg6 : memref<64xi32, #tpu.memory_space<vmem>>) target_semaphore(%run_scoped3A : memref<!tpu.dma_semaphore, #tpu.memory_space<semaphore_mem>>)
      %dma_wait3A_80 = tpu.memref_slice %arg4[%add3A_4] : memref<10240xi32, #tpu.memory_space<hbm>> -> memref<64xi32, #tpu.memory_space<hbm>>
      %dma_wait3A_81 = tpu.memref_slice %arg4[%add3A_4] : memref<10240xi32, #tpu.memory_space<hbm>> -> memref<64xi32, #tpu.memory_space<hbm>>
      tpu.wait_dma2 semaphore(%run_scoped3A : memref<!tpu.dma_semaphore, #tpu.memory_space<semaphore_mem>>) src(%dma_wait3A_81 : memref<64xi32, #tpu.memory_space<hbm>>) dst(%arg6 : memref<64xi32, #tpu.memory_space<vmem>>)
      tpu.yield
    }) : () -> ()
    "tpu.region"() ({
      %run_scoped3A = tpu.sem_alloc : memref<!tpu.dma_semaphore, #tpu.memory_space<semaphore_mem>>
      %dma_start3A_78 = arith.constant 0 : i32
      %dma_start3A_79 = tpu.memref_slice %arg2[%add3A_4, %dma_start3A_78] : memref<10240x32xf32, #tpu.memory_space<hbm>> -> memref<64x32xf32, #tpu.memory_space<hbm>>
      %dma_start3A_80 = arith.constant 0 : i32
      %dma_start3A_81 = tpu.memref_slice %arg2[%add3A_4, %dma_start3A_80] : memref<10240x32xf32, #tpu.memory_space<hbm>> -> memref<64x32xf32, #tpu.memory_space<hbm>>
      tpu.enqueue_dma source(%dma_start3A_81 : memref<64x32xf32, #tpu.memory_space<hbm>>) target(%arg7 : memref<64x32xf32, #tpu.memory_space<vmem>>) target_semaphore(%run_scoped3A : memref<!tpu.dma_semaphore, #tpu.memory_space<semaphore_mem>>)
      %dma_wait3A_82 = arith.constant 0 : i32
      %dma_wait3A_83 = tpu.memref_slice %arg2[%add3A_4, %dma_wait3A_82] : memref<10240x32xf32, #tpu.memory_space<hbm>> -> memref<64x32xf32, #tpu.memory_space<hbm>>
      %dma_wait3A_84 = arith.constant 0 : i32
      %dma_wait3A_85 = tpu.memref_slice %arg2[%add3A_4, %dma_wait3A_84] : memref<10240x32xf32, #tpu.memory_space<hbm>> -> memref<64x32xf32, #tpu.memory_space<hbm>>
      tpu.wait_dma2 semaphore(%run_scoped3A : memref<!tpu.dma_semaphore, #tpu.memory_space<semaphore_mem>>) src(%dma_wait3A_85 : memref<64x32xf32, #tpu.memory_space<hbm>>) dst(%arg7 : memref<64x32xf32, #tpu.memory_space<vmem>>)
      tpu.yield
    }) : () -> ()
    %dma_start3A = arith.constant 0 : i32
    %dma_start3A_5 = arith.constant 0 : i32
    %dma_start3A_6 = tpu.memref_slice %arg3[%dma_start3A, %dma_start3A_5] : memref<4356x128xf32, #tpu.memory_space<hbm>> -> memref<4356x128xf32, #tpu.memory_space<hbm>>
    tpu.enqueue_indirect_dma source(%dma_start3A_6 : memref<4356x128xf32, #tpu.memory_space<hbm>>) target(%arg8 : memref<64x128xf32, #tpu.memory_space<vmem>>) offsets(%arg6 : memref<64xi32, #tpu.memory_space<vmem>>) semaphore(%arg9 : memref<!tpu.dma_semaphore, #tpu.memory_space<semaphore_mem>>)
    %dma_wait3A = arith.constant 0 : i32
    %dma_wait3A_7 = arith.constant 0 : i32
    %dma_wait3A_8 = tpu.memref_slice %arg3[%dma_wait3A, %dma_wait3A_7] : memref<4356x128xf32, #tpu.memory_space<hbm>> -> memref<4356x128xf32, #tpu.memory_space<hbm>>
    tpu.wait_indirect_dma semaphore(%arg9 : memref<!tpu.dma_semaphore, #tpu.memory_space<semaphore_mem>>) src(%dma_wait3A_8 : memref<4356x128xf32, #tpu.memory_space<hbm>>) dst(%arg8 : memref<64x128xf32, #tpu.memory_space<vmem>>)
    %scan3A = arith.constant 0 : i32
    %scan3A_9 = arith.constant 0 : i32
    %scan3A_10 = arith.constant 64 : i32
    %scan3A_11 = arith.addi %scan3A_9, %scan3A_10 : i32
    %scan3A_12 = arith.constant 1 : i32
    scf.for %scan3A_78 = %scan3A_9 to %scan3A_11 step %scan3A_12  : i32 {
      %get3A = arith.index_cast %scan3A_78 : i32 to index
      %get3A_79 = arith.constant 0 : index
      %get3A_80 = tpu.vector_load %arg7[%get3A, %get3A_79] {strides = array<i32>} : memref<64x32xf32, #tpu.memory_space<vmem>>, vector<1x16xf32>,
      %get3A_81 = vector.shape_cast %get3A_80 : vector<1x16xf32> to vector<16xf32>
      %get3A_82 = arith.index_cast %scan3A_78 : i32 to index
      %get3A_83 = arith.constant 0 : index
      %get3A_84 = tpu.vector_load %arg8[%get3A_82, %get3A_83] {strides = array<i32>} : memref<64x128xf32, #tpu.memory_space<vmem>>, vector<1x16xf32>,
      %get3A_85 = vector.shape_cast %get3A_84 : vector<1x16xf32> to vector<16xf32>
      %add3A_86 = arith.addf %get3A_81, %get3A_85 : vector<16xf32>
      %swap3A = arith.index_cast %scan3A_78 : i32 to index
      %swap3A_87 = arith.constant 0 : index
      %swap3A_88 = tpu.vector_load %arg7[%swap3A, %swap3A_87] {strides = array<i32>} : memref<64x32xf32, #tpu.memory_space<vmem>>, vector<1x16xf32>,
      %swap3A_89 = vector.shape_cast %swap3A_88 : vector<1x16xf32> to vector<16xf32>
      %swap3A_90 = vector.shape_cast %add3A_86 : vector<16xf32> to vector<1x16xf32>
      tpu.vector_store %arg7[%swap3A, %swap3A_87], %swap3A_90 {strides = array<i32>} : memref<64x32xf32, #tpu.memory_space<vmem>>, vector<1x16xf32>,
      %get3A_91 = arith.index_cast %scan3A_78 : i32 to index
      %get3A_92 = arith.constant 16 : index
      %get3A_93 = tpu.vector_load %arg7[%get3A_91, %get3A_92] {strides = array<i32>} : memref<64x32xf32, #tpu.memory_space<vmem>>, vector<1x16xf32>,
      %get3A_94 = vector.shape_cast %get3A_93 : vector<1x16xf32> to vector<16xf32>
      %get3A_95 = arith.index_cast %scan3A_78 : i32 to index
      %get3A_96 = arith.constant 16 : index
      %get3A_97 = tpu.vector_load %arg8[%get3A_95, %get3A_96] {strides = array<i32>} : memref<64x128xf32, #tpu.memory_space<vmem>>, vector<1x16xf32>,
      %get3A_98 = vector.shape_cast %get3A_97 : vector<1x16xf32> to vector<16xf32>
      %add3A_99 = arith.addf %get3A_94, %get3A_98 : vector<16xf32>
      %swap3A_100 = arith.index_cast %scan3A_78 : i32 to index
      %swap3A_101 = arith.constant 16 : index
      %swap3A_102 = tpu.vector_load %arg7[%swap3A_100, %swap3A_101] {strides = array<i32>} : memref<64x32xf32, #tpu.memory_space<vmem>>, vector<1x16xf32>,
      %swap3A_103 = vector.shape_cast %swap3A_102 : vector<1x16xf32> to vector<16xf32>
      %swap3A_104 = vector.shape_cast %add3A_99 : vector<16xf32> to vector<1x16xf32>
      tpu.vector_store %arg7[%swap3A_100, %swap3A_101], %swap3A_104 {strides = array<i32>} : memref<64x32xf32, #tpu.memory_space<vmem>>, vector<1x16xf32>,
    }
    %scan3A_13 = arith.constant 64 : i32
    "tpu.region"() ({
      %run_scoped3A = tpu.sem_alloc : memref<!tpu.dma_semaphore, #tpu.memory_space<semaphore_mem>>
      %dma_start3A_78 = arith.constant 0 : i32
      %dma_start3A_79 = tpu.memref_slice %arg5[%add3A_4, %dma_start3A_78] : memref<10240x32xf32, #tpu.memory_space<hbm>> -> memref<64x32xf32, #tpu.memory_space<hbm>>
      %dma_start3A_80 = arith.constant 0 : i32
      %dma_start3A_81 = tpu.memref_slice %arg5[%add3A_4, %dma_start3A_80] : memref<10240x32xf32, #tpu.memory_space<hbm>> -> memref<64x32xf32, #tpu.memory_space<hbm>>
      tpu.enqueue_dma source(%arg7 : memref<64x32xf32, #tpu.memory_space<vmem>>) target(%dma_start3A_81 : memref<64x32xf32, #tpu.memory_space<hbm>>) target_semaphore(%run_scoped3A : memref<!tpu.dma_semaphore, #tpu.memory_space<semaphore_mem>>)
      %dma_wait3A_82 = arith.constant 0 : i32
      %dma_wait3A_83 = tpu.memref_slice %arg5[%add3A_4, %dma_wait3A_82] : memref<10240x32xf32, #tpu.memory_space<hbm>> -> memref<64x32xf32, #tpu.memory_space<hbm>>
      %dma_wait3A_84 = arith.constant 0 : i32
      %dma_wait3A_85 = tpu.memref_slice %arg5[%add3A_4, %dma_wait3A_84] : memref<10240x32xf32, #tpu.memory_space<hbm>> -> memref<64x32xf32, #tpu.memory_space<hbm>>
      tpu.wait_dma2 semaphore(%run_scoped3A : memref<!tpu.dma_semaphore, #tpu.memory_space<semaphore_mem>>) src(%arg7 : memref<64x32xf32, #tpu.memory_space<vmem>>) dst(%dma_wait3A_85 : memref<64x32xf32, #tpu.memory_space<hbm>>)
      tpu.yield
    }) : () -> ()
    %mul3A_14 = arith.constant 320 : i32
    %mul3A_15 = arith.muli %add3A, %mul3A_14 : i32
    %add3A_16 = arith.constant 64 : i32
    %add3A_17 = arith.addi %mul3A_15, %add3A_16 : i32
    "tpu.region"() ({
      %run_scoped3A = tpu.sem_alloc : memref<!tpu.dma_semaphore, #tpu.memory_space<semaphore_mem>>
      %dma_start3A_78 = tpu.memref_slice %arg4[%add3A_17] : memref<10240xi32, #tpu.memory_space<hbm>> -> memref<64xi32, #tpu.memory_space<hbm>>
      %dma_start3A_79 = tpu.memref_slice %arg4[%add3A_17] : memref<10240xi32, #tpu.memory_space<hbm>> -> memref<64xi32, #tpu.memory_space<hbm>>
      tpu.enqueue_dma source(%dma_start3A_79 : memref<64xi32, #tpu.memory_space<hbm>>) target(%arg6 : memref<64xi32, #tpu.memory_space<vmem>>) target_semaphore(%run_scoped3A : memref<!tpu.dma_semaphore, #tpu.memory_space<semaphore_mem>>)
      %dma_wait3A_80 = tpu.memref_slice %arg4[%add3A_17] : memref<10240xi32, #tpu.memory_space<hbm>> -> memref<64xi32, #tpu.memory_space<hbm>>
      %dma_wait3A_81 = tpu.memref_slice %arg4[%add3A_17] : memref<10240xi32, #tpu.memory_space<hbm>> -> memref<64xi32, #tpu.memory_space<hbm>>
      tpu.wait_dma2 semaphore(%run_scoped3A : memref<!tpu.dma_semaphore, #tpu.memory_space<semaphore_mem>>) src(%dma_wait3A_81 : memref<64xi32, #tpu.memory_space<hbm>>) dst(%arg6 : memref<64xi32, #tpu.memory_space<vmem>>)
      tpu.yield
    }) : () -> ()
    "tpu.region"() ({
      %run_scoped3A = tpu.sem_alloc : memref<!tpu.dma_semaphore, #tpu.memory_space<semaphore_mem>>
      %dma_start3A_78 = arith.constant 0 : i32
      %dma_start3A_79 = tpu.memref_slice %arg2[%add3A_17, %dma_start3A_78] : memref<10240x32xf32, #tpu.memory_space<hbm>> -> memref<64x32xf32, #tpu.memory_space<hbm>>
      %dma_start3A_80 = arith.constant 0 : i32
      %dma_start3A_81 = tpu.memref_slice %arg2[%add3A_17, %dma_start3A_80] : memref<10240x32xf32, #tpu.memory_space<hbm>> -> memref<64x32xf32, #tpu.memory_space<hbm>>
      tpu.enqueue_dma source(%dma_start3A_81 : memref<64x32xf32, #tpu.memory_space<hbm>>) target(%arg7 : memref<64x32xf32, #tpu.memory_space<vmem>>) target_semaphore(%run_scoped3A : memref<!tpu.dma_semaphore, #tpu.memory_space<semaphore_mem>>)
      %dma_wait3A_82 = arith.constant 0 : i32
      %dma_wait3A_83 = tpu.memref_slice %arg2[%add3A_17, %dma_wait3A_82] : memref<10240x32xf32, #tpu.memory_space<hbm>> -> memref<64x32xf32, #tpu.memory_space<hbm>>
      %dma_wait3A_84 = arith.constant 0 : i32
      %dma_wait3A_85 = tpu.memref_slice %arg2[%add3A_17, %dma_wait3A_84] : memref<10240x32xf32, #tpu.memory_space<hbm>> -> memref<64x32xf32, #tpu.memory_space<hbm>>
      tpu.wait_dma2 semaphore(%run_scoped3A : memref<!tpu.dma_semaphore, #tpu.memory_space<semaphore_mem>>) src(%dma_wait3A_85 : memref<64x32xf32, #tpu.memory_space<hbm>>) dst(%arg7 : memref<64x32xf32, #tpu.memory_space<vmem>>)
      tpu.yield
    }) : () -> ()
    %dma_start3A_18 = arith.constant 0 : i32
    %dma_start3A_19 = arith.constant 0 : i32
    %dma_start3A_20 = tpu.memref_slice %arg3[%dma_start3A_18, %dma_start3A_19] : memref<4356x128xf32, #tpu.memory_space<hbm>> -> memref<4356x128xf32, #tpu.memory_space<hbm>>
    tpu.enqueue_indirect_dma source(%dma_start3A_20 : memref<4356x128xf32, #tpu.memory_space<hbm>>) target(%arg8 : memref<64x128xf32, #tpu.memory_space<vmem>>) offsets(%arg6 : memref<64xi32, #tpu.memory_space<vmem>>) semaphore(%arg9 : memref<!tpu.dma_semaphore, #tpu.memory_space<semaphore_mem>>)
    %dma_wait3A_21 = arith.constant 0 : i32
    %dma_wait3A_22 = arith.constant 0 : i32
    %dma_wait3A_23 = tpu.memref_slice %arg3[%dma_wait3A_21, %dma_wait3A_22] : memref<4356x128xf32, #tpu.memory_space<hbm>> -> memref<4356x128xf32, #tpu.memory_space<hbm>>
    tpu.wait_indirect_dma semaphore(%arg9 : memref<!tpu.dma_semaphore, #tpu.memory_space<semaphore_mem>>) src(%dma_wait3A_23 : memref<4356x128xf32, #tpu.memory_space<hbm>>) dst(%arg8 : memref<64x128xf32, #tpu.memory_space<vmem>>)
    %scan3A_24 = arith.constant 0 : i32
    %scan3A_25 = arith.constant 0 : i32
    %scan3A_26 = arith.constant 64 : i32
    %scan3A_27 = arith.addi %scan3A_25, %scan3A_26 : i32
    %scan3A_28 = arith.constant 1 : i32
    scf.for %scan3A_78 = %scan3A_25 to %scan3A_27 step %scan3A_28  : i32 {
      %get3A = arith.index_cast %scan3A_78 : i32 to index
      %get3A_79 = arith.constant 0 : index
      %get3A_80 = tpu.vector_load %arg7[%get3A, %get3A_79] {strides = array<i32>} : memref<64x32xf32, #tpu.memory_space<vmem>>, vector<1x16xf32>,
      %get3A_81 = vector.shape_cast %get3A_80 : vector<1x16xf32> to vector<16xf32>
      %get3A_82 = arith.index_cast %scan3A_78 : i32 to index
      %get3A_83 = arith.constant 0 : index
      %get3A_84 = tpu.vector_load %arg8[%get3A_82, %get3A_83] {strides = array<i32>} : memref<64x128xf32, #tpu.memory_space<vmem>>, vector<1x16xf32>,
      %get3A_85 = vector.shape_cast %get3A_84 : vector<1x16xf32> to vector<16xf32>
      %add3A_86 = arith.addf %get3A_81, %get3A_85 : vector<16xf32>
      %swap3A = arith.index_cast %scan3A_78 : i32 to index
      %swap3A_87 = arith.constant 0 : index
      %swap3A_88 = tpu.vector_load %arg7[%swap3A, %swap3A_87] {strides = array<i32>} : memref<64x32xf32, #tpu.memory_space<vmem>>, vector<1x16xf32>,
      %swap3A_89 = vector.shape_cast %swap3A_88 : vector<1x16xf32> to vector<16xf32>
      %swap3A_90 = vector.shape_cast %add3A_86 : vector<16xf32> to vector<1x16xf32>
      tpu.vector_store %arg7[%swap3A, %swap3A_87], %swap3A_90 {strides = array<i32>} : memref<64x32xf32, #tpu.memory_space<vmem>>, vector<1x16xf32>,
      %get3A_91 = arith.index_cast %scan3A_78 : i32 to index
      %get3A_92 = arith.constant 16 : index
      %get3A_93 = tpu.vector_load %arg7[%get3A_91, %get3A_92] {strides = array<i32>} : memref<64x32xf32, #tpu.memory_space<vmem>>, vector<1x16xf32>,
      %get3A_94 = vector.shape_cast %get3A_93 : vector<1x16xf32> to vector<16xf32>
      %get3A_95 = arith.index_cast %scan3A_78 : i32 to index
      %get3A_96 = arith.constant 16 : index
      %get3A_97 = tpu.vector_load %arg8[%get3A_95, %get3A_96] {strides = array<i32>} : memref<64x128xf32, #tpu.memory_space<vmem>>, vector<1x16xf32>,
      %get3A_98 = vector.shape_cast %get3A_97 : vector<1x16xf32> to vector<16xf32>
      %add3A_99 = arith.addf %get3A_94, %get3A_98 : vector<16xf32>
      %swap3A_100 = arith.index_cast %scan3A_78 : i32 to index
      %swap3A_101 = arith.constant 16 : index
      %swap3A_102 = tpu.vector_load %arg7[%swap3A_100, %swap3A_101] {strides = array<i32>} : memref<64x32xf32, #tpu.memory_space<vmem>>, vector<1x16xf32>,
      %swap3A_103 = vector.shape_cast %swap3A_102 : vector<1x16xf32> to vector<16xf32>
      %swap3A_104 = vector.shape_cast %add3A_99 : vector<16xf32> to vector<1x16xf32>
      tpu.vector_store %arg7[%swap3A_100, %swap3A_101], %swap3A_104 {strides = array<i32>} : memref<64x32xf32, #tpu.memory_space<vmem>>, vector<1x16xf32>,
    }
    %scan3A_29 = arith.constant 64 : i32
    "tpu.region"() ({
      %run_scoped3A = tpu.sem_alloc : memref<!tpu.dma_semaphore, #tpu.memory_space<semaphore_mem>>
      %dma_start3A_78 = arith.constant 0 : i32
      %dma_start3A_79 = tpu.memref_slice %arg5[%add3A_17, %dma_start3A_78] : memref<10240x32xf32, #tpu.memory_space<hbm>> -> memref<64x32xf32, #tpu.memory_space<hbm>>
      %dma_start3A_80 = arith.constant 0 : i32
      %dma_start3A_81 = tpu.memref_slice %arg5[%add3A_17, %dma_start3A_80] : memref<10240x32xf32, #tpu.memory_space<hbm>> -> memref<64x32xf32, #tpu.memory_space<hbm>>
      tpu.enqueue_dma source(%arg7 : memref<64x32xf32, #tpu.memory_space<vmem>>) target(%dma_start3A_81 : memref<64x32xf32, #tpu.memory_space<hbm>>) target_semaphore(%run_scoped3A : memref<!tpu.dma_semaphore, #tpu.memory_space<semaphore_mem>>)
      %dma_wait3A_82 = arith.constant 0 : i32
      %dma_wait3A_83 = tpu.memref_slice %arg5[%add3A_17, %dma_wait3A_82] : memref<10240x32xf32, #tpu.memory_space<hbm>> -> memref<64x32xf32, #tpu.memory_space<hbm>>
      %dma_wait3A_84 = arith.constant 0 : i32
      %dma_wait3A_85 = tpu.memref_slice %arg5[%add3A_17, %dma_wait3A_84] : memref<10240x32xf32, #tpu.memory_space<hbm>> -> memref<64x32xf32, #tpu.memory_space<hbm>>
      tpu.wait_dma2 semaphore(%run_scoped3A : memref<!tpu.dma_semaphore, #tpu.memory_space<semaphore_mem>>) src(%arg7 : memref<64x32xf32, #tpu.memory_space<vmem>>) dst(%dma_wait3A_85 : memref<64x32xf32, #tpu.memory_space<hbm>>)
      tpu.yield
    }) : () -> ()
    %mul3A_30 = arith.constant 320 : i32
    %mul3A_31 = arith.muli %add3A, %mul3A_30 : i32
    %add3A_32 = arith.constant 128 : i32
    %add3A_33 = arith.addi %mul3A_31, %add3A_32 : i32
    "tpu.region"() ({
      %run_scoped3A = tpu.sem_alloc : memref<!tpu.dma_semaphore, #tpu.memory_space<semaphore_mem>>
      %dma_start3A_78 = tpu.memref_slice %arg4[%add3A_33] : memref<10240xi32, #tpu.memory_space<hbm>> -> memref<64xi32, #tpu.memory_space<hbm>>
      %dma_start3A_79 = tpu.memref_slice %arg4[%add3A_33] : memref<10240xi32, #tpu.memory_space<hbm>> -> memref<64xi32, #tpu.memory_space<hbm>>
      tpu.enqueue_dma source(%dma_start3A_79 : memref<64xi32, #tpu.memory_space<hbm>>) target(%arg6 : memref<64xi32, #tpu.memory_space<vmem>>) target_semaphore(%run_scoped3A : memref<!tpu.dma_semaphore, #tpu.memory_space<semaphore_mem>>)
      %dma_wait3A_80 = tpu.memref_slice %arg4[%add3A_33] : memref<10240xi32, #tpu.memory_space<hbm>> -> memref<64xi32, #tpu.memory_space<hbm>>
      %dma_wait3A_81 = tpu.memref_slice %arg4[%add3A_33] : memref<10240xi32, #tpu.memory_space<hbm>> -> memref<64xi32, #tpu.memory_space<hbm>>
      tpu.wait_dma2 semaphore(%run_scoped3A : memref<!tpu.dma_semaphore, #tpu.memory_space<semaphore_mem>>) src(%dma_wait3A_81 : memref<64xi32, #tpu.memory_space<hbm>>) dst(%arg6 : memref<64xi32, #tpu.memory_space<vmem>>)
      tpu.yield
    }) : () -> ()
    "tpu.region"() ({
      %run_scoped3A = tpu.sem_alloc : memref<!tpu.dma_semaphore, #tpu.memory_space<semaphore_mem>>
      %dma_start3A_78 = arith.constant 0 : i32
      %dma_start3A_79 = tpu.memref_slice %arg2[%add3A_33, %dma_start3A_78] : memref<10240x32xf32, #tpu.memory_space<hbm>> -> memref<64x32xf32, #tpu.memory_space<hbm>>
      %dma_start3A_80 = arith.constant 0 : i32
      %dma_start3A_81 = tpu.memref_slice %arg2[%add3A_33, %dma_start3A_80] : memref<10240x32xf32, #tpu.memory_space<hbm>> -> memref<64x32xf32, #tpu.memory_space<hbm>>
      tpu.enqueue_dma source(%dma_start3A_81 : memref<64x32xf32, #tpu.memory_space<hbm>>) target(%arg7 : memref<64x32xf32, #tpu.memory_space<vmem>>) target_semaphore(%run_scoped3A : memref<!tpu.dma_semaphore, #tpu.memory_space<semaphore_mem>>)
      %dma_wait3A_82 = arith.constant 0 : i32
      %dma_wait3A_83 = tpu.memref_slice %arg2[%add3A_33, %dma_wait3A_82] : memref<10240x32xf32, #tpu.memory_space<hbm>> -> memref<64x32xf32, #tpu.memory_space<hbm>>
      %dma_wait3A_84 = arith.constant 0 : i32
      %dma_wait3A_85 = tpu.memref_slice %arg2[%add3A_33, %dma_wait3A_84] : memref<10240x32xf32, #tpu.memory_space<hbm>> -> memref<64x32xf32, #tpu.memory_space<hbm>>
      tpu.wait_dma2 semaphore(%run_scoped3A : memref<!tpu.dma_semaphore, #tpu.memory_space<semaphore_mem>>) src(%dma_wait3A_85 : memref<64x32xf32, #tpu.memory_space<hbm>>) dst(%arg7 : memref<64x32xf32, #tpu.memory_space<vmem>>)
      tpu.yield
    }) : () -> ()
    %dma_start3A_34 = arith.constant 0 : i32
    %dma_start3A_35 = arith.constant 0 : i32
    %dma_start3A_36 = tpu.memref_slice %arg3[%dma_start3A_34, %dma_start3A_35] : memref<4356x128xf32, #tpu.memory_space<hbm>> -> memref<4356x128xf32, #tpu.memory_space<hbm>>
    tpu.enqueue_indirect_dma source(%dma_start3A_36 : memref<4356x128xf32, #tpu.memory_space<hbm>>) target(%arg8 : memref<64x128xf32, #tpu.memory_space<vmem>>) offsets(%arg6 : memref<64xi32, #tpu.memory_space<vmem>>) semaphore(%arg9 : memref<!tpu.dma_semaphore, #tpu.memory_space<semaphore_mem>>)
    %dma_wait3A_37 = arith.constant 0 : i32
    %dma_wait3A_38 = arith.constant 0 : i32
    %dma_wait3A_39 = tpu.memref_slice %arg3[%dma_wait3A_37, %dma_wait3A_38] : memref<4356x128xf32, #tpu.memory_space<hbm>> -> memref<4356x128xf32, #tpu.memory_space<hbm>>
    tpu.wait_indirect_dma semaphore(%arg9 : memref<!tpu.dma_semaphore, #tpu.memory_space<semaphore_mem>>) src(%dma_wait3A_39 : memref<4356x128xf32, #tpu.memory_space<hbm>>) dst(%arg8 : memref<64x128xf32, #tpu.memory_space<vmem>>)
    %scan3A_40 = arith.constant 0 : i32
    %scan3A_41 = arith.constant 0 : i32
    %scan3A_42 = arith.constant 64 : i32
    %scan3A_43 = arith.addi %scan3A_41, %scan3A_42 : i32
    %scan3A_44 = arith.constant 1 : i32
    scf.for %scan3A_78 = %scan3A_41 to %scan3A_43 step %scan3A_44  : i32 {
      %get3A = arith.index_cast %scan3A_78 : i32 to index
      %get3A_79 = arith.constant 0 : index
      %get3A_80 = tpu.vector_load %arg7[%get3A, %get3A_79] {strides = array<i32>} : memref<64x32xf32, #tpu.memory_space<vmem>>, vector<1x16xf32>,
      %get3A_81 = vector.shape_cast %get3A_80 : vector<1x16xf32> to vector<16xf32>
      %get3A_82 = arith.index_cast %scan3A_78 : i32 to index
      %get3A_83 = arith.constant 0 : index
      %get3A_84 = tpu.vector_load %arg8[%get3A_82, %get3A_83] {strides = array<i32>} : memref<64x128xf32, #tpu.memory_space<vmem>>, vector<1x16xf32>,
      %get3A_85 = vector.shape_cast %get3A_84 : vector<1x16xf32> to vector<16xf32>
      %add3A_86 = arith.addf %get3A_81, %get3A_85 : vector<16xf32>
      %swap3A = arith.index_cast %scan3A_78 : i32 to index
      %swap3A_87 = arith.constant 0 : index
      %swap3A_88 = tpu.vector_load %arg7[%swap3A, %swap3A_87] {strides = array<i32>} : memref<64x32xf32, #tpu.memory_space<vmem>>, vector<1x16xf32>,
      %swap3A_89 = vector.shape_cast %swap3A_88 : vector<1x16xf32> to vector<16xf32>
      %swap3A_90 = vector.shape_cast %add3A_86 : vector<16xf32> to vector<1x16xf32>
      tpu.vector_store %arg7[%swap3A, %swap3A_87], %swap3A_90 {strides = array<i32>} : memref<64x32xf32, #tpu.memory_space<vmem>>, vector<1x16xf32>,
      %get3A_91 = arith.index_cast %scan3A_78 : i32 to index
      %get3A_92 = arith.constant 16 : index
      %get3A_93 = tpu.vector_load %arg7[%get3A_91, %get3A_92] {strides = array<i32>} : memref<64x32xf32, #tpu.memory_space<vmem>>, vector<1x16xf32>,
      %get3A_94 = vector.shape_cast %get3A_93 : vector<1x16xf32> to vector<16xf32>
      %get3A_95 = arith.index_cast %scan3A_78 : i32 to index
      %get3A_96 = arith.constant 16 : index
      %get3A_97 = tpu.vector_load %arg8[%get3A_95, %get3A_96] {strides = array<i32>} : memref<64x128xf32, #tpu.memory_space<vmem>>, vector<1x16xf32>,
      %get3A_98 = vector.shape_cast %get3A_97 : vector<1x16xf32> to vector<16xf32>
      %add3A_99 = arith.addf %get3A_94, %get3A_98 : vector<16xf32>
      %swap3A_100 = arith.index_cast %scan3A_78 : i32 to index
      %swap3A_101 = arith.constant 16 : index
      %swap3A_102 = tpu.vector_load %arg7[%swap3A_100, %swap3A_101] {strides = array<i32>} : memref<64x32xf32, #tpu.memory_space<vmem>>, vector<1x16xf32>,
      %swap3A_103 = vector.shape_cast %swap3A_102 : vector<1x16xf32> to vector<16xf32>
      %swap3A_104 = vector.shape_cast %add3A_99 : vector<16xf32> to vector<1x16xf32>
      tpu.vector_store %arg7[%swap3A_100, %swap3A_101], %swap3A_104 {strides = array<i32>} : memref<64x32xf32, #tpu.memory_space<vmem>>, vector<1x16xf32>,
    }
    %scan3A_45 = arith.constant 64 : i32
    "tpu.region"() ({
      %run_scoped3A = tpu.sem_alloc : memref<!tpu.dma_semaphore, #tpu.memory_space<semaphore_mem>>
      %dma_start3A_78 = arith.constant 0 : i32
      %dma_start3A_79 = tpu.memref_slice %arg5[%add3A_33, %dma_start3A_78] : memref<10240x32xf32, #tpu.memory_space<hbm>> -> memref<64x32xf32, #tpu.memory_space<hbm>>
      %dma_start3A_80 = arith.constant 0 : i32
      %dma_start3A_81 = tpu.memref_slice %arg5[%add3A_33, %dma_start3A_80] : memref<10240x32xf32, #tpu.memory_space<hbm>> -> memref<64x32xf32, #tpu.memory_space<hbm>>
      tpu.enqueue_dma source(%arg7 : memref<64x32xf32, #tpu.memory_space<vmem>>) target(%dma_start3A_81 : memref<64x32xf32, #tpu.memory_space<hbm>>) target_semaphore(%run_scoped3A : memref<!tpu.dma_semaphore, #tpu.memory_space<semaphore_mem>>)
      %dma_wait3A_82 = arith.constant 0 : i32
      %dma_wait3A_83 = tpu.memref_slice %arg5[%add3A_33, %dma_wait3A_82] : memref<10240x32xf32, #tpu.memory_space<hbm>> -> memref<64x32xf32, #tpu.memory_space<hbm>>
      %dma_wait3A_84 = arith.constant 0 : i32
      %dma_wait3A_85 = tpu.memref_slice %arg5[%add3A_33, %dma_wait3A_84] : memref<10240x32xf32, #tpu.memory_space<hbm>> -> memref<64x32xf32, #tpu.memory_space<hbm>>
      tpu.wait_dma2 semaphore(%run_scoped3A : memref<!tpu.dma_semaphore, #tpu.memory_space<semaphore_mem>>) src(%arg7 : memref<64x32xf32, #tpu.memory_space<vmem>>) dst(%dma_wait3A_85 : memref<64x32xf32, #tpu.memory_space<hbm>>)
      tpu.yield
    }) : () -> ()
    %mul3A_46 = arith.constant 320 : i32
    %mul3A_47 = arith.muli %add3A, %mul3A_46 : i32
    %add3A_48 = arith.constant 192 : i32
    %add3A_49 = arith.addi %mul3A_47, %add3A_48 : i32
    "tpu.region"() ({
      %run_scoped3A = tpu.sem_alloc : memref<!tpu.dma_semaphore, #tpu.memory_space<semaphore_mem>>
      %dma_start3A_78 = tpu.memref_slice %arg4[%add3A_49] : memref<10240xi32, #tpu.memory_space<hbm>> -> memref<64xi32, #tpu.memory_space<hbm>>
      %dma_start3A_79 = tpu.memref_slice %arg4[%add3A_49] : memref<10240xi32, #tpu.memory_space<hbm>> -> memref<64xi32, #tpu.memory_space<hbm>>
      tpu.enqueue_dma source(%dma_start3A_79 : memref<64xi32, #tpu.memory_space<hbm>>) target(%arg6 : memref<64xi32, #tpu.memory_space<vmem>>) target_semaphore(%run_scoped3A : memref<!tpu.dma_semaphore, #tpu.memory_space<semaphore_mem>>)
      %dma_wait3A_80 = tpu.memref_slice %arg4[%add3A_49] : memref<10240xi32, #tpu.memory_space<hbm>> -> memref<64xi32, #tpu.memory_space<hbm>>
      %dma_wait3A_81 = tpu.memref_slice %arg4[%add3A_49] : memref<10240xi32, #tpu.memory_space<hbm>> -> memref<64xi32, #tpu.memory_space<hbm>>
      tpu.wait_dma2 semaphore(%run_scoped3A : memref<!tpu.dma_semaphore, #tpu.memory_space<semaphore_mem>>) src(%dma_wait3A_81 : memref<64xi32, #tpu.memory_space<hbm>>) dst(%arg6 : memref<64xi32, #tpu.memory_space<vmem>>)
      tpu.yield
    }) : () -> ()
    "tpu.region"() ({
      %run_scoped3A = tpu.sem_alloc : memref<!tpu.dma_semaphore, #tpu.memory_space<semaphore_mem>>
      %dma_start3A_78 = arith.constant 0 : i32
      %dma_start3A_79 = tpu.memref_slice %arg2[%add3A_49, %dma_start3A_78] : memref<10240x32xf32, #tpu.memory_space<hbm>> -> memref<64x32xf32, #tpu.memory_space<hbm>>
      %dma_start3A_80 = arith.constant 0 : i32
      %dma_start3A_81 = tpu.memref_slice %arg2[%add3A_49, %dma_start3A_80] : memref<10240x32xf32, #tpu.memory_space<hbm>> -> memref<64x32xf32, #tpu.memory_space<hbm>>
      tpu.enqueue_dma source(%dma_start3A_81 : memref<64x32xf32, #tpu.memory_space<hbm>>) target(%arg7 : memref<64x32xf32, #tpu.memory_space<vmem>>) target_semaphore(%run_scoped3A : memref<!tpu.dma_semaphore, #tpu.memory_space<semaphore_mem>>)
      %dma_wait3A_82 = arith.constant 0 : i32
      %dma_wait3A_83 = tpu.memref_slice %arg2[%add3A_49, %dma_wait3A_82] : memref<10240x32xf32, #tpu.memory_space<hbm>> -> memref<64x32xf32, #tpu.memory_space<hbm>>
      %dma_wait3A_84 = arith.constant 0 : i32
      %dma_wait3A_85 = tpu.memref_slice %arg2[%add3A_49, %dma_wait3A_84] : memref<10240x32xf32, #tpu.memory_space<hbm>> -> memref<64x32xf32, #tpu.memory_space<hbm>>
      tpu.wait_dma2 semaphore(%run_scoped3A : memref<!tpu.dma_semaphore, #tpu.memory_space<semaphore_mem>>) src(%dma_wait3A_85 : memref<64x32xf32, #tpu.memory_space<hbm>>) dst(%arg7 : memref<64x32xf32, #tpu.memory_space<vmem>>)
      tpu.yield
    }) : () -> ()
    %dma_start3A_50 = arith.constant 0 : i32
    %dma_start3A_51 = arith.constant 0 : i32
    %dma_start3A_52 = tpu.memref_slice %arg3[%dma_start3A_50, %dma_start3A_51] : memref<4356x128xf32, #tpu.memory_space<hbm>> -> memref<4356x128xf32, #tpu.memory_space<hbm>>
    tpu.enqueue_indirect_dma source(%dma_start3A_52 : memref<4356x128xf32, #tpu.memory_space<hbm>>) target(%arg8 : memref<64x128xf32, #tpu.memory_space<vmem>>) offsets(%arg6 : memref<64xi32, #tpu.memory_space<vmem>>) semaphore(%arg9 : memref<!tpu.dma_semaphore, #tpu.memory_space<semaphore_mem>>)
    %dma_wait3A_53 = arith.constant 0 : i32
    %dma_wait3A_54 = arith.constant 0 : i32
    %dma_wait3A_55 = tpu.memref_slice %arg3[%dma_wait3A_53, %dma_wait3A_54] : memref<4356x128xf32, #tpu.memory_space<hbm>> -> memref<4356x128xf32, #tpu.memory_space<hbm>>
    tpu.wait_indirect_dma semaphore(%arg9 : memref<!tpu.dma_semaphore, #tpu.memory_space<semaphore_mem>>) src(%dma_wait3A_55 : memref<4356x128xf32, #tpu.memory_space<hbm>>) dst(%arg8 : memref<64x128xf32, #tpu.memory_space<vmem>>)
    %scan3A_56 = arith.constant 0 : i32
    %scan3A_57 = arith.constant 0 : i32
    %scan3A_58 = arith.constant 64 : i32
    %scan3A_59 = arith.addi %scan3A_57, %scan3A_58 : i32
    %scan3A_60 = arith.constant 1 : i32
    scf.for %scan3A_78 = %scan3A_57 to %scan3A_59 step %scan3A_60  : i32 {
      %get3A = arith.index_cast %scan3A_78 : i32 to index
      %get3A_79 = arith.constant 0 : index
      %get3A_80 = tpu.vector_load %arg7[%get3A, %get3A_79] {strides = array<i32>} : memref<64x32xf32, #tpu.memory_space<vmem>>, vector<1x16xf32>,
      %get3A_81 = vector.shape_cast %get3A_80 : vector<1x16xf32> to vector<16xf32>
      %get3A_82 = arith.index_cast %scan3A_78 : i32 to index
      %get3A_83 = arith.constant 0 : index
      %get3A_84 = tpu.vector_load %arg8[%get3A_82, %get3A_83] {strides = array<i32>} : memref<64x128xf32, #tpu.memory_space<vmem>>, vector<1x16xf32>,
      %get3A_85 = vector.shape_cast %get3A_84 : vector<1x16xf32> to vector<16xf32>
      %add3A_86 = arith.addf %get3A_81, %get3A_85 : vector<16xf32>
      %swap3A = arith.index_cast %scan3A_78 : i32 to index
      %swap3A_87 = arith.constant 0 : index
      %swap3A_88 = tpu.vector_load %arg7[%swap3A, %swap3A_87] {strides = array<i32>} : memref<64x32xf32, #tpu.memory_space<vmem>>, vector<1x16xf32>,
      %swap3A_89 = vector.shape_cast %swap3A_88 : vector<1x16xf32> to vector<16xf32>
      %swap3A_90 = vector.shape_cast %add3A_86 : vector<16xf32> to vector<1x16xf32>
      tpu.vector_store %arg7[%swap3A, %swap3A_87], %swap3A_90 {strides = array<i32>} : memref<64x32xf32, #tpu.memory_space<vmem>>, vector<1x16xf32>,
      %get3A_91 = arith.index_cast %scan3A_78 : i32 to index
      %get3A_92 = arith.constant 16 : index
      %get3A_93 = tpu.vector_load %arg7[%get3A_91, %get3A_92] {strides = array<i32>} : memref<64x32xf32, #tpu.memory_space<vmem>>, vector<1x16xf32>,
      %get3A_94 = vector.shape_cast %get3A_93 : vector<1x16xf32> to vector<16xf32>
      %get3A_95 = arith.index_cast %scan3A_78 : i32 to index
      %get3A_96 = arith.constant 16 : index
      %get3A_97 = tpu.vector_load %arg8[%get3A_95, %get3A_96] {strides = array<i32>} : memref<64x128xf32, #tpu.memory_space<vmem>>, vector<1x16xf32>,
      %get3A_98 = vector.shape_cast %get3A_97 : vector<1x16xf32> to vector<16xf32>
      %add3A_99 = arith.addf %get3A_94, %get3A_98 : vector<16xf32>
      %swap3A_100 = arith.index_cast %scan3A_78 : i32 to index
      %swap3A_101 = arith.constant 16 : index
      %swap3A_102 = tpu.vector_load %arg7[%swap3A_100, %swap3A_101] {strides = array<i32>} : memref<64x32xf32, #tpu.memory_space<vmem>>, vector<1x16xf32>,
      %swap3A_103 = vector.shape_cast %swap3A_102 : vector<1x16xf32> to vector<16xf32>
      %swap3A_104 = vector.shape_cast %add3A_99 : vector<16xf32> to vector<1x16xf32>
      tpu.vector_store %arg7[%swap3A_100, %swap3A_101], %swap3A_104 {strides = array<i32>} : memref<64x32xf32, #tpu.memory_space<vmem>>, vector<1x16xf32>,
    }
    %scan3A_61 = arith.constant 64 : i32
    "tpu.region"() ({
      %run_scoped3A = tpu.sem_alloc : memref<!tpu.dma_semaphore, #tpu.memory_space<semaphore_mem>>
      %dma_start3A_78 = arith.constant 0 : i32
      %dma_start3A_79 = tpu.memref_slice %arg5[%add3A_49, %dma_start3A_78] : memref<10240x32xf32, #tpu.memory_space<hbm>> -> memref<64x32xf32, #tpu.memory_space<hbm>>
      %dma_start3A_80 = arith.constant 0 : i32
      %dma_start3A_81 = tpu.memref_slice %arg5[%add3A_49, %dma_start3A_80] : memref<10240x32xf32, #tpu.memory_space<hbm>> -> memref<64x32xf32, #tpu.memory_space<hbm>>
      tpu.enqueue_dma source(%arg7 : memref<64x32xf32, #tpu.memory_space<vmem>>) target(%dma_start3A_81 : memref<64x32xf32, #tpu.memory_space<hbm>>) target_semaphore(%run_scoped3A : memref<!tpu.dma_semaphore, #tpu.memory_space<semaphore_mem>>)
      %dma_wait3A_82 = arith.constant 0 : i32
      %dma_wait3A_83 = tpu.memref_slice %arg5[%add3A_49, %dma_wait3A_82] : memref<10240x32xf32, #tpu.memory_space<hbm>> -> memref<64x32xf32, #tpu.memory_space<hbm>>
      %dma_wait3A_84 = arith.constant 0 : i32
      %dma_wait3A_85 = tpu.memref_slice %arg5[%add3A_49, %dma_wait3A_84] : memref<10240x32xf32, #tpu.memory_space<hbm>> -> memref<64x32xf32, #tpu.memory_space<hbm>>
      tpu.wait_dma2 semaphore(%run_scoped3A : memref<!tpu.dma_semaphore, #tpu.memory_space<semaphore_mem>>) src(%arg7 : memref<64x32xf32, #tpu.memory_space<vmem>>) dst(%dma_wait3A_85 : memref<64x32xf32, #tpu.memory_space<hbm>>)
      tpu.yield
    }) : () -> ()
    %mul3A_62 = arith.constant 320 : i32
    %mul3A_63 = arith.muli %add3A, %mul3A_62 : i32
    %add3A_64 = arith.constant 256 : i32
    %add3A_65 = arith.addi %mul3A_63, %add3A_64 : i32
    "tpu.region"() ({
      %run_scoped3A = tpu.sem_alloc : memref<!tpu.dma_semaphore, #tpu.memory_space<semaphore_mem>>
      %dma_start3A_78 = tpu.memref_slice %arg4[%add3A_65] : memref<10240xi32, #tpu.memory_space<hbm>> -> memref<64xi32, #tpu.memory_space<hbm>>
      %dma_start3A_79 = tpu.memref_slice %arg4[%add3A_65] : memref<10240xi32, #tpu.memory_space<hbm>> -> memref<64xi32, #tpu.memory_space<hbm>>
      tpu.enqueue_dma source(%dma_start3A_79 : memref<64xi32, #tpu.memory_space<hbm>>) target(%arg6 : memref<64xi32, #tpu.memory_space<vmem>>) target_semaphore(%run_scoped3A : memref<!tpu.dma_semaphore, #tpu.memory_space<semaphore_mem>>)
      %dma_wait3A_80 = tpu.memref_slice %arg4[%add3A_65] : memref<10240xi32, #tpu.memory_space<hbm>> -> memref<64xi32, #tpu.memory_space<hbm>>
      %dma_wait3A_81 = tpu.memref_slice %arg4[%add3A_65] : memref<10240xi32, #tpu.memory_space<hbm>> -> memref<64xi32, #tpu.memory_space<hbm>>
      tpu.wait_dma2 semaphore(%run_scoped3A : memref<!tpu.dma_semaphore, #tpu.memory_space<semaphore_mem>>) src(%dma_wait3A_81 : memref<64xi32, #tpu.memory_space<hbm>>) dst(%arg6 : memref<64xi32, #tpu.memory_space<vmem>>)
      tpu.yield
    }) : () -> ()
    "tpu.region"() ({
      %run_scoped3A = tpu.sem_alloc : memref<!tpu.dma_semaphore, #tpu.memory_space<semaphore_mem>>
      %dma_start3A_78 = arith.constant 0 : i32
      %dma_start3A_79 = tpu.memref_slice %arg2[%add3A_65, %dma_start3A_78] : memref<10240x32xf32, #tpu.memory_space<hbm>> -> memref<64x32xf32, #tpu.memory_space<hbm>>
      %dma_start3A_80 = arith.constant 0 : i32
      %dma_start3A_81 = tpu.memref_slice %arg2[%add3A_65, %dma_start3A_80] : memref<10240x32xf32, #tpu.memory_space<hbm>> -> memref<64x32xf32, #tpu.memory_space<hbm>>
      tpu.enqueue_dma source(%dma_start3A_81 : memref<64x32xf32, #tpu.memory_space<hbm>>) target(%arg7 : memref<64x32xf32, #tpu.memory_space<vmem>>) target_semaphore(%run_scoped3A : memref<!tpu.dma_semaphore, #tpu.memory_space<semaphore_mem>>)
      %dma_wait3A_82 = arith.constant 0 : i32
      %dma_wait3A_83 = tpu.memref_slice %arg2[%add3A_65, %dma_wait3A_82] : memref<10240x32xf32, #tpu.memory_space<hbm>> -> memref<64x32xf32, #tpu.memory_space<hbm>>
      %dma_wait3A_84 = arith.constant 0 : i32
      %dma_wait3A_85 = tpu.memref_slice %arg2[%add3A_65, %dma_wait3A_84] : memref<10240x32xf32, #tpu.memory_space<hbm>> -> memref<64x32xf32, #tpu.memory_space<hbm>>
      tpu.wait_dma2 semaphore(%run_scoped3A : memref<!tpu.dma_semaphore, #tpu.memory_space<semaphore_mem>>) src(%dma_wait3A_85 : memref<64x32xf32, #tpu.memory_space<hbm>>) dst(%arg7 : memref<64x32xf32, #tpu.memory_space<vmem>>)
      tpu.yield
    }) : () -> ()
    %dma_start3A_66 = arith.constant 0 : i32
    %dma_start3A_67 = arith.constant 0 : i32
    %dma_start3A_68 = tpu.memref_slice %arg3[%dma_start3A_66, %dma_start3A_67] : memref<4356x128xf32, #tpu.memory_space<hbm>> -> memref<4356x128xf32, #tpu.memory_space<hbm>>
    tpu.enqueue_indirect_dma source(%dma_start3A_68 : memref<4356x128xf32, #tpu.memory_space<hbm>>) target(%arg8 : memref<64x128xf32, #tpu.memory_space<vmem>>) offsets(%arg6 : memref<64xi32, #tpu.memory_space<vmem>>) semaphore(%arg9 : memref<!tpu.dma_semaphore, #tpu.memory_space<semaphore_mem>>)
    %dma_wait3A_69 = arith.constant 0 : i32
    %dma_wait3A_70 = arith.constant 0 : i32
    %dma_wait3A_71 = tpu.memref_slice %arg3[%dma_wait3A_69, %dma_wait3A_70] : memref<4356x128xf32, #tpu.memory_space<hbm>> -> memref<4356x128xf32, #tpu.memory_space<hbm>>
    tpu.wait_indirect_dma semaphore(%arg9 : memref<!tpu.dma_semaphore, #tpu.memory_space<semaphore_mem>>) src(%dma_wait3A_71 : memref<4356x128xf32, #tpu.memory_space<hbm>>) dst(%arg8 : memref<64x128xf32, #tpu.memory_space<vmem>>)
    %scan3A_72 = arith.constant 0 : i32
    %scan3A_73 = arith.constant 0 : i32
    %scan3A_74 = arith.constant 64 : i32
    %scan3A_75 = arith.addi %scan3A_73, %scan3A_74 : i32
    %scan3A_76 = arith.constant 1 : i32
    scf.for %scan3A_78 = %scan3A_73 to %scan3A_75 step %scan3A_76  : i32 {
      %get3A = arith.index_cast %scan3A_78 : i32 to index
      %get3A_79 = arith.constant 0 : index
      %get3A_80 = tpu.vector_load %arg7[%get3A, %get3A_79] {strides = array<i32>} : memref<64x32xf32, #tpu.memory_space<vmem>>, vector<1x16xf32>,
      %get3A_81 = vector.shape_cast %get3A_80 : vector<1x16xf32> to vector<16xf32>
      %get3A_82 = arith.index_cast %scan3A_78 : i32 to index
      %get3A_83 = arith.constant 0 : index
      %get3A_84 = tpu.vector_load %arg8[%get3A_82, %get3A_83] {strides = array<i32>} : memref<64x128xf32, #tpu.memory_space<vmem>>, vector<1x16xf32>,
      %get3A_85 = vector.shape_cast %get3A_84 : vector<1x16xf32> to vector<16xf32>
      %add3A_86 = arith.addf %get3A_81, %get3A_85 : vector<16xf32>
      %swap3A = arith.index_cast %scan3A_78 : i32 to index
      %swap3A_87 = arith.constant 0 : index
      %swap3A_88 = tpu.vector_load %arg7[%swap3A, %swap3A_87] {strides = array<i32>} : memref<64x32xf32, #tpu.memory_space<vmem>>, vector<1x16xf32>,
      %swap3A_89 = vector.shape_cast %swap3A_88 : vector<1x16xf32> to vector<16xf32>
      %swap3A_90 = vector.shape_cast %add3A_86 : vector<16xf32> to vector<1x16xf32>
      tpu.vector_store %arg7[%swap3A, %swap3A_87], %swap3A_90 {strides = array<i32>} : memref<64x32xf32, #tpu.memory_space<vmem>>, vector<1x16xf32>,
      %get3A_91 = arith.index_cast %scan3A_78 : i32 to index
      %get3A_92 = arith.constant 16 : index
      %get3A_93 = tpu.vector_load %arg7[%get3A_91, %get3A_92] {strides = array<i32>} : memref<64x32xf32, #tpu.memory_space<vmem>>, vector<1x16xf32>,
      %get3A_94 = vector.shape_cast %get3A_93 : vector<1x16xf32> to vector<16xf32>
      %get3A_95 = arith.index_cast %scan3A_78 : i32 to index
      %get3A_96 = arith.constant 16 : index
      %get3A_97 = tpu.vector_load %arg8[%get3A_95, %get3A_96] {strides = array<i32>} : memref<64x128xf32, #tpu.memory_space<vmem>>, vector<1x16xf32>,
      %get3A_98 = vector.shape_cast %get3A_97 : vector<1x16xf32> to vector<16xf32>
      %add3A_99 = arith.addf %get3A_94, %get3A_98 : vector<16xf32>
      %swap3A_100 = arith.index_cast %scan3A_78 : i32 to index
      %swap3A_101 = arith.constant 16 : index
      %swap3A_102 = tpu.vector_load %arg7[%swap3A_100, %swap3A_101] {strides = array<i32>} : memref<64x32xf32, #tpu.memory_space<vmem>>, vector<1x16xf32>,
      %swap3A_103 = vector.shape_cast %swap3A_102 : vector<1x16xf32> to vector<16xf32>
      %swap3A_104 = vector.shape_cast %add3A_99 : vector<16xf32> to vector<1x16xf32>
      tpu.vector_store %arg7[%swap3A_100, %swap3A_101], %swap3A_104 {strides = array<i32>} : memref<64x32xf32, #tpu.memory_space<vmem>>, vector<1x16xf32>,
    }
    %scan3A_77 = arith.constant 64 : i32
    "tpu.region"() ({
      %run_scoped3A = tpu.sem_alloc : memref<!tpu.dma_semaphore, #tpu.memory_space<semaphore_mem>>
      %dma_start3A_78 = arith.constant 0 : i32
      %dma_start3A_79 = tpu.memref_slice %arg5[%add3A_65, %dma_start3A_78] : memref<10240x32xf32, #tpu.memory_space<hbm>> -> memref<64x32xf32, #tpu.memory_space<hbm>>
      %dma_start3A_80 = arith.constant 0 : i32
      %dma_start3A_81 = tpu.memref_slice %arg5[%add3A_65, %dma_start3A_80] : memref<10240x32xf32, #tpu.memory_space<hbm>> -> memref<64x32xf32, #tpu.memory_space<hbm>>
      tpu.enqueue_dma source(%arg7 : memref<64x32xf32, #tpu.memory_space<vmem>>) target(%dma_start3A_81 : memref<64x32xf32, #tpu.memory_space<hbm>>) target_semaphore(%run_scoped3A : memref<!tpu.dma_semaphore, #tpu.memory_space<semaphore_mem>>)
      %dma_wait3A_82 = arith.constant 0 : i32
      %dma_wait3A_83 = tpu.memref_slice %arg5[%add3A_65, %dma_wait3A_82] : memref<10240x32xf32, #tpu.memory_space<hbm>> -> memref<64x32xf32, #tpu.memory_space<hbm>>
      %dma_wait3A_84 = arith.constant 0 : i32
      %dma_wait3A_85 = tpu.memref_slice %arg5[%add3A_65, %dma_wait3A_84] : memref<10240x32xf32, #tpu.memory_space<hbm>> -> memref<64x32xf32, #tpu.memory_space<hbm>>
      tpu.wait_dma2 semaphore(%run_scoped3A : memref<!tpu.dma_semaphore, #tpu.memory_space<semaphore_mem>>) src(%arg7 : memref<64x32xf32, #tpu.memory_space<vmem>>) dst(%dma_wait3A_85 : memref<64x32xf32, #tpu.memory_space<hbm>>)
      tpu.yield
    }) : () -> ()
    return
  }
}

module attributes {stable_mosaic.version = 14 : i64} {
  func.func @body(%arg0: memref<2x10240x128xf32, #tpu.memory_space<vmem>>, %arg1: memref<128x128xf32, #tpu.memory_space<vmem>>, %arg2: memref<10240x128xf32, #tpu.memory_space<vmem>>) attributes {dimension_semantics = [], scalar_prefetch = 0 : i64, scratch_operands = 0 : i64, tpu.core_type = #tpu.core_type<tc>} {
    %get3A = arith.constant 0 : index
    %get3A_0 = arith.constant 0 : index
    %get3A_1 = arith.constant 0 : index
    %get3A_2 = vector.load %arg0[%get3A, %get3A_0, %get3A_1] : memref<2x10240x128xf32, #tpu.memory_space<vmem>>, vector<1x10240x128xf32>
    %get3A_3 = vector.shape_cast %get3A_2 : vector<1x10240x128xf32> to vector<10240x128xf32>
    %get3A_4 = arith.constant 1 : index
    %get3A_5 = arith.constant 0 : index
    %get3A_6 = arith.constant 0 : index
    %get3A_7 = vector.load %arg0[%get3A_4, %get3A_5, %get3A_6] : memref<2x10240x128xf32, #tpu.memory_space<vmem>>, vector<1x10240x128xf32>
    %get3A_8 = vector.shape_cast %get3A_7 : vector<1x10240x128xf32> to vector<10240x128xf32>
    %add3A = arith.addf %get3A_3, %get3A_8 : vector<10240x128xf32>
    %get3A_9 = arith.constant 0 : index
    %get3A_10 = arith.constant 0 : index
    %get3A_11 = vector.load %arg1[%get3A_9, %get3A_10] : memref<128x128xf32, #tpu.memory_space<vmem>>, vector<128x128xf32>
    %dot_general3A = arith.constant dense<0.000000e+00> : vector<10240x128xf32>
    %dot_general3A_12 = tpu.matmul %add3A, %get3A_11, %dot_general3A {dimension_numbers = #tpu.dot_dimension_numbers<[1], [0], [0], [1], [0, 0, 1, 1], [], []>, transpose_lhs_hint = false} : vector<10240x128xf32>, vector<128x128xf32>, vector<10240x128xf32> -> vector<10240x128xf32>
    %max3A = arith.constant 0.000000e+00 : f32
    %max3A_13 = vector.broadcast %max3A : f32 to vector<10240x128xf32>
    %max3A_14 = arith.maximumf %dot_general3A_12, %max3A_13 : vector<10240x128xf32>
    %swap3A = arith.constant 0 : index
    %swap3A_15 = arith.constant 0 : index
    %swap3A_16 = vector.load %arg2[%swap3A, %swap3A_15] : memref<10240x128xf32, #tpu.memory_space<vmem>>, vector<10240x128xf32>
    tpu.vector_store %arg2[%swap3A, %swap3A_15], %max3A_14 {strides = array<i32>} : memref<10240x128xf32, #tpu.memory_space<vmem>>, vector<10240x128xf32>,
    return
  }
}

module attributes {stable_mosaic.version = 14 : i64} {
  func.func @body(%arg0: memref<2x10240x128xf32, #tpu.memory_space<vmem>>, %arg1: memref<128x96xf32, #tpu.memory_space<vmem>>, %arg2: memref<10240x96xf32, #tpu.memory_space<vmem>>) attributes {dimension_semantics = [], scalar_prefetch = 0 : i64, scratch_operands = 0 : i64, tpu.core_type = #tpu.core_type<tc>} {
    %get3A = arith.constant 0 : index
    %get3A_0 = arith.constant 0 : index
    %get3A_1 = arith.constant 0 : index
    %get3A_2 = vector.load %arg0[%get3A, %get3A_0, %get3A_1] : memref<2x10240x128xf32, #tpu.memory_space<vmem>>, vector<1x10240x128xf32>
    %get3A_3 = vector.shape_cast %get3A_2 : vector<1x10240x128xf32> to vector<10240x128xf32>
    %get3A_4 = arith.constant 1 : index
    %get3A_5 = arith.constant 0 : index
    %get3A_6 = arith.constant 0 : index
    %get3A_7 = vector.load %arg0[%get3A_4, %get3A_5, %get3A_6] : memref<2x10240x128xf32, #tpu.memory_space<vmem>>, vector<1x10240x128xf32>
    %get3A_8 = vector.shape_cast %get3A_7 : vector<1x10240x128xf32> to vector<10240x128xf32>
    %add3A = arith.addf %get3A_3, %get3A_8 : vector<10240x128xf32>
    %get3A_9 = arith.constant 0 : index
    %get3A_10 = arith.constant 0 : index
    %get3A_11 = vector.load %arg1[%get3A_9, %get3A_10] : memref<128x96xf32, #tpu.memory_space<vmem>>, vector<128x96xf32>
    %dot_general3A = arith.constant dense<0.000000e+00> : vector<10240x96xf32>
    %dot_general3A_12 = tpu.matmul %add3A, %get3A_11, %dot_general3A {dimension_numbers = #tpu.dot_dimension_numbers<[1], [0], [0], [1], [0, 0, 1, 1], [], []>, transpose_lhs_hint = false} : vector<10240x128xf32>, vector<128x96xf32>, vector<10240x96xf32> -> vector<10240x96xf32>
    %max3A = arith.constant 0.000000e+00 : f32
    %max3A_13 = vector.broadcast %max3A : f32 to vector<10240x96xf32>
    %max3A_14 = arith.maximumf %dot_general3A_12, %max3A_13 : vector<10240x96xf32>
    %swap3A = arith.constant 0 : index
    %swap3A_15 = arith.constant 0 : index
    %swap3A_16 = vector.load %arg2[%swap3A, %swap3A_15] : memref<10240x96xf32, #tpu.memory_space<vmem>>, vector<10240x96xf32>
    tpu.vector_store %arg2[%swap3A, %swap3A_15], %max3A_14 {strides = array<i32>} : memref<10240x96xf32, #tpu.memory_space<vmem>>, vector<10240x96xf32>,
    return
  }
}

module attributes {stable_mosaic.version = 14 : i64} {
  func.func @body(%arg0: memref<200x200x96xf32, #tpu.memory_space<vmem>>, %arg1: memref<10240x96xf32, #tpu.memory_space<vmem>>, %arg2: memref<96x128xf32, #tpu.memory_space<vmem>>, %arg3: memref<1x32xf32, #tpu.memory_space<vmem>>, %arg4: memref<4356x128xf32, #tpu.memory_space<vmem>>, %arg5: memref<10240x32xf32, #tpu.memory_space<vmem>>) attributes {dimension_semantics = [], scalar_prefetch = 0 : i64, scratch_operands = 0 : i64, tpu.core_type = #tpu.core_type<tc>} {
    %get3A = arith.constant 0 : index
    %get3A_0 = arith.constant 0 : index
    %get3A_1 = arith.constant 0 : index
    %get3A_2 = vector.load %arg0[%get3A, %get3A_0, %get3A_1] : memref<200x200x96xf32, #tpu.memory_space<vmem>>, vector<200x200x96xf32>
    %slice3A = vector.extract_strided_slice %get3A_2 {offsets = [0, 0, 0], sizes = [198, 200, 96], strides = [1, 1, 1]} : vector<200x200x96xf32> to vector<198x200x96xf32>
    %reshape3A = vector.shape_cast %slice3A : vector<198x200x96xf32> to vector<66x3x200x96xf32>
    %reduce_max3A = arith.constant dense<0xFF800000> : vector<66x200x96xf32>
    %reduce_max3A_3 = vector.multi_reduction <maximumf>, %reshape3A, %reduce_max3A [1] : vector<66x3x200x96xf32> to vector<66x200x96xf32>
    %slice3A_4 = vector.extract_strided_slice %get3A_2 {offsets = [2, 0, 0], sizes = [198, 200, 96], strides = [1, 1, 1]} : vector<200x200x96xf32> to vector<198x200x96xf32>
    %reshape3A_5 = vector.shape_cast %slice3A_4 : vector<198x200x96xf32> to vector<66x3x200x96xf32>
    %broadcast_in_dim3A = arith.constant 0xFF800000 : f32
    %broadcast_in_dim3A_6 = vector.broadcast %broadcast_in_dim3A : f32 to vector<1x200x96xf32>
    %slice3A_7 = vector.extract_strided_slice %reshape3A_5 {offsets = [0, 0, 0, 0], sizes = [65, 1, 200, 96], strides = [1, 1, 1, 1]} : vector<66x3x200x96xf32> to vector<65x1x200x96xf32>
    %squeeze3A = vector.shape_cast %slice3A_7 : vector<65x1x200x96xf32> to vector<65x200x96xf32>
    %concatenate3A = tpu.concatenate %broadcast_in_dim3A_6, %squeeze3A in 0 : vector<1x200x96xf32>, vector<65x200x96xf32> -> vector<66x200x96xf32>
    %max3A = arith.maximumf %reduce_max3A_3, %concatenate3A : vector<66x200x96xf32>
    %slice3A_8 = vector.extract_strided_slice %reshape3A_5 {offsets = [0, 1, 0, 0], sizes = [66, 1, 200, 96], strides = [1, 1, 1, 1]} : vector<66x3x200x96xf32> to vector<66x1x200x96xf32>
    %squeeze3A_9 = vector.shape_cast %slice3A_8 : vector<66x1x200x96xf32> to vector<66x200x96xf32>
    %max3A_10 = arith.maximumf %max3A, %squeeze3A_9 : vector<66x200x96xf32>
    %slice3A_11 = vector.extract_strided_slice %max3A_10 {offsets = [0, 0, 0], sizes = [66, 4, 96], strides = [1, 1, 1]} : vector<66x200x96xf32> to vector<66x4x96xf32>
    %reduce_max3A_12 = arith.constant dense<0xFF800000> : vector<66x96xf32>
    %reduce_max3A_13 = vector.multi_reduction <maximumf>, %slice3A_11, %reduce_max3A_12 [1] : vector<66x4x96xf32> to vector<66x96xf32>
    %broadcast_in_dim3A_14 = vector.shape_cast %reduce_max3A_13 : vector<66x96xf32> to vector<66x1x96xf32>
    %slice3A_15 = vector.extract_strided_slice %max3A_10 {offsets = [0, 2, 0], sizes = [66, 5, 96], strides = [1, 1, 1]} : vector<66x200x96xf32> to vector<66x5x96xf32>
    %reduce_max3A_16 = arith.constant dense<0xFF800000> : vector<66x96xf32>
    %reduce_max3A_17 = vector.multi_reduction <maximumf>, %slice3A_15, %reduce_max3A_16 [1] : vector<66x5x96xf32> to vector<66x96xf32>
    %broadcast_in_dim3A_18 = vector.shape_cast %reduce_max3A_17 : vector<66x96xf32> to vector<66x1x96xf32>
    %slice3A_19 = vector.extract_strided_slice %max3A_10 {offsets = [0, 5, 0], sizes = [66, 5, 96], strides = [1, 1, 1]} : vector<66x200x96xf32> to vector<66x5x96xf32>
    %reduce_max3A_20 = arith.constant dense<0xFF800000> : vector<66x96xf32>
    %reduce_max3A_21 = vector.multi_reduction <maximumf>, %slice3A_19, %reduce_max3A_20 [1] : vector<66x5x96xf32> to vector<66x96xf32>
    %broadcast_in_dim3A_22 = vector.shape_cast %reduce_max3A_21 : vector<66x96xf32> to vector<66x1x96xf32>
    %slice3A_23 = vector.extract_strided_slice %max3A_10 {offsets = [0, 8, 0], sizes = [66, 5, 96], strides = [1, 1, 1]} : vector<66x200x96xf32> to vector<66x5x96xf32>
    %reduce_max3A_24 = arith.constant dense<0xFF800000> : vector<66x96xf32>
    %reduce_max3A_25 = vector.multi_reduction <maximumf>, %slice3A_23, %reduce_max3A_24 [1] : vector<66x5x96xf32> to vector<66x96xf32>
    %broadcast_in_dim3A_26 = vector.shape_cast %reduce_max3A_25 : vector<66x96xf32> to vector<66x1x96xf32>
    %slice3A_27 = vector.extract_strided_slice %max3A_10 {offsets = [0, 11, 0], sizes = [66, 5, 96], strides = [1, 1, 1]} : vector<66x200x96xf32> to vector<66x5x96xf32>
    %reduce_max3A_28 = arith.constant dense<0xFF800000> : vector<66x96xf32>
    %reduce_max3A_29 = vector.multi_reduction <maximumf>, %slice3A_27, %reduce_max3A_28 [1] : vector<66x5x96xf32> to vector<66x96xf32>
    %broadcast_in_dim3A_30 = vector.shape_cast %reduce_max3A_29 : vector<66x96xf32> to vector<66x1x96xf32>
    %slice3A_31 = vector.extract_strided_slice %max3A_10 {offsets = [0, 14, 0], sizes = [66, 5, 96], strides = [1, 1, 1]} : vector<66x200x96xf32> to vector<66x5x96xf32>
    %reduce_max3A_32 = arith.constant dense<0xFF800000> : vector<66x96xf32>
    %reduce_max3A_33 = vector.multi_reduction <maximumf>, %slice3A_31, %reduce_max3A_32 [1] : vector<66x5x96xf32> to vector<66x96xf32>
    %broadcast_in_dim3A_34 = vector.shape_cast %reduce_max3A_33 : vector<66x96xf32> to vector<66x1x96xf32>
    %slice3A_35 = vector.extract_strided_slice %max3A_10 {offsets = [0, 17, 0], sizes = [66, 5, 96], strides = [1, 1, 1]} : vector<66x200x96xf32> to vector<66x5x96xf32>
    %reduce_max3A_36 = arith.constant dense<0xFF800000> : vector<66x96xf32>
    %reduce_max3A_37 = vector.multi_reduction <maximumf>, %slice3A_35, %reduce_max3A_36 [1] : vector<66x5x96xf32> to vector<66x96xf32>
    %broadcast_in_dim3A_38 = vector.shape_cast %reduce_max3A_37 : vector<66x96xf32> to vector<66x1x96xf32>
    %slice3A_39 = vector.extract_strided_slice %max3A_10 {offsets = [0, 20, 0], sizes = [66, 5, 96], strides = [1, 1, 1]} : vector<66x200x96xf32> to vector<66x5x96xf32>
    %reduce_max3A_40 = arith.constant dense<0xFF800000> : vector<66x96xf32>
    %reduce_max3A_41 = vector.multi_reduction <maximumf>, %slice3A_39, %reduce_max3A_40 [1] : vector<66x5x96xf32> to vector<66x96xf32>
    %broadcast_in_dim3A_42 = vector.shape_cast %reduce_max3A_41 : vector<66x96xf32> to vector<66x1x96xf32>
    %slice3A_43 = vector.extract_strided_slice %max3A_10 {offsets = [0, 23, 0], sizes = [66, 5, 96], strides = [1, 1, 1]} : vector<66x200x96xf32> to vector<66x5x96xf32>
    %reduce_max3A_44 = arith.constant dense<0xFF800000> : vector<66x96xf32>
    %reduce_max3A_45 = vector.multi_reduction <maximumf>, %slice3A_43, %reduce_max3A_44 [1] : vector<66x5x96xf32> to vector<66x96xf32>
    %broadcast_in_dim3A_46 = vector.shape_cast %reduce_max3A_45 : vector<66x96xf32> to vector<66x1x96xf32>
    %slice3A_47 = vector.extract_strided_slice %max3A_10 {offsets = [0, 26, 0], sizes = [66, 5, 96], strides = [1, 1, 1]} : vector<66x200x96xf32> to vector<66x5x96xf32>
    %reduce_max3A_48 = arith.constant dense<0xFF800000> : vector<66x96xf32>
    %reduce_max3A_49 = vector.multi_reduction <maximumf>, %slice3A_47, %reduce_max3A_48 [1] : vector<66x5x96xf32> to vector<66x96xf32>
    %broadcast_in_dim3A_50 = vector.shape_cast %reduce_max3A_49 : vector<66x96xf32> to vector<66x1x96xf32>
    %slice3A_51 = vector.extract_strided_slice %max3A_10 {offsets = [0, 29, 0], sizes = [66, 5, 96], strides = [1, 1, 1]} : vector<66x200x96xf32> to vector<66x5x96xf32>
    %reduce_max3A_52 = arith.constant dense<0xFF800000> : vector<66x96xf32>
    %reduce_max3A_53 = vector.multi_reduction <maximumf>, %slice3A_51, %reduce_max3A_52 [1] : vector<66x5x96xf32> to vector<66x96xf32>
    %broadcast_in_dim3A_54 = vector.shape_cast %reduce_max3A_53 : vector<66x96xf32> to vector<66x1x96xf32>
    %slice3A_55 = vector.extract_strided_slice %max3A_10 {offsets = [0, 32, 0], sizes = [66, 5, 96], strides = [1, 1, 1]} : vector<66x200x96xf32> to vector<66x5x96xf32>
    %reduce_max3A_56 = arith.constant dense<0xFF800000> : vector<66x96xf32>
    %reduce_max3A_57 = vector.multi_reduction <maximumf>, %slice3A_55, %reduce_max3A_56 [1] : vector<66x5x96xf32> to vector<66x96xf32>
    %broadcast_in_dim3A_58 = vector.shape_cast %reduce_max3A_57 : vector<66x96xf32> to vector<66x1x96xf32>
    %slice3A_59 = vector.extract_strided_slice %max3A_10 {offsets = [0, 35, 0], sizes = [66, 5, 96], strides = [1, 1, 1]} : vector<66x200x96xf32> to vector<66x5x96xf32>
    %reduce_max3A_60 = arith.constant dense<0xFF800000> : vector<66x96xf32>
    %reduce_max3A_61 = vector.multi_reduction <maximumf>, %slice3A_59, %reduce_max3A_60 [1] : vector<66x5x96xf32> to vector<66x96xf32>
    %broadcast_in_dim3A_62 = vector.shape_cast %reduce_max3A_61 : vector<66x96xf32> to vector<66x1x96xf32>
    %slice3A_63 = vector.extract_strided_slice %max3A_10 {offsets = [0, 38, 0], sizes = [66, 5, 96], strides = [1, 1, 1]} : vector<66x200x96xf32> to vector<66x5x96xf32>
    %reduce_max3A_64 = arith.constant dense<0xFF800000> : vector<66x96xf32>
    %reduce_max3A_65 = vector.multi_reduction <maximumf>, %slice3A_63, %reduce_max3A_64 [1] : vector<66x5x96xf32> to vector<66x96xf32>
    %broadcast_in_dim3A_66 = vector.shape_cast %reduce_max3A_65 : vector<66x96xf32> to vector<66x1x96xf32>
    %slice3A_67 = vector.extract_strided_slice %max3A_10 {offsets = [0, 41, 0], sizes = [66, 5, 96], strides = [1, 1, 1]} : vector<66x200x96xf32> to vector<66x5x96xf32>
    %reduce_max3A_68 = arith.constant dense<0xFF800000> : vector<66x96xf32>
    %reduce_max3A_69 = vector.multi_reduction <maximumf>, %slice3A_67, %reduce_max3A_68 [1] : vector<66x5x96xf32> to vector<66x96xf32>
    %broadcast_in_dim3A_70 = vector.shape_cast %reduce_max3A_69 : vector<66x96xf32> to vector<66x1x96xf32>
    %slice3A_71 = vector.extract_strided_slice %max3A_10 {offsets = [0, 44, 0], sizes = [66, 5, 96], strides = [1, 1, 1]} : vector<66x200x96xf32> to vector<66x5x96xf32>
    %reduce_max3A_72 = arith.constant dense<0xFF800000> : vector<66x96xf32>
    %reduce_max3A_73 = vector.multi_reduction <maximumf>, %slice3A_71, %reduce_max3A_72 [1] : vector<66x5x96xf32> to vector<66x96xf32>
    %broadcast_in_dim3A_74 = vector.shape_cast %reduce_max3A_73 : vector<66x96xf32> to vector<66x1x96xf32>
    %slice3A_75 = vector.extract_strided_slice %max3A_10 {offsets = [0, 47, 0], sizes = [66, 5, 96], strides = [1, 1, 1]} : vector<66x200x96xf32> to vector<66x5x96xf32>
    %reduce_max3A_76 = arith.constant dense<0xFF800000> : vector<66x96xf32>
    %reduce_max3A_77 = vector.multi_reduction <maximumf>, %slice3A_75, %reduce_max3A_76 [1] : vector<66x5x96xf32> to vector<66x96xf32>
    %broadcast_in_dim3A_78 = vector.shape_cast %reduce_max3A_77 : vector<66x96xf32> to vector<66x1x96xf32>
    %slice3A_79 = vector.extract_strided_slice %max3A_10 {offsets = [0, 50, 0], sizes = [66, 5, 96], strides = [1, 1, 1]} : vector<66x200x96xf32> to vector<66x5x96xf32>
    %reduce_max3A_80 = arith.constant dense<0xFF800000> : vector<66x96xf32>
    %reduce_max3A_81 = vector.multi_reduction <maximumf>, %slice3A_79, %reduce_max3A_80 [1] : vector<66x5x96xf32> to vector<66x96xf32>
    %broadcast_in_dim3A_82 = vector.shape_cast %reduce_max3A_81 : vector<66x96xf32> to vector<66x1x96xf32>
    %slice3A_83 = vector.extract_strided_slice %max3A_10 {offsets = [0, 53, 0], sizes = [66, 5, 96], strides = [1, 1, 1]} : vector<66x200x96xf32> to vector<66x5x96xf32>
    %reduce_max3A_84 = arith.constant dense<0xFF800000> : vector<66x96xf32>
    %reduce_max3A_85 = vector.multi_reduction <maximumf>, %slice3A_83, %reduce_max3A_84 [1] : vector<66x5x96xf32> to vector<66x96xf32>
    %broadcast_in_dim3A_86 = vector.shape_cast %reduce_max3A_85 : vector<66x96xf32> to vector<66x1x96xf32>
    %slice3A_87 = vector.extract_strided_slice %max3A_10 {offsets = [0, 56, 0], sizes = [66, 5, 96], strides = [1, 1, 1]} : vector<66x200x96xf32> to vector<66x5x96xf32>
    %reduce_max3A_88 = arith.constant dense<0xFF800000> : vector<66x96xf32>
    %reduce_max3A_89 = vector.multi_reduction <maximumf>, %slice3A_87, %reduce_max3A_88 [1] : vector<66x5x96xf32> to vector<66x96xf32>
    %broadcast_in_dim3A_90 = vector.shape_cast %reduce_max3A_89 : vector<66x96xf32> to vector<66x1x96xf32>
    %slice3A_91 = vector.extract_strided_slice %max3A_10 {offsets = [0, 59, 0], sizes = [66, 5, 96], strides = [1, 1, 1]} : vector<66x200x96xf32> to vector<66x5x96xf32>
    %reduce_max3A_92 = arith.constant dense<0xFF800000> : vector<66x96xf32>
    %reduce_max3A_93 = vector.multi_reduction <maximumf>, %slice3A_91, %reduce_max3A_92 [1] : vector<66x5x96xf32> to vector<66x96xf32>
    %broadcast_in_dim3A_94 = vector.shape_cast %reduce_max3A_93 : vector<66x96xf32> to vector<66x1x96xf32>
    %slice3A_95 = vector.extract_strided_slice %max3A_10 {offsets = [0, 62, 0], sizes = [66, 5, 96], strides = [1, 1, 1]} : vector<66x200x96xf32> to vector<66x5x96xf32>
    %reduce_max3A_96 = arith.constant dense<0xFF800000> : vector<66x96xf32>
    %reduce_max3A_97 = vector.multi_reduction <maximumf>, %slice3A_95, %reduce_max3A_96 [1] : vector<66x5x96xf32> to vector<66x96xf32>
    %broadcast_in_dim3A_98 = vector.shape_cast %reduce_max3A_97 : vector<66x96xf32> to vector<66x1x96xf32>
    %slice3A_99 = vector.extract_strided_slice %max3A_10 {offsets = [0, 65, 0], sizes = [66, 5, 96], strides = [1, 1, 1]} : vector<66x200x96xf32> to vector<66x5x96xf32>
    %reduce_max3A_100 = arith.constant dense<0xFF800000> : vector<66x96xf32>
    %reduce_max3A_101 = vector.multi_reduction <maximumf>, %slice3A_99, %reduce_max3A_100 [1] : vector<66x5x96xf32> to vector<66x96xf32>
    %broadcast_in_dim3A_102 = vector.shape_cast %reduce_max3A_101 : vector<66x96xf32> to vector<66x1x96xf32>
    %slice3A_103 = vector.extract_strided_slice %max3A_10 {offsets = [0, 68, 0], sizes = [66, 5, 96], strides = [1, 1, 1]} : vector<66x200x96xf32> to vector<66x5x96xf32>
    %reduce_max3A_104 = arith.constant dense<0xFF800000> : vector<66x96xf32>
    %reduce_max3A_105 = vector.multi_reduction <maximumf>, %slice3A_103, %reduce_max3A_104 [1] : vector<66x5x96xf32> to vector<66x96xf32>
    %broadcast_in_dim3A_106 = vector.shape_cast %reduce_max3A_105 : vector<66x96xf32> to vector<66x1x96xf32>
    %slice3A_107 = vector.extract_strided_slice %max3A_10 {offsets = [0, 71, 0], sizes = [66, 5, 96], strides = [1, 1, 1]} : vector<66x200x96xf32> to vector<66x5x96xf32>
    %reduce_max3A_108 = arith.constant dense<0xFF800000> : vector<66x96xf32>
    %reduce_max3A_109 = vector.multi_reduction <maximumf>, %slice3A_107, %reduce_max3A_108 [1] : vector<66x5x96xf32> to vector<66x96xf32>
    %broadcast_in_dim3A_110 = vector.shape_cast %reduce_max3A_109 : vector<66x96xf32> to vector<66x1x96xf32>
    %slice3A_111 = vector.extract_strided_slice %max3A_10 {offsets = [0, 74, 0], sizes = [66, 5, 96], strides = [1, 1, 1]} : vector<66x200x96xf32> to vector<66x5x96xf32>
    %reduce_max3A_112 = arith.constant dense<0xFF800000> : vector<66x96xf32>
    %reduce_max3A_113 = vector.multi_reduction <maximumf>, %slice3A_111, %reduce_max3A_112 [1] : vector<66x5x96xf32> to vector<66x96xf32>
    %broadcast_in_dim3A_114 = vector.shape_cast %reduce_max3A_113 : vector<66x96xf32> to vector<66x1x96xf32>
    %slice3A_115 = vector.extract_strided_slice %max3A_10 {offsets = [0, 77, 0], sizes = [66, 5, 96], strides = [1, 1, 1]} : vector<66x200x96xf32> to vector<66x5x96xf32>
    %reduce_max3A_116 = arith.constant dense<0xFF800000> : vector<66x96xf32>
    %reduce_max3A_117 = vector.multi_reduction <maximumf>, %slice3A_115, %reduce_max3A_116 [1] : vector<66x5x96xf32> to vector<66x96xf32>
    %broadcast_in_dim3A_118 = vector.shape_cast %reduce_max3A_117 : vector<66x96xf32> to vector<66x1x96xf32>
    %slice3A_119 = vector.extract_strided_slice %max3A_10 {offsets = [0, 80, 0], sizes = [66, 5, 96], strides = [1, 1, 1]} : vector<66x200x96xf32> to vector<66x5x96xf32>
    %reduce_max3A_120 = arith.constant dense<0xFF800000> : vector<66x96xf32>
    %reduce_max3A_121 = vector.multi_reduction <maximumf>, %slice3A_119, %reduce_max3A_120 [1] : vector<66x5x96xf32> to vector<66x96xf32>
    %broadcast_in_dim3A_122 = vector.shape_cast %reduce_max3A_121 : vector<66x96xf32> to vector<66x1x96xf32>
    %slice3A_123 = vector.extract_strided_slice %max3A_10 {offsets = [0, 83, 0], sizes = [66, 5, 96], strides = [1, 1, 1]} : vector<66x200x96xf32> to vector<66x5x96xf32>
    %reduce_max3A_124 = arith.constant dense<0xFF800000> : vector<66x96xf32>
    %reduce_max3A_125 = vector.multi_reduction <maximumf>, %slice3A_123, %reduce_max3A_124 [1] : vector<66x5x96xf32> to vector<66x96xf32>
    %broadcast_in_dim3A_126 = vector.shape_cast %reduce_max3A_125 : vector<66x96xf32> to vector<66x1x96xf32>
    %slice3A_127 = vector.extract_strided_slice %max3A_10 {offsets = [0, 86, 0], sizes = [66, 5, 96], strides = [1, 1, 1]} : vector<66x200x96xf32> to vector<66x5x96xf32>
    %reduce_max3A_128 = arith.constant dense<0xFF800000> : vector<66x96xf32>
    %reduce_max3A_129 = vector.multi_reduction <maximumf>, %slice3A_127, %reduce_max3A_128 [1] : vector<66x5x96xf32> to vector<66x96xf32>
    %broadcast_in_dim3A_130 = vector.shape_cast %reduce_max3A_129 : vector<66x96xf32> to vector<66x1x96xf32>
    %slice3A_131 = vector.extract_strided_slice %max3A_10 {offsets = [0, 89, 0], sizes = [66, 5, 96], strides = [1, 1, 1]} : vector<66x200x96xf32> to vector<66x5x96xf32>
    %reduce_max3A_132 = arith.constant dense<0xFF800000> : vector<66x96xf32>
    %reduce_max3A_133 = vector.multi_reduction <maximumf>, %slice3A_131, %reduce_max3A_132 [1] : vector<66x5x96xf32> to vector<66x96xf32>
    %broadcast_in_dim3A_134 = vector.shape_cast %reduce_max3A_133 : vector<66x96xf32> to vector<66x1x96xf32>
    %slice3A_135 = vector.extract_strided_slice %max3A_10 {offsets = [0, 92, 0], sizes = [66, 5, 96], strides = [1, 1, 1]} : vector<66x200x96xf32> to vector<66x5x96xf32>
    %reduce_max3A_136 = arith.constant dense<0xFF800000> : vector<66x96xf32>
    %reduce_max3A_137 = vector.multi_reduction <maximumf>, %slice3A_135, %reduce_max3A_136 [1] : vector<66x5x96xf32> to vector<66x96xf32>
    %broadcast_in_dim3A_138 = vector.shape_cast %reduce_max3A_137 : vector<66x96xf32> to vector<66x1x96xf32>
    %slice3A_139 = vector.extract_strided_slice %max3A_10 {offsets = [0, 95, 0], sizes = [66, 5, 96], strides = [1, 1, 1]} : vector<66x200x96xf32> to vector<66x5x96xf32>
    %reduce_max3A_140 = arith.constant dense<0xFF800000> : vector<66x96xf32>
    %reduce_max3A_141 = vector.multi_reduction <maximumf>, %slice3A_139, %reduce_max3A_140 [1] : vector<66x5x96xf32> to vector<66x96xf32>
    %broadcast_in_dim3A_142 = vector.shape_cast %reduce_max3A_141 : vector<66x96xf32> to vector<66x1x96xf32>
    %slice3A_143 = vector.extract_strided_slice %max3A_10 {offsets = [0, 98, 0], sizes = [66, 5, 96], strides = [1, 1, 1]} : vector<66x200x96xf32> to vector<66x5x96xf32>
    %reduce_max3A_144 = arith.constant dense<0xFF800000> : vector<66x96xf32>
    %reduce_max3A_145 = vector.multi_reduction <maximumf>, %slice3A_143, %reduce_max3A_144 [1] : vector<66x5x96xf32> to vector<66x96xf32>
    %broadcast_in_dim3A_146 = vector.shape_cast %reduce_max3A_145 : vector<66x96xf32> to vector<66x1x96xf32>
    %slice3A_147 = vector.extract_strided_slice %max3A_10 {offsets = [0, 101, 0], sizes = [66, 5, 96], strides = [1, 1, 1]} : vector<66x200x96xf32> to vector<66x5x96xf32>
    %reduce_max3A_148 = arith.constant dense<0xFF800000> : vector<66x96xf32>
    %reduce_max3A_149 = vector.multi_reduction <maximumf>, %slice3A_147, %reduce_max3A_148 [1] : vector<66x5x96xf32> to vector<66x96xf32>
    %broadcast_in_dim3A_150 = vector.shape_cast %reduce_max3A_149 : vector<66x96xf32> to vector<66x1x96xf32>
    %slice3A_151 = vector.extract_strided_slice %max3A_10 {offsets = [0, 104, 0], sizes = [66, 5, 96], strides = [1, 1, 1]} : vector<66x200x96xf32> to vector<66x5x96xf32>
    %reduce_max3A_152 = arith.constant dense<0xFF800000> : vector<66x96xf32>
    %reduce_max3A_153 = vector.multi_reduction <maximumf>, %slice3A_151, %reduce_max3A_152 [1] : vector<66x5x96xf32> to vector<66x96xf32>
    %broadcast_in_dim3A_154 = vector.shape_cast %reduce_max3A_153 : vector<66x96xf32> to vector<66x1x96xf32>
    %slice3A_155 = vector.extract_strided_slice %max3A_10 {offsets = [0, 107, 0], sizes = [66, 5, 96], strides = [1, 1, 1]} : vector<66x200x96xf32> to vector<66x5x96xf32>
    %reduce_max3A_156 = arith.constant dense<0xFF800000> : vector<66x96xf32>
    %reduce_max3A_157 = vector.multi_reduction <maximumf>, %slice3A_155, %reduce_max3A_156 [1] : vector<66x5x96xf32> to vector<66x96xf32>
    %broadcast_in_dim3A_158 = vector.shape_cast %reduce_max3A_157 : vector<66x96xf32> to vector<66x1x96xf32>
    %slice3A_159 = vector.extract_strided_slice %max3A_10 {offsets = [0, 110, 0], sizes = [66, 5, 96], strides = [1, 1, 1]} : vector<66x200x96xf32> to vector<66x5x96xf32>
    %reduce_max3A_160 = arith.constant dense<0xFF800000> : vector<66x96xf32>
    %reduce_max3A_161 = vector.multi_reduction <maximumf>, %slice3A_159, %reduce_max3A_160 [1] : vector<66x5x96xf32> to vector<66x96xf32>
    %broadcast_in_dim3A_162 = vector.shape_cast %reduce_max3A_161 : vector<66x96xf32> to vector<66x1x96xf32>
    %slice3A_163 = vector.extract_strided_slice %max3A_10 {offsets = [0, 113, 0], sizes = [66, 5, 96], strides = [1, 1, 1]} : vector<66x200x96xf32> to vector<66x5x96xf32>
    %reduce_max3A_164 = arith.constant dense<0xFF800000> : vector<66x96xf32>
    %reduce_max3A_165 = vector.multi_reduction <maximumf>, %slice3A_163, %reduce_max3A_164 [1] : vector<66x5x96xf32> to vector<66x96xf32>
    %broadcast_in_dim3A_166 = vector.shape_cast %reduce_max3A_165 : vector<66x96xf32> to vector<66x1x96xf32>
    %slice3A_167 = vector.extract_strided_slice %max3A_10 {offsets = [0, 116, 0], sizes = [66, 5, 96], strides = [1, 1, 1]} : vector<66x200x96xf32> to vector<66x5x96xf32>
    %reduce_max3A_168 = arith.constant dense<0xFF800000> : vector<66x96xf32>
    %reduce_max3A_169 = vector.multi_reduction <maximumf>, %slice3A_167, %reduce_max3A_168 [1] : vector<66x5x96xf32> to vector<66x96xf32>
    %broadcast_in_dim3A_170 = vector.shape_cast %reduce_max3A_169 : vector<66x96xf32> to vector<66x1x96xf32>
    %slice3A_171 = vector.extract_strided_slice %max3A_10 {offsets = [0, 119, 0], sizes = [66, 5, 96], strides = [1, 1, 1]} : vector<66x200x96xf32> to vector<66x5x96xf32>
    %reduce_max3A_172 = arith.constant dense<0xFF800000> : vector<66x96xf32>
    %reduce_max3A_173 = vector.multi_reduction <maximumf>, %slice3A_171, %reduce_max3A_172 [1] : vector<66x5x96xf32> to vector<66x96xf32>
    %broadcast_in_dim3A_174 = vector.shape_cast %reduce_max3A_173 : vector<66x96xf32> to vector<66x1x96xf32>
    %slice3A_175 = vector.extract_strided_slice %max3A_10 {offsets = [0, 122, 0], sizes = [66, 5, 96], strides = [1, 1, 1]} : vector<66x200x96xf32> to vector<66x5x96xf32>
    %reduce_max3A_176 = arith.constant dense<0xFF800000> : vector<66x96xf32>
    %reduce_max3A_177 = vector.multi_reduction <maximumf>, %slice3A_175, %reduce_max3A_176 [1] : vector<66x5x96xf32> to vector<66x96xf32>
    %broadcast_in_dim3A_178 = vector.shape_cast %reduce_max3A_177 : vector<66x96xf32> to vector<66x1x96xf32>
    %slice3A_179 = vector.extract_strided_slice %max3A_10 {offsets = [0, 125, 0], sizes = [66, 5, 96], strides = [1, 1, 1]} : vector<66x200x96xf32> to vector<66x5x96xf32>
    %reduce_max3A_180 = arith.constant dense<0xFF800000> : vector<66x96xf32>
    %reduce_max3A_181 = vector.multi_reduction <maximumf>, %slice3A_179, %reduce_max3A_180 [1] : vector<66x5x96xf32> to vector<66x96xf32>
    %broadcast_in_dim3A_182 = vector.shape_cast %reduce_max3A_181 : vector<66x96xf32> to vector<66x1x96xf32>
    %slice3A_183 = vector.extract_strided_slice %max3A_10 {offsets = [0, 128, 0], sizes = [66, 5, 96], strides = [1, 1, 1]} : vector<66x200x96xf32> to vector<66x5x96xf32>
    %reduce_max3A_184 = arith.constant dense<0xFF800000> : vector<66x96xf32>
    %reduce_max3A_185 = vector.multi_reduction <maximumf>, %slice3A_183, %reduce_max3A_184 [1] : vector<66x5x96xf32> to vector<66x96xf32>
    %broadcast_in_dim3A_186 = vector.shape_cast %reduce_max3A_185 : vector<66x96xf32> to vector<66x1x96xf32>
    %slice3A_187 = vector.extract_strided_slice %max3A_10 {offsets = [0, 131, 0], sizes = [66, 5, 96], strides = [1, 1, 1]} : vector<66x200x96xf32> to vector<66x5x96xf32>
    %reduce_max3A_188 = arith.constant dense<0xFF800000> : vector<66x96xf32>
    %reduce_max3A_189 = vector.multi_reduction <maximumf>, %slice3A_187, %reduce_max3A_188 [1] : vector<66x5x96xf32> to vector<66x96xf32>
    %broadcast_in_dim3A_190 = vector.shape_cast %reduce_max3A_189 : vector<66x96xf32> to vector<66x1x96xf32>
    %slice3A_191 = vector.extract_strided_slice %max3A_10 {offsets = [0, 134, 0], sizes = [66, 5, 96], strides = [1, 1, 1]} : vector<66x200x96xf32> to vector<66x5x96xf32>
    %reduce_max3A_192 = arith.constant dense<0xFF800000> : vector<66x96xf32>
    %reduce_max3A_193 = vector.multi_reduction <maximumf>, %slice3A_191, %reduce_max3A_192 [1] : vector<66x5x96xf32> to vector<66x96xf32>
    %broadcast_in_dim3A_194 = vector.shape_cast %reduce_max3A_193 : vector<66x96xf32> to vector<66x1x96xf32>
    %slice3A_195 = vector.extract_strided_slice %max3A_10 {offsets = [0, 137, 0], sizes = [66, 5, 96], strides = [1, 1, 1]} : vector<66x200x96xf32> to vector<66x5x96xf32>
    %reduce_max3A_196 = arith.constant dense<0xFF800000> : vector<66x96xf32>
    %reduce_max3A_197 = vector.multi_reduction <maximumf>, %slice3A_195, %reduce_max3A_196 [1] : vector<66x5x96xf32> to vector<66x96xf32>
    %broadcast_in_dim3A_198 = vector.shape_cast %reduce_max3A_197 : vector<66x96xf32> to vector<66x1x96xf32>
    %slice3A_199 = vector.extract_strided_slice %max3A_10 {offsets = [0, 140, 0], sizes = [66, 5, 96], strides = [1, 1, 1]} : vector<66x200x96xf32> to vector<66x5x96xf32>
    %reduce_max3A_200 = arith.constant dense<0xFF800000> : vector<66x96xf32>
    %reduce_max3A_201 = vector.multi_reduction <maximumf>, %slice3A_199, %reduce_max3A_200 [1] : vector<66x5x96xf32> to vector<66x96xf32>
    %broadcast_in_dim3A_202 = vector.shape_cast %reduce_max3A_201 : vector<66x96xf32> to vector<66x1x96xf32>
    %slice3A_203 = vector.extract_strided_slice %max3A_10 {offsets = [0, 143, 0], sizes = [66, 5, 96], strides = [1, 1, 1]} : vector<66x200x96xf32> to vector<66x5x96xf32>
    %reduce_max3A_204 = arith.constant dense<0xFF800000> : vector<66x96xf32>
    %reduce_max3A_205 = vector.multi_reduction <maximumf>, %slice3A_203, %reduce_max3A_204 [1] : vector<66x5x96xf32> to vector<66x96xf32>
    %broadcast_in_dim3A_206 = vector.shape_cast %reduce_max3A_205 : vector<66x96xf32> to vector<66x1x96xf32>
    %slice3A_207 = vector.extract_strided_slice %max3A_10 {offsets = [0, 146, 0], sizes = [66, 5, 96], strides = [1, 1, 1]} : vector<66x200x96xf32> to vector<66x5x96xf32>
    %reduce_max3A_208 = arith.constant dense<0xFF800000> : vector<66x96xf32>
    %reduce_max3A_209 = vector.multi_reduction <maximumf>, %slice3A_207, %reduce_max3A_208 [1] : vector<66x5x96xf32> to vector<66x96xf32>
    %broadcast_in_dim3A_210 = vector.shape_cast %reduce_max3A_209 : vector<66x96xf32> to vector<66x1x96xf32>
    %slice3A_211 = vector.extract_strided_slice %max3A_10 {offsets = [0, 149, 0], sizes = [66, 5, 96], strides = [1, 1, 1]} : vector<66x200x96xf32> to vector<66x5x96xf32>
    %reduce_max3A_212 = arith.constant dense<0xFF800000> : vector<66x96xf32>
    %reduce_max3A_213 = vector.multi_reduction <maximumf>, %slice3A_211, %reduce_max3A_212 [1] : vector<66x5x96xf32> to vector<66x96xf32>
    %broadcast_in_dim3A_214 = vector.shape_cast %reduce_max3A_213 : vector<66x96xf32> to vector<66x1x96xf32>
    %slice3A_215 = vector.extract_strided_slice %max3A_10 {offsets = [0, 152, 0], sizes = [66, 5, 96], strides = [1, 1, 1]} : vector<66x200x96xf32> to vector<66x5x96xf32>
    %reduce_max3A_216 = arith.constant dense<0xFF800000> : vector<66x96xf32>
    %reduce_max3A_217 = vector.multi_reduction <maximumf>, %slice3A_215, %reduce_max3A_216 [1] : vector<66x5x96xf32> to vector<66x96xf32>
    %broadcast_in_dim3A_218 = vector.shape_cast %reduce_max3A_217 : vector<66x96xf32> to vector<66x1x96xf32>
    %slice3A_219 = vector.extract_strided_slice %max3A_10 {offsets = [0, 155, 0], sizes = [66, 5, 96], strides = [1, 1, 1]} : vector<66x200x96xf32> to vector<66x5x96xf32>
    %reduce_max3A_220 = arith.constant dense<0xFF800000> : vector<66x96xf32>
    %reduce_max3A_221 = vector.multi_reduction <maximumf>, %slice3A_219, %reduce_max3A_220 [1] : vector<66x5x96xf32> to vector<66x96xf32>
    %broadcast_in_dim3A_222 = vector.shape_cast %reduce_max3A_221 : vector<66x96xf32> to vector<66x1x96xf32>
    %slice3A_223 = vector.extract_strided_slice %max3A_10 {offsets = [0, 158, 0], sizes = [66, 5, 96], strides = [1, 1, 1]} : vector<66x200x96xf32> to vector<66x5x96xf32>
    %reduce_max3A_224 = arith.constant dense<0xFF800000> : vector<66x96xf32>
    %reduce_max3A_225 = vector.multi_reduction <maximumf>, %slice3A_223, %reduce_max3A_224 [1] : vector<66x5x96xf32> to vector<66x96xf32>
    %broadcast_in_dim3A_226 = vector.shape_cast %reduce_max3A_225 : vector<66x96xf32> to vector<66x1x96xf32>
    %slice3A_227 = vector.extract_strided_slice %max3A_10 {offsets = [0, 161, 0], sizes = [66, 5, 96], strides = [1, 1, 1]} : vector<66x200x96xf32> to vector<66x5x96xf32>
    %reduce_max3A_228 = arith.constant dense<0xFF800000> : vector<66x96xf32>
    %reduce_max3A_229 = vector.multi_reduction <maximumf>, %slice3A_227, %reduce_max3A_228 [1] : vector<66x5x96xf32> to vector<66x96xf32>
    %broadcast_in_dim3A_230 = vector.shape_cast %reduce_max3A_229 : vector<66x96xf32> to vector<66x1x96xf32>
    %slice3A_231 = vector.extract_strided_slice %max3A_10 {offsets = [0, 164, 0], sizes = [66, 5, 96], strides = [1, 1, 1]} : vector<66x200x96xf32> to vector<66x5x96xf32>
    %reduce_max3A_232 = arith.constant dense<0xFF800000> : vector<66x96xf32>
    %reduce_max3A_233 = vector.multi_reduction <maximumf>, %slice3A_231, %reduce_max3A_232 [1] : vector<66x5x96xf32> to vector<66x96xf32>
    %broadcast_in_dim3A_234 = vector.shape_cast %reduce_max3A_233 : vector<66x96xf32> to vector<66x1x96xf32>
    %slice3A_235 = vector.extract_strided_slice %max3A_10 {offsets = [0, 167, 0], sizes = [66, 5, 96], strides = [1, 1, 1]} : vector<66x200x96xf32> to vector<66x5x96xf32>
    %reduce_max3A_236 = arith.constant dense<0xFF800000> : vector<66x96xf32>
    %reduce_max3A_237 = vector.multi_reduction <maximumf>, %slice3A_235, %reduce_max3A_236 [1] : vector<66x5x96xf32> to vector<66x96xf32>
    %broadcast_in_dim3A_238 = vector.shape_cast %reduce_max3A_237 : vector<66x96xf32> to vector<66x1x96xf32>
    %slice3A_239 = vector.extract_strided_slice %max3A_10 {offsets = [0, 170, 0], sizes = [66, 5, 96], strides = [1, 1, 1]} : vector<66x200x96xf32> to vector<66x5x96xf32>
    %reduce_max3A_240 = arith.constant dense<0xFF800000> : vector<66x96xf32>
    %reduce_max3A_241 = vector.multi_reduction <maximumf>, %slice3A_239, %reduce_max3A_240 [1] : vector<66x5x96xf32> to vector<66x96xf32>
    %broadcast_in_dim3A_242 = vector.shape_cast %reduce_max3A_241 : vector<66x96xf32> to vector<66x1x96xf32>
    %slice3A_243 = vector.extract_strided_slice %max3A_10 {offsets = [0, 173, 0], sizes = [66, 5, 96], strides = [1, 1, 1]} : vector<66x200x96xf32> to vector<66x5x96xf32>
    %reduce_max3A_244 = arith.constant dense<0xFF800000> : vector<66x96xf32>
    %reduce_max3A_245 = vector.multi_reduction <maximumf>, %slice3A_243, %reduce_max3A_244 [1] : vector<66x5x96xf32> to vector<66x96xf32>
    %broadcast_in_dim3A_246 = vector.shape_cast %reduce_max3A_245 : vector<66x96xf32> to vector<66x1x96xf32>
    %slice3A_247 = vector.extract_strided_slice %max3A_10 {offsets = [0, 176, 0], sizes = [66, 5, 96], strides = [1, 1, 1]} : vector<66x200x96xf32> to vector<66x5x96xf32>
    %reduce_max3A_248 = arith.constant dense<0xFF800000> : vector<66x96xf32>
    %reduce_max3A_249 = vector.multi_reduction <maximumf>, %slice3A_247, %reduce_max3A_248 [1] : vector<66x5x96xf32> to vector<66x96xf32>
    %broadcast_in_dim3A_250 = vector.shape_cast %reduce_max3A_249 : vector<66x96xf32> to vector<66x1x96xf32>
    %slice3A_251 = vector.extract_strided_slice %max3A_10 {offsets = [0, 179, 0], sizes = [66, 5, 96], strides = [1, 1, 1]} : vector<66x200x96xf32> to vector<66x5x96xf32>
    %reduce_max3A_252 = arith.constant dense<0xFF800000> : vector<66x96xf32>
    %reduce_max3A_253 = vector.multi_reduction <maximumf>, %slice3A_251, %reduce_max3A_252 [1] : vector<66x5x96xf32> to vector<66x96xf32>
    %broadcast_in_dim3A_254 = vector.shape_cast %reduce_max3A_253 : vector<66x96xf32> to vector<66x1x96xf32>
    %slice3A_255 = vector.extract_strided_slice %max3A_10 {offsets = [0, 182, 0], sizes = [66, 5, 96], strides = [1, 1, 1]} : vector<66x200x96xf32> to vector<66x5x96xf32>
    %reduce_max3A_256 = arith.constant dense<0xFF800000> : vector<66x96xf32>
    %reduce_max3A_257 = vector.multi_reduction <maximumf>, %slice3A_255, %reduce_max3A_256 [1] : vector<66x5x96xf32> to vector<66x96xf32>
    %broadcast_in_dim3A_258 = vector.shape_cast %reduce_max3A_257 : vector<66x96xf32> to vector<66x1x96xf32>
    %slice3A_259 = vector.extract_strided_slice %max3A_10 {offsets = [0, 185, 0], sizes = [66, 5, 96], strides = [1, 1, 1]} : vector<66x200x96xf32> to vector<66x5x96xf32>
    %reduce_max3A_260 = arith.constant dense<0xFF800000> : vector<66x96xf32>
    %reduce_max3A_261 = vector.multi_reduction <maximumf>, %slice3A_259, %reduce_max3A_260 [1] : vector<66x5x96xf32> to vector<66x96xf32>
    %broadcast_in_dim3A_262 = vector.shape_cast %reduce_max3A_261 : vector<66x96xf32> to vector<66x1x96xf32>
    %slice3A_263 = vector.extract_strided_slice %max3A_10 {offsets = [0, 188, 0], sizes = [66, 5, 96], strides = [1, 1, 1]} : vector<66x200x96xf32> to vector<66x5x96xf32>
    %reduce_max3A_264 = arith.constant dense<0xFF800000> : vector<66x96xf32>
    %reduce_max3A_265 = vector.multi_reduction <maximumf>, %slice3A_263, %reduce_max3A_264 [1] : vector<66x5x96xf32> to vector<66x96xf32>
    %broadcast_in_dim3A_266 = vector.shape_cast %reduce_max3A_265 : vector<66x96xf32> to vector<66x1x96xf32>
    %slice3A_267 = vector.extract_strided_slice %max3A_10 {offsets = [0, 191, 0], sizes = [66, 5, 96], strides = [1, 1, 1]} : vector<66x200x96xf32> to vector<66x5x96xf32>
    %reduce_max3A_268 = arith.constant dense<0xFF800000> : vector<66x96xf32>
    %reduce_max3A_269 = vector.multi_reduction <maximumf>, %slice3A_267, %reduce_max3A_268 [1] : vector<66x5x96xf32> to vector<66x96xf32>
    %broadcast_in_dim3A_270 = vector.shape_cast %reduce_max3A_269 : vector<66x96xf32> to vector<66x1x96xf32>
    %slice3A_271 = vector.extract_strided_slice %max3A_10 {offsets = [0, 194, 0], sizes = [66, 5, 96], strides = [1, 1, 1]} : vector<66x200x96xf32> to vector<66x5x96xf32>
    %reduce_max3A_272 = arith.constant dense<0xFF800000> : vector<66x96xf32>
    %reduce_max3A_273 = vector.multi_reduction <maximumf>, %slice3A_271, %reduce_max3A_272 [1] : vector<66x5x96xf32> to vector<66x96xf32>
    %broadcast_in_dim3A_274 = vector.shape_cast %reduce_max3A_273 : vector<66x96xf32> to vector<66x1x96xf32>
    %concatenate3A_275 = tpu.concatenate %broadcast_in_dim3A_14, %broadcast_in_dim3A_18, %broadcast_in_dim3A_22, %broadcast_in_dim3A_26, %broadcast_in_dim3A_30, %broadcast_in_dim3A_34, %broadcast_in_dim3A_38, %broadcast_in_dim3A_42, %broadcast_in_dim3A_46, %broadcast_in_dim3A_50, %broadcast_in_dim3A_54, %broadcast_in_dim3A_58, %broadcast_in_dim3A_62, %broadcast_in_dim3A_66, %broadcast_in_dim3A_70, %broadcast_in_dim3A_74, %broadcast_in_dim3A_78, %broadcast_in_dim3A_82, %broadcast_in_dim3A_86, %broadcast_in_dim3A_90, %broadcast_in_dim3A_94, %broadcast_in_dim3A_98, %broadcast_in_dim3A_102, %broadcast_in_dim3A_106, %broadcast_in_dim3A_110, %broadcast_in_dim3A_114, %broadcast_in_dim3A_118, %broadcast_in_dim3A_122, %broadcast_in_dim3A_126, %broadcast_in_dim3A_130, %broadcast_in_dim3A_134, %broadcast_in_dim3A_138, %broadcast_in_dim3A_142, %broadcast_in_dim3A_146, %broadcast_in_dim3A_150, %broadcast_in_dim3A_154, %broadcast_in_dim3A_158, %broadcast_in_dim3A_162, %broadcast_in_dim3A_166, %broadcast_in_dim3A_170, %broadcast_in_dim3A_174, %broadcast_in_dim3A_178, %broadcast_in_dim3A_182, %broadcast_in_dim3A_186, %broadcast_in_dim3A_190, %broadcast_in_dim3A_194, %broadcast_in_dim3A_198, %broadcast_in_dim3A_202, %broadcast_in_dim3A_206, %broadcast_in_dim3A_210, %broadcast_in_dim3A_214, %broadcast_in_dim3A_218, %broadcast_in_dim3A_222, %broadcast_in_dim3A_226, %broadcast_in_dim3A_230, %broadcast_in_dim3A_234, %broadcast_in_dim3A_238, %broadcast_in_dim3A_242, %broadcast_in_dim3A_246, %broadcast_in_dim3A_250, %broadcast_in_dim3A_254, %broadcast_in_dim3A_258, %broadcast_in_dim3A_262, %broadcast_in_dim3A_266, %broadcast_in_dim3A_270, %broadcast_in_dim3A_274 in 1 : vector<66x1x96xf32>, vector<66x1x96xf32>, vector<66x1x96xf32>, vector<66x1x96xf32>, vector<66x1x96xf32>, vector<66x1x96xf32>, vector<66x1x96xf32>, vector<66x1x96xf32>, vector<66x1x96xf32>, vector<66x1x96xf32>, vector<66x1x96xf32>, vector<66x1x96xf32>, vector<66x1x96xf32>, vector<66x1x96xf32>, vector<66x1x96xf32>, vector<66x1x96xf32>, vector<66x1x96xf32>, vector<66x1x96xf32>, vector<66x1x96xf32>, vector<66x1x96xf32>, vector<66x1x96xf32>, vector<66x1x96xf32>, vector<66x1x96xf32>, vector<66x1x96xf32>, vector<66x1x96xf32>, vector<66x1x96xf32>, vector<66x1x96xf32>, vector<66x1x96xf32>, vector<66x1x96xf32>, vector<66x1x96xf32>, vector<66x1x96xf32>, vector<66x1x96xf32>, vector<66x1x96xf32>, vector<66x1x96xf32>, vector<66x1x96xf32>, vector<66x1x96xf32>, vector<66x1x96xf32>, vector<66x1x96xf32>, vector<66x1x96xf32>, vector<66x1x96xf32>, vector<66x1x96xf32>, vector<66x1x96xf32>, vector<66x1x96xf32>, vector<66x1x96xf32>, vector<66x1x96xf32>, vector<66x1x96xf32>, vector<66x1x96xf32>, vector<66x1x96xf32>, vector<66x1x96xf32>, vector<66x1x96xf32>, vector<66x1x96xf32>, vector<66x1x96xf32>, vector<66x1x96xf32>, vector<66x1x96xf32>, vector<66x1x96xf32>, vector<66x1x96xf32>, vector<66x1x96xf32>, vector<66x1x96xf32>, vector<66x1x96xf32>, vector<66x1x96xf32>, vector<66x1x96xf32>, vector<66x1x96xf32>, vector<66x1x96xf32>, vector<66x1x96xf32>, vector<66x1x96xf32>, vector<66x1x96xf32> -> vector<66x66x96xf32>
    %reshape3A_276 = vector.shape_cast %concatenate3A_275 : vector<66x66x96xf32> to vector<4356x96xf32>
    %get3A_277 = arith.constant 0 : index
    %get3A_278 = arith.constant 0 : index
    %get3A_279 = vector.load %arg2[%get3A_277, %get3A_278] : memref<96x128xf32, #tpu.memory_space<vmem>>, vector<96x128xf32>
    %dot_general3A = arith.constant dense<0.000000e+00> : vector<4356x128xf32>
    %dot_general3A_280 = tpu.matmul %reshape3A_276, %get3A_279, %dot_general3A {dimension_numbers = #tpu.dot_dimension_numbers<[1], [0], [0], [1], [0, 0, 1, 1], [], []>, transpose_lhs_hint = false} : vector<4356x96xf32>, vector<96x128xf32>, vector<4356x128xf32> -> vector<4356x128xf32>
    %swap3A = arith.constant 0 : index
    %swap3A_281 = arith.constant 0 : index
    %swap3A_282 = vector.load %arg4[%swap3A, %swap3A_281] : memref<4356x128xf32, #tpu.memory_space<vmem>>, vector<4356x128xf32>
    tpu.vector_store %arg4[%swap3A, %swap3A_281], %dot_general3A_280 {strides = array<i32>} : memref<4356x128xf32, #tpu.memory_space<vmem>>, vector<4356x128xf32>,
    %get3A_283 = arith.constant 0 : index
    %get3A_284 = arith.constant 0 : index
    %get3A_285 = vector.load %arg1[%get3A_283, %get3A_284] : memref<10240x96xf32, #tpu.memory_space<vmem>>, vector<10240x96xf32>
    %get3A_286 = arith.constant 0 : index
    %get3A_287 = arith.constant 0 : index
    %get3A_288 = vector.load %arg2[%get3A_286, %get3A_287] : memref<96x128xf32, #tpu.memory_space<vmem>>, vector<96x32xf32>
    %dot_general3A_289 = arith.constant dense<0.000000e+00> : vector<10240x32xf32>
    %dot_general3A_290 = tpu.matmul %get3A_285, %get3A_288, %dot_general3A_289 {dimension_numbers = #tpu.dot_dimension_numbers<[1], [0], [0], [1], [0, 0, 1, 1], [], []>, transpose_lhs_hint = false} : vector<10240x96xf32>, vector<96x32xf32>, vector<10240x32xf32> -> vector<10240x32xf32>
    %get3A_291 = arith.constant 0 : index
    %get3A_292 = arith.constant 0 : index
    %get3A_293 = vector.load %arg3[%get3A_291, %get3A_292] : memref<1x32xf32, #tpu.memory_space<vmem>>, vector<1x32xf32>
    %add3A = vector.broadcast %get3A_293 : vector<1x32xf32> to vector<10240x32xf32>
    %add3A_294 = arith.addf %dot_general3A_290, %add3A : vector<10240x32xf32>
    %swap3A_295 = arith.constant 0 : index
    %swap3A_296 = arith.constant 0 : index
    %swap3A_297 = vector.load %arg5[%swap3A_295, %swap3A_296] : memref<10240x32xf32, #tpu.memory_space<vmem>>, vector<10240x32xf32>
    tpu.vector_store %arg5[%swap3A_295, %swap3A_296], %add3A_294 {strides = array<i32>} : memref<10240x32xf32, #tpu.memory_space<vmem>>, vector<10240x32xf32>,
    return
  }
}

</mosaic_0001>

<sc_bundles>
// kernel: kernel.11.cloned.1.call-start
scs
__scs_entry_jumppad:
0x0: {  	(pc) =	sbr.rel $0x88, $3  }
0x1: {  	(tag) =	ssettag $0x0;
	lr =	simm.s32 $0x1  }
0x2: {  	[smem:$0x3F9A] =	sst lr;
	_ =	strace $0xD0000000  }
0x3: {  	_ = 	snop  }
0x4: {  	_ = 	snop  }
0x5: {  	_ = 	snop  }
0x6: {  	_ = 	snop  }
0x7: {  	_ = 	snop  }
__scs_overlays_trampoline_lowered:
0x8: {  	[smem:$0x3FA9] =	sst s0  }
0x9: {  	[smem:$0x3FAA] =	sst s1  }
0xa: {  	[smem:$0x3FAB] =	sst s2  }
0xb: {  	[smem:$0x3FAC] =	sst s3  }
0xc: {  	[smem:$0x3FAD] =	sst s4  }
0xd: {  	[smem:$0x3FAE] =	sst s5  }
0xe: {  	[smem:$0x3FAF] =	sst s6  }
0xf: {  	[smem:$0x3FB0] =	sst s7  }
0x10: {  	[smem:$0x3FB1] =	sst s8  }
0x11: {  	[smem:$0x3FB2] =	sst s9;
	s0 =	simm.s32 @!p0 $0x0  }
0x12: {  	s1 =	sld [smem:$0x3F98];
	s0 =	simm.s32 @p0 $0x1  }
0x13: {  	[smem:$0x3FB3] =	sst s0;
	s0 =	simm.s32 @!p1 $0x0  }
0x14: {  	s2 =	sld [smem:$0x3F97];
	s0 =	simm.s32 @p1 $0x1  }
0x15: {  	[smem:$0x3FB4] =	sst s0;
	s0 =	simm.s32 @!p2 $0x0  }
0x16: {  	s3 =	sld [smem:$0x3FDB];
	s0 =	simm.s32 @p2 $0x1  }
0x17: {  	s4 =	simm.s32 $0x1BF5;
	[smem:$0x3FB6] =	sst s0  }
0x18: {  	s0 =	sld [smem:$0x3F99];
	_ =	swait.ge [sflag:s4], $0x0  }
0x19: {  	s7 =	sld [smem:$0x3F9A]  }
0x1a: {  	s8 =	sadd.s32 $0xFFFFE003, lr  }
0x1b: {  	s9 =	sadd.s32 $0xFFFFFEF7, lr;
	s5 =	simm.s32 $0xFFFFFFFF;
	p2 =	slt.u32 s8, $0xFFFFF086  }
0x1c: {  	p1 =	slt.u32 s9, $0xF7A;
	s5 =	simm.s32 @!p2 $0x0  }
0x1d: {  	s5 =	simm.s32 @p1 $0x1;
	p0 =	seq.s32 s7, s2  }
0x1e: {  	s7 =	smul.u32 @!p0 $0xF7A, s2;
	p2 =	seq.s32 @!p0 s5, $0x0  }
0x1f: {  	s9 =	smul.u32 $0xF7A, s1;
	s8 =	simm.s32 @!p0 $0x1BF5;
	p2 =	por !p2, p0  }
0x20: {  	[sflag:s8] =	ssyncset.s32 @!p0 $0xFFFFF086;
	s6 =	sadd.s32 @!p0 s3, s7;
	s7 =	simm.s32 @!p0 $0x108  }
0x21: {  	s3 =	sadd.s32 s3, s9;
	s6 =	sadd.s32 @!p0 $0x88, s6;
	s7 =	simm.s32 @p2 $0x1082  }
0x22: {  	[simem:s7], [sflag:s8] =	dma.local @!p0 [hbm:s6], $0xF7A  }
0x23: {  	s9 =	sor.u32 $0xD0000000, s2;
	s6 =	simm.s32 $0x108;
	_ =	swait.ge @!p0 [sflag:s8], $0x0  }
0x24: {  	s3 =	sadd.s32 $0x88, s3;
	s6 =	simm.s32 @!p1 $0x1082;
	[sflag:s4] =	ssyncset.s32 $0xFFFFF086  }
0x25: {  	[simem:s6], [sflag:s4] =	dma.local [hbm:s3], $0xF7A  }
0x26: {  	[smem:$0x3F9A] =	sst s1;
	(tag) =	ssettag s2;
	_ =	strace s9  }
0x27: {  	s1 =	sld [smem:$0x3FAA]  }
0x28: {  	s2 =	sld [smem:$0x3FAB]  }
0x29: {  	s4 =	sld [smem:$0x3FAD]  }
0x2a: {  	p0 =	seq.s32 s5, $0x0;
	s5 =	sld [smem:$0x3FAE]  }
0x2b: {  	s6 =	sld [smem:$0x3FAF]  }
0x2c: {  	s7 =	sld [smem:$0x3FB0]  }
0x2d: {  	s3 =	simm.s32 $0x108;
	s8 =	sld [smem:$0x3FB1]  }
0x2e: {  	s3 =	simm.s32 @!p0 $0x1082;
	s9 =	sld [smem:$0x3FB2]  }
0x2f: {  	lr =	sadd.s32 s0, s3;
	s0 =	sld [smem:$0x3FA9]  }
0x30: {  	s3 =	sld [smem:$0x3FAC]  }
0x31: {  	[smem:$0x3FB5] =	sst s10  }
0x32: {  	s10 =	sld [smem:$0x3FB3];
	_ =	sdelay $0x3  }
0x33: {  	p0 =	seq.s32 s10, $0x1;
	s10 =	sld [smem:$0x3FB5];
	_ =	sdelay $0x3  }
0x34: {  	[smem:$0x3FB5] =	sst s10  }
0x35: {  	s10 =	sld [smem:$0x3FB4];
	_ =	sdelay $0x3  }
0x36: {  	p1 =	seq.s32 s10, $0x1;
	s10 =	sld [smem:$0x3FB5];
	_ =	sdelay $0x3  }
0x37: {  	[smem:$0x3FB5] =	sst s10  }
0x38: {  	s10 =	sld [smem:$0x3FB6]  }
0x39: {  	_ = 	snop;
	(pc) =	sbr.ind lr, $3  }
0x3a: {  	_ = 	snop  }
0x3b: {  	_ = 	snop  }
0x3c: {  	p2 =	seq.s32 s10, $0x1;
	s10 =	sld [smem:$0x3FB5]  }
0x3d: {  	_ =	shalt  }
0x3e: {  	_ =	shalt  }
0x3f: {  	_ =	shalt  }
0x40: {  	_ =	shalt  }
0x41: {  	_ =	shalt  }
0x42: {  	_ =	shalt  }
0x43: {  	_ =	shalt  }
0x44: {  	_ =	shalt  }
0x45: {  	_ =	shalt  }
0x46: {  	_ =	shalt  }
0x47: {  	_ =	shalt  }
0x48: {  	_ =	shalt  }
0x49: {  	_ =	shalt  }
0x4a: {  	_ =	shalt  }
0x4b: {  	_ =	shalt  }
0x4c: {  	_ =	shalt  }
0x4d: {  	_ =	shalt  }
0x4e: {  	_ =	shalt  }
0x4f: {  	_ =	shalt  }
0x50: {  	_ =	shalt  }
0x51: {  	_ =	shalt  }
0x52: {  	_ =	shalt  }
0x53: {  	_ =	shalt  }
0x54: {  	_ =	shalt  }
0x55: {  	_ =	shalt  }
0x56: {  	_ =	shalt  }
0x57: {  	_ =	shalt  }
0x58: {  	_ =	shalt  }
0x59: {  	_ =	shalt  }
0x5a: {  	_ =	shalt  }
0x5b: {  	_ =	shalt  }
0x5c: {  	_ =	shalt  }
0x5d: {  	_ =	shalt  }
0x5e: {  	_ =	shalt  }
0x5f: {  	_ =	shalt  }
0x60: {  	_ =	shalt  }
0x61: {  	_ =	shalt  }
0x62: {  	_ =	shalt  }
0x63: {  	_ =	shalt  }
0x64: {  	_ =	shalt  }
0x65: {  	_ =	shalt  }
0x66: {  	_ =	shalt  }
0x67: {  	_ =	shalt  }
0x68: {  	_ =	shalt  }
0x69: {  	_ =	shalt  }
0x6a: {  	_ =	shalt  }
0x6b: {  	_ =	shalt  }
0x6c: {  	_ =	shalt  }
0x6d: {  	_ =	shalt  }
0x6e: {  	_ =	shalt  }
0x6f: {  	_ =	shalt  }
0x70: {  	_ =	shalt  }
0x71: {  	_ =	shalt  }
0x72: {  	_ =	shalt  }
0x73: {  	_ =	shalt  }
0x74: {  	_ =	shalt  }
0x75: {  	_ =	shalt  }
0x76: {  	_ =	shalt  }
0x77: {  	_ =	shalt  }
0x78: {  	_ =	shalt  }
0x79: {  	_ =	shalt  }
0x7a: {  	_ =	shalt  }
0x7b: {  	_ =	shalt  }
0x7c: {  	_ =	shalt  }
0x7d: {  	_ =	shalt  }
0x7e: {  	_ =	shalt  }
0x7f: {  	_ =	shalt  }
0x80: {  	_ =	shalt  }
0x81: {  	_ =	shalt  }
0x82: {  	_ =	shalt  }
0x83: {  	_ =	shalt  }
0x84: {  	_ =	shalt  }
0x85: {  	_ =	shalt  }
0x86: {  	_ =	shalt  }
0x87: {  	_ =	shalt  }
.Lfunc_end0:
.L_simem_size_0:
called_computation.2_lowered:
.L_overlay_start_0:
0x88: {  	s2 =	sld [smem:$0x3FD9]  }
0x89: {  	s3 =	sld [smem:$0x3FFE];
	_ =	sdelay $0x1  }
0x8a: {  	s1 =	srdreg.scid  }
0x8b: {  	s0 =	sand.u32 $0x1, s1  }
0x8c: {  	s16 =	sshll.u32 s0, $0xA;
	s2 =	sadd.s32 s3, s2  }
0x8d: {  	s2 =	sadd.s32 s2, s16  }
0x8e: {  	[smem:$0x3FC1] =	sst s2  }
0x8f: {  	_ = 	snop  }
0x90: {  	(tm) =	ssettm $0x1  }
0x91: {  	s17 =	sld [smem:$0x3FFB];
	_ =	sdelay $0x3  }
0x92: {  	_ =	strace s17  }
0x93: {  	s2 =	sld [smem:$0x3FFC];
	_ =	sdelay $0x3  }
0x94: {  	_ =	strace s2  }
0x95: {  	s2 =	sld [smem:$0x3FFD];
	_ =	sdelay $0x3  }
0x96: {  	_ =	strace s2  }
0x97: {  	_ =	strace $0x8FFFFFFF  }
0x98: {  	s18 =	sld [smem:$0x3FDB];
	_ =	sdelay $0x1  }
0x99: {  	s19 =	simm.s32 $_scs_section_size  }
0x9a: {  	s4 =	simm.s32 $_size__tile_overlayer_lowered;
	s5 =	simm.s32 $_tile_overlayer_lowered  }
0x9b: {  	s22 =	simm.s32 $0x1BFF;
	s21 =	sshll.u32 s5, $0x1;
	s2 =	sadd.s32 s19, s18  }
0x9c: {  	s6 =	simm.s32 $0x0;
	s20 =	sshll.u32 s4, $0x1;
	s4 =	sadd.s32 s21, s2  }
0x9d: {  	[timem:s6], [sflag:s22] =	dma.local [hbm:s4], s20  }
0x9e: {  	_ =	swait.ge [sflag:s22], s20  }
0x9f: {  	s3 =	ssub.s32 $0x0, s20;
	[sflag:s22] =	ssyncset.done $0x0  }
0xa0: {  	[sflag:s22] =	ssyncadd.s32 s3;
	_ =	sdelay $0x1  }
0xa1: {  	s23 =	simm.s32 $0x1B8B  }
0xa2: {  	_ =	swait.ge [sflag:s23], $0x1  }
0xa3: {  	[sflag:s23] =	ssyncset.done $0x0  }
0xa4: {  	s25 =	simm.s32 $0x1B8E;
	s24 =	sld [smem:$0x3FFE];
	[sflag:s23] =	ssyncadd.s32 $0xFFFFFFFF  }
0xa5: {  	s26 =	simm.s32 $execute0_lowered;
	[smem:$0x3FD2] =	sst s25  }
0xa6: {  	s4 =	sshll.u32 s26, $0x1;
	_ =	strace $0x80000049;
	[dreg:$0x1] =	wrdreg $0xFFFFFFFF  }
0xa7: {  	s28 =	simm.s32 $_size_execute0_lowered;
	s2 =	sadd.s32 s2, s4;
	[dreg:$0x0] =	wrdreg $0x0  }
0xa8: {  	s4 =	sshll.u32 s28, $0x1;
	[dreg:$0x2] =	wrdreg s2  }
0xa9: {  	[dreg:$0x3] =	wrdreg s4  }
0xaa: {  	[dreg:$0x4] =	wrdreg $0xC0  }
0xab: {  	_ =	task [dreg:s6], $0x5FFFF  }
0xac: {  	[dreg:$0x1] =	wrdreg $0xFFFFFFFF  }
0xad: {  	[dreg:$0x0] =	wrdreg $0x60  }
0xae: {  	[dreg:$0x2] =	wrdreg s24  }
0xaf: {  	[dreg:$0x3] =	wrdreg $0x31000  }
0xb0: {  	[dreg:$0x4] =	wrdreg $0x9  }
0xb1: {  	_ =	task.clear_ibuf [dreg:s6], $0x5FFFF;
	_ =	strace $0x90000049  }
0xb2: {  	s29 =	simm.s32 $0x9;
	_ =	strace $0x8000004B  }
0xb3: {  	_ =	swait.ge [sflag:s29], $0x1  }
0xb4: {  	[sflag:s29] =	ssyncadd.s32 $0xFFFFFFFF  }
0xb5: {  	_ =	strace $0x9000004B  }
0xb6: {  	_ =	sfence  }
0xb7: {  	s30 =	sld [smem:$0x0];
	_ =	sdelay $0x2  }
0xb8: {  	s31 =	sshll.u32 s1, $0xD;
	s1 =	sshrl.u32 s1, $0x2  }
0xb9: {  	s3 =	sand.u32 $0x4000, s31;
	s1 =	sadd.s32 s1, s30  }
0xba: {  	s0 =	sor.u32 s3, s0;
	s1 =	sshll.u32 s1, $0x11  }
0xbb: {  	s0 =	sor.u32 s1, s0  }
0xbc: {  	s0 =	sadd.s32 $0x8F2B, s0  }
0xbd: {  	[sflag:s0] =	ssyncadd.remote.s32 $0x1  }
0xbe: {  	_ =	sfence.sel $0xFFFF  }
0xbf: {  	[dreg:$0x0] =	wrdreg $0xFFFFFFFF;
	(pc) =	sbr.abs _section_cstart, $3  }
0xc0: {  	[dreg:$0x1] =	wrdreg $0xFFFFFFFF  }
0xc1: {  	_ =	task.clear_ibuf [dreg:s6], $0x2FFFF;
	_ =	strace $0x9FFFFFFF  }
0xc2: {  	(tm) =	ssettm $0x7FFFFFFF  }
0xc3: {  	_ =	shalt  }
tec
execute0_lowered:
.L_overlay_start_1:
0x0: {  	(tag) =	ssettag $0x1  }
0x1: {  	s7 =	rddreg [dreg:$0x0]  }
0x2: {  	s1 =	rddreg [dreg:$0x1];
	s2 =	srdreg.scid  }
0x3: {  	s0 =	rddreg [dreg:$0x2];
	s3 =	simm.s32 $0x0;
	s12 =	simm.s32 $0x80  }
0x4: {  	s13 =	simm.s32 $0x50;
	s14 =	simm.s32 $0x100;
	s5 =	sand.u32 $0x1, s2  }
0x5: {  	s15 =	simm.s32 $0x1;
	s2 =	stileid.u32;
	s6 =	smul.u32 $0x140000, s5  }
0x6: {  	s18 =	simm.s32 $0x0;
	[smem:$0x7FF] =	sst s3;
	s8 =	smul.u32 $0x14000, s2  }
0x7: {  	s4 =	sadd.s32 $0x13C00, s7;
	_ =	strace $0x8000004A;
	s9 =	smul.u32 $0x4E20, s2  }
0x8: {  	s29 =	smul.u32 $0x2710, s5;
	s5 =	ssub.s32 $0x2, s5;
	s16 =	sshll.u32 s2, $0x6  }
0x9: {  	s10 =	smul.u32 $0x50000, s2;
	s11 =	sshrl.u32 s5, $0x1;
	s16 =	sor.u32 $0x1C02, s16  }
0xa: {  	s6 =	sadd.s32 s8, s6;
	s8 =	sadd.s32 s29, s9;
	s30 =	ssub.s32 s5, s11  }
0xb: {  	s31 =	sshrl.u32 s10, $0x2;
	s10 =	simm.s32 $0x2900;
	s11 =	simm.s32 $0x2  }
0xc: {  	s6 =	sshrl.u32 s6, $0x3;
	s8 =	sshrl.u32 s8, $0x3;
	s5 =	sadd.s32 s31, s1  }
0xd: {  	s6 =	sadd.s32 s6, s7;
	s7 =	sadd.s32 s8, s7;
	s8 =	smax.u32 s30, $0x1  }
0xe: {  	v0 =	vimm.f32 $0.0e+00;
	s17 =	sshrl.u32 s5, $0x3;
	s6 =	sadd.s32 $0x3BC00, s6;
	s9 =	sadd.s32 $0x9E00, s7  }
.LBB2_1:
0xf: {  	[tilespmem:$0x2900] =	vst v0  }
0x10: {  	[tilespmem:$0x2910] =	vst v0  }
0x11: {  	[tilespmem:$0x2920] =	vst v0  }
0x12: {  	[tilespmem:$0x2930] =	vst v0  }
0x13: {  	[tilespmem:$0x2940] =	vst v0  }
0x14: {  	[tilespmem:$0x2950] =	vst v0  }
0x15: {  	[tilespmem:$0x2960] =	vst v0  }
0x16: {  	[tilespmem:$0x2970] =	vst v0  }
0x17: {  	[tilespmem:$0x2980] =	vst v0  }
0x18: {  	[tilespmem:$0x2990] =	vst v0  }
0x19: {  	[tilespmem:$0x29A0] =	vst v0  }
0x1a: {  	[tilespmem:$0x29B0] =	vst v0  }
0x1b: {  	[tilespmem:$0x29C0] =	vst v0  }
0x1c: {  	[tilespmem:$0x29D0] =	vst v0  }
0x1d: {  	[tilespmem:$0x29E0] =	vst v0  }
0x1e: {  	[tilespmem:$0x29F0] =	vst v0  }
0x1f: {  	[tilespmem:$0x2A00] =	vst v0  }
0x20: {  	[tilespmem:$0x2A10] =	vst v0  }
0x21: {  	[tilespmem:$0x2A20] =	vst v0  }
0x22: {  	[tilespmem:$0x2A30] =	vst v0  }
0x23: {  	[tilespmem:$0x2A40] =	vst v0  }
0x24: {  	[tilespmem:$0x2A50] =	vst v0  }
0x25: {  	[tilespmem:$0x2A60] =	vst v0  }
0x26: {  	[tilespmem:$0x2A70] =	vst v0  }
0x27: {  	[tilespmem:$0x2A80] =	vst v0  }
0x28: {  	[tilespmem:$0x2A90] =	vst v0  }
0x29: {  	[tilespmem:$0x2AA0] =	vst v0  }
0x2a: {  	[tilespmem:$0x2AB0] =	vst v0  }
0x2b: {  	[tilespmem:$0x2AC0] =	vst v0  }
0x2c: {  	[tilespmem:$0x2AD0] =	vst v0  }
0x2d: {  	[tilespmem:$0x2AE0] =	vst v0  }
0x2e: {  	[tilespmem:$0x2AF0] =	vst v0  }
0x2f: {  	[tilespmem:$0x2B00] =	vst v0  }
0x30: {  	[tilespmem:$0x2B10] =	vst v0  }
0x31: {  	[tilespmem:$0x2B20] =	vst v0  }
0x32: {  	[tilespmem:$0x2B30] =	vst v0  }
0x33: {  	[tilespmem:$0x2B40] =	vst v0  }
0x34: {  	[tilespmem:$0x2B50] =	vst v0  }
0x35: {  	[tilespmem:$0x2B60] =	vst v0  }
0x36: {  	[tilespmem:$0x2B70] =	vst v0  }
0x37: {  	[tilespmem:$0x2B80] =	vst v0  }
0x38: {  	[tilespmem:$0x2B90] =	vst v0  }
0x39: {  	[tilespmem:$0x2BA0] =	vst v0  }
0x3a: {  	[tilespmem:$0x2BB0] =	vst v0  }
0x3b: {  	[tilespmem:$0x2BC0] =	vst v0  }
0x3c: {  	[tilespmem:$0x2BD0] =	vst v0  }
0x3d: {  	[tilespmem:$0x2BE0] =	vst v0  }
0x3e: {  	[tilespmem:$0x2BF0] =	vst v0  }
0x3f: {  	[tilespmem:$0x2C00] =	vst v0  }
0x40: {  	[tilespmem:$0x2C10] =	vst v0  }
0x41: {  	[tilespmem:$0x2C20] =	vst v0  }
0x42: {  	[tilespmem:$0x2C30] =	vst v0  }
0x43: {  	[tilespmem:$0x2C40] =	vst v0  }
0x44: {  	[tilespmem:$0x2C50] =	vst v0  }
0x45: {  	[tilespmem:$0x2C60] =	vst v0  }
0x46: {  	[tilespmem:$0x2C70] =	vst v0  }
0x47: {  	[tilespmem:$0x2C80] =	vst v0  }
0x48: {  	[tilespmem:$0x2C90] =	vst v0  }
0x49: {  	[tilespmem:$0x2CA0] =	vst v0  }
0x4a: {  	[tilespmem:$0x2CB0] =	vst v0  }
0x4b: {  	[tilespmem:$0x2CC0] =	vst v0  }
0x4c: {  	[tilespmem:$0x2CD0] =	vst v0  }
0x4d: {  	[tilespmem:$0x2CE0] =	vst v0  }
0x4e: {  	[tilespmem:$0x2CF0] =	vst v0  }
0x4f: {  	[tilespmem:$0x2D00] =	vst v0  }
0x50: {  	[tilespmem:$0x2D10] =	vst v0  }
0x51: {  	[tilespmem:$0x2D20] =	vst v0  }
0x52: {  	[tilespmem:$0x2D30] =	vst v0  }
0x53: {  	[tilespmem:$0x2D40] =	vst v0  }
0x54: {  	[tilespmem:$0x2D50] =	vst v0  }
0x55: {  	[tilespmem:$0x2D60] =	vst v0  }
0x56: {  	[tilespmem:$0x2D70] =	vst v0  }
0x57: {  	[tilespmem:$0x2D80] =	vst v0  }
0x58: {  	[tilespmem:$0x2D90] =	vst v0  }
0x59: {  	[tilespmem:$0x2DA0] =	vst v0  }
0x5a: {  	[tilespmem:$0x2DB0] =	vst v0  }
0x5b: {  	[tilespmem:$0x2DC0] =	vst v0  }
0x5c: {  	[tilespmem:$0x2DD0] =	vst v0  }
0x5d: {  	[tilespmem:$0x2DE0] =	vst v0  }
0x5e: {  	[tilespmem:$0x2DF0] =	vst v0  }
0x5f: {  	[tilespmem:$0x2E00] =	vst v0  }
0x60: {  	[tilespmem:$0x2E10] =	vst v0  }
0x61: {  	[tilespmem:$0x2E20] =	vst v0  }
0x62: {  	[tilespmem:$0x2E30] =	vst v0  }
0x63: {  	[tilespmem:$0x2E40] =	vst v0  }
0x64: {  	[tilespmem:$0x2E50] =	vst v0  }
0x65: {  	[tilespmem:$0x2E60] =	vst v0  }
0x66: {  	[tilespmem:$0x2E70] =	vst v0  }
0x67: {  	[tilespmem:$0x2E80] =	vst v0  }
0x68: {  	[tilespmem:$0x2E90] =	vst v0  }
0x69: {  	[tilespmem:$0x2EA0] =	vst v0  }
0x6a: {  	[tilespmem:$0x2EB0] =	vst v0  }
0x6b: {  	[tilespmem:$0x2EC0] =	vst v0  }
0x6c: {  	[tilespmem:$0x2ED0] =	vst v0  }
0x6d: {  	[tilespmem:$0x2EE0] =	vst v0  }
0x6e: {  	[tilespmem:$0x2EF0] =	vst v0  }
0x6f: {  	[tilespmem:$0x2F00] =	vst v0  }
0x70: {  	[tilespmem:$0x2F10] =	vst v0  }
0x71: {  	[tilespmem:$0x2F20] =	vst v0  }
0x72: {  	[tilespmem:$0x2F30] =	vst v0  }
0x73: {  	[tilespmem:$0x2F40] =	vst v0  }
0x74: {  	[tilespmem:$0x2F50] =	vst v0  }
0x75: {  	[tilespmem:$0x2F60] =	vst v0  }
0x76: {  	[tilespmem:$0x2F70] =	vst v0  }
0x77: {  	[tilespmem:$0x2F80] =	vst v0  }
0x78: {  	[tilespmem:$0x2F90] =	vst v0  }
0x79: {  	[tilespmem:$0x2FA0] =	vst v0  }
0x7a: {  	[tilespmem:$0x2FB0] =	vst v0  }
0x7b: {  	[tilespmem:$0x2FC0] =	vst v0  }
0x7c: {  	[tilespmem:$0x2FD0] =	vst v0  }
0x7d: {  	[tilespmem:$0x2FE0] =	vst v0  }
0x7e: {  	[tilespmem:$0x2FF0] =	vst v0  }
0x7f: {  	[tilespmem:$0x3000] =	vst v0  }
0x80: {  	[tilespmem:$0x3010] =	vst v0  }
0x81: {  	[tilespmem:$0x3020] =	vst v0  }
0x82: {  	[tilespmem:$0x3030] =	vst v0  }
0x83: {  	[tilespmem:$0x3040] =	vst v0  }
0x84: {  	[tilespmem:$0x3050] =	vst v0  }
0x85: {  	[tilespmem:$0x3060] =	vst v0  }
0x86: {  	[tilespmem:$0x3070] =	vst v0  }
0x87: {  	[tilespmem:$0x3080] =	vst v0  }
0x88: {  	[tilespmem:$0x3090] =	vst v0  }
0x89: {  	[tilespmem:$0x30A0] =	vst v0  }
0x8a: {  	[tilespmem:$0x30B0] =	vst v0  }
0x8b: {  	[tilespmem:$0x30C0] =	vst v0  }
0x8c: {  	[tilespmem:$0x30D0] =	vst v0  }
0x8d: {  	[tilespmem:$0x30E0] =	vst v0  }
0x8e: {  	[tilespmem:$0x30F0] =	vst v0;
	s19 =	sadd.s32 $0x0, s5  }
0x8f: {  	[spmem:s19] =	stream.linear.scatter [tilespmem:s10], [sflag:$0x2], $0x800, $0x38;
	[tilespmem:$0x17100] =	vst v63  }
0x90: {  	s19 =	simm.s32 $0x2000;
	_ =	swait.ge [sflag:s11], $0x800  }
.LBB2_2:
0x91: {  	s20 =	sshra.s32 s19, $0x2;
	[sflag:s11] =	ssyncset.done $0x0;
	p0 =	sne.s32 s19, $0x4E000  }
.Ltmp0:
0x92: {  	s20 =	sadd.s32 s20, s5;
	[sflag:s11] =	ssyncadd.s32 $0xFFFFF800;
	(pc) =	sbr.rel @p0 .LBB2_2-.Ltmp0, $3  }
0x93: {  	[spmem:s20] =	stream.linear.scatter [tilespmem:s10], [sflag:$0x2], $0x800, $0x38;
	[tilespmem:$0x17100] =	vst v63  }
0x94: {  	s19 =	sadd.s32 $0x2000, s19;
	_ =	sdelay $0x1  }
0x95: {  	_ =	swait.ge [sflag:s11], $0x800  }
0x96: {  	[sflag:s11] =	ssyncset.done $0x0  }
0x97: {  	[sflag:s11] =	ssyncadd.s32 $0xFFFFF800  }
0x98: {  	s19 =	sadd.s32 $0x0, s9;
	[bflag:$0x0] =	sbarrier.arrive $0xFFFF  }
0x99: {  	[tilespmem:s3], [sflag:$0x2] =	stream.linear.gather [hbm4b:s19+s3], $0x50, $0x38;
	[tilespmem:$0x17100] =	vst v63  }
0x9a: {  	_ =	swait.ge [sflag:s11], $0x50  }
0x9b: {  	[sflag:s11] =	ssyncset.done $0x0  }
0x9c: {  	s31 =	sadd.s32 $0x0, s7;
	[sflag:s11] =	ssyncadd.s32 $0xFFFFFFB0  }
0x9d: {  	[tilespmem:s12], [sflag:$0x2] =	stream.linear.gather [hbm4b:s31+s3], $0x50, $0x38;
	[tilespmem:$0x17100] =	vst v63  }
0x9e: {  	_ =	swait.ge [sflag:s11], $0x50  }
0x9f: {  	[sflag:s11] =	ssyncset.done $0x0  }
0xa0: {  	[sflag:s11] =	ssyncadd.s32 $0xFFFFFFB0  }
0xa1: {  	[tilespmem:s14], [sflag:$0x1] =	stream.indirect.gather [hbm4b:s4+s13], $0x80, s3, s13, $0xb8;
	[tilespmem:$0x17100] =	vst v63  }
0xa2: {  	_ =	swait.ge [sflag:s15], $0x2800  }
0xa3: {  	[sflag:s15] =	ssyncset.done $0x0  }
0xa4: {  	[sflag:s15] =	ssyncadd.s32 $0xFFFFD800  }
0xa5: {  	[spmem:s1] =	stream.indirect.scatter.add.f32 [tilespmem:s14], [sflag:$0x2], $0x80, s12, s13, $0xb8;
	[tilespmem:$0x17100] =	vst v63  }
0xa6: {  	_ =	swait.ge [sflag:s11], $0x2800  }
0xa7: {  	s20 =	simm.s32 $0x14;
	s19 =	simm.s32 $0xA;
	[sflag:s11] =	ssyncset.done $0x0  }
.LBB2_4:
0xa8: {  	s21 =	sadd.s32 s19, s9  }
0xa9: {  	[sflag:s11] =	ssyncadd.s32 $0xFFFFD800;
	s22 =	smov.u32 s20;
	s23 =	sadd.s32 $0xA, s20  }
0xaa: {  	[tilespmem:s3], [sflag:$0x2] =	stream.linear.gather [hbm4b:s21+s3], $0x50, $0x38;
	[tilespmem:$0x17100] =	vst v63  }
0xab: {  	p0 =	sne.s32 s20, $0x4D8;
	_ =	swait.ge [sflag:s11], $0x50  }
0xac: {  	[sflag:s11] =	ssyncset.done $0x0  }
0xad: {  	s20 =	sadd.s32 s19, s7;
	s19 =	smov.u32 s22;
	[sflag:s11] =	ssyncadd.s32 $0xFFFFFFB0  }
0xae: {  	[tilespmem:s12], [sflag:$0x2] =	stream.linear.gather [hbm4b:s20+s3], $0x50, $0x38;
	[tilespmem:$0x17100] =	vst v63  }
0xaf: {  	_ =	swait.ge [sflag:s11], $0x50  }
0xb0: {  	[sflag:s11] =	ssyncset.done $0x0  }
0xb1: {  	[sflag:s11] =	ssyncadd.s32 $0xFFFFFFB0  }
0xb2: {  	[tilespmem:s14], [sflag:$0x1] =	stream.indirect.gather [hbm4b:s4+s13], $0x80, s3, s13, $0xb8;
	[tilespmem:$0x17100] =	vst v63  }
0xb3: {  	_ =	swait.ge [sflag:s15], $0x2800  }
.Ltmp1:
0xb4: {  	[sflag:s15] =	ssyncset.done $0x0;
	(pc) =	sbr.rel @p0 .LBB2_4-.Ltmp1, $4  }
0xb5: {  	[sflag:s15] =	ssyncadd.s32 $0xFFFFD800  }
0xb6: {  	[spmem:s1] =	stream.indirect.scatter.add.f32 [tilespmem:s14], [sflag:$0x2], $0x80, s12, s13, $0xb8;
	[tilespmem:$0x17100] =	vst v63  }
0xb7: {  	_ =	swait.ge [sflag:s11], $0x2800  }
0xb8: {  	s20 =	smov.u32 s23;
	[sflag:s11] =	ssyncset.done $0x0  }
0xb9: {  	s20 =	sadd.s32 s19, s9;
	[sflag:s11] =	ssyncadd.s32 $0xFFFFD800  }
0xba: {  	[tilespmem:s3], [sflag:$0x2] =	stream.linear.gather [hbm4b:s20+s3], $0x50, $0x38;
	[tilespmem:$0x17100] =	vst v63  }
0xbb: {  	_ =	swait.ge [sflag:s11], $0x50  }
0xbc: {  	[sflag:s11] =	ssyncset.done $0x0  }
0xbd: {  	s31 =	sadd.s32 s19, s7;
	[sflag:s11] =	ssyncadd.s32 $0xFFFFFFB0  }
0xbe: {  	[tilespmem:s12], [sflag:$0x2] =	stream.linear.gather [hbm4b:s31+s3], $0x50, $0x38;
	[tilespmem:$0x17100] =	vst v63  }
0xbf: {  	_ =	swait.ge [sflag:s11], $0x50  }
0xc0: {  	[sflag:s11] =	ssyncset.done $0x0  }
0xc1: {  	[sflag:s11] =	ssyncadd.s32 $0xFFFFFFB0  }
0xc2: {  	[tilespmem:s14], [sflag:$0x1] =	stream.indirect.gather [hbm4b:s4+s13], $0x80, s3, s13, $0xb8;
	[tilespmem:$0x17100] =	vst v63  }
0xc3: {  	_ =	swait.ge [sflag:s15], $0x2800  }
0xc4: {  	[sflag:s15] =	ssyncset.done $0x0  }
0xc5: {  	[sflag:s15] =	ssyncadd.s32 $0xFFFFD800  }
0xc6: {  	[spmem:s1] =	stream.indirect.scatter.add.f32 [tilespmem:s14], [sflag:$0x2], $0x80, s12, s13, $0xb8;
	[tilespmem:$0x17100] =	vst v63  }
0xc7: {  	_ =	swait.ge [sflag:s11], $0x2800  }
0xc8: {  	s18 =	sadd.s32 $0x1, s18;
	[sflag:s11] =	ssyncset.done $0x0  }
0xc9: {  	p0 =	sne.s32 s18, s8;
	[sflag:s11] =	ssyncadd.s32 $0xFFFFD800  }
.Ltmp2:
0xca: {  	[bflag:$0x0] =	sbarrier.arrive $0xFFFF;
	(pc) =	sbr.rel @p0 .LBB2_1-.Ltmp2, $4  }
0xcb: {  	[hbm:s6], [sflag:s16] =	dma.local [spmem:s17], $0x2800  }
0xcc: {  	_ =	swait.ge [sflag:s11], $0x2800  }
0xcd: {  	[sflag:s11] =	ssyncset.done $0x0  }
0xce: {  	[sflag:s11] =	ssyncadd.s32 $0xFFFFD800  }
0xcf: {  	_ =	sfence.sel $0x180000  }
0xd0: {  	[bflag:$0x0] =	sbarrier.arrive $0xFFFF  }
0xd1: {  	p0 =	sne.s32 s2, $0x0;
	_ =	strace $0x9000004A  }
0xd2: {  	s0 =	sadd.s32 @!p0 $0x100000, s0;
	[bflag:$0x2] =	sbarrier.arrive $0xFFFF  }
0xd3: {  	[sflag:s0] =	ssyncadd.tile.s32 @!p0 $0x1;
	_ =	shalt  }
.Lfunc_end2:
_tile_overlayer_lowered:
.L_overlay_start_2:
0xd4: {  	(tag) =	ssettag $0x2  }
0xd5: {  	s0 =	rddreg [dreg:$0x0];
	s2 =	stileid.u32  }
0xd6: {  	s1 =	rddreg [dreg:$0x1];
	p0 =	sne.s32 s2, $0x0  }
0xd7: {  	s3 =	rddreg [dreg:$0x2];
	[bflag:$0x3] =	sbarrier.arrive $0xFFFF;
	s2 =	simm.s32 @!p0 $0x1C02  }
0xd8: {  	[timem:s3], [sflag:s2] =	dma.local @!p0 [hbm:s0], s1  }
0xd9: {  	s0 =	simm.s32 @!p0 $0x2  }
0xda: {  	_ =	swait.ge @!p0 [sflag:s0], s1  }
0xdb: {  	s1 =	ssub.s32 @!p0 $0x0, s1;
	[sflag:s0] =	ssyncset.done @!p0 $0x0  }
0xdc: {  	[sflag:s0] =	ssyncadd.s32 @!p0 s1  }
0xdd: {  	[bflag:$0x3] =	sbarrier.arrive $0xFFFF  }
0xde: {  	_ =	shalt  }

// kernel: kernel.14.cloned.1.call-start
scs
__scs_entry_jumppad:
0x0: {  	(pc) =	sbr.rel $0x88, $3  }
0x1: {  	(tag) =	ssettag $0x0;
	lr =	simm.s32 $0x1  }
0x2: {  	[smem:$0x3F9A] =	sst lr;
	_ =	strace $0xD0000000  }
0x3: {  	_ = 	snop  }
0x4: {  	_ = 	snop  }
0x5: {  	_ = 	snop  }
0x6: {  	_ = 	snop  }
0x7: {  	_ = 	snop  }
__scs_overlays_trampoline_lowered:
0x8: {  	[smem:$0x3FA9] =	sst s0  }
0x9: {  	[smem:$0x3FAA] =	sst s1  }
0xa: {  	[smem:$0x3FAB] =	sst s2  }
0xb: {  	[smem:$0x3FAC] =	sst s3  }
0xc: {  	[smem:$0x3FAD] =	sst s4  }
0xd: {  	[smem:$0x3FAE] =	sst s5  }
0xe: {  	[smem:$0x3FAF] =	sst s6  }
0xf: {  	[smem:$0x3FB0] =	sst s7  }
0x10: {  	[smem:$0x3FB1] =	sst s8  }
0x11: {  	[smem:$0x3FB2] =	sst s9;
	s0 =	simm.s32 @!p0 $0x0  }
0x12: {  	s1 =	sld [smem:$0x3F98];
	s0 =	simm.s32 @p0 $0x1  }
0x13: {  	[smem:$0x3FB3] =	sst s0;
	s0 =	simm.s32 @!p1 $0x0  }
0x14: {  	s2 =	sld [smem:$0x3F97];
	s0 =	simm.s32 @p1 $0x1  }
0x15: {  	[smem:$0x3FB4] =	sst s0;
	s0 =	simm.s32 @!p2 $0x0  }
0x16: {  	s3 =	sld [smem:$0x3FDB];
	s0 =	simm.s32 @p2 $0x1  }
0x17: {  	s4 =	simm.s32 $0x1BF5;
	[smem:$0x3FB6] =	sst s0  }
0x18: {  	s0 =	sld [smem:$0x3F99];
	_ =	swait.ge [sflag:s4], $0x0  }
0x19: {  	s7 =	sld [smem:$0x3F9A]  }
0x1a: {  	s8 =	sadd.s32 $0xFFFFE003, lr  }
0x1b: {  	s9 =	sadd.s32 $0xFFFFFEF7, lr;
	s5 =	simm.s32 $0xFFFFFFFF;
	p2 =	slt.u32 s8, $0xFFFFF086  }
0x1c: {  	p1 =	slt.u32 s9, $0xF7A;
	s5 =	simm.s32 @!p2 $0x0  }
0x1d: {  	s5 =	simm.s32 @p1 $0x1;
	p0 =	seq.s32 s7, s2  }
0x1e: {  	s7 =	smul.u32 @!p0 $0xF7A, s2;
	p2 =	seq.s32 @!p0 s5, $0x0  }
0x1f: {  	s9 =	smul.u32 $0xF7A, s1;
	s8 =	simm.s32 @!p0 $0x1BF5;
	p2 =	por !p2, p0  }
0x20: {  	[sflag:s8] =	ssyncset.s32 @!p0 $0xFFFFF086;
	s6 =	sadd.s32 @!p0 s3, s7;
	s7 =	simm.s32 @!p0 $0x108  }
0x21: {  	s3 =	sadd.s32 s3, s9;
	s6 =	sadd.s32 @!p0 $0x88, s6;
	s7 =	simm.s32 @p2 $0x1082  }
0x22: {  	[simem:s7], [sflag:s8] =	dma.local @!p0 [hbm:s6], $0xF7A  }
0x23: {  	s9 =	sor.u32 $0xD0000000, s2;
	s6 =	simm.s32 $0x108;
	_ =	swait.ge @!p0 [sflag:s8], $0x0  }
0x24: {  	s3 =	sadd.s32 $0x88, s3;
	s6 =	simm.s32 @!p1 $0x1082;
	[sflag:s4] =	ssyncset.s32 $0xFFFFF086  }
0x25: {  	[simem:s6], [sflag:s4] =	dma.local [hbm:s3], $0xF7A  }
0x26: {  	[smem:$0x3F9A] =	sst s1;
	(tag) =	ssettag s2;
	_ =	strace s9  }
0x27: {  	s1 =	sld [smem:$0x3FAA]  }
0x28: {  	s2 =	sld [smem:$0x3FAB]  }
0x29: {  	s4 =	sld [smem:$0x3FAD]  }
0x2a: {  	p0 =	seq.s32 s5, $0x0;
	s5 =	sld [smem:$0x3FAE]  }
0x2b: {  	s6 =	sld [smem:$0x3FAF]  }
0x2c: {  	s7 =	sld [smem:$0x3FB0]  }
0x2d: {  	s3 =	simm.s32 $0x108;
	s8 =	sld [smem:$0x3FB1]  }
0x2e: {  	s3 =	simm.s32 @!p0 $0x1082;
	s9 =	sld [smem:$0x3FB2]  }
0x2f: {  	lr =	sadd.s32 s0, s3;
	s0 =	sld [smem:$0x3FA9]  }
0x30: {  	s3 =	sld [smem:$0x3FAC]  }
0x31: {  	[smem:$0x3FB5] =	sst s10  }
0x32: {  	s10 =	sld [smem:$0x3FB3];
	_ =	sdelay $0x3  }
0x33: {  	p0 =	seq.s32 s10, $0x1;
	s10 =	sld [smem:$0x3FB5];
	_ =	sdelay $0x3  }
0x34: {  	[smem:$0x3FB5] =	sst s10  }
0x35: {  	s10 =	sld [smem:$0x3FB4];
	_ =	sdelay $0x3  }
0x36: {  	p1 =	seq.s32 s10, $0x1;
	s10 =	sld [smem:$0x3FB5];
	_ =	sdelay $0x3  }
0x37: {  	[smem:$0x3FB5] =	sst s10  }
0x38: {  	s10 =	sld [smem:$0x3FB6]  }
0x39: {  	_ = 	snop;
	(pc) =	sbr.ind lr, $3  }
0x3a: {  	_ = 	snop  }
0x3b: {  	_ = 	snop  }
0x3c: {  	p2 =	seq.s32 s10, $0x1;
	s10 =	sld [smem:$0x3FB5]  }
0x3d: {  	_ =	shalt  }
0x3e: {  	_ =	shalt  }
0x3f: {  	_ =	shalt  }
0x40: {  	_ =	shalt  }
0x41: {  	_ =	shalt  }
0x42: {  	_ =	shalt  }
0x43: {  	_ =	shalt  }
0x44: {  	_ =	shalt  }
0x45: {  	_ =	shalt  }
0x46: {  	_ =	shalt  }
0x47: {  	_ =	shalt  }
0x48: {  	_ =	shalt  }
0x49: {  	_ =	shalt  }
0x4a: {  	_ =	shalt  }
0x4b: {  	_ =	shalt  }
0x4c: {  	_ =	shalt  }
0x4d: {  	_ =	shalt  }
0x4e: {  	_ =	shalt  }
0x4f: {  	_ =	shalt  }
0x50: {  	_ =	shalt  }
0x51: {  	_ =	shalt  }
0x52: {  	_ =	shalt  }
0x53: {  	_ =	shalt  }
0x54: {  	_ =	shalt  }
0x55: {  	_ =	shalt  }
0x56: {  	_ =	shalt  }
0x57: {  	_ =	shalt  }
0x58: {  	_ =	shalt  }
0x59: {  	_ =	shalt  }
0x5a: {  	_ =	shalt  }
0x5b: {  	_ =	shalt  }
0x5c: {  	_ =	shalt  }
0x5d: {  	_ =	shalt  }
0x5e: {  	_ =	shalt  }
0x5f: {  	_ =	shalt  }
0x60: {  	_ =	shalt  }
0x61: {  	_ =	shalt  }
0x62: {  	_ =	shalt  }
0x63: {  	_ =	shalt  }
0x64: {  	_ =	shalt  }
0x65: {  	_ =	shalt  }
0x66: {  	_ =	shalt  }
0x67: {  	_ =	shalt  }
0x68: {  	_ =	shalt  }
0x69: {  	_ =	shalt  }
0x6a: {  	_ =	shalt  }
0x6b: {  	_ =	shalt  }
0x6c: {  	_ =	shalt  }
0x6d: {  	_ =	shalt  }
0x6e: {  	_ =	shalt  }
0x6f: {  	_ =	shalt  }
0x70: {  	_ =	shalt  }
0x71: {  	_ =	shalt  }
0x72: {  	_ =	shalt  }
0x73: {  	_ =	shalt  }
0x74: {  	_ =	shalt  }
0x75: {  	_ =	shalt  }
0x76: {  	_ =	shalt  }
0x77: {  	_ =	shalt  }
0x78: {  	_ =	shalt  }
0x79: {  	_ =	shalt  }
0x7a: {  	_ =	shalt  }
0x7b: {  	_ =	shalt  }
0x7c: {  	_ =	shalt  }
0x7d: {  	_ =	shalt  }
0x7e: {  	_ =	shalt  }
0x7f: {  	_ =	shalt  }
0x80: {  	_ =	shalt  }
0x81: {  	_ =	shalt  }
0x82: {  	_ =	shalt  }
0x83: {  	_ =	shalt  }
0x84: {  	_ =	shalt  }
0x85: {  	_ =	shalt  }
0x86: {  	_ =	shalt  }
0x87: {  	_ =	shalt  }
.Lfunc_end0:
.L_simem_size_0:
called_computation.3_lowered:
.L_overlay_start_0:
0x88: {  	s2 =	sld [smem:$0x3FD9]  }
0x89: {  	s3 =	sld [smem:$0x3FFE];
	_ =	sdelay $0x1  }
0x8a: {  	s1 =	srdreg.scid  }
0x8b: {  	s0 =	sand.u32 $0x1, s1  }
0x8c: {  	s16 =	sshll.u32 s0, $0xA;
	s2 =	sadd.s32 s3, s2  }
0x8d: {  	s2 =	sadd.s32 s2, s16  }
0x8e: {  	[smem:$0x3FC1] =	sst s2  }
0x8f: {  	_ = 	snop  }
0x90: {  	(tm) =	ssettm $0x1  }
0x91: {  	s17 =	sld [smem:$0x3FFB];
	_ =	sdelay $0x3  }
0x92: {  	_ =	strace s17  }
0x93: {  	s2 =	sld [smem:$0x3FFC];
	_ =	sdelay $0x3  }
0x94: {  	_ =	strace s2  }
0x95: {  	s2 =	sld [smem:$0x3FFD];
	_ =	sdelay $0x3  }
0x96: {  	_ =	strace s2  }
0x97: {  	_ =	strace $0x8FFFFFFF  }
0x98: {  	s18 =	sld [smem:$0x3FDB];
	_ =	sdelay $0x1  }
0x99: {  	s19 =	simm.s32 $_scs_section_size  }
0x9a: {  	s4 =	simm.s32 $_size__tile_overlayer_lowered;
	s5 =	simm.s32 $_tile_overlayer_lowered  }
0x9b: {  	s22 =	simm.s32 $0x1BFF;
	s21 =	sshll.u32 s5, $0x1;
	s2 =	sadd.s32 s19, s18  }
0x9c: {  	s6 =	simm.s32 $0x0;
	s20 =	sshll.u32 s4, $0x1;
	s4 =	sadd.s32 s21, s2  }
0x9d: {  	[timem:s6], [sflag:s22] =	dma.local [hbm:s4], s20  }
0x9e: {  	_ =	swait.ge [sflag:s22], s20  }
0x9f: {  	s3 =	ssub.s32 $0x0, s20;
	[sflag:s22] =	ssyncset.done $0x0  }
0xa0: {  	[sflag:s22] =	ssyncadd.s32 s3;
	_ =	sdelay $0x1  }
0xa1: {  	s23 =	simm.s32 $0x1B8B  }
0xa2: {  	_ =	swait.ge [sflag:s23], $0x1  }
0xa3: {  	[sflag:s23] =	ssyncset.done $0x0  }
0xa4: {  	s25 =	simm.s32 $0x1B8E;
	s24 =	sld [smem:$0x3FFE];
	[sflag:s23] =	ssyncadd.s32 $0xFFFFFFFF  }
0xa5: {  	s26 =	simm.s32 $execute0_lowered;
	[smem:$0x3FD2] =	sst s25  }
0xa6: {  	s4 =	sshll.u32 s26, $0x1;
	_ =	strace $0x8000004F;
	[dreg:$0x1] =	wrdreg $0xFFFFFFFF  }
0xa7: {  	s28 =	simm.s32 $_size_execute0_lowered;
	s2 =	sadd.s32 s2, s4;
	[dreg:$0x0] =	wrdreg $0x0  }
0xa8: {  	s4 =	sshll.u32 s28, $0x1;
	[dreg:$0x2] =	wrdreg s2  }
0xa9: {  	[dreg:$0x3] =	wrdreg s4  }
0xaa: {  	[dreg:$0x4] =	wrdreg $0xC0  }
0xab: {  	_ =	task [dreg:s6], $0x5FFFF  }
0xac: {  	[dreg:$0x1] =	wrdreg $0xFFFFFFFF  }
0xad: {  	[dreg:$0x0] =	wrdreg $0x60  }
0xae: {  	[dreg:$0x2] =	wrdreg s24  }
0xaf: {  	[dreg:$0x3] =	wrdreg $0x9  }
0xb0: {  	_ =	task.clear_ibuf [dreg:s6], $0x4FFFF;
	_ =	strace $0x9000004F  }
0xb1: {  	s29 =	simm.s32 $0x9;
	_ =	strace $0x80000051  }
0xb2: {  	_ =	swait.ge [sflag:s29], $0x1  }
0xb3: {  	[sflag:s29] =	ssyncadd.s32 $0xFFFFFFFF  }
0xb4: {  	_ =	strace $0x90000051  }
0xb5: {  	_ =	sfence  }
0xb6: {  	s30 =	sld [smem:$0x0];
	_ =	sdelay $0x2  }
0xb7: {  	s31 =	sshll.u32 s1, $0xD;
	s1 =	sshrl.u32 s1, $0x2  }
0xb8: {  	s3 =	sand.u32 $0x4000, s31;
	s1 =	sadd.s32 s1, s30  }
0xb9: {  	s0 =	sor.u32 s3, s0;
	s1 =	sshll.u32 s1, $0x11  }
0xba: {  	s0 =	sor.u32 s1, s0  }
0xbb: {  	s0 =	sadd.s32 $0x8F2B, s0  }
0xbc: {  	[sflag:s0] =	ssyncadd.remote.s32 $0x1  }
0xbd: {  	_ =	sfence.sel $0xFFFF  }
0xbe: {  	[dreg:$0x0] =	wrdreg $0xFFFFFFFF;
	(pc) =	sbr.abs _section_cstart, $3  }
0xbf: {  	[dreg:$0x1] =	wrdreg $0xFFFFFFFF  }
0xc0: {  	_ =	task.clear_ibuf [dreg:s6], $0x2FFFF;
	_ =	strace $0x9FFFFFFF  }
0xc1: {  	(tm) =	ssettm $0x7FFFFFFF  }
tec
execute0_lowered:
.L_overlay_start_1:
0x0: {  	(tag) =	ssettag $0x1  }
0x1: {  	s2 =	rddreg [dreg:$0x0]  }
0x2: {  	s0 =	rddreg [dreg:$0x1]  }
0x3: {  	s4 =	srdreg.scid;
	s1 =	stileid.u32;
	s3 =	simm.s32 $0x0  }
0x4: {  	s23 =	simm.s32 $0x2080;
	s4 =	sand.u32 $0x1, s4;
	s5 =	sshll.u32 s1, $0x1  }
0x5: {  	s24 =	simm.s32 $0x1;
	s25 =	simm.s32 $0x0;
	s5 =	sor.u32 s4, s5  }
0x6: {  	[smem:$0x7FF] =	sst s3;
	s17 =	sadd.s32 $0x27800, s2;
	s13 =	smul.u32 $0x140, s5  }
0x7: {  	s16 =	sadd.s32 $0x27200, s2;
	s4 =	ssub.s32 $0x2, s4;
	s8 =	smul.u32 $0x1400, s5  }
0x8: {  	s18 =	sadd.s32 $0x4F800, s2;
	_ =	strace $0x80000050;
	s6 =	sshrl.u32 s4, $0x1  }
0x9: {  	s19 =	ssub.s32 s4, s6;
	s7 =	sshrl.u32 s13, $0x3;
	s5 =	sadd.s32 s17, s8  }
0xa: {  	s6 =	sadd.s32 s18, s8;
	s29 =	sadd.s32 $0x40, s13;
	s11 =	sadd.s32 $0x80, s13  }
0xb: {  	s14 =	sadd.s32 $0xC0, s13;
	s21 =	sadd.s32 $0x100, s13;
	s19 =	smax.u32 s19, $0x1  }
0xc: {  	s4 =	sadd.s32 s16, s7;
	s30 =	sshrl.u32 s29, $0x3;
	s9 =	sshll.u32 s29, $0x4  }
0xd: {  	s10 =	sshrl.u32 s11, $0x3;
	s12 =	sshll.u32 s11, $0x4;
	s15 =	sshrl.u32 s14, $0x3  }
0xe: {  	s20 =	sshll.u32 s14, $0x4;
	s22 =	sshrl.u32 s21, $0x3;
	s31 =	sshll.u32 s21, $0x4  }
0xf: {  	s21 =	simm.s32 $0x80;
	s7 =	sadd.s32 s16, s30;
	s8 =	sadd.s32 s17, s9  }
0x10: {  	s9 =	sadd.s32 s18, s9;
	s10 =	sadd.s32 s16, s10;
	s11 =	sadd.s32 s17, s12  }
0x11: {  	s12 =	sadd.s32 s18, s12;
	s13 =	sadd.s32 s16, s15;
	s14 =	sadd.s32 s17, s20  }
0x12: {  	s15 =	sadd.s32 s18, s20;
	s16 =	sadd.s32 s16, s22;
	s17 =	sadd.s32 s17, s31  }
0x13: {  	s18 =	sadd.s32 s18, s31;
	s20 =	simm.s32 $0x2;
	s22 =	simm.s32 $0x40  }
.LBB2_1:
0x14: {  	[tilespmem:s3], [sflag:$0x2] =	stream.linear.gather [hbm4b:s4+s3], $0x40, $0x38;
	[tilespmem:$0x4080] =	vst v63  }
0x15: {  	_ =	swait.ge [sflag:s20], $0x40  }
0x16: {  	[sflag:s20] =	ssyncset.done $0x0  }
0x17: {  	[sflag:s20] =	ssyncadd.s32 $0xFFFFFFC0  }
0x18: {  	[tilespmem:s21], [sflag:$0x2] =	stream.linear.gather [hbm4b:s5+s3], $0x2000, $0x38;
	[tilespmem:$0x4080] =	vst v63  }
0x19: {  	_ =	swait.ge [sflag:s20], $0x2000  }
0x1a: {  	[sflag:s20] =	ssyncset.done $0x0  }
0x1b: {  	[sflag:s20] =	ssyncadd.s32 $0xFFFFE000  }
0x1c: {  	[tilespmem:s23], [sflag:$0x1] =	stream.indirect.gather [hbm4b:s2+s22], $0x80, s3, s22, $0xb8;
	[tilespmem:$0x4080] =	vst v63  }
0x1d: {  	_ =	swait.ge [sflag:s24], $0x2000  }
0x1e: {  	[sflag:s24] =	ssyncset.done $0x0  }
0x1f: {  	s26 =	simm.s32 $0x0;
	[sflag:s24] =	ssyncadd.s32 $0xFFFFE000  }
0x20: {  	v0 =	vld [tilespmem:s26+$0x2080]  }
0x21: {  	v1 =	vld [tilespmem:s26+$0x2090]  }
0x22: {  	s28 =	simm.s32 $0x200;
	v2 =	vld [tilespmem:s26+$0x80]  }
.LBB2_2:
0x23: {  	p0 =	sne.s32 s28, $0x7E00;
	v3 =	vld [tilespmem:s26+$0x90];
	_ =	sdelay $0x2  }
.Ltmp0:
0x24: {  	(pc) =	sbr.rel @p0 .LBB2_2-.Ltmp0, $4  }
0x25: {  	s29 =	sshra.s32 s28, $0x2;
	v2 =	vadd.f32 v0, v2  }
0x26: {  	v0 =	vld [tilespmem:s29+$0x2080];
	v3 =	vadd.f32 v1, v3  }
0x27: {  	v1 =	vld [tilespmem:s29+$0x2090];
	[tilespmem:s26+$0x80] =	vst v2  }
0x28: {  	s28 =	sadd.s32 $0x200, s28;
	v2 =	vld [tilespmem:s29+$0x80];
	[tilespmem:s26+$0x90] =	vst v3;
	s26 =	smov.u32 s29  }
0x29: {  	v3 =	vld [tilespmem:s26+$0x90];
	_ =	sdelay $0x3  }
0x2a: {  	v0 =	vadd.f32 v0, v2  }
0x2b: {  	v1 =	vadd.f32 v1, v3  }
0x2c: {  	[tilespmem:s26+$0x80] =	vst v0  }
0x2d: {  	s31 =	simm.s32 $0x0;
	[tilespmem:s26+$0x90] =	vst v1  }
0x2e: {  	[hbm4b:s6+s31] =	stream.linear.scatter [tilespmem:s21], [sflag:$0x2], $0x2000, $0x38;
	[tilespmem:$0x4080] =	vst v63  }
0x2f: {  	_ =	swait.ge [sflag:s20], $0x2000  }
0x30: {  	[sflag:s20] =	ssyncset.done $0x0  }
0x31: {  	[sflag:s20] =	ssyncadd.s32 $0xFFFFE000  }
0x32: {  	[tilespmem:s31], [sflag:$0x2] =	stream.linear.gather [hbm4b:s7+s31], $0x40, $0x38;
	[tilespmem:$0x4080] =	vst v63  }
0x33: {  	_ =	swait.ge [sflag:s20], $0x40  }
0x34: {  	[sflag:s20] =	ssyncset.done $0x0  }
0x35: {  	[sflag:s20] =	ssyncadd.s32 $0xFFFFFFC0  }
0x36: {  	[tilespmem:s21], [sflag:$0x2] =	stream.linear.gather [hbm4b:s8+s31], $0x2000, $0x38;
	[tilespmem:$0x4080] =	vst v63  }
0x37: {  	_ =	swait.ge [sflag:s20], $0x2000  }
0x38: {  	[sflag:s20] =	ssyncset.done $0x0  }
0x39: {  	[sflag:s20] =	ssyncadd.s32 $0xFFFFE000  }
0x3a: {  	[tilespmem:s23], [sflag:$0x1] =	stream.indirect.gather [hbm4b:s2+s22], $0x80, s31, s22, $0xb8;
	[tilespmem:$0x4080] =	vst v63  }
0x3b: {  	_ =	swait.ge [sflag:s24], $0x2000  }
0x3c: {  	[sflag:s24] =	ssyncset.done $0x0  }
0x3d: {  	s26 =	simm.s32 $0x0;
	[sflag:s24] =	ssyncadd.s32 $0xFFFFE000  }
0x3e: {  	v0 =	vld [tilespmem:s26+$0x2080]  }
0x3f: {  	v1 =	vld [tilespmem:s26+$0x2090]  }
0x40: {  	s28 =	simm.s32 $0x200;
	v2 =	vld [tilespmem:s26+$0x80]  }
.LBB2_4:
0x41: {  	p0 =	sne.s32 s28, $0x7E00;
	v3 =	vld [tilespmem:s26+$0x90];
	_ =	sdelay $0x2  }
.Ltmp1:
0x42: {  	(pc) =	sbr.rel @p0 .LBB2_4-.Ltmp1, $4  }
0x43: {  	s29 =	sshra.s32 s28, $0x2;
	v2 =	vadd.f32 v0, v2  }
0x44: {  	v0 =	vld [tilespmem:s29+$0x2080];
	v3 =	vadd.f32 v1, v3  }
0x45: {  	v1 =	vld [tilespmem:s29+$0x2090];
	[tilespmem:s26+$0x80] =	vst v2  }
0x46: {  	s28 =	sadd.s32 $0x200, s28;
	v2 =	vld [tilespmem:s29+$0x80];
	[tilespmem:s26+$0x90] =	vst v3;
	s26 =	smov.u32 s29  }
0x47: {  	v3 =	vld [tilespmem:s26+$0x90];
	_ =	sdelay $0x3  }
0x48: {  	v0 =	vadd.f32 v0, v2  }
0x49: {  	v1 =	vadd.f32 v1, v3  }
0x4a: {  	[tilespmem:s26+$0x80] =	vst v0  }
0x4b: {  	s31 =	simm.s32 $0x0;
	[tilespmem:s26+$0x90] =	vst v1  }
0x4c: {  	[hbm4b:s9+s31] =	stream.linear.scatter [tilespmem:s21], [sflag:$0x2], $0x2000, $0x38;
	[tilespmem:$0x4080] =	vst v63  }
0x4d: {  	_ =	swait.ge [sflag:s20], $0x2000  }
0x4e: {  	[sflag:s20] =	ssyncset.done $0x0  }
0x4f: {  	[sflag:s20] =	ssyncadd.s32 $0xFFFFE000  }
0x50: {  	[tilespmem:s31], [sflag:$0x2] =	stream.linear.gather [hbm4b:s10+s31], $0x40, $0x38;
	[tilespmem:$0x4080] =	vst v63  }
0x51: {  	_ =	swait.ge [sflag:s20], $0x40  }
0x52: {  	[sflag:s20] =	ssyncset.done $0x0  }
0x53: {  	[sflag:s20] =	ssyncadd.s32 $0xFFFFFFC0  }
0x54: {  	[tilespmem:s21], [sflag:$0x2] =	stream.linear.gather [hbm4b:s11+s31], $0x2000, $0x38;
	[tilespmem:$0x4080] =	vst v63  }
0x55: {  	_ =	swait.ge [sflag:s20], $0x2000  }
0x56: {  	[sflag:s20] =	ssyncset.done $0x0  }
0x57: {  	[sflag:s20] =	ssyncadd.s32 $0xFFFFE000  }
0x58: {  	[tilespmem:s23], [sflag:$0x1] =	stream.indirect.gather [hbm4b:s2+s22], $0x80, s31, s22, $0xb8;
	[tilespmem:$0x4080] =	vst v63  }
0x59: {  	_ =	swait.ge [sflag:s24], $0x2000  }
0x5a: {  	[sflag:s24] =	ssyncset.done $0x0  }
0x5b: {  	s26 =	simm.s32 $0x0;
	[sflag:s24] =	ssyncadd.s32 $0xFFFFE000  }
0x5c: {  	v0 =	vld [tilespmem:s26+$0x2080]  }
0x5d: {  	v1 =	vld [tilespmem:s26+$0x2090]  }
0x5e: {  	s28 =	simm.s32 $0x200;
	v2 =	vld [tilespmem:s26+$0x80]  }
.LBB2_6:
0x5f: {  	p0 =	sne.s32 s28, $0x7E00;
	v3 =	vld [tilespmem:s26+$0x90];
	_ =	sdelay $0x2  }
.Ltmp2:
0x60: {  	(pc) =	sbr.rel @p0 .LBB2_6-.Ltmp2, $4  }
0x61: {  	s29 =	sshra.s32 s28, $0x2;
	v2 =	vadd.f32 v0, v2  }
0x62: {  	v0 =	vld [tilespmem:s29+$0x2080];
	v3 =	vadd.f32 v1, v3  }
0x63: {  	v1 =	vld [tilespmem:s29+$0x2090];
	[tilespmem:s26+$0x80] =	vst v2  }
0x64: {  	s28 =	sadd.s32 $0x200, s28;
	v2 =	vld [tilespmem:s29+$0x80];
	[tilespmem:s26+$0x90] =	vst v3;
	s26 =	smov.u32 s29  }
0x65: {  	v3 =	vld [tilespmem:s26+$0x90];
	_ =	sdelay $0x3  }
0x66: {  	v0 =	vadd.f32 v0, v2  }
0x67: {  	v1 =	vadd.f32 v1, v3  }
0x68: {  	[tilespmem:s26+$0x80] =	vst v0  }
0x69: {  	s31 =	simm.s32 $0x0;
	[tilespmem:s26+$0x90] =	vst v1  }
0x6a: {  	[hbm4b:s12+s31] =	stream.linear.scatter [tilespmem:s21], [sflag:$0x2], $0x2000, $0x38;
	[tilespmem:$0x4080] =	vst v63  }
0x6b: {  	_ =	swait.ge [sflag:s20], $0x2000  }
0x6c: {  	[sflag:s20] =	ssyncset.done $0x0  }
0x6d: {  	[sflag:s20] =	ssyncadd.s32 $0xFFFFE000  }
0x6e: {  	[tilespmem:s31], [sflag:$0x2] =	stream.linear.gather [hbm4b:s13+s31], $0x40, $0x38;
	[tilespmem:$0x4080] =	vst v63  }
0x6f: {  	_ =	swait.ge [sflag:s20], $0x40  }
0x70: {  	[sflag:s20] =	ssyncset.done $0x0  }
0x71: {  	[sflag:s20] =	ssyncadd.s32 $0xFFFFFFC0  }
0x72: {  	[tilespmem:s21], [sflag:$0x2] =	stream.linear.gather [hbm4b:s14+s31], $0x2000, $0x38;
	[tilespmem:$0x4080] =	vst v63  }
0x73: {  	_ =	swait.ge [sflag:s20], $0x2000  }
0x74: {  	[sflag:s20] =	ssyncset.done $0x0  }
0x75: {  	[sflag:s20] =	ssyncadd.s32 $0xFFFFE000  }
0x76: {  	[tilespmem:s23], [sflag:$0x1] =	stream.indirect.gather [hbm4b:s2+s22], $0x80, s31, s22, $0xb8;
	[tilespmem:$0x4080] =	vst v63  }
0x77: {  	_ =	swait.ge [sflag:s24], $0x2000  }
0x78: {  	[sflag:s24] =	ssyncset.done $0x0  }
0x79: {  	s26 =	simm.s32 $0x0;
	[sflag:s24] =	ssyncadd.s32 $0xFFFFE000  }
0x7a: {  	v0 =	vld [tilespmem:s26+$0x2080]  }
0x7b: {  	v1 =	vld [tilespmem:s26+$0x2090]  }
0x7c: {  	s28 =	simm.s32 $0x200;
	v2 =	vld [tilespmem:s26+$0x80]  }
.LBB2_8:
0x7d: {  	p0 =	sne.s32 s28, $0x7E00;
	v3 =	vld [tilespmem:s26+$0x90];
	_ =	sdelay $0x2  }
.Ltmp3:
0x7e: {  	(pc) =	sbr.rel @p0 .LBB2_8-.Ltmp3, $4  }
0x7f: {  	s29 =	sshra.s32 s28, $0x2;
	v2 =	vadd.f32 v0, v2  }
0x80: {  	v0 =	vld [tilespmem:s29+$0x2080];
	v3 =	vadd.f32 v1, v3  }
0x81: {  	v1 =	vld [tilespmem:s29+$0x2090];
	[tilespmem:s26+$0x80] =	vst v2  }
0x82: {  	s28 =	sadd.s32 $0x200, s28;
	v2 =	vld [tilespmem:s29+$0x80];
	[tilespmem:s26+$0x90] =	vst v3;
	s26 =	smov.u32 s29  }
0x83: {  	v3 =	vld [tilespmem:s26+$0x90];
	_ =	sdelay $0x3  }
0x84: {  	v0 =	vadd.f32 v0, v2  }
0x85: {  	v1 =	vadd.f32 v1, v3  }
0x86: {  	[tilespmem:s26+$0x80] =	vst v0  }
0x87: {  	s31 =	simm.s32 $0x0;
	[tilespmem:s26+$0x90] =	vst v1  }
0x88: {  	[hbm4b:s15+s31] =	stream.linear.scatter [tilespmem:s21], [sflag:$0x2], $0x2000, $0x38;
	[tilespmem:$0x4080] =	vst v63  }
0x89: {  	_ =	swait.ge [sflag:s20], $0x2000  }
0x8a: {  	[sflag:s20] =	ssyncset.done $0x0  }
0x8b: {  	[sflag:s20] =	ssyncadd.s32 $0xFFFFE000  }
0x8c: {  	[tilespmem:s31], [sflag:$0x2] =	stream.linear.gather [hbm4b:s16+s31], $0x40, $0x38;
	[tilespmem:$0x4080] =	vst v63  }
0x8d: {  	_ =	swait.ge [sflag:s20], $0x40  }
0x8e: {  	[sflag:s20] =	ssyncset.done $0x0  }
0x8f: {  	[sflag:s20] =	ssyncadd.s32 $0xFFFFFFC0  }
0x90: {  	[tilespmem:s21], [sflag:$0x2] =	stream.linear.gather [hbm4b:s17+s31], $0x2000, $0x38;
	[tilespmem:$0x4080] =	vst v63  }
0x91: {  	_ =	swait.ge [sflag:s20], $0x2000  }
0x92: {  	[sflag:s20] =	ssyncset.done $0x0  }
0x93: {  	[sflag:s20] =	ssyncadd.s32 $0xFFFFE000  }
0x94: {  	[tilespmem:s23], [sflag:$0x1] =	stream.indirect.gather [hbm4b:s2+s22], $0x80, s31, s22, $0xb8;
	[tilespmem:$0x4080] =	vst v63  }
0x95: {  	_ =	swait.ge [sflag:s24], $0x2000  }
0x96: {  	[sflag:s24] =	ssyncset.done $0x0  }
0x97: {  	s26 =	simm.s32 $0x0;
	[sflag:s24] =	ssyncadd.s32 $0xFFFFE000  }
0x98: {  	v0 =	vld [tilespmem:s26+$0x2080]  }
0x99: {  	v1 =	vld [tilespmem:s26+$0x2090]  }
0x9a: {  	s28 =	simm.s32 $0x200;
	v2 =	vld [tilespmem:s26+$0x80]  }
.LBB2_10:
0x9b: {  	p0 =	sne.s32 s28, $0x7E00;
	v3 =	vld [tilespmem:s26+$0x90];
	_ =	sdelay $0x2  }
.Ltmp4:
0x9c: {  	(pc) =	sbr.rel @p0 .LBB2_10-.Ltmp4, $4  }
0x9d: {  	s29 =	sshra.s32 s28, $0x2;
	v2 =	vadd.f32 v0, v2  }
0x9e: {  	v0 =	vld [tilespmem:s29+$0x2080];
	v3 =	vadd.f32 v1, v3  }
0x9f: {  	v1 =	vld [tilespmem:s29+$0x2090];
	[tilespmem:s26+$0x80] =	vst v2  }
0xa0: {  	s28 =	sadd.s32 $0x200, s28;
	v2 =	vld [tilespmem:s29+$0x80];
	[tilespmem:s26+$0x90] =	vst v3;
	s26 =	smov.u32 s29  }
0xa1: {  	v3 =	vld [tilespmem:s26+$0x90];
	_ =	sdelay $0x3  }
0xa2: {  	v0 =	vadd.f32 v0, v2  }
0xa3: {  	s25 =	sadd.s32 $0x1, s25;
	v1 =	vadd.f32 v1, v3  }
0xa4: {  	p0 =	sne.s32 s25, s19;
	[tilespmem:s26+$0x80] =	vst v0  }
.Ltmp5:
0xa5: {  	[tilespmem:s26+$0x90] =	vst v1;
	(pc) =	sbr.rel @p0 .LBB2_1-.Ltmp5, $4  }
0xa6: {  	[hbm4b:s18+s3] =	stream.linear.scatter [tilespmem:s21], [sflag:$0x2], $0x2000, $0x38;
	[tilespmem:$0x4080] =	vst v63  }
0xa7: {  	_ =	swait.ge [sflag:s20], $0x2000  }
0xa8: {  	[sflag:s20] =	ssyncset.done $0x0  }
0xa9: {  	[sflag:s20] =	ssyncadd.s32 $0xFFFFE000  }
0xaa: {  	_ =	sfence.sel $0x180000  }
0xab: {  	[bflag:$0x0] =	sbarrier.arrive $0xFFFF  }
0xac: {  	p0 =	sne.s32 s1, $0x0;
	_ =	strace $0x90000050  }
0xad: {  	s0 =	sadd.s32 @!p0 $0x100000, s0;
	[bflag:$0x2] =	sbarrier.arrive $0xFFFF  }
0xae: {  	[sflag:s0] =	ssyncadd.tile.s32 @!p0 $0x1;
	_ =	shalt  }
.Lfunc_end2:
_tile_overlayer_lowered:
.L_overlay_start_2:
0xaf: {  	(tag) =	ssettag $0x2  }
0xb0: {  	s0 =	rddreg [dreg:$0x0];
	s2 =	stileid.u32  }
0xb1: {  	s1 =	rddreg [dreg:$0x1];
	p0 =	sne.s32 s2, $0x0  }
0xb2: {  	s3 =	rddreg [dreg:$0x2];
	[bflag:$0x3] =	sbarrier.arrive $0xFFFF;
	s2 =	simm.s32 @!p0 $0x1C02  }
0xb3: {  	[timem:s3], [sflag:s2] =	dma.local @!p0 [hbm:s0], s1  }
0xb4: {  	s0 =	simm.s32 @!p0 $0x2  }
0xb5: {  	_ =	swait.ge @!p0 [sflag:s0], s1  }
0xb6: {  	s1 =	ssub.s32 @!p0 $0x0, s1;
	[sflag:s0] =	ssyncset.done @!p0 $0x0  }
0xb7: {  	[sflag:s0] =	ssyncadd.s32 @!p0 s1  }
0xb8: {  	[bflag:$0x3] =	sbarrier.arrive $0xFFFF  }
0xb9: {  	_ =	shalt  }

// kernel: kernel.8.cloned.1.call-start
scs
__scs_entry_jumppad:
0x0: {  	(pc) =	sbr.rel $0x88, $3  }
0x1: {  	(tag) =	ssettag $0x0;
	lr =	simm.s32 $0x1  }
0x2: {  	[smem:$0x3F9A] =	sst lr;
	_ =	strace $0xD0000000  }
0x3: {  	_ = 	snop  }
0x4: {  	_ = 	snop  }
0x5: {  	_ = 	snop  }
0x6: {  	_ = 	snop  }
0x7: {  	_ = 	snop  }
__scs_overlays_trampoline_lowered:
0x8: {  	[smem:$0x3FA9] =	sst s0  }
0x9: {  	[smem:$0x3FAA] =	sst s1  }
0xa: {  	[smem:$0x3FAB] =	sst s2  }
0xb: {  	[smem:$0x3FAC] =	sst s3  }
0xc: {  	[smem:$0x3FAD] =	sst s4  }
0xd: {  	[smem:$0x3FAE] =	sst s5  }
0xe: {  	[smem:$0x3FAF] =	sst s6  }
0xf: {  	[smem:$0x3FB0] =	sst s7  }
0x10: {  	[smem:$0x3FB1] =	sst s8  }
0x11: {  	[smem:$0x3FB2] =	sst s9;
	s0 =	simm.s32 @!p0 $0x0  }
0x12: {  	s1 =	sld [smem:$0x3F98];
	s0 =	simm.s32 @p0 $0x1  }
0x13: {  	[smem:$0x3FB3] =	sst s0;
	s0 =	simm.s32 @!p1 $0x0  }
0x14: {  	s2 =	sld [smem:$0x3F97];
	s0 =	simm.s32 @p1 $0x1  }
0x15: {  	[smem:$0x3FB4] =	sst s0;
	s0 =	simm.s32 @!p2 $0x0  }
0x16: {  	s3 =	sld [smem:$0x3FDB];
	s0 =	simm.s32 @p2 $0x1  }
0x17: {  	s4 =	simm.s32 $0x1BF5;
	[smem:$0x3FB6] =	sst s0  }
0x18: {  	s0 =	sld [smem:$0x3F99];
	_ =	swait.ge [sflag:s4], $0x0  }
0x19: {  	s7 =	sld [smem:$0x3F9A]  }
0x1a: {  	s8 =	sadd.s32 $0xFFFFE003, lr  }
0x1b: {  	s9 =	sadd.s32 $0xFFFFFEF7, lr;
	s5 =	simm.s32 $0xFFFFFFFF;
	p2 =	slt.u32 s8, $0xFFFFF086  }
0x1c: {  	p1 =	slt.u32 s9, $0xF7A;
	s5 =	simm.s32 @!p2 $0x0  }
0x1d: {  	s5 =	simm.s32 @p1 $0x1;
	p0 =	seq.s32 s7, s2  }
0x1e: {  	s7 =	smul.u32 @!p0 $0xF7A, s2;
	p2 =	seq.s32 @!p0 s5, $0x0  }
0x1f: {  	s9 =	smul.u32 $0xF7A, s1;
	s8 =	simm.s32 @!p0 $0x1BF5;
	p2 =	por !p2, p0  }
0x20: {  	[sflag:s8] =	ssyncset.s32 @!p0 $0xFFFFF086;
	s6 =	sadd.s32 @!p0 s3, s7;
	s7 =	simm.s32 @!p0 $0x108  }
0x21: {  	s3 =	sadd.s32 s3, s9;
	s6 =	sadd.s32 @!p0 $0x88, s6;
	s7 =	simm.s32 @p2 $0x1082  }
0x22: {  	[simem:s7], [sflag:s8] =	dma.local @!p0 [hbm:s6], $0xF7A  }
0x23: {  	s9 =	sor.u32 $0xD0000000, s2;
	s6 =	simm.s32 $0x108;
	_ =	swait.ge @!p0 [sflag:s8], $0x0  }
0x24: {  	s3 =	sadd.s32 $0x88, s3;
	s6 =	simm.s32 @!p1 $0x1082;
	[sflag:s4] =	ssyncset.s32 $0xFFFFF086  }
0x25: {  	[simem:s6], [sflag:s4] =	dma.local [hbm:s3], $0xF7A  }
0x26: {  	[smem:$0x3F9A] =	sst s1;
	(tag) =	ssettag s2;
	_ =	strace s9  }
0x27: {  	s1 =	sld [smem:$0x3FAA]  }
0x28: {  	s2 =	sld [smem:$0x3FAB]  }
0x29: {  	s4 =	sld [smem:$0x3FAD]  }
0x2a: {  	p0 =	seq.s32 s5, $0x0;
	s5 =	sld [smem:$0x3FAE]  }
0x2b: {  	s6 =	sld [smem:$0x3FAF]  }
0x2c: {  	s7 =	sld [smem:$0x3FB0]  }
0x2d: {  	s3 =	simm.s32 $0x108;
	s8 =	sld [smem:$0x3FB1]  }
0x2e: {  	s3 =	simm.s32 @!p0 $0x1082;
	s9 =	sld [smem:$0x3FB2]  }
0x2f: {  	lr =	sadd.s32 s0, s3;
	s0 =	sld [smem:$0x3FA9]  }
0x30: {  	s3 =	sld [smem:$0x3FAC]  }
0x31: {  	[smem:$0x3FB5] =	sst s10  }
0x32: {  	s10 =	sld [smem:$0x3FB3];
	_ =	sdelay $0x3  }
0x33: {  	p0 =	seq.s32 s10, $0x1;
	s10 =	sld [smem:$0x3FB5];
	_ =	sdelay $0x3  }
0x34: {  	[smem:$0x3FB5] =	sst s10  }
0x35: {  	s10 =	sld [smem:$0x3FB4];
	_ =	sdelay $0x3  }
0x36: {  	p1 =	seq.s32 s10, $0x1;
	s10 =	sld [smem:$0x3FB5];
	_ =	sdelay $0x3  }
0x37: {  	[smem:$0x3FB5] =	sst s10  }
0x38: {  	s10 =	sld [smem:$0x3FB6]  }
0x39: {  	_ = 	snop;
	(pc) =	sbr.ind lr, $3  }
0x3a: {  	_ = 	snop  }
0x3b: {  	_ = 	snop  }
0x3c: {  	p2 =	seq.s32 s10, $0x1;
	s10 =	sld [smem:$0x3FB5]  }
0x3d: {  	_ =	shalt  }
0x3e: {  	_ =	shalt  }
0x3f: {  	_ =	shalt  }
0x40: {  	_ =	shalt  }
0x41: {  	_ =	shalt  }
0x42: {  	_ =	shalt  }
0x43: {  	_ =	shalt  }
0x44: {  	_ =	shalt  }
0x45: {  	_ =	shalt  }
0x46: {  	_ =	shalt  }
0x47: {  	_ =	shalt  }
0x48: {  	_ =	shalt  }
0x49: {  	_ =	shalt  }
0x4a: {  	_ =	shalt  }
0x4b: {  	_ =	shalt  }
0x4c: {  	_ =	shalt  }
0x4d: {  	_ =	shalt  }
0x4e: {  	_ =	shalt  }
0x4f: {  	_ =	shalt  }
0x50: {  	_ =	shalt  }
0x51: {  	_ =	shalt  }
0x52: {  	_ =	shalt  }
0x53: {  	_ =	shalt  }
0x54: {  	_ =	shalt  }
0x55: {  	_ =	shalt  }
0x56: {  	_ =	shalt  }
0x57: {  	_ =	shalt  }
0x58: {  	_ =	shalt  }
0x59: {  	_ =	shalt  }
0x5a: {  	_ =	shalt  }
0x5b: {  	_ =	shalt  }
0x5c: {  	_ =	shalt  }
0x5d: {  	_ =	shalt  }
0x5e: {  	_ =	shalt  }
0x5f: {  	_ =	shalt  }
0x60: {  	_ =	shalt  }
0x61: {  	_ =	shalt  }
0x62: {  	_ =	shalt  }
0x63: {  	_ =	shalt  }
0x64: {  	_ =	shalt  }
0x65: {  	_ =	shalt  }
0x66: {  	_ =	shalt  }
0x67: {  	_ =	shalt  }
0x68: {  	_ =	shalt  }
0x69: {  	_ =	shalt  }
0x6a: {  	_ =	shalt  }
0x6b: {  	_ =	shalt  }
0x6c: {  	_ =	shalt  }
0x6d: {  	_ =	shalt  }
0x6e: {  	_ =	shalt  }
0x6f: {  	_ =	shalt  }
0x70: {  	_ =	shalt  }
0x71: {  	_ =	shalt  }
0x72: {  	_ =	shalt  }
0x73: {  	_ =	shalt  }
0x74: {  	_ =	shalt  }
0x75: {  	_ =	shalt  }
0x76: {  	_ =	shalt  }
0x77: {  	_ =	shalt  }
0x78: {  	_ =	shalt  }
0x79: {  	_ =	shalt  }
0x7a: {  	_ =	shalt  }
0x7b: {  	_ =	shalt  }
0x7c: {  	_ =	shalt  }
0x7d: {  	_ =	shalt  }
0x7e: {  	_ =	shalt  }
0x7f: {  	_ =	shalt  }
0x80: {  	_ =	shalt  }
0x81: {  	_ =	shalt  }
0x82: {  	_ =	shalt  }
0x83: {  	_ =	shalt  }
0x84: {  	_ =	shalt  }
0x85: {  	_ =	shalt  }
0x86: {  	_ =	shalt  }
0x87: {  	_ =	shalt  }
.Lfunc_end0:
.L_simem_size_0:
called_computation.1_lowered:
.L_overlay_start_0:
0x88: {  	s2 =	sld [smem:$0x3FD9]  }
0x89: {  	s3 =	sld [smem:$0x3FFE];
	_ =	sdelay $0x1  }
0x8a: {  	s1 =	srdreg.scid  }
0x8b: {  	s0 =	sand.u32 $0x1, s1  }
0x8c: {  	s17 =	sshll.u32 s0, $0xA;
	s2 =	sadd.s32 s3, s2  }
0x8d: {  	s2 =	sadd.s32 s2, s17  }
0x8e: {  	[smem:$0x3FC1] =	sst s2  }
0x8f: {  	_ = 	snop  }
0x90: {  	s2 =	sld [smem:$0x3FC9];
	(tm) =	ssettm $0x1  }
0x91: {  	s18 =	sld [smem:$0x3FFB];
	_ =	sdelay $0x3  }
0x92: {  	_ =	strace s18  }
0x93: {  	s3 =	sld [smem:$0x3FFC];
	_ =	sdelay $0x3  }
0x94: {  	_ =	strace s3  }
0x95: {  	s3 =	sld [smem:$0x3FFD];
	_ =	sdelay $0x3  }
0x96: {  	_ =	strace s3  }
0x97: {  	_ =	strace $0x8FFFFFFF  }
0x98: {  	s19 =	sld [smem:$0x3FDB];
	_ =	sdelay $0x1  }
0x99: {  	s4 =	simm.s32 $_scs_section_size  }
0x9a: {  	s5 =	simm.s32 $_size__tile_overlayer_lowered;
	s6 =	simm.s32 $_tile_overlayer_lowered  }
0x9b: {  	s22 =	simm.s32 $0x1BFF;
	s21 =	sshll.u32 s6, $0x1;
	s3 =	sadd.s32 s4, s19  }
0x9c: {  	s7 =	simm.s32 $0x0;
	s20 =	sshll.u32 s5, $0x1;
	s5 =	sadd.s32 s21, s3  }
0x9d: {  	[timem:s7], [sflag:s22] =	dma.local [hbm:s5], s20  }
0x9e: {  	_ =	swait.ge [sflag:s22], s20  }
0x9f: {  	s4 =	ssub.s32 $0x0, s20;
	[sflag:s22] =	ssyncset.done $0x0  }
0xa0: {  	[sflag:s22] =	ssyncadd.s32 s4;
	_ =	sdelay $0x1  }
0xa1: {  	s23 =	simm.s32 $0x1B8B  }
0xa2: {  	_ =	swait.ge [sflag:s23], $0x1  }
0xa3: {  	[sflag:s23] =	ssyncset.done $0x0  }
0xa4: {  	s25 =	simm.s32 $0x1B8E;
	s24 =	sld [smem:$0x3FFE];
	[sflag:s23] =	ssyncadd.s32 $0xFFFFFFFF  }
0xa5: {  	s26 =	simm.s32 $execute0_lowered;
	[smem:$0x3FD2] =	sst s25  }
0xa6: {  	s5 =	sshll.u32 s26, $0x1;
	_ =	strace $0x80000046;
	[dreg:$0x1] =	wrdreg $0xFFFFFFFF  }
0xa7: {  	s28 =	simm.s32 $_size_execute0_lowered;
	s3 =	sadd.s32 s3, s5;
	[dreg:$0x0] =	wrdreg $0x0  }
0xa8: {  	s5 =	sshll.u32 s28, $0x1;
	[dreg:$0x2] =	wrdreg s3  }
0xa9: {  	[dreg:$0x3] =	wrdreg s5  }
0xaa: {  	[dreg:$0x4] =	wrdreg $0xC0  }
0xab: {  	_ =	task [dreg:s7], $0x5FFFF  }
0xac: {  	[dreg:$0x1] =	wrdreg $0xFFFFFFFF  }
0xad: {  	[dreg:$0x0] =	wrdreg $0x60  }
0xae: {  	[dreg:$0x2] =	wrdreg s2  }
0xaf: {  	[dreg:$0x3] =	wrdreg s24  }
0xb0: {  	[dreg:$0x4] =	wrdreg $0x31000  }
0xb1: {  	[dreg:$0x5] =	wrdreg $0x9  }
0xb2: {  	_ =	task.clear_ibuf [dreg:s7], $0x6FFFF;
	_ =	strace $0x90000046  }
0xb3: {  	s29 =	simm.s32 $0x9;
	_ =	strace $0x80000048  }
0xb4: {  	_ =	swait.ge [sflag:s29], $0x1  }
0xb5: {  	[sflag:s29] =	ssyncadd.s32 $0xFFFFFFFF  }
0xb6: {  	_ =	strace $0x90000048  }
0xb7: {  	_ =	sfence  }
0xb8: {  	s30 =	sld [smem:$0x0];
	_ =	sdelay $0x2  }
0xb9: {  	s31 =	sshll.u32 s1, $0xD;
	s1 =	sshrl.u32 s1, $0x2  }
0xba: {  	s3 =	sand.u32 $0x4000, s31;
	s1 =	sadd.s32 s1, s30  }
0xbb: {  	s0 =	sor.u32 s3, s0;
	s1 =	sshll.u32 s1, $0x11  }
0xbc: {  	s0 =	sor.u32 s1, s0  }
0xbd: {  	s0 =	sadd.s32 $0x8F2B, s0  }
0xbe: {  	[sflag:s0] =	ssyncadd.remote.s32 $0x1  }
0xbf: {  	_ =	sfence.sel $0xFFFF  }
0xc0: {  	[dreg:$0x0] =	wrdreg $0xFFFFFFFF;
	(pc) =	sbr.abs _section_cstart, $3  }
0xc1: {  	[dreg:$0x1] =	wrdreg $0xFFFFFFFF  }
0xc2: {  	_ =	task.clear_ibuf [dreg:s7], $0x2FFFF;
	_ =	strace $0x9FFFFFFF  }
0xc3: {  	(tm) =	ssettm $0x7FFFFFFF  }
tec
execute0_lowered:
.L_overlay_start_1:
0x0: {  	(tag) =	ssettag $0x1  }
0x1: {  	s0 =	rddreg [dreg:$0x0]  }
0x2: {  	s7 =	rddreg [dreg:$0x1];
	s1 =	srdreg.scid  }
0x3: {  	s3 =	rddreg [dreg:$0x2];
	s2 =	stileid.u32;
	s4 =	simm.s32 $0x0  }
0x4: {  	s12 =	simm.s32 $0x80;
	s13 =	simm.s32 $0x50;
	s8 =	smul.u32 $0x14000, s2  }
0x5: {  	s14 =	simm.s32 $0x100;
	s15 =	simm.s32 $0x1;
	s9 =	smul.u32 $0x4E20, s2  }
0x6: {  	s5 =	sand.u32 $0x1, s1;
	s1 =	rddreg [dreg:$0x3];
	s10 =	smul.u32 $0x50000, s2  }
0x7: {  	s18 =	simm.s32 $0x0;
	[smem:$0x7FF] =	sst s4;
	s6 =	smul.u32 $0x140000, s5  }
0x8: {  	s16 =	sshll.u32 s2, $0x6;
	s29 =	smul.u32 $0x2710, s5;
	s5 =	ssub.s32 $0x2, s5  }
0x9: {  	_ =	strace $0x80000047;
	s16 =	sor.u32 $0x1C02, s16;
	s11 =	sshrl.u32 s5, $0x1  }
0xa: {  	s31 =	sshrl.u32 s10, $0x2;
	s10 =	simm.s32 $0x2900;
	s6 =	sadd.s32 s8, s6  }
0xb: {  	s8 =	sadd.s32 s29, s9;
	s30 =	ssub.s32 s5, s11;
	s5 =	sadd.s32 s31, s3  }
0xc: {  	s11 =	simm.s32 $0x2;
	s6 =	sshrl.u32 s6, $0x3;
	s8 =	sshrl.u32 s8, $0x3  }
0xd: {  	s17 =	sshrl.u32 s5, $0x3;
	s6 =	sadd.s32 s6, s7;
	s7 =	sadd.s32 s8, s7  }
0xe: {  	v0 =	vimm.f32 $0.0e+00;
	s8 =	smax.u32 s30, $0x1;
	s6 =	sadd.s32 $0x13C00, s6;
	s9 =	sadd.s32 $0x9E00, s7  }
.LBB2_1:
0xf: {  	[tilespmem:$0x2900] =	vst v0  }
0x10: {  	[tilespmem:$0x2910] =	vst v0  }
0x11: {  	[tilespmem:$0x2920] =	vst v0  }
0x12: {  	[tilespmem:$0x2930] =	vst v0  }
0x13: {  	[tilespmem:$0x2940] =	vst v0  }
0x14: {  	[tilespmem:$0x2950] =	vst v0  }
0x15: {  	[tilespmem:$0x2960] =	vst v0  }
0x16: {  	[tilespmem:$0x2970] =	vst v0  }
0x17: {  	[tilespmem:$0x2980] =	vst v0  }
0x18: {  	[tilespmem:$0x2990] =	vst v0  }
0x19: {  	[tilespmem:$0x29A0] =	vst v0  }
0x1a: {  	[tilespmem:$0x29B0] =	vst v0  }
0x1b: {  	[tilespmem:$0x29C0] =	vst v0  }
0x1c: {  	[tilespmem:$0x29D0] =	vst v0  }
0x1d: {  	[tilespmem:$0x29E0] =	vst v0  }
0x1e: {  	[tilespmem:$0x29F0] =	vst v0  }
0x1f: {  	[tilespmem:$0x2A00] =	vst v0  }
0x20: {  	[tilespmem:$0x2A10] =	vst v0  }
0x21: {  	[tilespmem:$0x2A20] =	vst v0  }
0x22: {  	[tilespmem:$0x2A30] =	vst v0  }
0x23: {  	[tilespmem:$0x2A40] =	vst v0  }
0x24: {  	[tilespmem:$0x2A50] =	vst v0  }
0x25: {  	[tilespmem:$0x2A60] =	vst v0  }
0x26: {  	[tilespmem:$0x2A70] =	vst v0  }
0x27: {  	[tilespmem:$0x2A80] =	vst v0  }
0x28: {  	[tilespmem:$0x2A90] =	vst v0  }
0x29: {  	[tilespmem:$0x2AA0] =	vst v0  }
0x2a: {  	[tilespmem:$0x2AB0] =	vst v0  }
0x2b: {  	[tilespmem:$0x2AC0] =	vst v0  }
0x2c: {  	[tilespmem:$0x2AD0] =	vst v0  }
0x2d: {  	[tilespmem:$0x2AE0] =	vst v0  }
0x2e: {  	[tilespmem:$0x2AF0] =	vst v0  }
0x2f: {  	[tilespmem:$0x2B00] =	vst v0  }
0x30: {  	[tilespmem:$0x2B10] =	vst v0  }
0x31: {  	[tilespmem:$0x2B20] =	vst v0  }
0x32: {  	[tilespmem:$0x2B30] =	vst v0  }
0x33: {  	[tilespmem:$0x2B40] =	vst v0  }
0x34: {  	[tilespmem:$0x2B50] =	vst v0  }
0x35: {  	[tilespmem:$0x2B60] =	vst v0  }
0x36: {  	[tilespmem:$0x2B70] =	vst v0  }
0x37: {  	[tilespmem:$0x2B80] =	vst v0  }
0x38: {  	[tilespmem:$0x2B90] =	vst v0  }
0x39: {  	[tilespmem:$0x2BA0] =	vst v0  }
0x3a: {  	[tilespmem:$0x2BB0] =	vst v0  }
0x3b: {  	[tilespmem:$0x2BC0] =	vst v0  }
0x3c: {  	[tilespmem:$0x2BD0] =	vst v0  }
0x3d: {  	[tilespmem:$0x2BE0] =	vst v0  }
0x3e: {  	[tilespmem:$0x2BF0] =	vst v0  }
0x3f: {  	[tilespmem:$0x2C00] =	vst v0  }
0x40: {  	[tilespmem:$0x2C10] =	vst v0  }
0x41: {  	[tilespmem:$0x2C20] =	vst v0  }
0x42: {  	[tilespmem:$0x2C30] =	vst v0  }
0x43: {  	[tilespmem:$0x2C40] =	vst v0  }
0x44: {  	[tilespmem:$0x2C50] =	vst v0  }
0x45: {  	[tilespmem:$0x2C60] =	vst v0  }
0x46: {  	[tilespmem:$0x2C70] =	vst v0  }
0x47: {  	[tilespmem:$0x2C80] =	vst v0  }
0x48: {  	[tilespmem:$0x2C90] =	vst v0  }
0x49: {  	[tilespmem:$0x2CA0] =	vst v0  }
0x4a: {  	[tilespmem:$0x2CB0] =	vst v0  }
0x4b: {  	[tilespmem:$0x2CC0] =	vst v0  }
0x4c: {  	[tilespmem:$0x2CD0] =	vst v0  }
0x4d: {  	[tilespmem:$0x2CE0] =	vst v0  }
0x4e: {  	[tilespmem:$0x2CF0] =	vst v0  }
0x4f: {  	[tilespmem:$0x2D00] =	vst v0  }
0x50: {  	[tilespmem:$0x2D10] =	vst v0  }
0x51: {  	[tilespmem:$0x2D20] =	vst v0  }
0x52: {  	[tilespmem:$0x2D30] =	vst v0  }
0x53: {  	[tilespmem:$0x2D40] =	vst v0  }
0x54: {  	[tilespmem:$0x2D50] =	vst v0  }
0x55: {  	[tilespmem:$0x2D60] =	vst v0  }
0x56: {  	[tilespmem:$0x2D70] =	vst v0  }
0x57: {  	[tilespmem:$0x2D80] =	vst v0  }
0x58: {  	[tilespmem:$0x2D90] =	vst v0  }
0x59: {  	[tilespmem:$0x2DA0] =	vst v0  }
0x5a: {  	[tilespmem:$0x2DB0] =	vst v0  }
0x5b: {  	[tilespmem:$0x2DC0] =	vst v0  }
0x5c: {  	[tilespmem:$0x2DD0] =	vst v0  }
0x5d: {  	[tilespmem:$0x2DE0] =	vst v0  }
0x5e: {  	[tilespmem:$0x2DF0] =	vst v0  }
0x5f: {  	[tilespmem:$0x2E00] =	vst v0  }
0x60: {  	[tilespmem:$0x2E10] =	vst v0  }
0x61: {  	[tilespmem:$0x2E20] =	vst v0  }
0x62: {  	[tilespmem:$0x2E30] =	vst v0  }
0x63: {  	[tilespmem:$0x2E40] =	vst v0  }
0x64: {  	[tilespmem:$0x2E50] =	vst v0  }
0x65: {  	[tilespmem:$0x2E60] =	vst v0  }
0x66: {  	[tilespmem:$0x2E70] =	vst v0  }
0x67: {  	[tilespmem:$0x2E80] =	vst v0  }
0x68: {  	[tilespmem:$0x2E90] =	vst v0  }
0x69: {  	[tilespmem:$0x2EA0] =	vst v0  }
0x6a: {  	[tilespmem:$0x2EB0] =	vst v0  }
0x6b: {  	[tilespmem:$0x2EC0] =	vst v0  }
0x6c: {  	[tilespmem:$0x2ED0] =	vst v0  }
0x6d: {  	[tilespmem:$0x2EE0] =	vst v0  }
0x6e: {  	[tilespmem:$0x2EF0] =	vst v0  }
0x6f: {  	[tilespmem:$0x2F00] =	vst v0  }
0x70: {  	[tilespmem:$0x2F10] =	vst v0  }
0x71: {  	[tilespmem:$0x2F20] =	vst v0  }
0x72: {  	[tilespmem:$0x2F30] =	vst v0  }
0x73: {  	[tilespmem:$0x2F40] =	vst v0  }
0x74: {  	[tilespmem:$0x2F50] =	vst v0  }
0x75: {  	[tilespmem:$0x2F60] =	vst v0  }
0x76: {  	[tilespmem:$0x2F70] =	vst v0  }
0x77: {  	[tilespmem:$0x2F80] =	vst v0  }
0x78: {  	[tilespmem:$0x2F90] =	vst v0  }
0x79: {  	[tilespmem:$0x2FA0] =	vst v0  }
0x7a: {  	[tilespmem:$0x2FB0] =	vst v0  }
0x7b: {  	[tilespmem:$0x2FC0] =	vst v0  }
0x7c: {  	[tilespmem:$0x2FD0] =	vst v0  }
0x7d: {  	[tilespmem:$0x2FE0] =	vst v0  }
0x7e: {  	[tilespmem:$0x2FF0] =	vst v0  }
0x7f: {  	[tilespmem:$0x3000] =	vst v0  }
0x80: {  	[tilespmem:$0x3010] =	vst v0  }
0x81: {  	[tilespmem:$0x3020] =	vst v0  }
0x82: {  	[tilespmem:$0x3030] =	vst v0  }
0x83: {  	[tilespmem:$0x3040] =	vst v0  }
0x84: {  	[tilespmem:$0x3050] =	vst v0  }
0x85: {  	[tilespmem:$0x3060] =	vst v0  }
0x86: {  	[tilespmem:$0x3070] =	vst v0  }
0x87: {  	[tilespmem:$0x3080] =	vst v0  }
0x88: {  	[tilespmem:$0x3090] =	vst v0  }
0x89: {  	[tilespmem:$0x30A0] =	vst v0  }
0x8a: {  	[tilespmem:$0x30B0] =	vst v0  }
0x8b: {  	[tilespmem:$0x30C0] =	vst v0  }
0x8c: {  	[tilespmem:$0x30D0] =	vst v0  }
0x8d: {  	[tilespmem:$0x30E0] =	vst v0  }
0x8e: {  	[tilespmem:$0x30F0] =	vst v0;
	s19 =	sadd.s32 $0x0, s5  }
0x8f: {  	[spmem:s19] =	stream.linear.scatter [tilespmem:s10], [sflag:$0x2], $0x800, $0x38;
	[tilespmem:$0x17100] =	vst v63  }
0x90: {  	s19 =	simm.s32 $0x2000;
	_ =	swait.ge [sflag:s11], $0x800  }
.LBB2_2:
0x91: {  	s20 =	sshra.s32 s19, $0x2;
	[sflag:s11] =	ssyncset.done $0x0;
	p0 =	sne.s32 s19, $0x4E000  }
.Ltmp0:
0x92: {  	s20 =	sadd.s32 s20, s5;
	[sflag:s11] =	ssyncadd.s32 $0xFFFFF800;
	(pc) =	sbr.rel @p0 .LBB2_2-.Ltmp0, $3  }
0x93: {  	[spmem:s20] =	stream.linear.scatter [tilespmem:s10], [sflag:$0x2], $0x800, $0x38;
	[tilespmem:$0x17100] =	vst v63  }
0x94: {  	s19 =	sadd.s32 $0x2000, s19;
	_ =	sdelay $0x1  }
0x95: {  	_ =	swait.ge [sflag:s11], $0x800  }
0x96: {  	[sflag:s11] =	ssyncset.done $0x0  }
0x97: {  	[sflag:s11] =	ssyncadd.s32 $0xFFFFF800  }
0x98: {  	s19 =	sadd.s32 $0x0, s9;
	[bflag:$0x0] =	sbarrier.arrive $0xFFFF  }
0x99: {  	[tilespmem:s4], [sflag:$0x2] =	stream.linear.gather [hbm4b:s19+s4], $0x50, $0x38;
	[tilespmem:$0x17100] =	vst v63  }
0x9a: {  	_ =	swait.ge [sflag:s11], $0x50  }
0x9b: {  	[sflag:s11] =	ssyncset.done $0x0  }
0x9c: {  	s31 =	sadd.s32 $0x0, s7;
	[sflag:s11] =	ssyncadd.s32 $0xFFFFFFB0  }
0x9d: {  	[tilespmem:s12], [sflag:$0x2] =	stream.linear.gather [hbm4b:s31+s4], $0x50, $0x38;
	[tilespmem:$0x17100] =	vst v63  }
0x9e: {  	_ =	swait.ge [sflag:s11], $0x50  }
0x9f: {  	[sflag:s11] =	ssyncset.done $0x0  }
0xa0: {  	[sflag:s11] =	ssyncadd.s32 $0xFFFFFFB0  }
0xa1: {  	[tilespmem:s14], [sflag:$0x1] =	stream.indirect.gather [hbm4b:s0+s13], $0x80, s4, s13, $0xb8;
	[tilespmem:$0x17100] =	vst v63  }
0xa2: {  	_ =	swait.ge [sflag:s15], $0x2800  }
0xa3: {  	[sflag:s15] =	ssyncset.done $0x0  }
0xa4: {  	[sflag:s15] =	ssyncadd.s32 $0xFFFFD800  }
0xa5: {  	[spmem:s3] =	stream.indirect.scatter.add.f32 [tilespmem:s14], [sflag:$0x2], $0x80, s12, s13, $0xb8;
	[tilespmem:$0x17100] =	vst v63  }
0xa6: {  	_ =	swait.ge [sflag:s11], $0x2800  }
0xa7: {  	s20 =	simm.s32 $0x14;
	s19 =	simm.s32 $0xA;
	[sflag:s11] =	ssyncset.done $0x0  }
.LBB2_4:
0xa8: {  	s21 =	sadd.s32 s19, s9  }
0xa9: {  	[sflag:s11] =	ssyncadd.s32 $0xFFFFD800;
	s22 =	smov.u32 s20;
	s23 =	sadd.s32 $0xA, s20  }
0xaa: {  	[tilespmem:s4], [sflag:$0x2] =	stream.linear.gather [hbm4b:s21+s4], $0x50, $0x38;
	[tilespmem:$0x17100] =	vst v63  }
0xab: {  	p0 =	sne.s32 s20, $0x4D8;
	_ =	swait.ge [sflag:s11], $0x50  }
0xac: {  	[sflag:s11] =	ssyncset.done $0x0  }
0xad: {  	s20 =	sadd.s32 s19, s7;
	s19 =	smov.u32 s22;
	[sflag:s11] =	ssyncadd.s32 $0xFFFFFFB0  }
0xae: {  	[tilespmem:s12], [sflag:$0x2] =	stream.linear.gather [hbm4b:s20+s4], $0x50, $0x38;
	[tilespmem:$0x17100] =	vst v63  }
0xaf: {  	_ =	swait.ge [sflag:s11], $0x50  }
0xb0: {  	[sflag:s11] =	ssyncset.done $0x0  }
0xb1: {  	[sflag:s11] =	ssyncadd.s32 $0xFFFFFFB0  }
0xb2: {  	[tilespmem:s14], [sflag:$0x1] =	stream.indirect.gather [hbm4b:s0+s13], $0x80, s4, s13, $0xb8;
	[tilespmem:$0x17100] =	vst v63  }
0xb3: {  	_ =	swait.ge [sflag:s15], $0x2800  }
.Ltmp1:
0xb4: {  	[sflag:s15] =	ssyncset.done $0x0;
	(pc) =	sbr.rel @p0 .LBB2_4-.Ltmp1, $4  }
0xb5: {  	[sflag:s15] =	ssyncadd.s32 $0xFFFFD800  }
0xb6: {  	[spmem:s3] =	stream.indirect.scatter.add.f32 [tilespmem:s14], [sflag:$0x2], $0x80, s12, s13, $0xb8;
	[tilespmem:$0x17100] =	vst v63  }
0xb7: {  	_ =	swait.ge [sflag:s11], $0x2800  }
0xb8: {  	s20 =	smov.u32 s23;
	[sflag:s11] =	ssyncset.done $0x0  }
0xb9: {  	s20 =	sadd.s32 s19, s9;
	[sflag:s11] =	ssyncadd.s32 $0xFFFFD800  }
0xba: {  	[tilespmem:s4], [sflag:$0x2] =	stream.linear.gather [hbm4b:s20+s4], $0x50, $0x38;
	[tilespmem:$0x17100] =	vst v63  }
0xbb: {  	_ =	swait.ge [sflag:s11], $0x50  }
0xbc: {  	[sflag:s11] =	ssyncset.done $0x0  }
0xbd: {  	s31 =	sadd.s32 s19, s7;
	[sflag:s11] =	ssyncadd.s32 $0xFFFFFFB0  }
0xbe: {  	[tilespmem:s12], [sflag:$0x2] =	stream.linear.gather [hbm4b:s31+s4], $0x50, $0x38;
	[tilespmem:$0x17100] =	vst v63  }
0xbf: {  	_ =	swait.ge [sflag:s11], $0x50  }
0xc0: {  	[sflag:s11] =	ssyncset.done $0x0  }
0xc1: {  	[sflag:s11] =	ssyncadd.s32 $0xFFFFFFB0  }
0xc2: {  	[tilespmem:s14], [sflag:$0x1] =	stream.indirect.gather [hbm4b:s0+s13], $0x80, s4, s13, $0xb8;
	[tilespmem:$0x17100] =	vst v63  }
0xc3: {  	_ =	swait.ge [sflag:s15], $0x2800  }
0xc4: {  	[sflag:s15] =	ssyncset.done $0x0  }
0xc5: {  	[sflag:s15] =	ssyncadd.s32 $0xFFFFD800  }
0xc6: {  	[spmem:s3] =	stream.indirect.scatter.add.f32 [tilespmem:s14], [sflag:$0x2], $0x80, s12, s13, $0xb8;
	[tilespmem:$0x17100] =	vst v63  }
0xc7: {  	_ =	swait.ge [sflag:s11], $0x2800  }
0xc8: {  	s18 =	sadd.s32 $0x1, s18;
	[sflag:s11] =	ssyncset.done $0x0  }
0xc9: {  	p0 =	sne.s32 s18, s8;
	[sflag:s11] =	ssyncadd.s32 $0xFFFFD800  }
.Ltmp2:
0xca: {  	[bflag:$0x0] =	sbarrier.arrive $0xFFFF;
	(pc) =	sbr.rel @p0 .LBB2_1-.Ltmp2, $4  }
0xcb: {  	[hbm:s6], [sflag:s16] =	dma.local [spmem:s17], $0x2800  }
0xcc: {  	_ =	swait.ge [sflag:s11], $0x2800  }
0xcd: {  	[sflag:s11] =	ssyncset.done $0x0  }
0xce: {  	[sflag:s11] =	ssyncadd.s32 $0xFFFFD800  }
0xcf: {  	_ =	sfence.sel $0x180000  }
0xd0: {  	[bflag:$0x0] =	sbarrier.arrive $0xFFFF  }
0xd1: {  	p0 =	sne.s32 s2, $0x0;
	_ =	strace $0x90000047  }
0xd2: {  	s0 =	sadd.s32 @!p0 $0x100000, s1;
	[bflag:$0x2] =	sbarrier.arrive $0xFFFF  }
0xd3: {  	[sflag:s0] =	ssyncadd.tile.s32 @!p0 $0x1;
	_ =	shalt  }
.Lfunc_end2:
_tile_overlayer_lowered:
.L_overlay_start_2:
0xd4: {  	(tag) =	ssettag $0x2  }
0xd5: {  	s0 =	rddreg [dreg:$0x0];
	s2 =	stileid.u32  }
0xd6: {  	s1 =	rddreg [dreg:$0x1];
	p0 =	sne.s32 s2, $0x0  }
0xd7: {  	s3 =	rddreg [dreg:$0x2];
	[bflag:$0x3] =	sbarrier.arrive $0xFFFF;
	s2 =	simm.s32 @!p0 $0x1C02  }
0xd8: {  	[timem:s3], [sflag:s2] =	dma.local @!p0 [hbm:s0], s1  }
0xd9: {  	s0 =	simm.s32 @!p0 $0x2  }
0xda: {  	_ =	swait.ge @!p0 [sflag:s0], s1  }
0xdb: {  	s1 =	ssub.s32 @!p0 $0x0, s1;
	[sflag:s0] =	ssyncset.done @!p0 $0x0  }
0xdc: {  	[sflag:s0] =	ssyncadd.s32 @!p0 s1  }
0xdd: {  	[bflag:$0x3] =	sbarrier.arrive $0xFFFF  }
0xde: {  	_ =	shalt  }

// kernel: scatter_offload_async_start
scs
__scs_entry_jumppad:
0x0: {  	(pc) =	sbr.rel $0x88, $3  }
0x1: {  	(tag) =	ssettag $0x0;
	lr =	simm.s32 $0x1  }
0x2: {  	[smem:$0x3F9A] =	sst lr;
	_ =	strace $0xD0000000  }
0x3: {  	_ = 	snop  }
0x4: {  	_ = 	snop  }
0x5: {  	_ = 	snop  }
0x6: {  	_ = 	snop  }
0x7: {  	_ = 	snop  }
__scs_overlays_trampoline_lowered:
0x8: {  	[smem:$0x3FA9] =	sst s0  }
0x9: {  	[smem:$0x3FAA] =	sst s1  }
0xa: {  	[smem:$0x3FAB] =	sst s2  }
0xb: {  	[smem:$0x3FAC] =	sst s3  }
0xc: {  	[smem:$0x3FAD] =	sst s4  }
0xd: {  	[smem:$0x3FAE] =	sst s5  }
0xe: {  	[smem:$0x3FAF] =	sst s6  }
0xf: {  	[smem:$0x3FB0] =	sst s7  }
0x10: {  	[smem:$0x3FB1] =	sst s8  }
0x11: {  	[smem:$0x3FB2] =	sst s9;
	s0 =	simm.s32 @!p0 $0x0  }
0x12: {  	s1 =	sld [smem:$0x3F98];
	s0 =	simm.s32 @p0 $0x1  }
0x13: {  	[smem:$0x3FB3] =	sst s0;
	s0 =	simm.s32 @!p1 $0x0  }
0x14: {  	s2 =	sld [smem:$0x3F97];
	s0 =	simm.s32 @p1 $0x1  }
0x15: {  	[smem:$0x3FB4] =	sst s0;
	s0 =	simm.s32 @!p2 $0x0  }
0x16: {  	s3 =	sld [smem:$0x3FDB];
	s0 =	simm.s32 @p2 $0x1  }
0x17: {  	s4 =	simm.s32 $0x1BF5;
	[smem:$0x3FB6] =	sst s0  }
0x18: {  	s0 =	sld [smem:$0x3F99];
	_ =	swait.ge [sflag:s4], $0x0  }
0x19: {  	s7 =	sld [smem:$0x3F9A]  }
0x1a: {  	s8 =	sadd.s32 $0xFFFFE003, lr  }
0x1b: {  	s9 =	sadd.s32 $0xFFFFFEF7, lr;
	s5 =	simm.s32 $0xFFFFFFFF;
	p2 =	slt.u32 s8, $0xFFFFF086  }
0x1c: {  	p1 =	slt.u32 s9, $0xF7A;
	s5 =	simm.s32 @!p2 $0x0  }
0x1d: {  	s5 =	simm.s32 @p1 $0x1;
	p0 =	seq.s32 s7, s2  }
0x1e: {  	s7 =	smul.u32 @!p0 $0xF7A, s2;
	p2 =	seq.s32 @!p0 s5, $0x0  }
0x1f: {  	s9 =	smul.u32 $0xF7A, s1;
	s8 =	simm.s32 @!p0 $0x1BF5;
	p2 =	por !p2, p0  }
0x20: {  	[sflag:s8] =	ssyncset.s32 @!p0 $0xFFFFF086;
	s6 =	sadd.s32 @!p0 s3, s7;
	s7 =	simm.s32 @!p0 $0x108  }
0x21: {  	s3 =	sadd.s32 s3, s9;
	s6 =	sadd.s32 @!p0 $0x88, s6;
	s7 =	simm.s32 @p2 $0x1082  }
0x22: {  	[simem:s7], [sflag:s8] =	dma.local @!p0 [hbm:s6], $0xF7A  }
0x23: {  	s9 =	sor.u32 $0xD0000000, s2;
	s6 =	simm.s32 $0x108;
	_ =	swait.ge @!p0 [sflag:s8], $0x0  }
0x24: {  	s3 =	sadd.s32 $0x88, s3;
	s6 =	simm.s32 @!p1 $0x1082;
	[sflag:s4] =	ssyncset.s32 $0xFFFFF086  }
0x25: {  	[simem:s6], [sflag:s4] =	dma.local [hbm:s3], $0xF7A  }
0x26: {  	[smem:$0x3F9A] =	sst s1;
	(tag) =	ssettag s2;
	_ =	strace s9  }
0x27: {  	s1 =	sld [smem:$0x3FAA]  }
0x28: {  	s2 =	sld [smem:$0x3FAB]  }
0x29: {  	s4 =	sld [smem:$0x3FAD]  }
0x2a: {  	p0 =	seq.s32 s5, $0x0;
	s5 =	sld [smem:$0x3FAE]  }
0x2b: {  	s6 =	sld [smem:$0x3FAF]  }
0x2c: {  	s7 =	sld [smem:$0x3FB0]  }
0x2d: {  	s3 =	simm.s32 $0x108;
	s8 =	sld [smem:$0x3FB1]  }
0x2e: {  	s3 =	simm.s32 @!p0 $0x1082;
	s9 =	sld [smem:$0x3FB2]  }
0x2f: {  	lr =	sadd.s32 s0, s3;
	s0 =	sld [smem:$0x3FA9]  }
0x30: {  	s3 =	sld [smem:$0x3FAC]  }
0x31: {  	[smem:$0x3FB5] =	sst s10  }
0x32: {  	s10 =	sld [smem:$0x3FB3];
	_ =	sdelay $0x3  }
0x33: {  	p0 =	seq.s32 s10, $0x1;
	s10 =	sld [smem:$0x3FB5];
	_ =	sdelay $0x3  }
0x34: {  	[smem:$0x3FB5] =	sst s10  }
0x35: {  	s10 =	sld [smem:$0x3FB4];
	_ =	sdelay $0x3  }
0x36: {  	p1 =	seq.s32 s10, $0x1;
	s10 =	sld [smem:$0x3FB5];
	_ =	sdelay $0x3  }
0x37: {  	[smem:$0x3FB5] =	sst s10  }
0x38: {  	s10 =	sld [smem:$0x3FB6]  }
0x39: {  	_ = 	snop;
	(pc) =	sbr.ind lr, $3  }
0x3a: {  	_ = 	snop  }
0x3b: {  	_ = 	snop  }
0x3c: {  	p2 =	seq.s32 s10, $0x1;
	s10 =	sld [smem:$0x3FB5]  }
0x3d: {  	_ =	shalt  }
0x3e: {  	_ =	shalt  }
0x3f: {  	_ =	shalt  }
0x40: {  	_ =	shalt  }
0x41: {  	_ =	shalt  }
0x42: {  	_ =	shalt  }
0x43: {  	_ =	shalt  }
0x44: {  	_ =	shalt  }
0x45: {  	_ =	shalt  }
0x46: {  	_ =	shalt  }
0x47: {  	_ =	shalt  }
0x48: {  	_ =	shalt  }
0x49: {  	_ =	shalt  }
0x4a: {  	_ =	shalt  }
0x4b: {  	_ =	shalt  }
0x4c: {  	_ =	shalt  }
0x4d: {  	_ =	shalt  }
0x4e: {  	_ =	shalt  }
0x4f: {  	_ =	shalt  }
0x50: {  	_ =	shalt  }
0x51: {  	_ =	shalt  }
0x52: {  	_ =	shalt  }
0x53: {  	_ =	shalt  }
0x54: {  	_ =	shalt  }
0x55: {  	_ =	shalt  }
0x56: {  	_ =	shalt  }
0x57: {  	_ =	shalt  }
0x58: {  	_ =	shalt  }
0x59: {  	_ =	shalt  }
0x5a: {  	_ =	shalt  }
0x5b: {  	_ =	shalt  }
0x5c: {  	_ =	shalt  }
0x5d: {  	_ =	shalt  }
0x5e: {  	_ =	shalt  }
0x5f: {  	_ =	shalt  }
0x60: {  	_ =	shalt  }
0x61: {  	_ =	shalt  }
0x62: {  	_ =	shalt  }
0x63: {  	_ =	shalt  }
0x64: {  	_ =	shalt  }
0x65: {  	_ =	shalt  }
0x66: {  	_ =	shalt  }
0x67: {  	_ =	shalt  }
0x68: {  	_ =	shalt  }
0x69: {  	_ =	shalt  }
0x6a: {  	_ =	shalt  }
0x6b: {  	_ =	shalt  }
0x6c: {  	_ =	shalt  }
0x6d: {  	_ =	shalt  }
0x6e: {  	_ =	shalt  }
0x6f: {  	_ =	shalt  }
0x70: {  	_ =	shalt  }
0x71: {  	_ =	shalt  }
0x72: {  	_ =	shalt  }
0x73: {  	_ =	shalt  }
0x74: {  	_ =	shalt  }
0x75: {  	_ =	shalt  }
0x76: {  	_ =	shalt  }
0x77: {  	_ =	shalt  }
0x78: {  	_ =	shalt  }
0x79: {  	_ =	shalt  }
0x7a: {  	_ =	shalt  }
0x7b: {  	_ =	shalt  }
0x7c: {  	_ =	shalt  }
0x7d: {  	_ =	shalt  }
0x7e: {  	_ =	shalt  }
0x7f: {  	_ =	shalt  }
0x80: {  	_ =	shalt  }
0x81: {  	_ =	shalt  }
0x82: {  	_ =	shalt  }
0x83: {  	_ =	shalt  }
0x84: {  	_ =	shalt  }
0x85: {  	_ =	shalt  }
0x86: {  	_ =	shalt  }
0x87: {  	_ =	shalt  }
.Lfunc_end0:
.L_simem_size_0:
called_computation_lowered:
.L_overlay_start_0:
0x88: {  	s0 =	sld [smem:$0x3FD9]  }
0x89: {  	s1 =	sld [smem:$0x3FFE];
	_ =	sdelay $0x3  }
0x8a: {  	s0 =	sadd.s32 s1, s0  }
0x8b: {  	[smem:$0x3FC1] =	sst s0  }
0x8c: {  	_ = 	snop  }
0x8d: {  	s0 =	sld [smem:$0x3FD0];
	(tm) =	ssettm $0x1  }
0x8e: {  	s16 =	sld [smem:$0x3FFB];
	_ =	sdelay $0x3  }
0x8f: {  	_ =	strace s16  }
0x90: {  	s1 =	sld [smem:$0x3FFC];
	_ =	sdelay $0x3  }
0x91: {  	_ =	strace s1  }
0x92: {  	s1 =	sld [smem:$0x3FFD];
	_ =	sdelay $0x3  }
0x93: {  	_ =	strace s1  }
0x94: {  	_ =	strace $0x8FFFFFFF  }
0x95: {  	s17 =	sld [smem:$0x3FDB];
	_ =	sdelay $0x1  }
0x96: {  	s2 =	simm.s32 $_scs_section_size  }
0x97: {  	s3 =	simm.s32 $_size__tile_overlayer_lowered;
	s4 =	simm.s32 $_tile_overlayer_lowered  }
0x98: {  	s20 =	simm.s32 $0x1BFF;
	s19 =	sshll.u32 s4, $0x1;
	s1 =	sadd.s32 s2, s17  }
0x99: {  	s5 =	simm.s32 $0x0;
	s18 =	sshll.u32 s3, $0x1;
	s3 =	sadd.s32 s19, s1  }
0x9a: {  	[timem:s5], [sflag:s20] =	dma.local [hbm:s3], s18  }
0x9b: {  	_ =	swait.ge [sflag:s20], s18  }
0x9c: {  	s2 =	ssub.s32 $0x0, s18;
	[sflag:s20] =	ssyncset.done $0x0  }
0x9d: {  	[sflag:s20] =	ssyncadd.s32 s2;
	_ =	sdelay $0x1  }
0x9e: {  	s21 =	simm.s32 $0x1B8B  }
0x9f: {  	_ =	swait.ge [sflag:s21], $0x1  }
0xa0: {  	[sflag:s21] =	ssyncset.done $0x0  }
0xa1: {  	s23 =	simm.s32 $0x1B8E;
	s22 =	sld [smem:$0x3FFE];
	[sflag:s21] =	ssyncadd.s32 $0xFFFFFFFF  }
0xa2: {  	s24 =	simm.s32 $execute0_lowered;
	[smem:$0x3FD2] =	sst s23  }
0xa3: {  	s3 =	sshll.u32 s24, $0x1;
	_ =	strace $0x8000004C;
	[dreg:$0x1] =	wrdreg $0xFFFFFFFF  }
0xa4: {  	s25 =	simm.s32 $_size_execute0_lowered;
	s1 =	sadd.s32 s1, s3;
	[dreg:$0x0] =	wrdreg $0x0  }
0xa5: {  	s3 =	sshll.u32 s25, $0x1;
	[dreg:$0x2] =	wrdreg s1  }
0xa6: {  	[dreg:$0x3] =	wrdreg s3  }
0xa7: {  	[dreg:$0x4] =	wrdreg $0xC0  }
0xa8: {  	_ =	task [dreg:s5], $0x5FFFF  }
0xa9: {  	[dreg:$0x1] =	wrdreg $0xFFFFFFFF  }
0xaa: {  	[dreg:$0x0] =	wrdreg $0x60  }
0xab: {  	[dreg:$0x2] =	wrdreg s22  }
0xac: {  	[dreg:$0x3] =	wrdreg s0  }
0xad: {  	[dreg:$0x4] =	wrdreg $0x9  }
0xae: {  	_ =	task.clear_ibuf [dreg:s5], $0x5FFFF;
	_ =	strace $0x9000004C  }
0xaf: {  	s26 =	simm.s32 $0x9;
	_ =	strace $0x8000004E  }
0xb0: {  	_ =	swait.ge [sflag:s26], $0x1  }
0xb1: {  	[sflag:s26] =	ssyncadd.s32 $0xFFFFFFFF  }
0xb2: {  	_ =	strace $0x9000004E  }
0xb3: {  	_ =	sfence  }
0xb4: {  	s28 =	sld [smem:$0x0];
	_ =	sdelay $0x1  }
0xb5: {  	s29 =	srdreg.scid  }
0xb6: {  	s30 =	sshll.u32 s29, $0xD;
	s31 =	sshrl.u32 s29, $0x2  }
0xb7: {  	s2 =	sand.u32 $0x4000, s30;
	s1 =	sand.u32 $0x1, s29;
	s0 =	sadd.s32 s31, s28  }
0xb8: {  	s1 =	sor.u32 s2, s1;
	s0 =	sshll.u32 s0, $0x11  }
0xb9: {  	s0 =	sor.u32 s0, s1  }
0xba: {  	s0 =	sadd.s32 $0x8F2B, s0  }
0xbb: {  	[sflag:s0] =	ssyncadd.remote.s32 $0x1  }
0xbc: {  	_ =	sfence.sel $0xFFFF  }
0xbd: {  	[dreg:$0x0] =	wrdreg $0xFFFFFFFF;
	(pc) =	sbr.abs _section_cstart, $3  }
0xbe: {  	[dreg:$0x1] =	wrdreg $0xFFFFFFFF  }
0xbf: {  	_ =	task.clear_ibuf [dreg:s5], $0x2FFFF;
	_ =	strace $0x9FFFFFFF  }
0xc0: {  	(tm) =	ssettm $0x7FFFFFFF  }
0xc1: {  	_ =	shalt  }
tec
execute0_lowered:
.L_overlay_start_1:
0x0: {  	(tag) =	ssettag $0x1  }
0x1: {  	s1 =	rddreg [dreg:$0x0]  }
0x2: {  	s9 =	rddreg [dreg:$0x1];
	_ =	strace $0x8000004D;
	s3 =	simm.s32 $0x1  }
0x3: {  	v0 =	vimm.s32 $0x0;
	[sflag:s3] =	ssyncpa.u1 $0x0  }
0x4: {  	[tilespmem:$0xC8] =	vst v0  }
0x5: {  	[tilespmem:$0xD8] =	vst v0  }
0x6: {  	[tilespmem:$0xE8] =	vst v0  }
0x7: {  	[tilespmem:$0xF8] =	vst v0  }
0x8: {  	[tilespmem:$0x108] =	vst v0  }
0x9: {  	[tilespmem:$0x118] =	vst v0  }
0xa: {  	[tilespmem:$0x128] =	vst v0  }
0xb: {  	[tilespmem:$0x138] =	vst v0  }
0xc: {  	[tilespmem:$0x148] =	vst v0  }
0xd: {  	[tilespmem:$0x158] =	vst v0  }
0xe: {  	[tilespmem:$0x168] =	vst v0  }
0xf: {  	[tilespmem:$0x178] =	vst v0  }
0x10: {  	[tilespmem:$0x188] =	vst v0  }
0x11: {  	[tilespmem:$0x198] =	vst v0  }
0x12: {  	[tilespmem:$0x1A8] =	vst v0  }
0x13: {  	[tilespmem:$0x1B8] =	vst v0  }
0x14: {  	[tilespmem:$0x1C8] =	vst v0  }
0x15: {  	[tilespmem:$0x1D8] =	vst v0  }
0x16: {  	[tilespmem:$0x1E8] =	vst v0  }
0x17: {  	[tilespmem:$0x1F8] =	vst v0  }
0x18: {  	[tilespmem:$0x208] =	vst v0  }
0x19: {  	[tilespmem:$0x218] =	vst v0  }
0x1a: {  	[tilespmem:$0x228] =	vst v0  }
0x1b: {  	[tilespmem:$0x238] =	vst v0  }
0x1c: {  	[tilespmem:$0x248] =	vst v0  }
0x1d: {  	[tilespmem:$0x258] =	vst v0  }
0x1e: {  	[tilespmem:$0x268] =	vst v0  }
0x1f: {  	[tilespmem:$0x278] =	vst v0  }
0x20: {  	[tilespmem:$0x288] =	vst v0  }
0x21: {  	[tilespmem:$0x298] =	vst v0  }
0x22: {  	[tilespmem:$0x2A8] =	vst v0  }
0x23: {  	[tilespmem:$0x2B8] =	vst v0  }
0x24: {  	[tilespmem:$0x2C8] =	vst v0  }
0x25: {  	[tilespmem:$0x2D8] =	vst v0  }
0x26: {  	[tilespmem:$0x2E8] =	vst v0  }
0x27: {  	[tilespmem:$0x2F8] =	vst v0  }
0x28: {  	[tilespmem:$0x308] =	vst v0  }
0x29: {  	[tilespmem:$0x318] =	vst v0  }
0x2a: {  	[tilespmem:$0x328] =	vst v0  }
0x2b: {  	[tilespmem:$0x338] =	vst v0  }
0x2c: {  	[tilespmem:$0x348] =	vst v0  }
0x2d: {  	[tilespmem:$0x358] =	vst v0  }
0x2e: {  	[tilespmem:$0x368] =	vst v0  }
0x2f: {  	[tilespmem:$0x378] =	vst v0  }
0x30: {  	[tilespmem:$0x388] =	vst v0  }
0x31: {  	[tilespmem:$0x398] =	vst v0  }
0x32: {  	[tilespmem:$0x3A8] =	vst v0  }
0x33: {  	[tilespmem:$0x3B8] =	vst v0  }
0x34: {  	[tilespmem:$0x3C8] =	vst v0  }
0x35: {  	[tilespmem:$0x3D8] =	vst v0  }
0x36: {  	[tilespmem:$0x3E8] =	vst v0  }
0x37: {  	[tilespmem:$0x3F8] =	vst v0  }
0x38: {  	[tilespmem:$0x408] =	vst v0  }
0x39: {  	[tilespmem:$0x418] =	vst v0  }
0x3a: {  	[tilespmem:$0x428] =	vst v0  }
0x3b: {  	[tilespmem:$0x438] =	vst v0  }
0x3c: {  	[tilespmem:$0x448] =	vst v0  }
0x3d: {  	[tilespmem:$0x458] =	vst v0  }
0x3e: {  	[tilespmem:$0x468] =	vst v0  }
0x3f: {  	[tilespmem:$0x478] =	vst v0  }
0x40: {  	[tilespmem:$0x488] =	vst v0  }
0x41: {  	[tilespmem:$0x498] =	vst v0  }
0x42: {  	[tilespmem:$0x4A8] =	vst v0  }
0x43: {  	[tilespmem:$0x4B8] =	vst v0  }
0x44: {  	[tilespmem:$0x4C8] =	vst v0  }
0x45: {  	[tilespmem:$0x4D8] =	vst v0  }
0x46: {  	[tilespmem:$0x4E8] =	vst v0  }
0x47: {  	[tilespmem:$0x4F8] =	vst v0  }
0x48: {  	[tilespmem:$0x508] =	vst v0  }
0x49: {  	[tilespmem:$0x518] =	vst v0  }
0x4a: {  	[tilespmem:$0x528] =	vst v0  }
0x4b: {  	[tilespmem:$0x538] =	vst v0  }
0x4c: {  	[tilespmem:$0x548] =	vst v0  }
0x4d: {  	[tilespmem:$0x558] =	vst v0  }
0x4e: {  	[tilespmem:$0x568] =	vst v0  }
0x4f: {  	[tilespmem:$0x578] =	vst v0  }
0x50: {  	[tilespmem:$0x588] =	vst v0  }
0x51: {  	[tilespmem:$0x598] =	vst v0  }
0x52: {  	[tilespmem:$0x5A8] =	vst v0  }
0x53: {  	[tilespmem:$0x5B8] =	vst v0  }
0x54: {  	[tilespmem:$0x5C8] =	vst v0  }
0x55: {  	[tilespmem:$0x5D8] =	vst v0  }
0x56: {  	[tilespmem:$0x5E8] =	vst v0  }
0x57: {  	[tilespmem:$0x5F8] =	vst v0  }
0x58: {  	[tilespmem:$0x608] =	vst v0  }
0x59: {  	[tilespmem:$0x618] =	vst v0  }
0x5a: {  	[tilespmem:$0x628] =	vst v0  }
0x5b: {  	[tilespmem:$0x638] =	vst v0  }
0x5c: {  	[tilespmem:$0x648] =	vst v0  }
0x5d: {  	[tilespmem:$0x658] =	vst v0  }
0x5e: {  	[tilespmem:$0x668] =	vst v0  }
0x5f: {  	[tilespmem:$0x678] =	vst v0  }
0x60: {  	[tilespmem:$0x688] =	vst v0  }
0x61: {  	[tilespmem:$0x698] =	vst v0  }
0x62: {  	[tilespmem:$0x6A8] =	vst v0  }
0x63: {  	[tilespmem:$0x6B8] =	vst v0  }
0x64: {  	[tilespmem:$0x6C8] =	vst v0  }
0x65: {  	[tilespmem:$0x6D8] =	vst v0  }
0x66: {  	[tilespmem:$0x6E8] =	vst v0  }
0x67: {  	[tilespmem:$0x6F8] =	vst v0  }
0x68: {  	[tilespmem:$0x708] =	vst v0  }
0x69: {  	[tilespmem:$0x718] =	vst v0  }
0x6a: {  	[tilespmem:$0x728] =	vst v0  }
0x6b: {  	[tilespmem:$0x738] =	vst v0  }
0x6c: {  	[tilespmem:$0x748] =	vst v0  }
0x6d: {  	[tilespmem:$0x758] =	vst v0  }
0x6e: {  	[tilespmem:$0x768] =	vst v0  }
0x6f: {  	[tilespmem:$0x778] =	vst v0  }
0x70: {  	[tilespmem:$0x788] =	vst v0  }
0x71: {  	[tilespmem:$0x798] =	vst v0  }
0x72: {  	[tilespmem:$0x7A8] =	vst v0  }
0x73: {  	[tilespmem:$0x7B8] =	vst v0  }
0x74: {  	[tilespmem:$0x7C8] =	vst v0  }
0x75: {  	[tilespmem:$0x7D8] =	vst v0  }
0x76: {  	[tilespmem:$0x7E8] =	vst v0  }
0x77: {  	[tilespmem:$0x7F8] =	vst v0  }
0x78: {  	[tilespmem:$0x808] =	vst v0  }
0x79: {  	[tilespmem:$0x818] =	vst v0  }
0x7a: {  	[tilespmem:$0x828] =	vst v0  }
0x7b: {  	[tilespmem:$0x838] =	vst v0  }
0x7c: {  	[tilespmem:$0x848] =	vst v0  }
0x7d: {  	[tilespmem:$0x858] =	vst v0  }
0x7e: {  	[tilespmem:$0x868] =	vst v0  }
0x7f: {  	[tilespmem:$0x878] =	vst v0  }
0x80: {  	[tilespmem:$0x888] =	vst v0  }
0x81: {  	[tilespmem:$0x898] =	vst v0  }
0x82: {  	[tilespmem:$0x8A8] =	vst v0  }
0x83: {  	[tilespmem:$0x8B8] =	vst v0  }
0x84: {  	[tilespmem:$0x8C8] =	vst v0  }
0x85: {  	[tilespmem:$0x8D8] =	vst v0  }
0x86: {  	[tilespmem:$0x8E8] =	vst v0  }
0x87: {  	[tilespmem:$0x8F8] =	vst v0  }
0x88: {  	[tilespmem:$0x908] =	vst v0  }
0x89: {  	[tilespmem:$0x918] =	vst v0  }
0x8a: {  	[tilespmem:$0x928] =	vst v0  }
0x8b: {  	[tilespmem:$0x938] =	vst v0  }
0x8c: {  	[tilespmem:$0x948] =	vst v0  }
0x8d: {  	[tilespmem:$0x958] =	vst v0  }
0x8e: {  	[tilespmem:$0x968] =	vst v0  }
0x8f: {  	[tilespmem:$0x978] =	vst v0  }
0x90: {  	[tilespmem:$0x988] =	vst v0  }
0x91: {  	[tilespmem:$0x998] =	vst v0  }
0x92: {  	[tilespmem:$0x9A8] =	vst v0  }
0x93: {  	[tilespmem:$0x9B8] =	vst v0  }
0x94: {  	[tilespmem:$0x9C8] =	vst v0  }
0x95: {  	[tilespmem:$0x9D8] =	vst v0  }
0x96: {  	[tilespmem:$0x9E8] =	vst v0  }
0x97: {  	[tilespmem:$0x9F8] =	vst v0  }
0x98: {  	[tilespmem:$0xA08] =	vst v0  }
0x99: {  	[tilespmem:$0xA18] =	vst v0  }
0x9a: {  	[tilespmem:$0xA28] =	vst v0  }
0x9b: {  	[tilespmem:$0xA38] =	vst v0  }
0x9c: {  	[tilespmem:$0xA48] =	vst v0  }
0x9d: {  	[tilespmem:$0xA58] =	vst v0  }
0x9e: {  	[tilespmem:$0xA68] =	vst v0  }
0x9f: {  	[tilespmem:$0xA78] =	vst v0  }
0xa0: {  	[tilespmem:$0xA88] =	vst v0  }
0xa1: {  	[tilespmem:$0xA98] =	vst v0  }
0xa2: {  	[tilespmem:$0xAA8] =	vst v0  }
0xa3: {  	[tilespmem:$0xAB8] =	vst v0  }
0xa4: {  	[tilespmem:$0xAC8] =	vst v0  }
0xa5: {  	[tilespmem:$0xAD8] =	vst v0  }
0xa6: {  	[tilespmem:$0xAE8] =	vst v0  }
0xa7: {  	[tilespmem:$0xAF8] =	vst v0  }
0xa8: {  	[tilespmem:$0xB08] =	vst v0  }
0xa9: {  	[tilespmem:$0xB18] =	vst v0  }
0xaa: {  	[tilespmem:$0xB28] =	vst v0  }
0xab: {  	[tilespmem:$0xB38] =	vst v0  }
0xac: {  	[tilespmem:$0xB48] =	vst v0  }
0xad: {  	[tilespmem:$0xB58] =	vst v0  }
0xae: {  	[tilespmem:$0xB68] =	vst v0  }
0xaf: {  	[tilespmem:$0xB78] =	vst v0  }
0xb0: {  	[tilespmem:$0xB88] =	vst v0  }
0xb1: {  	[tilespmem:$0xB98] =	vst v0  }
0xb2: {  	[tilespmem:$0xBA8] =	vst v0  }
0xb3: {  	[tilespmem:$0xBB8] =	vst v0  }
0xb4: {  	[tilespmem:$0xBC8] =	vst v0  }
0xb5: {  	[tilespmem:$0xBD8] =	vst v0  }
0xb6: {  	[tilespmem:$0xBE8] =	vst v0  }
0xb7: {  	[tilespmem:$0xBF8] =	vst v0  }
0xb8: {  	[tilespmem:$0xC08] =	vst v0  }
0xb9: {  	[tilespmem:$0xC18] =	vst v0  }
0xba: {  	[tilespmem:$0xC28] =	vst v0  }
0xbb: {  	[tilespmem:$0xC38] =	vst v0  }
0xbc: {  	[tilespmem:$0xC48] =	vst v0  }
0xbd: {  	[tilespmem:$0xC58] =	vst v0  }
0xbe: {  	[tilespmem:$0xC68] =	vst v0  }
0xbf: {  	[tilespmem:$0xC78] =	vst v0  }
0xc0: {  	[tilespmem:$0xC88] =	vst v0  }
0xc1: {  	[tilespmem:$0xC98] =	vst v0  }
0xc2: {  	[tilespmem:$0xCA8] =	vst v0  }
0xc3: {  	[tilespmem:$0xCB8] =	vst v0  }
0xc4: {  	[tilespmem:$0xCC8] =	vst v0  }
0xc5: {  	[tilespmem:$0xCD8] =	vst v0  }
0xc6: {  	[tilespmem:$0xCE8] =	vst v0  }
0xc7: {  	[tilespmem:$0xCF8] =	vst v0  }
0xc8: {  	[tilespmem:$0xD08] =	vst v0  }
0xc9: {  	[tilespmem:$0xD18] =	vst v0  }
0xca: {  	[tilespmem:$0xD28] =	vst v0  }
0xcb: {  	[tilespmem:$0xD38] =	vst v0  }
0xcc: {  	[tilespmem:$0xD48] =	vst v0  }
0xcd: {  	[tilespmem:$0xD58] =	vst v0  }
0xce: {  	[tilespmem:$0xD68] =	vst v0  }
0xcf: {  	[tilespmem:$0xD78] =	vst v0  }
0xd0: {  	[tilespmem:$0xD88] =	vst v0  }
0xd1: {  	[tilespmem:$0xD98] =	vst v0  }
0xd2: {  	[tilespmem:$0xDA8] =	vst v0  }
0xd3: {  	[tilespmem:$0xDB8] =	vst v0  }
0xd4: {  	[tilespmem:$0xDC8] =	vst v0  }
0xd5: {  	[tilespmem:$0xDD8] =	vst v0  }
0xd6: {  	[tilespmem:$0xDE8] =	vst v0  }
0xd7: {  	[tilespmem:$0xDF8] =	vst v0  }
0xd8: {  	[tilespmem:$0xE08] =	vst v0  }
0xd9: {  	[tilespmem:$0xE18] =	vst v0  }
0xda: {  	[tilespmem:$0xE28] =	vst v0  }
0xdb: {  	[tilespmem:$0xE38] =	vst v0  }
0xdc: {  	[tilespmem:$0xE48] =	vst v0  }
0xdd: {  	[tilespmem:$0xE58] =	vst v0  }
0xde: {  	[tilespmem:$0xE68] =	vst v0  }
0xdf: {  	[tilespmem:$0xE78] =	vst v0  }
0xe0: {  	[tilespmem:$0xE88] =	vst v0  }
0xe1: {  	[tilespmem:$0xE98] =	vst v0  }
0xe2: {  	[tilespmem:$0xEA8] =	vst v0  }
0xe3: {  	[tilespmem:$0xEB8] =	vst v0  }
0xe4: {  	[tilespmem:$0xEC8] =	vst v0  }
0xe5: {  	[tilespmem:$0xED8] =	vst v0  }
0xe6: {  	[tilespmem:$0xEE8] =	vst v0  }
0xe7: {  	[tilespmem:$0xEF8] =	vst v0  }
0xe8: {  	[tilespmem:$0xF08] =	vst v0  }
0xe9: {  	[tilespmem:$0xF18] =	vst v0  }
0xea: {  	[tilespmem:$0xF28] =	vst v0  }
0xeb: {  	[tilespmem:$0xF38] =	vst v0  }
0xec: {  	[tilespmem:$0xF48] =	vst v0  }
0xed: {  	[tilespmem:$0xF58] =	vst v0  }
0xee: {  	[tilespmem:$0xF68] =	vst v0  }
0xef: {  	[tilespmem:$0xF78] =	vst v0  }
0xf0: {  	[tilespmem:$0xF88] =	vst v0  }
0xf1: {  	[tilespmem:$0xF98] =	vst v0  }
0xf2: {  	[tilespmem:$0xFA8] =	vst v0  }
0xf3: {  	[tilespmem:$0xFB8] =	vst v0  }
0xf4: {  	[tilespmem:$0xFC8] =	vst v0  }
0xf5: {  	[tilespmem:$0xFD8] =	vst v0  }
0xf6: {  	[tilespmem:$0xFE8] =	vst v0  }
0xf7: {  	[tilespmem:$0xFF8] =	vst v0  }
0xf8: {  	[tilespmem:$0x1008] =	vst v0  }
0xf9: {  	[tilespmem:$0x1018] =	vst v0  }
0xfa: {  	[tilespmem:$0x1028] =	vst v0  }
0xfb: {  	[tilespmem:$0x1038] =	vst v0  }
0xfc: {  	[tilespmem:$0x1048] =	vst v0  }
0xfd: {  	[tilespmem:$0x1058] =	vst v0  }
0xfe: {  	[tilespmem:$0x1068] =	vst v0  }
0xff: {  	[tilespmem:$0x1078] =	vst v0  }
0x100: {  	[tilespmem:$0x1088] =	vst v0  }
0x101: {  	[tilespmem:$0x1098] =	vst v0  }
0x102: {  	[tilespmem:$0x10A8] =	vst v0  }
0x103: {  	[tilespmem:$0x10B8] =	vst v0  }
0x104: {  	[tilespmem:$0x10C8] =	vst v0  }
0x105: {  	[tilespmem:$0x10D8] =	vst v0  }
0x106: {  	[tilespmem:$0x10E8] =	vst v0  }
0x107: {  	[tilespmem:$0x10F8] =	vst v0  }
0x108: {  	[tilespmem:$0x1108] =	vst v0  }
0x109: {  	[tilespmem:$0x1118] =	vst v0  }
0x10a: {  	[tilespmem:$0x1128] =	vst v0  }
0x10b: {  	[tilespmem:$0x1138] =	vst v0  }
0x10c: {  	[tilespmem:$0x1148] =	vst v0  }
0x10d: {  	[tilespmem:$0x1158] =	vst v0  }
0x10e: {  	[tilespmem:$0x1168] =	vst v0  }
0x10f: {  	[tilespmem:$0x1178] =	vst v0  }
0x110: {  	[tilespmem:$0x1188] =	vst v0  }
0x111: {  	[tilespmem:$0x1198] =	vst v0  }
0x112: {  	[tilespmem:$0x11A8] =	vst v0  }
0x113: {  	[tilespmem:$0x11B8] =	vst v0  }
0x114: {  	[tilespmem:$0x11C8] =	vst v0  }
0x115: {  	[tilespmem:$0x11D8] =	vst v0  }
0x116: {  	[tilespmem:$0x11E8] =	vst v0  }
0x117: {  	[tilespmem:$0x11F8] =	vst v0  }
0x118: {  	[tilespmem:$0x1208] =	vst v0  }
0x119: {  	[tilespmem:$0x1218] =	vst v0  }
0x11a: {  	[tilespmem:$0x1228] =	vst v0  }
0x11b: {  	[tilespmem:$0x1238] =	vst v0  }
0x11c: {  	[tilespmem:$0x1248] =	vst v0  }
0x11d: {  	[tilespmem:$0x1258] =	vst v0  }
0x11e: {  	[tilespmem:$0x1268] =	vst v0  }
0x11f: {  	[tilespmem:$0x1278] =	vst v0  }
0x120: {  	[tilespmem:$0x1288] =	vst v0  }
0x121: {  	[tilespmem:$0x1298] =	vst v0  }
0x122: {  	[tilespmem:$0x12A8] =	vst v0  }
0x123: {  	[tilespmem:$0x12B8] =	vst v0  }
0x124: {  	[tilespmem:$0x12C8] =	vst v0  }
0x125: {  	[tilespmem:$0x12D8] =	vst v0  }
0x126: {  	[tilespmem:$0x12E8] =	vst v0  }
0x127: {  	[tilespmem:$0x12F8] =	vst v0  }
0x128: {  	[tilespmem:$0x1308] =	vst v0  }
0x129: {  	[tilespmem:$0x1318] =	vst v0  }
0x12a: {  	[tilespmem:$0x1328] =	vst v0  }
0x12b: {  	[tilespmem:$0x1338] =	vst v0  }
0x12c: {  	[tilespmem:$0x1348] =	vst v0  }
0x12d: {  	[tilespmem:$0x1358] =	vst v0  }
0x12e: {  	[tilespmem:$0x1368] =	vst v0  }
0x12f: {  	[tilespmem:$0x1378] =	vst v0  }
0x130: {  	[tilespmem:$0x1388] =	vst v0  }
0x131: {  	[tilespmem:$0x1398] =	vst v0  }
0x132: {  	[tilespmem:$0x13A8] =	vst v0  }
0x133: {  	[tilespmem:$0x13B8] =	vst v0  }
0x134: {  	[tilespmem:$0x13C8] =	vst v0  }
0x135: {  	[tilespmem:$0x13D8] =	vst v0  }
0x136: {  	[tilespmem:$0x13E8] =	vst v0  }
0x137: {  	[tilespmem:$0x13F8] =	vst v0  }
0x138: {  	[tilespmem:$0x1408] =	vst v0  }
0x139: {  	[tilespmem:$0x1418] =	vst v0  }
0x13a: {  	[tilespmem:$0x1428] =	vst v0  }
0x13b: {  	[tilespmem:$0x1438] =	vst v0  }
0x13c: {  	[tilespmem:$0x1448] =	vst v0  }
0x13d: {  	[tilespmem:$0x1458] =	vst v0  }
0x13e: {  	[tilespmem:$0x1468] =	vst v0  }
0x13f: {  	[tilespmem:$0x1478] =	vst v0  }
0x140: {  	[tilespmem:$0x1488] =	vst v0  }
0x141: {  	[tilespmem:$0x1498] =	vst v0  }
0x142: {  	[tilespmem:$0x14A8] =	vst v0  }
0x143: {  	[tilespmem:$0x14B8] =	vst v0  }
0x144: {  	[tilespmem:$0x14C8] =	vst v0  }
0x145: {  	[tilespmem:$0x14D8] =	vst v0  }
0x146: {  	[tilespmem:$0x14E8] =	vst v0  }
0x147: {  	[tilespmem:$0x14F8] =	vst v0  }
0x148: {  	[tilespmem:$0x1508] =	vst v0  }
0x149: {  	[tilespmem:$0x1518] =	vst v0  }
0x14a: {  	[tilespmem:$0x1528] =	vst v0  }
0x14b: {  	[tilespmem:$0x1538] =	vst v0  }
0x14c: {  	[tilespmem:$0x1548] =	vst v0  }
0x14d: {  	[tilespmem:$0x1558] =	vst v0  }
0x14e: {  	[tilespmem:$0x1568] =	vst v0  }
0x14f: {  	[tilespmem:$0x1578] =	vst v0  }
0x150: {  	[tilespmem:$0x1588] =	vst v0  }
0x151: {  	[tilespmem:$0x1598] =	vst v0  }
0x152: {  	[tilespmem:$0x15A8] =	vst v0  }
0x153: {  	[tilespmem:$0x15B8] =	vst v0  }
0x154: {  	[tilespmem:$0x15C8] =	vst v0  }
0x155: {  	[tilespmem:$0x15D8] =	vst v0  }
0x156: {  	[tilespmem:$0x15E8] =	vst v0  }
0x157: {  	[tilespmem:$0x15F8] =	vst v0  }
0x158: {  	[tilespmem:$0x1608] =	vst v0  }
0x159: {  	[tilespmem:$0x1618] =	vst v0  }
0x15a: {  	[tilespmem:$0x1628] =	vst v0  }
0x15b: {  	[tilespmem:$0x1638] =	vst v0  }
0x15c: {  	[tilespmem:$0x1648] =	vst v0  }
0x15d: {  	[tilespmem:$0x1658] =	vst v0  }
0x15e: {  	[tilespmem:$0x1668] =	vst v0  }
0x15f: {  	[tilespmem:$0x1678] =	vst v0  }
0x160: {  	[tilespmem:$0x1688] =	vst v0  }
0x161: {  	[tilespmem:$0x1698] =	vst v0  }
0x162: {  	[tilespmem:$0x16A8] =	vst v0  }
0x163: {  	[tilespmem:$0x16B8] =	vst v0  }
0x164: {  	[tilespmem:$0x16C8] =	vst v0  }
0x165: {  	[tilespmem:$0x16D8] =	vst v0  }
0x166: {  	[tilespmem:$0x16E8] =	vst v0  }
0x167: {  	[tilespmem:$0x16F8] =	vst v0  }
0x168: {  	[tilespmem:$0x1708] =	vst v0  }
0x169: {  	[tilespmem:$0x1718] =	vst v0  }
0x16a: {  	[tilespmem:$0x1728] =	vst v0  }
0x16b: {  	[tilespmem:$0x1738] =	vst v0  }
0x16c: {  	[tilespmem:$0x1748] =	vst v0  }
0x16d: {  	[tilespmem:$0x1758] =	vst v0  }
0x16e: {  	[tilespmem:$0x1768] =	vst v0  }
0x16f: {  	[tilespmem:$0x1778] =	vst v0  }
0x170: {  	[tilespmem:$0x1788] =	vst v0  }
0x171: {  	[tilespmem:$0x1798] =	vst v0  }
0x172: {  	[tilespmem:$0x17A8] =	vst v0  }
0x173: {  	[tilespmem:$0x17B8] =	vst v0  }
0x174: {  	[tilespmem:$0x17C8] =	vst v0  }
0x175: {  	[tilespmem:$0x17D8] =	vst v0  }
0x176: {  	[tilespmem:$0x17E8] =	vst v0  }
0x177: {  	[tilespmem:$0x17F8] =	vst v0  }
0x178: {  	[tilespmem:$0x1808] =	vst v0  }
0x179: {  	[tilespmem:$0x1818] =	vst v0  }
0x17a: {  	[tilespmem:$0x1828] =	vst v0  }
0x17b: {  	[tilespmem:$0x1838] =	vst v0  }
0x17c: {  	[tilespmem:$0x1848] =	vst v0  }
0x17d: {  	[tilespmem:$0x1858] =	vst v0  }
0x17e: {  	[tilespmem:$0x1868] =	vst v0  }
0x17f: {  	[tilespmem:$0x1878] =	vst v0  }
0x180: {  	[tilespmem:$0x1888] =	vst v0  }
0x181: {  	[tilespmem:$0x1898] =	vst v0  }
0x182: {  	[tilespmem:$0x18A8] =	vst v0  }
0x183: {  	[tilespmem:$0x18B8] =	vst v0  }
0x184: {  	[tilespmem:$0x18C8] =	vst v0  }
0x185: {  	[tilespmem:$0x18D8] =	vst v0  }
0x186: {  	[tilespmem:$0x18E8] =	vst v0  }
0x187: {  	[tilespmem:$0x18F8] =	vst v0  }
0x188: {  	[tilespmem:$0x1908] =	vst v0  }
0x189: {  	[tilespmem:$0x1918] =	vst v0  }
0x18a: {  	[tilespmem:$0x1928] =	vst v0  }
0x18b: {  	[tilespmem:$0x1938] =	vst v0  }
0x18c: {  	[tilespmem:$0x1948] =	vst v0  }
0x18d: {  	[tilespmem:$0x1958] =	vst v0  }
0x18e: {  	[tilespmem:$0x1968] =	vst v0  }
0x18f: {  	[tilespmem:$0x1978] =	vst v0  }
0x190: {  	[tilespmem:$0x1988] =	vst v0  }
0x191: {  	[tilespmem:$0x1998] =	vst v0  }
0x192: {  	[tilespmem:$0x19A8] =	vst v0  }
0x193: {  	[tilespmem:$0x28D8] =	vst v0  }
0x194: {  	[tilespmem:$0x28E8] =	vst v0  }
0x195: {  	[tilespmem:$0x19B8] =	vst v0  }
0x196: {  	[tilespmem:$0x19C8] =	vst v0  }
0x197: {  	[tilespmem:$0x19D8] =	vst v0  }
0x198: {  	[tilespmem:$0x19E8] =	vst v0  }
0x199: {  	[tilespmem:$0x19F8] =	vst v0  }
0x19a: {  	[tilespmem:$0x1A08] =	vst v0  }
0x19b: {  	[tilespmem:$0x1A18] =	vst v0  }
0x19c: {  	[tilespmem:$0x1A28] =	vst v0  }
0x19d: {  	[tilespmem:$0x1A38] =	vst v0  }
0x19e: {  	[tilespmem:$0x1A48] =	vst v0  }
0x19f: {  	[tilespmem:$0x1A58] =	vst v0  }
0x1a0: {  	[tilespmem:$0x1A68] =	vst v0  }
0x1a1: {  	[tilespmem:$0x1A78] =	vst v0  }
0x1a2: {  	[tilespmem:$0x1A88] =	vst v0  }
0x1a3: {  	[tilespmem:$0x1A98] =	vst v0  }
0x1a4: {  	[tilespmem:$0x1AA8] =	vst v0  }
0x1a5: {  	[tilespmem:$0x1AB8] =	vst v0  }
0x1a6: {  	[tilespmem:$0x1AC8] =	vst v0  }
0x1a7: {  	[tilespmem:$0x1AD8] =	vst v0  }
0x1a8: {  	[tilespmem:$0x1AE8] =	vst v0  }
0x1a9: {  	[tilespmem:$0x1AF8] =	vst v0  }
0x1aa: {  	[tilespmem:$0x1B08] =	vst v0  }
0x1ab: {  	[tilespmem:$0x1B18] =	vst v0  }
0x1ac: {  	[tilespmem:$0x1B28] =	vst v0  }
0x1ad: {  	[tilespmem:$0x1B38] =	vst v0  }
0x1ae: {  	[tilespmem:$0x1B48] =	vst v0  }
0x1af: {  	[tilespmem:$0x1B58] =	vst v0  }
0x1b0: {  	[tilespmem:$0x1B68] =	vst v0  }
0x1b1: {  	[tilespmem:$0x1B78] =	vst v0  }
0x1b2: {  	[tilespmem:$0x1B88] =	vst v0  }
0x1b3: {  	[tilespmem:$0x1B98] =	vst v0  }
0x1b4: {  	[tilespmem:$0x1BA8] =	vst v0  }
0x1b5: {  	[tilespmem:$0x1BB8] =	vst v0  }
0x1b6: {  	[tilespmem:$0x1BC8] =	vst v0  }
0x1b7: {  	[tilespmem:$0x1BD8] =	vst v0  }
0x1b8: {  	[tilespmem:$0x1BE8] =	vst v0  }
0x1b9: {  	[tilespmem:$0x1BF8] =	vst v0  }
0x1ba: {  	[tilespmem:$0x1C08] =	vst v0  }
0x1bb: {  	[tilespmem:$0x1C18] =	vst v0  }
0x1bc: {  	[tilespmem:$0x1C28] =	vst v0  }
0x1bd: {  	[tilespmem:$0x1C38] =	vst v0  }
0x1be: {  	[tilespmem:$0x1C48] =	vst v0  }
0x1bf: {  	[tilespmem:$0x1C58] =	vst v0  }
0x1c0: {  	[tilespmem:$0x1C68] =	vst v0  }
0x1c1: {  	[tilespmem:$0x1C78] =	vst v0  }
0x1c2: {  	[tilespmem:$0x1C88] =	vst v0  }
0x1c3: {  	[tilespmem:$0x1C98] =	vst v0  }
0x1c4: {  	[tilespmem:$0x1CA8] =	vst v0  }
0x1c5: {  	[tilespmem:$0x1CB8] =	vst v0  }
0x1c6: {  	[tilespmem:$0x1CC8] =	vst v0  }
0x1c7: {  	[tilespmem:$0x1CD8] =	vst v0  }
0x1c8: {  	[tilespmem:$0x1CE8] =	vst v0  }
0x1c9: {  	[tilespmem:$0x1CF8] =	vst v0  }
0x1ca: {  	[tilespmem:$0x1D08] =	vst v0  }
0x1cb: {  	[tilespmem:$0x1D18] =	vst v0  }
0x1cc: {  	[tilespmem:$0x1D28] =	vst v0  }
0x1cd: {  	[tilespmem:$0x1D38] =	vst v0  }
0x1ce: {  	[tilespmem:$0x1D48] =	vst v0  }
0x1cf: {  	[tilespmem:$0x1D58] =	vst v0  }
0x1d0: {  	[tilespmem:$0x1D68] =	vst v0  }
0x1d1: {  	[tilespmem:$0x1D78] =	vst v0  }
0x1d2: {  	[tilespmem:$0x1D88] =	vst v0  }
0x1d3: {  	[tilespmem:$0x1D98] =	vst v0  }
0x1d4: {  	[tilespmem:$0x1DA8] =	vst v0  }
0x1d5: {  	[tilespmem:$0x1DB8] =	vst v0  }
0x1d6: {  	[tilespmem:$0x1DC8] =	vst v0  }
0x1d7: {  	[tilespmem:$0x1DD8] =	vst v0  }
0x1d8: {  	[tilespmem:$0x1DE8] =	vst v0  }
0x1d9: {  	[tilespmem:$0x1DF8] =	vst v0  }
0x1da: {  	[tilespmem:$0x1E08] =	vst v0  }
0x1db: {  	[tilespmem:$0x1E18] =	vst v0  }
0x1dc: {  	[tilespmem:$0x1E28] =	vst v0  }
0x1dd: {  	[tilespmem:$0x1E38] =	vst v0  }
0x1de: {  	[tilespmem:$0x1E48] =	vst v0  }
0x1df: {  	[tilespmem:$0x1E58] =	vst v0  }
0x1e0: {  	[tilespmem:$0x1E68] =	vst v0  }
0x1e1: {  	[tilespmem:$0x1E78] =	vst v0  }
0x1e2: {  	[tilespmem:$0x1E88] =	vst v0  }
0x1e3: {  	[tilespmem:$0x1E98] =	vst v0  }
0x1e4: {  	[tilespmem:$0x1EA8] =	vst v0  }
0x1e5: {  	[tilespmem:$0x1EB8] =	vst v0  }
0x1e6: {  	[tilespmem:$0x1EC8] =	vst v0  }
0x1e7: {  	[tilespmem:$0x1ED8] =	vst v0  }
0x1e8: {  	[tilespmem:$0x1EE8] =	vst v0  }
0x1e9: {  	[tilespmem:$0x1EF8] =	vst v0  }
0x1ea: {  	[tilespmem:$0x1F08] =	vst v0  }
0x1eb: {  	[tilespmem:$0x1F18] =	vst v0  }
0x1ec: {  	[tilespmem:$0x1F28] =	vst v0  }
0x1ed: {  	[tilespmem:$0x1F38] =	vst v0  }
0x1ee: {  	[tilespmem:$0x1F48] =	vst v0  }
0x1ef: {  	[tilespmem:$0x1F58] =	vst v0  }
0x1f0: {  	[tilespmem:$0x1F68] =	vst v0  }
0x1f1: {  	[tilespmem:$0x1F78] =	vst v0  }
0x1f2: {  	[tilespmem:$0x1F88] =	vst v0  }
0x1f3: {  	[tilespmem:$0x1F98] =	vst v0  }
0x1f4: {  	[tilespmem:$0x1FA8] =	vst v0  }
0x1f5: {  	[tilespmem:$0x1FB8] =	vst v0  }
0x1f6: {  	[tilespmem:$0x1FC8] =	vst v0  }
0x1f7: {  	[tilespmem:$0x1FD8] =	vst v0  }
0x1f8: {  	[tilespmem:$0x1FE8] =	vst v0  }
0x1f9: {  	[tilespmem:$0x1FF8] =	vst v0  }
0x1fa: {  	[tilespmem:$0x2008] =	vst v0  }
0x1fb: {  	[tilespmem:$0x2018] =	vst v0  }
0x1fc: {  	[tilespmem:$0x2028] =	vst v0  }
0x1fd: {  	[tilespmem:$0x2038] =	vst v0  }
0x1fe: {  	[tilespmem:$0x2048] =	vst v0  }
0x1ff: {  	[tilespmem:$0x2058] =	vst v0  }
0x200: {  	[tilespmem:$0x2068] =	vst v0  }
0x201: {  	[tilespmem:$0x2078] =	vst v0  }
0x202: {  	[tilespmem:$0x2088] =	vst v0  }
0x203: {  	[tilespmem:$0x2098] =	vst v0  }
0x204: {  	[tilespmem:$0x20A8] =	vst v0  }
0x205: {  	[tilespmem:$0x20B8] =	vst v0  }
0x206: {  	[tilespmem:$0x20C8] =	vst v0  }
0x207: {  	[tilespmem:$0x20D8] =	vst v0  }
0x208: {  	[tilespmem:$0x20E8] =	vst v0  }
0x209: {  	[tilespmem:$0x20F8] =	vst v0  }
0x20a: {  	[tilespmem:$0x2108] =	vst v0  }
0x20b: {  	[tilespmem:$0x2118] =	vst v0  }
0x20c: {  	[tilespmem:$0x2128] =	vst v0  }
0x20d: {  	[tilespmem:$0x2138] =	vst v0  }
0x20e: {  	[tilespmem:$0x2148] =	vst v0  }
0x20f: {  	[tilespmem:$0x2158] =	vst v0  }
0x210: {  	[tilespmem:$0x2168] =	vst v0  }
0x211: {  	[tilespmem:$0x2178] =	vst v0  }
0x212: {  	[tilespmem:$0x2188] =	vst v0  }
0x213: {  	[tilespmem:$0x2198] =	vst v0  }
0x214: {  	[tilespmem:$0x21A8] =	vst v0  }
0x215: {  	[tilespmem:$0x21B8] =	vst v0  }
0x216: {  	[tilespmem:$0x21C8] =	vst v0  }
0x217: {  	[tilespmem:$0x21D8] =	vst v0  }
0x218: {  	[tilespmem:$0x21E8] =	vst v0  }
0x219: {  	[tilespmem:$0x21F8] =	vst v0  }
0x21a: {  	[tilespmem:$0x2208] =	vst v0  }
0x21b: {  	[tilespmem:$0x2218] =	vst v0  }
0x21c: {  	[tilespmem:$0x2228] =	vst v0  }
0x21d: {  	[tilespmem:$0x2238] =	vst v0  }
0x21e: {  	[tilespmem:$0x2248] =	vst v0  }
0x21f: {  	[tilespmem:$0x2258] =	vst v0  }
0x220: {  	[tilespmem:$0x2268] =	vst v0  }
0x221: {  	[tilespmem:$0x2278] =	vst v0  }
0x222: {  	[tilespmem:$0x2288] =	vst v0  }
0x223: {  	[tilespmem:$0x2298] =	vst v0  }
0x224: {  	[tilespmem:$0x22A8] =	vst v0  }
0x225: {  	[tilespmem:$0x22B8] =	vst v0  }
0x226: {  	[tilespmem:$0x22C8] =	vst v0  }
0x227: {  	[tilespmem:$0x22D8] =	vst v0  }
0x228: {  	[tilespmem:$0x22E8] =	vst v0  }
0x229: {  	[tilespmem:$0x22F8] =	vst v0  }
0x22a: {  	[tilespmem:$0x2308] =	vst v0  }
0x22b: {  	[tilespmem:$0x2318] =	vst v0  }
0x22c: {  	[tilespmem:$0x2328] =	vst v0  }
0x22d: {  	[tilespmem:$0x2338] =	vst v0  }
0x22e: {  	[tilespmem:$0x2348] =	vst v0  }
0x22f: {  	[tilespmem:$0x2358] =	vst v0  }
0x230: {  	[tilespmem:$0x2368] =	vst v0  }
0x231: {  	[tilespmem:$0x2378] =	vst v0  }
0x232: {  	[tilespmem:$0x2388] =	vst v0  }
0x233: {  	[tilespmem:$0x2398] =	vst v0  }
0x234: {  	[tilespmem:$0x23A8] =	vst v0  }
0x235: {  	[tilespmem:$0x23B8] =	vst v0  }
0x236: {  	[tilespmem:$0x23C8] =	vst v0  }
0x237: {  	[tilespmem:$0x23D8] =	vst v0  }
0x238: {  	[tilespmem:$0x23E8] =	vst v0  }
0x239: {  	[tilespmem:$0x23F8] =	vst v0  }
0x23a: {  	[tilespmem:$0x2408] =	vst v0  }
0x23b: {  	[tilespmem:$0x2418] =	vst v0  }
0x23c: {  	[tilespmem:$0x2428] =	vst v0  }
0x23d: {  	[tilespmem:$0x2438] =	vst v0  }
0x23e: {  	[tilespmem:$0x2448] =	vst v0  }
0x23f: {  	[tilespmem:$0x2458] =	vst v0  }
0x240: {  	[tilespmem:$0x2468] =	vst v0  }
0x241: {  	[tilespmem:$0x2478] =	vst v0  }
0x242: {  	[tilespmem:$0x2488] =	vst v0  }
0x243: {  	[tilespmem:$0x2498] =	vst v0  }
0x244: {  	[tilespmem:$0x24A8] =	vst v0  }
0x245: {  	[tilespmem:$0x24B8] =	vst v0  }
0x246: {  	[tilespmem:$0x24C8] =	vst v0  }
0x247: {  	[tilespmem:$0x24D8] =	vst v0  }
0x248: {  	[tilespmem:$0x24E8] =	vst v0  }
0x249: {  	[tilespmem:$0x24F8] =	vst v0  }
0x24a: {  	[tilespmem:$0x2508] =	vst v0  }
0x24b: {  	[tilespmem:$0x2518] =	vst v0  }
0x24c: {  	[tilespmem:$0x2528] =	vst v0  }
0x24d: {  	[tilespmem:$0x2538] =	vst v0  }
0x24e: {  	[tilespmem:$0x2548] =	vst v0  }
0x24f: {  	[tilespmem:$0x2558] =	vst v0  }
0x250: {  	[tilespmem:$0x2568] =	vst v0  }
0x251: {  	[tilespmem:$0x2578] =	vst v0  }
0x252: {  	[tilespmem:$0x2588] =	vst v0  }
0x253: {  	[tilespmem:$0x2598] =	vst v0  }
0x254: {  	[tilespmem:$0x25A8] =	vst v0  }
0x255: {  	[tilespmem:$0x25B8] =	vst v0  }
0x256: {  	[tilespmem:$0x25C8] =	vst v0  }
0x257: {  	[tilespmem:$0x25D8] =	vst v0  }
0x258: {  	[tilespmem:$0x25E8] =	vst v0  }
0x259: {  	[tilespmem:$0x25F8] =	vst v0  }
0x25a: {  	[tilespmem:$0x2608] =	vst v0  }
0x25b: {  	[tilespmem:$0x2618] =	vst v0  }
0x25c: {  	[tilespmem:$0x2628] =	vst v0  }
0x25d: {  	[tilespmem:$0x2638] =	vst v0  }
0x25e: {  	[tilespmem:$0x2648] =	vst v0  }
0x25f: {  	[tilespmem:$0x2658] =	vst v0  }
0x260: {  	[tilespmem:$0x2668] =	vst v0  }
0x261: {  	[tilespmem:$0x2678] =	vst v0  }
0x262: {  	[tilespmem:$0x2688] =	vst v0  }
0x263: {  	[tilespmem:$0x2698] =	vst v0  }
0x264: {  	[tilespmem:$0x26A8] =	vst v0  }
0x265: {  	[tilespmem:$0x26B8] =	vst v0  }
0x266: {  	[tilespmem:$0x26C8] =	vst v0  }
0x267: {  	[tilespmem:$0x26D8] =	vst v0  }
0x268: {  	[tilespmem:$0x26E8] =	vst v0  }
0x269: {  	[tilespmem:$0x26F8] =	vst v0  }
0x26a: {  	[tilespmem:$0x2708] =	vst v0  }
0x26b: {  	[tilespmem:$0x2718] =	vst v0  }
0x26c: {  	[tilespmem:$0x2728] =	vst v0  }
0x26d: {  	[tilespmem:$0x2738] =	vst v0  }
0x26e: {  	[tilespmem:$0x2748] =	vst v0  }
0x26f: {  	[tilespmem:$0x2758] =	vst v0  }
0x270: {  	[tilespmem:$0x2768] =	vst v0  }
0x271: {  	[tilespmem:$0x2778] =	vst v0  }
0x272: {  	[tilespmem:$0x2788] =	vst v0  }
0x273: {  	[tilespmem:$0x2798] =	vst v0  }
0x274: {  	[tilespmem:$0x27A8] =	vst v0  }
0x275: {  	[tilespmem:$0x27B8] =	vst v0  }
0x276: {  	[tilespmem:$0x27C8] =	vst v0  }
0x277: {  	[tilespmem:$0x27D8] =	vst v0  }
0x278: {  	[tilespmem:$0x27E8] =	vst v0  }
0x279: {  	[tilespmem:$0x27F8] =	vst v0  }
0x27a: {  	[tilespmem:$0x2808] =	vst v0  }
0x27b: {  	[tilespmem:$0x2818] =	vst v0  }
0x27c: {  	[tilespmem:$0x2828] =	vst v0  }
0x27d: {  	[tilespmem:$0x2838] =	vst v0  }
0x27e: {  	[tilespmem:$0x2848] =	vst v0  }
0x27f: {  	[tilespmem:$0x2858] =	vst v0  }
0x280: {  	[tilespmem:$0x2868] =	vst v0  }
0x281: {  	[tilespmem:$0x2878] =	vst v0  }
0x282: {  	[tilespmem:$0x2888] =	vst v0  }
0x283: {  	[tilespmem:$0x2898] =	vst v0  }
0x284: {  	[tilespmem:$0x28A8] =	vst v0  }
0x285: {  	[tilespmem:$0x28B8] =	vst v0  }
0x286: {  	[tilespmem:$0x28C8] =	vst v0  }
0x287: {  	[tilespmem:$0x28F8] =	vst v0  }
0x288: {  	[tilespmem:$0x2908] =	vst v0  }
0x289: {  	[tilespmem:$0x2918] =	vst v0  }
0x28a: {  	[tilespmem:$0x2928] =	vst v0  }
0x28b: {  	[tilespmem:$0x2938] =	vst v0  }
0x28c: {  	[tilespmem:$0x2948] =	vst v0  }
0x28d: {  	[tilespmem:$0x2958] =	vst v0  }
0x28e: {  	[tilespmem:$0x2968] =	vst v0  }
0x28f: {  	[tilespmem:$0x2978] =	vst v0  }
0x290: {  	[tilespmem:$0x2988] =	vst v0  }
0x291: {  	[tilespmem:$0x2998] =	vst v0  }
0x292: {  	[tilespmem:$0x29A8] =	vst v0  }
0x293: {  	[tilespmem:$0x29B8] =	vst v0  }
0x294: {  	[tilespmem:$0x29C8] =	vst v0  }
0x295: {  	[tilespmem:$0x29D8] =	vst v0  }
0x296: {  	[tilespmem:$0x29E8] =	vst v0  }
0x297: {  	[tilespmem:$0x29F8] =	vst v0  }
0x298: {  	[tilespmem:$0x2A08] =	vst v0  }
0x299: {  	[tilespmem:$0x2A18] =	vst v0  }
0x29a: {  	[tilespmem:$0x2A28] =	vst v0  }
0x29b: {  	[tilespmem:$0x2A38] =	vst v0  }
0x29c: {  	[tilespmem:$0x2A48] =	vst v0  }
0x29d: {  	[tilespmem:$0x2A58] =	vst v0  }
0x29e: {  	[tilespmem:$0x2A68] =	vst v0  }
0x29f: {  	[tilespmem:$0x2A78] =	vst v0  }
0x2a0: {  	[tilespmem:$0x2A88] =	vst v0  }
0x2a1: {  	[tilespmem:$0x2A98] =	vst v0  }
0x2a2: {  	[tilespmem:$0x2AA8] =	vst v0  }
0x2a3: {  	[tilespmem:$0x2AB8] =	vst v0  }
0x2a4: {  	[tilespmem:$0x2AC8] =	vst v0  }
0x2a5: {  	[tilespmem:$0x2AD8] =	vst v0  }
0x2a6: {  	[tilespmem:$0x2AE8] =	vst v0  }
0x2a7: {  	[tilespmem:$0x2AF8] =	vst v0  }
0x2a8: {  	[tilespmem:$0x2B08] =	vst v0  }
0x2a9: {  	[tilespmem:$0x2B18] =	vst v0  }
0x2aa: {  	[tilespmem:$0x2B28] =	vst v0  }
0x2ab: {  	[tilespmem:$0x2B38] =	vst v0  }
0x2ac: {  	[tilespmem:$0x2B48] =	vst v0  }
0x2ad: {  	[tilespmem:$0x2B58] =	vst v0  }
0x2ae: {  	[tilespmem:$0x2B68] =	vst v0  }
0x2af: {  	[tilespmem:$0x2B78] =	vst v0  }
0x2b0: {  	[tilespmem:$0x2B88] =	vst v0  }
0x2b1: {  	[tilespmem:$0x2B98] =	vst v0  }
0x2b2: {  	[tilespmem:$0x2BA8] =	vst v0  }
0x2b3: {  	[tilespmem:$0x2BB8] =	vst v0  }
0x2b4: {  	[tilespmem:$0x2BC8] =	vst v0  }
0x2b5: {  	[tilespmem:$0x2BD8] =	vst v0  }
0x2b6: {  	[tilespmem:$0x2BE8] =	vst v0  }
0x2b7: {  	[tilespmem:$0x2BF8] =	vst v0  }
0x2b8: {  	[tilespmem:$0x2C08] =	vst v0  }
0x2b9: {  	[tilespmem:$0x2C18] =	vst v0  }
0x2ba: {  	[tilespmem:$0x2C28] =	vst v0  }
0x2bb: {  	[tilespmem:$0x2C38] =	vst v0  }
0x2bc: {  	[tilespmem:$0x2C48] =	vst v0  }
0x2bd: {  	[tilespmem:$0x2C58] =	vst v0  }
0x2be: {  	[tilespmem:$0x2C68] =	vst v0  }
0x2bf: {  	[tilespmem:$0x2C78] =	vst v0  }
0x2c0: {  	[tilespmem:$0x2C88] =	vst v0  }
0x2c1: {  	[tilespmem:$0x2C98] =	vst v0  }
0x2c2: {  	[tilespmem:$0x2CA8] =	vst v0  }
0x2c3: {  	[tilespmem:$0x2CB8] =	vst v0  }
0x2c4: {  	[tilespmem:$0x2CC8] =	vst v0  }
0x2c5: {  	[tilespmem:$0x2CD8] =	vst v0  }
0x2c6: {  	[tilespmem:$0x2CE8] =	vst v0  }
0x2c7: {  	[tilespmem:$0x2CF8] =	vst v0  }
0x2c8: {  	[tilespmem:$0x2D08] =	vst v0  }
0x2c9: {  	[tilespmem:$0x2D18] =	vst v0  }
0x2ca: {  	[tilespmem:$0x2D28] =	vst v0  }
0x2cb: {  	[tilespmem:$0x2D38] =	vst v0  }
0x2cc: {  	[tilespmem:$0x2D48] =	vst v0  }
0x2cd: {  	[tilespmem:$0x2D58] =	vst v0  }
0x2ce: {  	[tilespmem:$0x2D68] =	vst v0  }
0x2cf: {  	[tilespmem:$0x2D78] =	vst v0  }
0x2d0: {  	[tilespmem:$0x2D88] =	vst v0  }
0x2d1: {  	[tilespmem:$0x2D98] =	vst v0  }
0x2d2: {  	[tilespmem:$0x2DA8] =	vst v0  }
0x2d3: {  	[tilespmem:$0x2DB8] =	vst v0  }
0x2d4: {  	[tilespmem:$0x2DC8] =	vst v0  }
0x2d5: {  	[tilespmem:$0x2DD8] =	vst v0  }
0x2d6: {  	[tilespmem:$0x2DE8] =	vst v0  }
0x2d7: {  	[tilespmem:$0x2DF8] =	vst v0  }
0x2d8: {  	[tilespmem:$0x2E08] =	vst v0  }
0x2d9: {  	[tilespmem:$0x2E18] =	vst v0  }
0x2da: {  	[tilespmem:$0x2E28] =	vst v0  }
0x2db: {  	[tilespmem:$0x2E38] =	vst v0  }
0x2dc: {  	[tilespmem:$0x2E48] =	vst v0  }
0x2dd: {  	[tilespmem:$0x2E58] =	vst v0  }
0x2de: {  	[tilespmem:$0x2E68] =	vst v0  }
0x2df: {  	[tilespmem:$0x2E78] =	vst v0  }
0x2e0: {  	[tilespmem:$0x2E88] =	vst v0  }
0x2e1: {  	[tilespmem:$0x2E98] =	vst v0  }
0x2e2: {  	[tilespmem:$0x2EA8] =	vst v0  }
0x2e3: {  	[tilespmem:$0x2EB8] =	vst v0  }
0x2e4: {  	[tilespmem:$0x2EC8] =	vst v0  }
0x2e5: {  	[tilespmem:$0x2ED8] =	vst v0  }
0x2e6: {  	[tilespmem:$0x2EE8] =	vst v0  }
0x2e7: {  	[tilespmem:$0x2EF8] =	vst v0  }
0x2e8: {  	[tilespmem:$0x2F08] =	vst v0  }
0x2e9: {  	[tilespmem:$0x2F18] =	vst v0  }
0x2ea: {  	[tilespmem:$0x2F28] =	vst v0  }
0x2eb: {  	[tilespmem:$0x2F38] =	vst v0  }
0x2ec: {  	[tilespmem:$0x2F48] =	vst v0  }
0x2ed: {  	[tilespmem:$0x2F58] =	vst v0  }
0x2ee: {  	[tilespmem:$0x2F68] =	vst v0  }
0x2ef: {  	[tilespmem:$0x2F78] =	vst v0  }
0x2f0: {  	[tilespmem:$0x2F88] =	vst v0  }
0x2f1: {  	[tilespmem:$0x2F98] =	vst v0  }
0x2f2: {  	[tilespmem:$0x2FA8] =	vst v0  }
0x2f3: {  	[tilespmem:$0x2FB8] =	vst v0  }
0x2f4: {  	[tilespmem:$0x2FC8] =	vst v0  }
0x2f5: {  	[tilespmem:$0x2FD8] =	vst v0  }
0x2f6: {  	[tilespmem:$0x2FE8] =	vst v0  }
0x2f7: {  	[tilespmem:$0x2FF8] =	vst v0  }
0x2f8: {  	[tilespmem:$0x3008] =	vst v0  }
0x2f9: {  	[tilespmem:$0x3018] =	vst v0  }
0x2fa: {  	[tilespmem:$0x3028] =	vst v0  }
0x2fb: {  	[tilespmem:$0x3038] =	vst v0  }
0x2fc: {  	[tilespmem:$0x3048] =	vst v0  }
0x2fd: {  	[tilespmem:$0x3058] =	vst v0  }
0x2fe: {  	[tilespmem:$0x3068] =	vst v0  }
0x2ff: {  	[tilespmem:$0x3078] =	vst v0  }
0x300: {  	[tilespmem:$0x3088] =	vst v0  }
0x301: {  	[tilespmem:$0x3098] =	vst v0  }
0x302: {  	[tilespmem:$0x30A8] =	vst v0  }
0x303: {  	[tilespmem:$0x30B8] =	vst v0  }
0x304: {  	[tilespmem:$0x30C8] =	vst v0  }
0x305: {  	[tilespmem:$0x30D8] =	vst v0  }
0x306: {  	[tilespmem:$0x30E8] =	vst v0  }
0x307: {  	[tilespmem:$0x30F8] =	vst v0  }
0x308: {  	[tilespmem:$0x3108] =	vst v0  }
0x309: {  	[tilespmem:$0x3118] =	vst v0  }
0x30a: {  	[tilespmem:$0x3128] =	vst v0  }
0x30b: {  	[tilespmem:$0x3138] =	vst v0  }
0x30c: {  	[tilespmem:$0x3148] =	vst v0  }
0x30d: {  	[tilespmem:$0x3158] =	vst v0  }
0x30e: {  	[tilespmem:$0x3168] =	vst v0  }
0x30f: {  	[tilespmem:$0x3178] =	vst v0  }
0x310: {  	[tilespmem:$0x3188] =	vst v0  }
0x311: {  	[tilespmem:$0x3198] =	vst v0  }
0x312: {  	[tilespmem:$0x31A8] =	vst v0  }
0x313: {  	[tilespmem:$0x31B8] =	vst v0  }
0x314: {  	[tilespmem:$0x31C8] =	vst v0  }
0x315: {  	[tilespmem:$0x31D8] =	vst v0  }
0x316: {  	[tilespmem:$0x31E8] =	vst v0  }
0x317: {  	[tilespmem:$0x31F8] =	vst v0  }
0x318: {  	[tilespmem:$0x3208] =	vst v0  }
0x319: {  	[tilespmem:$0x3218] =	vst v0  }
0x31a: {  	[tilespmem:$0x3228] =	vst v0  }
0x31b: {  	[tilespmem:$0x3238] =	vst v0  }
0x31c: {  	[tilespmem:$0x3248] =	vst v0  }
0x31d: {  	[tilespmem:$0x3258] =	vst v0  }
0x31e: {  	[tilespmem:$0x3268] =	vst v0  }
0x31f: {  	[tilespmem:$0x3278] =	vst v0  }
0x320: {  	[tilespmem:$0x3288] =	vst v0  }
0x321: {  	[tilespmem:$0x3298] =	vst v0  }
0x322: {  	[tilespmem:$0x32A8] =	vst v0  }
0x323: {  	[tilespmem:$0x32B8] =	vst v0  }
0x324: {  	[tilespmem:$0x32C8] =	vst v0  }
0x325: {  	[tilespmem:$0x32D8] =	vst v0  }
0x326: {  	[tilespmem:$0x32E8] =	vst v0  }
0x327: {  	[tilespmem:$0x32F8] =	vst v0  }
0x328: {  	[tilespmem:$0x3308] =	vst v0  }
0x329: {  	[tilespmem:$0x3318] =	vst v0  }
0x32a: {  	[tilespmem:$0x3328] =	vst v0  }
0x32b: {  	[tilespmem:$0x3338] =	vst v0  }
0x32c: {  	[tilespmem:$0x3348] =	vst v0  }
0x32d: {  	[tilespmem:$0x3358] =	vst v0  }
0x32e: {  	[tilespmem:$0x3368] =	vst v0  }
0x32f: {  	[tilespmem:$0x3378] =	vst v0  }
0x330: {  	[tilespmem:$0x3388] =	vst v0  }
0x331: {  	[tilespmem:$0x3398] =	vst v0  }
0x332: {  	[tilespmem:$0x33A8] =	vst v0  }
0x333: {  	[tilespmem:$0x33B8] =	vst v0  }
0x334: {  	[tilespmem:$0x33C8] =	vst v0  }
0x335: {  	[tilespmem:$0x33D8] =	vst v0  }
0x336: {  	[tilespmem:$0x33E8] =	vst v0  }
0x337: {  	[tilespmem:$0x33F8] =	vst v0  }
0x338: {  	[tilespmem:$0x3408] =	vst v0  }
0x339: {  	[tilespmem:$0x3418] =	vst v0  }
0x33a: {  	[tilespmem:$0x3428] =	vst v0  }
0x33b: {  	[tilespmem:$0x3438] =	vst v0  }
0x33c: {  	[tilespmem:$0x3448] =	vst v0  }
0x33d: {  	[tilespmem:$0x3458] =	vst v0  }
0x33e: {  	[tilespmem:$0x3468] =	vst v0  }
0x33f: {  	[tilespmem:$0x3478] =	vst v0  }
0x340: {  	[tilespmem:$0x3488] =	vst v0  }
0x341: {  	[tilespmem:$0x3498] =	vst v0  }
0x342: {  	[tilespmem:$0x34A8] =	vst v0  }
0x343: {  	[tilespmem:$0x34B8] =	vst v0  }
0x344: {  	[tilespmem:$0x34C8] =	vst v0  }
0x345: {  	[tilespmem:$0x34D8] =	vst v0  }
0x346: {  	[tilespmem:$0x34E8] =	vst v0  }
0x347: {  	[tilespmem:$0x34F8] =	vst v0  }
0x348: {  	[tilespmem:$0x3508] =	vst v0  }
0x349: {  	[tilespmem:$0x3518] =	vst v0  }
0x34a: {  	[tilespmem:$0x3528] =	vst v0  }
0x34b: {  	[tilespmem:$0x3538] =	vst v0  }
0x34c: {  	[tilespmem:$0x3548] =	vst v0  }
0x34d: {  	[tilespmem:$0x3558] =	vst v0  }
0x34e: {  	[tilespmem:$0x3568] =	vst v0  }
0x34f: {  	[tilespmem:$0x3578] =	vst v0  }
0x350: {  	[tilespmem:$0x3588] =	vst v0  }
0x351: {  	[tilespmem:$0x3598] =	vst v0  }
0x352: {  	[tilespmem:$0x35A8] =	vst v0  }
0x353: {  	[tilespmem:$0x35B8] =	vst v0  }
0x354: {  	[tilespmem:$0x35C8] =	vst v0  }
0x355: {  	[tilespmem:$0x35D8] =	vst v0  }
0x356: {  	[tilespmem:$0x35E8] =	vst v0  }
0x357: {  	[tilespmem:$0x35F8] =	vst v0  }
0x358: {  	[tilespmem:$0x3608] =	vst v0  }
0x359: {  	[tilespmem:$0x3618] =	vst v0  }
0x35a: {  	[tilespmem:$0x3628] =	vst v0  }
0x35b: {  	[tilespmem:$0x3638] =	vst v0  }
0x35c: {  	[tilespmem:$0x3648] =	vst v0  }
0x35d: {  	[tilespmem:$0x3658] =	vst v0  }
0x35e: {  	[tilespmem:$0x3668] =	vst v0  }
0x35f: {  	[tilespmem:$0x3678] =	vst v0  }
0x360: {  	[tilespmem:$0x3688] =	vst v0  }
0x361: {  	[tilespmem:$0x3698] =	vst v0  }
0x362: {  	[tilespmem:$0x36A8] =	vst v0  }
0x363: {  	[tilespmem:$0x36B8] =	vst v0  }
0x364: {  	[tilespmem:$0x36C8] =	vst v0  }
0x365: {  	[tilespmem:$0x36D8] =	vst v0  }
0x366: {  	[tilespmem:$0x36E8] =	vst v0  }
0x367: {  	[tilespmem:$0x36F8] =	vst v0  }
0x368: {  	[tilespmem:$0x3708] =	vst v0  }
0x369: {  	[tilespmem:$0x3718] =	vst v0  }
0x36a: {  	[tilespmem:$0x3728] =	vst v0  }
0x36b: {  	[tilespmem:$0x3738] =	vst v0  }
0x36c: {  	[tilespmem:$0x3748] =	vst v0  }
0x36d: {  	[tilespmem:$0x3758] =	vst v0  }
0x36e: {  	[tilespmem:$0x3768] =	vst v0  }
0x36f: {  	[tilespmem:$0x3778] =	vst v0  }
0x370: {  	[tilespmem:$0x3788] =	vst v0  }
0x371: {  	[tilespmem:$0x3798] =	vst v0  }
0x372: {  	[tilespmem:$0x37A8] =	vst v0  }
0x373: {  	[tilespmem:$0x37B8] =	vst v0  }
0x374: {  	[tilespmem:$0x37C8] =	vst v0  }
0x375: {  	[tilespmem:$0x37D8] =	vst v0  }
0x376: {  	[tilespmem:$0x37E8] =	vst v0  }
0x377: {  	[tilespmem:$0x37F8] =	vst v0  }
0x378: {  	[tilespmem:$0x3808] =	vst v0  }
0x379: {  	[tilespmem:$0x3818] =	vst v0  }
0x37a: {  	[tilespmem:$0x3828] =	vst v0  }
0x37b: {  	[tilespmem:$0x3838] =	vst v0  }
0x37c: {  	[tilespmem:$0x3848] =	vst v0  }
0x37d: {  	[tilespmem:$0x3858] =	vst v0  }
0x37e: {  	[tilespmem:$0x3868] =	vst v0  }
0x37f: {  	[tilespmem:$0x3878] =	vst v0  }
0x380: {  	[tilespmem:$0x3888] =	vst v0  }
0x381: {  	[tilespmem:$0x3898] =	vst v0  }
0x382: {  	[tilespmem:$0x38A8] =	vst v0  }
0x383: {  	[tilespmem:$0x38B8] =	vst v0  }
0x384: {  	[tilespmem:$0x38C8] =	vst v0  }
0x385: {  	[tilespmem:$0x38D8] =	vst v0  }
0x386: {  	[tilespmem:$0x38E8] =	vst v0  }
0x387: {  	[tilespmem:$0x4818] =	vst v0  }
0x388: {  	[tilespmem:$0x4828] =	vst v0  }
0x389: {  	[tilespmem:$0x38F8] =	vst v0  }
0x38a: {  	[tilespmem:$0x3908] =	vst v0  }
0x38b: {  	[tilespmem:$0x3918] =	vst v0  }
0x38c: {  	[tilespmem:$0x3928] =	vst v0  }
0x38d: {  	[tilespmem:$0x3938] =	vst v0  }
0x38e: {  	[tilespmem:$0x3948] =	vst v0  }
0x38f: {  	[tilespmem:$0x3958] =	vst v0  }
0x390: {  	[tilespmem:$0x3968] =	vst v0  }
0x391: {  	[tilespmem:$0x3978] =	vst v0  }
0x392: {  	[tilespmem:$0x3988] =	vst v0  }
0x393: {  	[tilespmem:$0x3998] =	vst v0  }
0x394: {  	[tilespmem:$0x39A8] =	vst v0  }
0x395: {  	[tilespmem:$0x39B8] =	vst v0  }
0x396: {  	[tilespmem:$0x39C8] =	vst v0  }
0x397: {  	[tilespmem:$0x39D8] =	vst v0  }
0x398: {  	[tilespmem:$0x39E8] =	vst v0  }
0x399: {  	[tilespmem:$0x39F8] =	vst v0  }
0x39a: {  	[tilespmem:$0x3A08] =	vst v0  }
0x39b: {  	[tilespmem:$0x3A18] =	vst v0  }
0x39c: {  	[tilespmem:$0x3A28] =	vst v0  }
0x39d: {  	[tilespmem:$0x3A38] =	vst v0  }
0x39e: {  	[tilespmem:$0x3A48] =	vst v0  }
0x39f: {  	[tilespmem:$0x3A58] =	vst v0  }
0x3a0: {  	[tilespmem:$0x3A68] =	vst v0  }
0x3a1: {  	[tilespmem:$0x3A78] =	vst v0  }
0x3a2: {  	[tilespmem:$0x3A88] =	vst v0  }
0x3a3: {  	[tilespmem:$0x3A98] =	vst v0  }
0x3a4: {  	[tilespmem:$0x3AA8] =	vst v0  }
0x3a5: {  	[tilespmem:$0x3AB8] =	vst v0  }
0x3a6: {  	[tilespmem:$0x3AC8] =	vst v0  }
0x3a7: {  	[tilespmem:$0x3AD8] =	vst v0  }
0x3a8: {  	[tilespmem:$0x3AE8] =	vst v0  }
0x3a9: {  	[tilespmem:$0x3AF8] =	vst v0  }
0x3aa: {  	[tilespmem:$0x3B08] =	vst v0  }
0x3ab: {  	[tilespmem:$0x3B18] =	vst v0  }
0x3ac: {  	[tilespmem:$0x3B28] =	vst v0  }
0x3ad: {  	[tilespmem:$0x3B38] =	vst v0  }
0x3ae: {  	[tilespmem:$0x3B48] =	vst v0  }
0x3af: {  	[tilespmem:$0x3B58] =	vst v0  }
0x3b0: {  	[tilespmem:$0x3B68] =	vst v0  }
0x3b1: {  	[tilespmem:$0x3B78] =	vst v0  }
0x3b2: {  	[tilespmem:$0x3B88] =	vst v0  }
0x3b3: {  	[tilespmem:$0x3B98] =	vst v0  }
0x3b4: {  	[tilespmem:$0x3BA8] =	vst v0  }
0x3b5: {  	[tilespmem:$0x3BB8] =	vst v0  }
0x3b6: {  	[tilespmem:$0x3BC8] =	vst v0  }
0x3b7: {  	[tilespmem:$0x3BD8] =	vst v0  }
0x3b8: {  	[tilespmem:$0x3BE8] =	vst v0  }
0x3b9: {  	[tilespmem:$0x3BF8] =	vst v0  }
0x3ba: {  	[tilespmem:$0x3C08] =	vst v0  }
0x3bb: {  	[tilespmem:$0x3C18] =	vst v0  }
0x3bc: {  	[tilespmem:$0x3C28] =	vst v0  }
0x3bd: {  	[tilespmem:$0x3C38] =	vst v0  }
0x3be: {  	[tilespmem:$0x3C48] =	vst v0  }
0x3bf: {  	[tilespmem:$0x3C58] =	vst v0  }
0x3c0: {  	[tilespmem:$0x3C68] =	vst v0  }
0x3c1: {  	[tilespmem:$0x3C78] =	vst v0  }
0x3c2: {  	[tilespmem:$0x3C88] =	vst v0  }
0x3c3: {  	[tilespmem:$0x3C98] =	vst v0  }
0x3c4: {  	[tilespmem:$0x3CA8] =	vst v0  }
0x3c5: {  	[tilespmem:$0x3CB8] =	vst v0  }
0x3c6: {  	[tilespmem:$0x3CC8] =	vst v0  }
0x3c7: {  	[tilespmem:$0x3CD8] =	vst v0  }
0x3c8: {  	[tilespmem:$0x3CE8] =	vst v0  }
0x3c9: {  	[tilespmem:$0x3CF8] =	vst v0  }
0x3ca: {  	[tilespmem:$0x3D08] =	vst v0  }
0x3cb: {  	[tilespmem:$0x3D18] =	vst v0  }
0x3cc: {  	[tilespmem:$0x3D28] =	vst v0  }
0x3cd: {  	[tilespmem:$0x3D38] =	vst v0  }
0x3ce: {  	[tilespmem:$0x3D48] =	vst v0  }
0x3cf: {  	[tilespmem:$0x3D58] =	vst v0  }
0x3d0: {  	[tilespmem:$0x3D68] =	vst v0  }
0x3d1: {  	[tilespmem:$0x3D78] =	vst v0  }
0x3d2: {  	[tilespmem:$0x3D88] =	vst v0  }
0x3d3: {  	[tilespmem:$0x3D98] =	vst v0  }
0x3d4: {  	[tilespmem:$0x3DA8] =	vst v0  }
0x3d5: {  	[tilespmem:$0x3DB8] =	vst v0  }
0x3d6: {  	[tilespmem:$0x3DC8] =	vst v0  }
0x3d7: {  	[tilespmem:$0x3DD8] =	vst v0  }
0x3d8: {  	[tilespmem:$0x3DE8] =	vst v0  }
0x3d9: {  	[tilespmem:$0x3DF8] =	vst v0  }
0x3da: {  	[tilespmem:$0x3E08] =	vst v0  }
0x3db: {  	[tilespmem:$0x3E18] =	vst v0  }
0x3dc: {  	[tilespmem:$0x3E28] =	vst v0  }
0x3dd: {  	[tilespmem:$0x3E38] =	vst v0  }
0x3de: {  	[tilespmem:$0x3E48] =	vst v0  }
0x3df: {  	[tilespmem:$0x3E58] =	vst v0  }
0x3e0: {  	[tilespmem:$0x3E68] =	vst v0  }
0x3e1: {  	[tilespmem:$0x3E78] =	vst v0  }
0x3e2: {  	[tilespmem:$0x3E88] =	vst v0  }
0x3e3: {  	[tilespmem:$0x3E98] =	vst v0  }
0x3e4: {  	[tilespmem:$0x3EA8] =	vst v0  }
0x3e5: {  	[tilespmem:$0x3EB8] =	vst v0  }
0x3e6: {  	[tilespmem:$0x3EC8] =	vst v0  }
0x3e7: {  	[tilespmem:$0x3ED8] =	vst v0  }
0x3e8: {  	[tilespmem:$0x3EE8] =	vst v0  }
0x3e9: {  	[tilespmem:$0x3EF8] =	vst v0  }
0x3ea: {  	[tilespmem:$0x3F08] =	vst v0  }
0x3eb: {  	[tilespmem:$0x3F18] =	vst v0  }
0x3ec: {  	[tilespmem:$0x3F28] =	vst v0  }
0x3ed: {  	[tilespmem:$0x3F38] =	vst v0  }
0x3ee: {  	[tilespmem:$0x3F48] =	vst v0  }
0x3ef: {  	[tilespmem:$0x3F58] =	vst v0  }
0x3f0: {  	[tilespmem:$0x3F68] =	vst v0  }
0x3f1: {  	[tilespmem:$0x3F78] =	vst v0  }
0x3f2: {  	[tilespmem:$0x3F88] =	vst v0  }
0x3f3: {  	[tilespmem:$0x3F98] =	vst v0  }
0x3f4: {  	[tilespmem:$0x3FA8] =	vst v0  }
0x3f5: {  	[tilespmem:$0x3FB8] =	vst v0  }
0x3f6: {  	[tilespmem:$0x3FC8] =	vst v0  }
0x3f7: {  	[tilespmem:$0x3FD8] =	vst v0  }
0x3f8: {  	[tilespmem:$0x3FE8] =	vst v0  }
0x3f9: {  	[tilespmem:$0x3FF8] =	vst v0  }
0x3fa: {  	[tilespmem:$0x4008] =	vst v0  }
0x3fb: {  	[tilespmem:$0x4018] =	vst v0  }
0x3fc: {  	[tilespmem:$0x4028] =	vst v0  }
0x3fd: {  	[tilespmem:$0x4038] =	vst v0  }
0x3fe: {  	[tilespmem:$0x4048] =	vst v0  }
0x3ff: {  	[tilespmem:$0x4058] =	vst v0  }
0x400: {  	[tilespmem:$0x4068] =	vst v0  }
0x401: {  	[tilespmem:$0x4078] =	vst v0  }
0x402: {  	[tilespmem:$0x4088] =	vst v0  }
0x403: {  	[tilespmem:$0x4098] =	vst v0  }
0x404: {  	[tilespmem:$0x40A8] =	vst v0  }
0x405: {  	[tilespmem:$0x40B8] =	vst v0  }
0x406: {  	[tilespmem:$0x40C8] =	vst v0  }
0x407: {  	[tilespmem:$0x40D8] =	vst v0  }
0x408: {  	[tilespmem:$0x40E8] =	vst v0  }
0x409: {  	[tilespmem:$0x40F8] =	vst v0  }
0x40a: {  	[tilespmem:$0x4108] =	vst v0  }
0x40b: {  	[tilespmem:$0x4118] =	vst v0  }
0x40c: {  	[tilespmem:$0x4128] =	vst v0  }
0x40d: {  	[tilespmem:$0x4138] =	vst v0  }
0x40e: {  	[tilespmem:$0x4148] =	vst v0  }
0x40f: {  	[tilespmem:$0x4158] =	vst v0  }
0x410: {  	[tilespmem:$0x4168] =	vst v0  }
0x411: {  	[tilespmem:$0x4178] =	vst v0  }
0x412: {  	[tilespmem:$0x4188] =	vst v0  }
0x413: {  	[tilespmem:$0x4198] =	vst v0  }
0x414: {  	[tilespmem:$0x41A8] =	vst v0  }
0x415: {  	[tilespmem:$0x41B8] =	vst v0  }
0x416: {  	[tilespmem:$0x41C8] =	vst v0  }
0x417: {  	[tilespmem:$0x41D8] =	vst v0  }
0x418: {  	[tilespmem:$0x41E8] =	vst v0  }
0x419: {  	[tilespmem:$0x41F8] =	vst v0  }
0x41a: {  	[tilespmem:$0x4208] =	vst v0  }
0x41b: {  	[tilespmem:$0x4218] =	vst v0  }
0x41c: {  	[tilespmem:$0x4228] =	vst v0  }
0x41d: {  	[tilespmem:$0x4238] =	vst v0  }
0x41e: {  	[tilespmem:$0x4248] =	vst v0  }
0x41f: {  	[tilespmem:$0x4258] =	vst v0  }
0x420: {  	[tilespmem:$0x4268] =	vst v0  }
0x421: {  	[tilespmem:$0x4278] =	vst v0  }
0x422: {  	[tilespmem:$0x4288] =	vst v0  }
0x423: {  	[tilespmem:$0x4298] =	vst v0  }
0x424: {  	[tilespmem:$0x42A8] =	vst v0  }
0x425: {  	[tilespmem:$0x42B8] =	vst v0  }
0x426: {  	[tilespmem:$0x42C8] =	vst v0  }
0x427: {  	[tilespmem:$0x42D8] =	vst v0  }
0x428: {  	[tilespmem:$0x42E8] =	vst v0  }
0x429: {  	[tilespmem:$0x42F8] =	vst v0  }
0x42a: {  	[tilespmem:$0x4308] =	vst v0  }
0x42b: {  	[tilespmem:$0x4318] =	vst v0  }
0x42c: {  	[tilespmem:$0x4328] =	vst v0  }
0x42d: {  	[tilespmem:$0x4338] =	vst v0  }
0x42e: {  	[tilespmem:$0x4348] =	vst v0  }
0x42f: {  	[tilespmem:$0x4358] =	vst v0  }
0x430: {  	[tilespmem:$0x4368] =	vst v0  }
0x431: {  	[tilespmem:$0x4378] =	vst v0  }
0x432: {  	[tilespmem:$0x4388] =	vst v0  }
0x433: {  	[tilespmem:$0x4398] =	vst v0  }
0x434: {  	[tilespmem:$0x43A8] =	vst v0  }
0x435: {  	[tilespmem:$0x43B8] =	vst v0  }
0x436: {  	[tilespmem:$0x43C8] =	vst v0  }
0x437: {  	[tilespmem:$0x43D8] =	vst v0  }
0x438: {  	[tilespmem:$0x43E8] =	vst v0  }
0x439: {  	[tilespmem:$0x43F8] =	vst v0  }
0x43a: {  	[tilespmem:$0x4408] =	vst v0  }
0x43b: {  	[tilespmem:$0x4418] =	vst v0  }
0x43c: {  	[tilespmem:$0x4428] =	vst v0  }
0x43d: {  	[tilespmem:$0x4438] =	vst v0  }
0x43e: {  	[tilespmem:$0x4448] =	vst v0  }
0x43f: {  	[tilespmem:$0x4458] =	vst v0  }
0x440: {  	[tilespmem:$0x4468] =	vst v0  }
0x441: {  	[tilespmem:$0x4478] =	vst v0  }
0x442: {  	[tilespmem:$0x4488] =	vst v0  }
0x443: {  	[tilespmem:$0x4498] =	vst v0  }
0x444: {  	[tilespmem:$0x44A8] =	vst v0  }
0x445: {  	[tilespmem:$0x44B8] =	vst v0  }
0x446: {  	[tilespmem:$0x44C8] =	vst v0  }
0x447: {  	[tilespmem:$0x44D8] =	vst v0  }
0x448: {  	[tilespmem:$0x44E8] =	vst v0  }
0x449: {  	[tilespmem:$0x44F8] =	vst v0  }
0x44a: {  	[tilespmem:$0x4508] =	vst v0  }
0x44b: {  	[tilespmem:$0x4518] =	vst v0  }
0x44c: {  	[tilespmem:$0x4528] =	vst v0  }
0x44d: {  	[tilespmem:$0x4538] =	vst v0  }
0x44e: {  	[tilespmem:$0x4548] =	vst v0  }
0x44f: {  	[tilespmem:$0x4558] =	vst v0  }
0x450: {  	[tilespmem:$0x4568] =	vst v0  }
0x451: {  	[tilespmem:$0x4578] =	vst v0  }
0x452: {  	[tilespmem:$0x4588] =	vst v0  }
0x453: {  	[tilespmem:$0x4598] =	vst v0  }
0x454: {  	[tilespmem:$0x45A8] =	vst v0  }
0x455: {  	[tilespmem:$0x45B8] =	vst v0  }
0x456: {  	[tilespmem:$0x45C8] =	vst v0  }
0x457: {  	[tilespmem:$0x45D8] =	vst v0  }
0x458: {  	[tilespmem:$0x45E8] =	vst v0  }
0x459: {  	[tilespmem:$0x45F8] =	vst v0  }
0x45a: {  	[tilespmem:$0x4608] =	vst v0  }
0x45b: {  	[tilespmem:$0x4618] =	vst v0  }
0x45c: {  	[tilespmem:$0x4628] =	vst v0  }
0x45d: {  	[tilespmem:$0x4638] =	vst v0  }
0x45e: {  	[tilespmem:$0x4648] =	vst v0  }
0x45f: {  	[tilespmem:$0x4658] =	vst v0  }
0x460: {  	[tilespmem:$0x4668] =	vst v0  }
0x461: {  	[tilespmem:$0x4678] =	vst v0  }
0x462: {  	[tilespmem:$0x4688] =	vst v0  }
0x463: {  	[tilespmem:$0x4698] =	vst v0  }
0x464: {  	[tilespmem:$0x46A8] =	vst v0  }
0x465: {  	[tilespmem:$0x46B8] =	vst v0  }
0x466: {  	[tilespmem:$0x46C8] =	vst v0  }
0x467: {  	[tilespmem:$0x46D8] =	vst v0  }
0x468: {  	[tilespmem:$0x46E8] =	vst v0  }
0x469: {  	[tilespmem:$0x46F8] =	vst v0  }
0x46a: {  	[tilespmem:$0x4708] =	vst v0  }
0x46b: {  	[tilespmem:$0x4718] =	vst v0  }
0x46c: {  	[tilespmem:$0x4728] =	vst v0  }
0x46d: {  	[tilespmem:$0x4738] =	vst v0  }
0x46e: {  	[tilespmem:$0x4748] =	vst v0  }
0x46f: {  	[tilespmem:$0x4758] =	vst v0  }
0x470: {  	[tilespmem:$0x4768] =	vst v0  }
0x471: {  	[tilespmem:$0x4778] =	vst v0  }
0x472: {  	[tilespmem:$0x4788] =	vst v0  }
0x473: {  	[tilespmem:$0x4798] =	vst v0  }
0x474: {  	[tilespmem:$0x47A8] =	vst v0  }
0x475: {  	[tilespmem:$0x47B8] =	vst v0  }
0x476: {  	[tilespmem:$0x47C8] =	vst v0  }
0x477: {  	[tilespmem:$0x47D8] =	vst v0  }
0x478: {  	[tilespmem:$0x47E8] =	vst v0  }
0x479: {  	[tilespmem:$0x47F8] =	vst v0  }
0x47a: {  	[tilespmem:$0x4808] =	vst v0  }
0x47b: {  	[tilespmem:$0x4838] =	vst v0  }
0x47c: {  	[tilespmem:$0x4848] =	vst v0  }
0x47d: {  	[tilespmem:$0x4858] =	vst v0  }
0x47e: {  	[tilespmem:$0x4868] =	vst v0  }
0x47f: {  	[tilespmem:$0x4878] =	vst v0  }
0x480: {  	[tilespmem:$0x4888] =	vst v0  }
0x481: {  	[tilespmem:$0x4898] =	vst v0  }
0x482: {  	[tilespmem:$0x48A8] =	vst v0  }
0x483: {  	[tilespmem:$0x48B8] =	vst v0  }
0x484: {  	[tilespmem:$0x48C8] =	vst v0  }
0x485: {  	[tilespmem:$0x48D8] =	vst v0  }
0x486: {  	[tilespmem:$0x48E8] =	vst v0  }
0x487: {  	[tilespmem:$0x48F8] =	vst v0  }
0x488: {  	[tilespmem:$0x4908] =	vst v0  }
0x489: {  	[tilespmem:$0x4918] =	vst v0  }
0x48a: {  	[tilespmem:$0x4928] =	vst v0  }
0x48b: {  	[tilespmem:$0x4938] =	vst v0  }
0x48c: {  	[tilespmem:$0x4948] =	vst v0  }
0x48d: {  	[tilespmem:$0x4958] =	vst v0  }
0x48e: {  	[tilespmem:$0x4968] =	vst v0  }
0x48f: {  	[tilespmem:$0x4978] =	vst v0  }
0x490: {  	[tilespmem:$0x4988] =	vst v0  }
0x491: {  	[tilespmem:$0x4998] =	vst v0  }
0x492: {  	[tilespmem:$0x49A8] =	vst v0  }
0x493: {  	[tilespmem:$0x49B8] =	vst v0  }
0x494: {  	[tilespmem:$0x49C8] =	vst v0  }
0x495: {  	[tilespmem:$0x49D8] =	vst v0  }
0x496: {  	[tilespmem:$0x49E8] =	vst v0  }
0x497: {  	[tilespmem:$0x49F8] =	vst v0  }
0x498: {  	[tilespmem:$0x4A08] =	vst v0  }
0x499: {  	[tilespmem:$0x4A18] =	vst v0  }
0x49a: {  	[tilespmem:$0x4A28] =	vst v0  }
0x49b: {  	[tilespmem:$0x4A38] =	vst v0  }
0x49c: {  	[tilespmem:$0x4A48] =	vst v0  }
0x49d: {  	[tilespmem:$0x4A58] =	vst v0  }
0x49e: {  	[tilespmem:$0x4A68] =	vst v0  }
0x49f: {  	[tilespmem:$0x4A78] =	vst v0  }
0x4a0: {  	[tilespmem:$0x4A88] =	vst v0  }
0x4a1: {  	[tilespmem:$0x4A98] =	vst v0  }
0x4a2: {  	[tilespmem:$0x4AA8] =	vst v0  }
0x4a3: {  	[tilespmem:$0x4AB8] =	vst v0  }
0x4a4: {  	[tilespmem:$0x4AC8] =	vst v0  }
0x4a5: {  	[tilespmem:$0x4AD8] =	vst v0  }
0x4a6: {  	[tilespmem:$0x4AE8] =	vst v0  }
0x4a7: {  	[tilespmem:$0x4AF8] =	vst v0  }
0x4a8: {  	[tilespmem:$0x4B08] =	vst v0  }
0x4a9: {  	[tilespmem:$0x4B18] =	vst v0  }
0x4aa: {  	[tilespmem:$0x4B28] =	vst v0  }
0x4ab: {  	[tilespmem:$0x4B38] =	vst v0  }
0x4ac: {  	[tilespmem:$0x4B48] =	vst v0  }
0x4ad: {  	[tilespmem:$0x4B58] =	vst v0  }
0x4ae: {  	[tilespmem:$0x4B68] =	vst v0  }
0x4af: {  	[tilespmem:$0x4B78] =	vst v0  }
0x4b0: {  	[tilespmem:$0x4B88] =	vst v0  }
0x4b1: {  	[tilespmem:$0x4B98] =	vst v0  }
0x4b2: {  	[tilespmem:$0x4BA8] =	vst v0  }
0x4b3: {  	[tilespmem:$0x4BB8] =	vst v0  }
0x4b4: {  	[tilespmem:$0x4BC8] =	vst v0  }
0x4b5: {  	[tilespmem:$0x4BD8] =	vst v0  }
0x4b6: {  	[tilespmem:$0x4BE8] =	vst v0  }
0x4b7: {  	[tilespmem:$0x4BF8] =	vst v0  }
0x4b8: {  	[tilespmem:$0x4C08] =	vst v0  }
0x4b9: {  	[tilespmem:$0x4C18] =	vst v0  }
0x4ba: {  	[tilespmem:$0x4C28] =	vst v0  }
0x4bb: {  	[tilespmem:$0x4C38] =	vst v0  }
0x4bc: {  	[tilespmem:$0x4C48] =	vst v0  }
0x4bd: {  	[tilespmem:$0x4C58] =	vst v0  }
0x4be: {  	[tilespmem:$0x4C68] =	vst v0  }
0x4bf: {  	[tilespmem:$0x4C78] =	vst v0  }
0x4c0: {  	[tilespmem:$0x4C88] =	vst v0  }
0x4c1: {  	[tilespmem:$0x4C98] =	vst v0  }
0x4c2: {  	[tilespmem:$0x4CA8] =	vst v0  }
0x4c3: {  	[tilespmem:$0x4CB8] =	vst v0  }
0x4c4: {  	[tilespmem:$0x4CC8] =	vst v0  }
0x4c5: {  	[tilespmem:$0x4CD8] =	vst v0  }
0x4c6: {  	[tilespmem:$0x4CE8] =	vst v0  }
0x4c7: {  	[tilespmem:$0x4CF8] =	vst v0  }
0x4c8: {  	[tilespmem:$0x4D08] =	vst v0  }
0x4c9: {  	[tilespmem:$0x4D18] =	vst v0  }
0x4ca: {  	[tilespmem:$0x4D28] =	vst v0  }
0x4cb: {  	[tilespmem:$0x4D38] =	vst v0  }
0x4cc: {  	[tilespmem:$0x4D48] =	vst v0  }
0x4cd: {  	[tilespmem:$0x4D58] =	vst v0  }
0x4ce: {  	[tilespmem:$0x4D68] =	vst v0  }
0x4cf: {  	[tilespmem:$0x4D78] =	vst v0  }
0x4d0: {  	[tilespmem:$0x4D88] =	vst v0  }
0x4d1: {  	[tilespmem:$0x4D98] =	vst v0  }
0x4d2: {  	[tilespmem:$0x4DA8] =	vst v0  }
0x4d3: {  	[tilespmem:$0x4DB8] =	vst v0  }
0x4d4: {  	[tilespmem:$0x4DC8] =	vst v0  }
0x4d5: {  	[tilespmem:$0x4DD8] =	vst v0  }
0x4d6: {  	[tilespmem:$0x4DE8] =	vst v0  }
0x4d7: {  	[tilespmem:$0x4DF8] =	vst v0  }
0x4d8: {  	[tilespmem:$0x4E08] =	vst v0  }
0x4d9: {  	[tilespmem:$0x4E18] =	vst v0  }
0x4da: {  	[tilespmem:$0x4E28] =	vst v0  }
0x4db: {  	[tilespmem:$0x4E38] =	vst v0  }
0x4dc: {  	[tilespmem:$0x4E48] =	vst v0  }
0x4dd: {  	[tilespmem:$0x4E58] =	vst v0  }
0x4de: {  	[tilespmem:$0x4E68] =	vst v0  }
0x4df: {  	[tilespmem:$0x4E78] =	vst v0  }
0x4e0: {  	[tilespmem:$0x4E88] =	vst v0  }
0x4e1: {  	[tilespmem:$0x4E98] =	vst v0  }
0x4e2: {  	[tilespmem:$0x4EA8] =	vst v0  }
0x4e3: {  	[tilespmem:$0x4EB8] =	vst v0  }
0x4e4: {  	[tilespmem:$0x4EC8] =	vst v0  }
0x4e5: {  	[tilespmem:$0x4ED8] =	vst v0  }
0x4e6: {  	[tilespmem:$0x4EE8] =	vst v0  }
0x4e7: {  	[tilespmem:$0x4EF8] =	vst v0  }
0x4e8: {  	[tilespmem:$0x4F08] =	vst v0  }
0x4e9: {  	[tilespmem:$0x4F18] =	vst v0  }
0x4ea: {  	[tilespmem:$0x4F28] =	vst v0  }
0x4eb: {  	[tilespmem:$0x4F38] =	vst v0  }
0x4ec: {  	[tilespmem:$0x4F48] =	vst v0  }
0x4ed: {  	[tilespmem:$0x4F58] =	vst v0  }
0x4ee: {  	[tilespmem:$0x4F68] =	vst v0  }
0x4ef: {  	[tilespmem:$0x4F78] =	vst v0  }
0x4f0: {  	[tilespmem:$0x4F88] =	vst v0  }
0x4f1: {  	[tilespmem:$0x4F98] =	vst v0  }
0x4f2: {  	[tilespmem:$0x4FA8] =	vst v0  }
0x4f3: {  	[tilespmem:$0x4FB8] =	vst v0  }
0x4f4: {  	[tilespmem:$0x4FC8] =	vst v0  }
0x4f5: {  	[tilespmem:$0x4FD8] =	vst v0  }
0x4f6: {  	[tilespmem:$0x4FE8] =	vst v0  }
0x4f7: {  	[tilespmem:$0x4FF8] =	vst v0  }
0x4f8: {  	[tilespmem:$0x5008] =	vst v0  }
0x4f9: {  	[tilespmem:$0x5018] =	vst v0  }
0x4fa: {  	[tilespmem:$0x5028] =	vst v0  }
0x4fb: {  	[tilespmem:$0x5038] =	vst v0  }
0x4fc: {  	[tilespmem:$0x5048] =	vst v0  }
0x4fd: {  	[tilespmem:$0x5058] =	vst v0  }
0x4fe: {  	[tilespmem:$0x5068] =	vst v0  }
0x4ff: {  	[tilespmem:$0x5078] =	vst v0  }
0x500: {  	[tilespmem:$0x5088] =	vst v0  }
0x501: {  	[tilespmem:$0x5098] =	vst v0  }
0x502: {  	[tilespmem:$0x50A8] =	vst v0  }
0x503: {  	[tilespmem:$0x50B8] =	vst v0  }
0x504: {  	[tilespmem:$0x50C8] =	vst v0  }
0x505: {  	[tilespmem:$0x50D8] =	vst v0  }
0x506: {  	[tilespmem:$0x50E8] =	vst v0  }
0x507: {  	[tilespmem:$0x50F8] =	vst v0  }
0x508: {  	[tilespmem:$0x5108] =	vst v0  }
0x509: {  	[tilespmem:$0x5118] =	vst v0  }
0x50a: {  	[tilespmem:$0x5128] =	vst v0  }
0x50b: {  	[tilespmem:$0x5138] =	vst v0  }
0x50c: {  	[tilespmem:$0x5148] =	vst v0  }
0x50d: {  	[tilespmem:$0x5158] =	vst v0  }
0x50e: {  	[tilespmem:$0x5168] =	vst v0  }
0x50f: {  	[tilespmem:$0x5178] =	vst v0  }
0x510: {  	[tilespmem:$0x5188] =	vst v0  }
0x511: {  	[tilespmem:$0x5198] =	vst v0  }
0x512: {  	[tilespmem:$0x51A8] =	vst v0  }
0x513: {  	[tilespmem:$0x51B8] =	vst v0  }
0x514: {  	[tilespmem:$0x51C8] =	vst v0  }
0x515: {  	[tilespmem:$0x51D8] =	vst v0  }
0x516: {  	[tilespmem:$0x51E8] =	vst v0  }
0x517: {  	[tilespmem:$0x51F8] =	vst v0  }
0x518: {  	[tilespmem:$0x5208] =	vst v0  }
0x519: {  	[tilespmem:$0x5218] =	vst v0  }
0x51a: {  	[tilespmem:$0x5228] =	vst v0  }
0x51b: {  	[tilespmem:$0x5238] =	vst v0  }
0x51c: {  	[tilespmem:$0x5248] =	vst v0  }
0x51d: {  	[tilespmem:$0x5258] =	vst v0  }
0x51e: {  	[tilespmem:$0x5268] =	vst v0  }
0x51f: {  	[tilespmem:$0x5278] =	vst v0  }
0x520: {  	[tilespmem:$0x5288] =	vst v0  }
0x521: {  	[tilespmem:$0x5298] =	vst v0  }
0x522: {  	[tilespmem:$0x52A8] =	vst v0  }
0x523: {  	[tilespmem:$0x52B8] =	vst v0  }
0x524: {  	[tilespmem:$0x52C8] =	vst v0  }
0x525: {  	[tilespmem:$0x52D8] =	vst v0  }
0x526: {  	[tilespmem:$0x52E8] =	vst v0  }
0x527: {  	[tilespmem:$0x52F8] =	vst v0  }
0x528: {  	[tilespmem:$0x5308] =	vst v0  }
0x529: {  	[tilespmem:$0x5318] =	vst v0  }
0x52a: {  	[tilespmem:$0x5328] =	vst v0  }
0x52b: {  	[tilespmem:$0x5338] =	vst v0  }
0x52c: {  	[tilespmem:$0x5348] =	vst v0  }
0x52d: {  	[tilespmem:$0x5358] =	vst v0  }
0x52e: {  	[tilespmem:$0x5368] =	vst v0  }
0x52f: {  	[tilespmem:$0x5378] =	vst v0  }
0x530: {  	[tilespmem:$0x5388] =	vst v0  }
0x531: {  	[tilespmem:$0x5398] =	vst v0  }
0x532: {  	[tilespmem:$0x53A8] =	vst v0  }
0x533: {  	[tilespmem:$0x53B8] =	vst v0  }
0x534: {  	[tilespmem:$0x53C8] =	vst v0  }
0x535: {  	[tilespmem:$0x53D8] =	vst v0  }
0x536: {  	[tilespmem:$0x53E8] =	vst v0  }
0x537: {  	[tilespmem:$0x53F8] =	vst v0  }
0x538: {  	[tilespmem:$0x5408] =	vst v0  }
0x539: {  	[tilespmem:$0x5418] =	vst v0  }
0x53a: {  	[tilespmem:$0x5428] =	vst v0  }
0x53b: {  	[tilespmem:$0x5438] =	vst v0  }
0x53c: {  	[tilespmem:$0x5448] =	vst v0  }
0x53d: {  	[tilespmem:$0x5458] =	vst v0  }
0x53e: {  	[tilespmem:$0x5468] =	vst v0  }
0x53f: {  	[tilespmem:$0x5478] =	vst v0  }
0x540: {  	[tilespmem:$0x5488] =	vst v0  }
0x541: {  	[tilespmem:$0x5498] =	vst v0  }
0x542: {  	[tilespmem:$0x54A8] =	vst v0  }
0x543: {  	[tilespmem:$0x54B8] =	vst v0  }
0x544: {  	[tilespmem:$0x54C8] =	vst v0  }
0x545: {  	[tilespmem:$0x54D8] =	vst v0  }
0x546: {  	[tilespmem:$0x54E8] =	vst v0  }
0x547: {  	[tilespmem:$0x54F8] =	vst v0  }
0x548: {  	[tilespmem:$0x5508] =	vst v0  }
0x549: {  	[tilespmem:$0x5518] =	vst v0  }
0x54a: {  	[tilespmem:$0x5528] =	vst v0  }
0x54b: {  	[tilespmem:$0x5538] =	vst v0  }
0x54c: {  	[tilespmem:$0x5548] =	vst v0  }
0x54d: {  	[tilespmem:$0x5558] =	vst v0  }
0x54e: {  	[tilespmem:$0x5568] =	vst v0  }
0x54f: {  	[tilespmem:$0x5578] =	vst v0  }
0x550: {  	[tilespmem:$0x5588] =	vst v0  }
0x551: {  	[tilespmem:$0x5598] =	vst v0  }
0x552: {  	[tilespmem:$0x55A8] =	vst v0  }
0x553: {  	[tilespmem:$0x55B8] =	vst v0  }
0x554: {  	[tilespmem:$0x55C8] =	vst v0  }
0x555: {  	[tilespmem:$0x55D8] =	vst v0  }
0x556: {  	[tilespmem:$0x55E8] =	vst v0  }
0x557: {  	[tilespmem:$0x55F8] =	vst v0  }
0x558: {  	[tilespmem:$0x5608] =	vst v0  }
0x559: {  	[tilespmem:$0x5618] =	vst v0  }
0x55a: {  	[tilespmem:$0x5628] =	vst v0  }
0x55b: {  	[tilespmem:$0x5638] =	vst v0  }
0x55c: {  	[tilespmem:$0x5648] =	vst v0  }
0x55d: {  	[tilespmem:$0x5658] =	vst v0  }
0x55e: {  	[tilespmem:$0x5668] =	vst v0  }
0x55f: {  	[tilespmem:$0x5678] =	vst v0  }
0x560: {  	[tilespmem:$0x5688] =	vst v0  }
0x561: {  	[tilespmem:$0x5698] =	vst v0  }
0x562: {  	[tilespmem:$0x56A8] =	vst v0  }
0x563: {  	[tilespmem:$0x56B8] =	vst v0  }
0x564: {  	[tilespmem:$0x56C8] =	vst v0  }
0x565: {  	[tilespmem:$0x56D8] =	vst v0  }
0x566: {  	[tilespmem:$0x56E8] =	vst v0  }
0x567: {  	[tilespmem:$0x56F8] =	vst v0  }
0x568: {  	[tilespmem:$0x5708] =	vst v0  }
0x569: {  	[tilespmem:$0x5718] =	vst v0  }
0x56a: {  	[tilespmem:$0x5728] =	vst v0  }
0x56b: {  	[tilespmem:$0x5738] =	vst v0  }
0x56c: {  	[tilespmem:$0x5748] =	vst v0  }
0x56d: {  	[tilespmem:$0x5758] =	vst v0  }
0x56e: {  	[tilespmem:$0x5768] =	vst v0  }
0x56f: {  	[tilespmem:$0x5778] =	vst v0  }
0x570: {  	[tilespmem:$0x5788] =	vst v0  }
0x571: {  	[tilespmem:$0x5798] =	vst v0  }
0x572: {  	[tilespmem:$0x57A8] =	vst v0  }
0x573: {  	[tilespmem:$0x57B8] =	vst v0  }
0x574: {  	[tilespmem:$0x57C8] =	vst v0  }
0x575: {  	[tilespmem:$0x57D8] =	vst v0  }
0x576: {  	[tilespmem:$0x57E8] =	vst v0  }
0x577: {  	[tilespmem:$0x57F8] =	vst v0  }
0x578: {  	[tilespmem:$0x5808] =	vst v0  }
0x579: {  	[tilespmem:$0x5818] =	vst v0  }
0x57a: {  	[tilespmem:$0x5828] =	vst v0  }
0x57b: {  	[tilespmem:$0x58C8] =	vst v0  }
0x57c: {  	[tilespmem:$0x6718] =	vst v0  }
0x57d: {  	[tilespmem:$0x6708] =	vst v0  }
0x57e: {  	[tilespmem:$0x66F8] =	vst v0  }
0x57f: {  	[tilespmem:$0x66E8] =	vst v0  }
0x580: {  	[tilespmem:$0x66D8] =	vst v0  }
0x581: {  	[tilespmem:$0x66C8] =	vst v0  }
0x582: {  	[tilespmem:$0x66B8] =	vst v0  }
0x583: {  	[tilespmem:$0x66A8] =	vst v0  }
0x584: {  	[tilespmem:$0x6698] =	vst v0  }
0x585: {  	[tilespmem:$0x6688] =	vst v0  }
0x586: {  	[tilespmem:$0x6678] =	vst v0  }
0x587: {  	[tilespmem:$0x6668] =	vst v0  }
0x588: {  	[tilespmem:$0x6658] =	vst v0  }
0x589: {  	[tilespmem:$0x6648] =	vst v0  }
0x58a: {  	[tilespmem:$0x6638] =	vst v0  }
0x58b: {  	[tilespmem:$0x6628] =	vst v0  }
0x58c: {  	[tilespmem:$0x6618] =	vst v0  }
0x58d: {  	[tilespmem:$0x6608] =	vst v0  }
0x58e: {  	[tilespmem:$0x65F8] =	vst v0  }
0x58f: {  	[tilespmem:$0x65E8] =	vst v0  }
0x590: {  	[tilespmem:$0x65D8] =	vst v0  }
0x591: {  	[tilespmem:$0x65C8] =	vst v0  }
0x592: {  	[tilespmem:$0x65B8] =	vst v0  }
0x593: {  	[tilespmem:$0x65A8] =	vst v0  }
0x594: {  	[tilespmem:$0x6598] =	vst v0  }
0x595: {  	[tilespmem:$0x6588] =	vst v0  }
0x596: {  	[tilespmem:$0x6578] =	vst v0  }
0x597: {  	[tilespmem:$0x6568] =	vst v0  }
0x598: {  	[tilespmem:$0x6558] =	vst v0  }
0x599: {  	[tilespmem:$0x6548] =	vst v0  }
0x59a: {  	[tilespmem:$0x6538] =	vst v0  }
0x59b: {  	[tilespmem:$0x6528] =	vst v0  }
0x59c: {  	[tilespmem:$0x6518] =	vst v0  }
0x59d: {  	[tilespmem:$0x6508] =	vst v0  }
0x59e: {  	[tilespmem:$0x64F8] =	vst v0  }
0x59f: {  	[tilespmem:$0x64E8] =	vst v0  }
0x5a0: {  	[tilespmem:$0x64D8] =	vst v0  }
0x5a1: {  	[tilespmem:$0x64C8] =	vst v0  }
0x5a2: {  	[tilespmem:$0x64B8] =	vst v0  }
0x5a3: {  	[tilespmem:$0x64A8] =	vst v0  }
0x5a4: {  	[tilespmem:$0x6498] =	vst v0  }
0x5a5: {  	[tilespmem:$0x6488] =	vst v0  }
0x5a6: {  	[tilespmem:$0x6478] =	vst v0  }
0x5a7: {  	[tilespmem:$0x6468] =	vst v0  }
0x5a8: {  	[tilespmem:$0x6458] =	vst v0  }
0x5a9: {  	[tilespmem:$0x6448] =	vst v0  }
0x5aa: {  	[tilespmem:$0x6438] =	vst v0  }
0x5ab: {  	[tilespmem:$0x6428] =	vst v0  }
0x5ac: {  	[tilespmem:$0x6418] =	vst v0  }
0x5ad: {  	[tilespmem:$0x6408] =	vst v0  }
0x5ae: {  	[tilespmem:$0x63F8] =	vst v0  }
0x5af: {  	[tilespmem:$0x63E8] =	vst v0  }
0x5b0: {  	[tilespmem:$0x63D8] =	vst v0  }
0x5b1: {  	[tilespmem:$0x63C8] =	vst v0  }
0x5b2: {  	[tilespmem:$0x63B8] =	vst v0  }
0x5b3: {  	[tilespmem:$0x63A8] =	vst v0  }
0x5b4: {  	[tilespmem:$0x6398] =	vst v0  }
0x5b5: {  	[tilespmem:$0x6388] =	vst v0  }
0x5b6: {  	[tilespmem:$0x6378] =	vst v0  }
0x5b7: {  	[tilespmem:$0x6368] =	vst v0  }
0x5b8: {  	[tilespmem:$0x6358] =	vst v0  }
0x5b9: {  	[tilespmem:$0x6348] =	vst v0  }
0x5ba: {  	[tilespmem:$0x6338] =	vst v0  }
0x5bb: {  	[tilespmem:$0x6328] =	vst v0  }
0x5bc: {  	[tilespmem:$0x6318] =	vst v0  }
0x5bd: {  	[tilespmem:$0x6308] =	vst v0  }
0x5be: {  	[tilespmem:$0x62F8] =	vst v0  }
0x5bf: {  	[tilespmem:$0x62E8] =	vst v0  }
0x5c0: {  	[tilespmem:$0x62D8] =	vst v0  }
0x5c1: {  	[tilespmem:$0x62C8] =	vst v0  }
0x5c2: {  	[tilespmem:$0x62B8] =	vst v0  }
0x5c3: {  	[tilespmem:$0x62A8] =	vst v0  }
0x5c4: {  	[tilespmem:$0x6298] =	vst v0  }
0x5c5: {  	[tilespmem:$0x6288] =	vst v0  }
0x5c6: {  	[tilespmem:$0x6278] =	vst v0  }
0x5c7: {  	[tilespmem:$0x6268] =	vst v0  }
0x5c8: {  	[tilespmem:$0x6258] =	vst v0  }
0x5c9: {  	[tilespmem:$0x6248] =	vst v0  }
0x5ca: {  	[tilespmem:$0x6238] =	vst v0  }
0x5cb: {  	[tilespmem:$0x6228] =	vst v0  }
0x5cc: {  	[tilespmem:$0x6218] =	vst v0  }
0x5cd: {  	[tilespmem:$0x6208] =	vst v0  }
0x5ce: {  	[tilespmem:$0x61F8] =	vst v0  }
0x5cf: {  	[tilespmem:$0x61E8] =	vst v0  }
0x5d0: {  	[tilespmem:$0x61D8] =	vst v0  }
0x5d1: {  	[tilespmem:$0x61C8] =	vst v0  }
0x5d2: {  	[tilespmem:$0x61B8] =	vst v0  }
0x5d3: {  	[tilespmem:$0x61A8] =	vst v0  }
0x5d4: {  	[tilespmem:$0x6198] =	vst v0  }
0x5d5: {  	[tilespmem:$0x6188] =	vst v0  }
0x5d6: {  	[tilespmem:$0x6178] =	vst v0  }
0x5d7: {  	[tilespmem:$0x6168] =	vst v0  }
0x5d8: {  	[tilespmem:$0x6158] =	vst v0  }
0x5d9: {  	[tilespmem:$0x6148] =	vst v0  }
0x5da: {  	[tilespmem:$0x6138] =	vst v0  }
0x5db: {  	[tilespmem:$0x6128] =	vst v0  }
0x5dc: {  	[tilespmem:$0x6118] =	vst v0  }
0x5dd: {  	[tilespmem:$0x6108] =	vst v0  }
0x5de: {  	[tilespmem:$0x60F8] =	vst v0  }
0x5df: {  	[tilespmem:$0x60E8] =	vst v0  }
0x5e0: {  	[tilespmem:$0x60D8] =	vst v0  }
0x5e1: {  	[tilespmem:$0x60C8] =	vst v0  }
0x5e2: {  	[tilespmem:$0x60B8] =	vst v0  }
0x5e3: {  	[tilespmem:$0x60A8] =	vst v0  }
0x5e4: {  	[tilespmem:$0x6098] =	vst v0  }
0x5e5: {  	[tilespmem:$0x6088] =	vst v0  }
0x5e6: {  	[tilespmem:$0x6078] =	vst v0  }
0x5e7: {  	[tilespmem:$0x6068] =	vst v0  }
0x5e8: {  	[tilespmem:$0x6058] =	vst v0  }
0x5e9: {  	[tilespmem:$0x6048] =	vst v0  }
0x5ea: {  	[tilespmem:$0x6038] =	vst v0  }
0x5eb: {  	[tilespmem:$0x6028] =	vst v0  }
0x5ec: {  	[tilespmem:$0x6018] =	vst v0  }
0x5ed: {  	[tilespmem:$0x6008] =	vst v0  }
0x5ee: {  	[tilespmem:$0x5FF8] =	vst v0  }
0x5ef: {  	[tilespmem:$0x5FE8] =	vst v0  }
0x5f0: {  	[tilespmem:$0x5FD8] =	vst v0  }
0x5f1: {  	[tilespmem:$0x5FC8] =	vst v0  }
0x5f2: {  	[tilespmem:$0x5FB8] =	vst v0  }
0x5f3: {  	[tilespmem:$0x5FA8] =	vst v0  }
0x5f4: {  	[tilespmem:$0x5F98] =	vst v0  }
0x5f5: {  	[tilespmem:$0x5F88] =	vst v0  }
0x5f6: {  	[tilespmem:$0x5F78] =	vst v0  }
0x5f7: {  	[tilespmem:$0x5F68] =	vst v0  }
0x5f8: {  	[tilespmem:$0x5F58] =	vst v0  }
0x5f9: {  	[tilespmem:$0x5F48] =	vst v0  }
0x5fa: {  	[tilespmem:$0x5F38] =	vst v0  }
0x5fb: {  	[tilespmem:$0x5F28] =	vst v0  }
0x5fc: {  	[tilespmem:$0x5F18] =	vst v0  }
0x5fd: {  	[tilespmem:$0x5F08] =	vst v0  }
0x5fe: {  	[tilespmem:$0x5EF8] =	vst v0  }
0x5ff: {  	[tilespmem:$0x5EE8] =	vst v0  }
0x600: {  	[tilespmem:$0x5ED8] =	vst v0  }
0x601: {  	[tilespmem:$0x5EC8] =	vst v0  }
0x602: {  	[tilespmem:$0x5EB8] =	vst v0  }
0x603: {  	[tilespmem:$0x5EA8] =	vst v0  }
0x604: {  	[tilespmem:$0x5E98] =	vst v0  }
0x605: {  	[tilespmem:$0x5E88] =	vst v0  }
0x606: {  	[tilespmem:$0x5E78] =	vst v0  }
0x607: {  	[tilespmem:$0x5E68] =	vst v0  }
0x608: {  	[tilespmem:$0x5E58] =	vst v0  }
0x609: {  	[tilespmem:$0x5E48] =	vst v0  }
0x60a: {  	[tilespmem:$0x5E38] =	vst v0  }
0x60b: {  	[tilespmem:$0x5E28] =	vst v0  }
0x60c: {  	[tilespmem:$0x5E18] =	vst v0  }
0x60d: {  	[tilespmem:$0x5E08] =	vst v0  }
0x60e: {  	[tilespmem:$0x5DF8] =	vst v0  }
0x60f: {  	[tilespmem:$0x5DE8] =	vst v0  }
0x610: {  	[tilespmem:$0x5DD8] =	vst v0  }
0x611: {  	[tilespmem:$0x5DC8] =	vst v0  }
0x612: {  	[tilespmem:$0x5DB8] =	vst v0  }
0x613: {  	[tilespmem:$0x5DA8] =	vst v0  }
0x614: {  	[tilespmem:$0x5D98] =	vst v0  }
0x615: {  	[tilespmem:$0x5D88] =	vst v0  }
0x616: {  	[tilespmem:$0x5D78] =	vst v0  }
0x617: {  	[tilespmem:$0x5D68] =	vst v0  }
0x618: {  	[tilespmem:$0x5D58] =	vst v0  }
0x619: {  	[tilespmem:$0x5D48] =	vst v0  }
0x61a: {  	[tilespmem:$0x5D38] =	vst v0  }
0x61b: {  	[tilespmem:$0x5D28] =	vst v0  }
0x61c: {  	[tilespmem:$0x5D18] =	vst v0  }
0x61d: {  	[tilespmem:$0x5D08] =	vst v0  }
0x61e: {  	[tilespmem:$0x5CF8] =	vst v0  }
0x61f: {  	[tilespmem:$0x5CE8] =	vst v0  }
0x620: {  	[tilespmem:$0x5CD8] =	vst v0  }
0x621: {  	[tilespmem:$0x5CC8] =	vst v0  }
0x622: {  	[tilespmem:$0x5CB8] =	vst v0  }
0x623: {  	[tilespmem:$0x5CA8] =	vst v0  }
0x624: {  	[tilespmem:$0x5C98] =	vst v0  }
0x625: {  	[tilespmem:$0x5C88] =	vst v0  }
0x626: {  	[tilespmem:$0x5C78] =	vst v0  }
0x627: {  	[tilespmem:$0x5C68] =	vst v0  }
0x628: {  	[tilespmem:$0x5C58] =	vst v0  }
0x629: {  	[tilespmem:$0x5C48] =	vst v0  }
0x62a: {  	[tilespmem:$0x5C38] =	vst v0  }
0x62b: {  	[tilespmem:$0x5C28] =	vst v0  }
0x62c: {  	[tilespmem:$0x5C18] =	vst v0  }
0x62d: {  	[tilespmem:$0x5C08] =	vst v0  }
0x62e: {  	[tilespmem:$0x5BF8] =	vst v0  }
0x62f: {  	[tilespmem:$0x5BE8] =	vst v0  }
0x630: {  	[tilespmem:$0x5BD8] =	vst v0  }
0x631: {  	[tilespmem:$0x5BC8] =	vst v0  }
0x632: {  	[tilespmem:$0x5BB8] =	vst v0  }
0x633: {  	[tilespmem:$0x5BA8] =	vst v0  }
0x634: {  	[tilespmem:$0x5B98] =	vst v0  }
0x635: {  	[tilespmem:$0x5B88] =	vst v0  }
0x636: {  	[tilespmem:$0x5B78] =	vst v0  }
0x637: {  	[tilespmem:$0x5B68] =	vst v0  }
0x638: {  	[tilespmem:$0x5B58] =	vst v0  }
0x639: {  	[tilespmem:$0x5B48] =	vst v0  }
0x63a: {  	[tilespmem:$0x5B38] =	vst v0  }
0x63b: {  	[tilespmem:$0x5B28] =	vst v0  }
0x63c: {  	[tilespmem:$0x5B18] =	vst v0  }
0x63d: {  	[tilespmem:$0x5B08] =	vst v0  }
0x63e: {  	[tilespmem:$0x5AF8] =	vst v0  }
0x63f: {  	[tilespmem:$0x5AE8] =	vst v0  }
0x640: {  	[tilespmem:$0x5AD8] =	vst v0  }
0x641: {  	[tilespmem:$0x5AC8] =	vst v0  }
0x642: {  	[tilespmem:$0x5AB8] =	vst v0  }
0x643: {  	[tilespmem:$0x5AA8] =	vst v0  }
0x644: {  	[tilespmem:$0x5A98] =	vst v0  }
0x645: {  	[tilespmem:$0x5A88] =	vst v0  }
0x646: {  	[tilespmem:$0x5A78] =	vst v0  }
0x647: {  	[tilespmem:$0x5A68] =	vst v0  }
0x648: {  	[tilespmem:$0x5A58] =	vst v0  }
0x649: {  	[tilespmem:$0x5A48] =	vst v0  }
0x64a: {  	[tilespmem:$0x5A38] =	vst v0  }
0x64b: {  	[tilespmem:$0x5A28] =	vst v0  }
0x64c: {  	[tilespmem:$0x5A18] =	vst v0  }
0x64d: {  	[tilespmem:$0x5A08] =	vst v0  }
0x64e: {  	[tilespmem:$0x59F8] =	vst v0  }
0x64f: {  	[tilespmem:$0x59E8] =	vst v0  }
0x650: {  	[tilespmem:$0x59D8] =	vst v0  }
0x651: {  	[tilespmem:$0x59C8] =	vst v0  }
0x652: {  	[tilespmem:$0x59B8] =	vst v0  }
0x653: {  	[tilespmem:$0x59A8] =	vst v0  }
0x654: {  	[tilespmem:$0x5998] =	vst v0  }
0x655: {  	[tilespmem:$0x5988] =	vst v0  }
0x656: {  	[tilespmem:$0x5978] =	vst v0  }
0x657: {  	[tilespmem:$0x5968] =	vst v0  }
0x658: {  	[tilespmem:$0x5958] =	vst v0  }
0x659: {  	[tilespmem:$0x5948] =	vst v0  }
0x65a: {  	[tilespmem:$0x5938] =	vst v0  }
0x65b: {  	s10 =	stileid.u32;
	[tilespmem:$0x5928] =	vst v0  }
0x65c: {  	s0 =	smin.u32 s10, $0x5;
	s2 =	sshll.u32 s10, $0x1;
	[tilespmem:$0x5918] =	vst v0  }
0x65d: {  	p0 =	slt.u32 s10, $0x5;
	[tilespmem:$0x5908] =	vst v0;
	s0 =	sadd.s32 s0, s2  }
0x65e: {  	[tilespmem:$0x58F8] =	vst v0;
	[dreg:$0x3] =	wrdreg s2;
	s2 =	simm.s32 $0x330;
	s7 =	smul.u32 $0x110, s0  }
0x65f: {  	s2 =	simm.s32 @!p0 $0x220;
	[tilespmem:$0x58E8] =	vst v0  }
0x660: {  	[tilespmem:$0x58D8] =	vst v0;
	s0 =	sadd.s32 s2, s7  }
0x661: {  	[tilespmem:$0x58B8] =	vst v0;
	s8 =	smin.u32 s0, $0x2710  }
0x662: {  	[tilespmem:$0x5848] =	vst v0;
	s0 =	ssub.s32 s8, s7  }
0x663: {  	[tilespmem:$0x58A8] =	vst v0;
	p0 =	sgt.s32 s0, $0x0  }
0x664: {  	s4 =	simm.s32 $0x2;
	s6 =	simm.s32 $0x7;
	[tilespmem:$0x5898] =	vst v0;
	s0 =	simm.s32 @!p0 $0x0  }
0x665: {  	s30 =	simm.s32 $0x8;
	s11 =	simm.s32 $0x9;
	[tilespmem:$0x5888] =	vst v0;
	s29 =	smul.u32 $0xF0F1, s0  }
0x666: {  	s16 =	simm.s32 $0x0;
	p1 =	por $0x0, $0x0;
	s17 =	simm.s32 $0xA;
	[tilespmem:$0x5878] =	vst v0  }
0x667: {  	s21 =	simm.s32 $0x0;
	s31 =	smul.u32 $0x300, s10;
	[tilespmem:$0x5868] =	vst v0;
	s2 =	sshrl.u32 s29, $0x18  }
0x668: {  	s18 =	simm.s32 $0x0;
	s20 =	simm.s32 $0x0;
	[tilespmem:$0x5858] =	vst v0;
	s5 =	smul.u32 $0x110, s2  }
.Ltmp0:
0x669: {  	s12 =	sadd.s32 $0x8BC00, s1;
	[tilespmem:$0x5838] =	vst v0;
	[sflag:s4] =	ssyncpa.u1 $0x0;
	v0 =	vimm.s32 $0xFFFFFFFF;
	(pc) =	sbr.rel .LBB2_1-.Ltmp0, $4  }
0x66a: {  	[tilespmem:$0xCD88] =	vst v0;
	[sflag:s6] =	ssyncpa.u1 $0x0;
	p0 =	sne.s32 s0, s5;
	s0 =	simm.s32 $0x1  }
0x66b: {  	s4 =	sadd.s32 $0x8C200, s1;
	[sflag:s30] =	ssyncpa.u1 $0x0;
	s0 =	simm.s32 @!p0 $0x0  }
0x66c: {  	s14 =	sshrl.u32 s31, $0x2;
	[sflag:s11] =	ssyncpa.u1 $0x0;
	s13 =	sadd.s32 s2, s0  }
0x66d: {  	v0 =	vlaneseq.u32;
	s19 =	smov.u32 s7;
	p0 =	por $0x1, $0x1;
	s15 =	sadd.s32 $0x1, s13  }
.LBB2_22:
0x66e: {  	s0 =	sshrl.u32 s30, $0x2  }
.LBB2_24:
0x66f: {  	_ =	swait.ge [sflag:s17], s0  }
0x670: {  	s31 =	ssub.s32 $0x0, s0;
	v1 =	vmov s23;
	vm0 =	veq.s32 v0, $0x0;
	[sflag:s17] =	ssyncset.done $0x0  }
0x671: {  	vm15 =	veq.s32 v0, $0x2;
	v1 =	vsel vm0, s29, v1;
	[sflag:s17] =	ssyncadd.s32 s31  }
0x672: {  	v1 =	vsel vm15, s21, v1;
	[sflag:s17] =	ssyncpa.u1 $0x1  }
0x673: {  	[tilespmem:$0xCD88] =	vst v1  }
.LBB2_25:
0x674: {  	s0 =	sadd.s32 $0x110, s19  }
0x675: {  	s2 =	smov.u32 s7;
	p2 =	slt.s32 s0, s8  }
0x676: {  	s2 =	smov.u32 @p2 s0;
	p2 =	sne.s32 s20, s15  }
.Ltmp1:
0x677: {  	_ = 	snop;
	(pc) =	sbr.rel @!p2 .LBB2_26-.Ltmp1, $4  }
0x678: {  	_ = 	snop  }
0x679: {  	s21 =	smov.u32 s18  }
0x67a: {  	s31 =	sadd.s32 $0x1, s20;
	s18 =	smov.u32 s19;
	p0 =	por !p0, !p0  }
0x67b: {  	p1 =	por !p1, !p1;
	s20 =	smov.u32 s31;
	s19 =	smov.u32 s2  }
.LBB2_1:
0x67c: {  	p2 =	sge.u32 s20, s13  }
0x67d: {  	s0 =	smulhi.u32 @!p2 $0xAAAAAAAB, s20  }
0x67e: {  	s2 =	smov.u32 s19;
	p3 =	sgt.s32 @!p2 s19, $0x2600  }
0x67f: {  	s5 =	sshra.s32 @!p2 s19, $0x1F;
	p3 =	por !p3, p2;
	s0 =	sshrl.u32 @!p2 s0, $0x1  }
0x680: {  	s5 =	sand.u32 @!p2 s5, s19;
	s2 =	simm.s32 @p3 $0x2600;
	s0 =	smul.u32 @!p2 $0x3, s0  }
0x681: {  	s2 =	ssub.s32 @!p2 s2, s5  }
0x682: {  	s23 =	sadd.s32 $0xFFFFFFFF, s20;
	s2 =	sadd.s32 @!p2 $0xFFFFDA00, s2;
	s0 =	ssub.s32 @!p2 s20, s0  }
0x683: {  	s5 =	sshll.u32 @!p2 s2, $0x2;
	p3 =	sgt.s32 @!p2 s2, $0x10F;
	s0 =	smul.u32 @!p2 $0x440, s0  }
0x684: {  	s6 =	sand.u32 @!p2 $0x7, s19;
	s2 =	ssub.s32 @!p2 $0x440, s5;
	p3 =	por !p3, p2  }
0x685: {  	s5 =	sshrl.u32 @!p2 s19, $0x3;
	s2 =	sshrl.u32 @!p2 s2, $0x2;
	s0 =	sshrl.u32 @!p2 s0, $0x2  }
0x686: {  	s5 =	sadd.s32 @!p2 s12, s5;
	s2 =	simm.s32 @!p3 $0x0;
	s0 =	sadd.s32 @!p2 $0xD9B8, s0  }
0x687: {  	[tilespmem:s0], [sflag:$0x8] =	stream.linear.gather @!p2 [hbm4b:s5+s6], s2, $0x38;
	[tilespmem:$0x1EF08] =	vst v63  }
0x688: {  	p2 =	sge.u32 s23, s13  }
0x689: {  	p3 =	sgt.s32 @!p2 s18, $0x2600  }
0x68a: {  	s0 =	smov.u32 s18;
	s2 =	sshra.s32 @!p2 s18, $0x1F;
	p3 =	por !p3, p2  }
0x68b: {  	s2 =	sand.u32 @!p2 s2, s18;
	s0 =	simm.s32 @p3 $0x2600  }
0x68c: {  	s0 =	ssub.s32 @!p2 s0, s2  }
0x68d: {  	s0 =	sadd.s32 @!p2 $0xFFFFDA00, s0  }
0x68e: {  	s2 =	sshll.u32 @!p2 s0, $0x2  }
0x68f: {  	p3 =	sgt.s32 @!p2 s0, $0x10F;
	s0 =	ssub.s32 @!p2 $0x440, s2  }
0x690: {  	s22 =	ssub.s32 @!p2 $0x2710, s18;
	p3 =	por !p3, p2;
	s0 =	sshrl.u32 @!p2 s0, $0x2  }
0x691: {  	s2 =	sand.u32 @!p2 $0x1, s23;
	s0 =	simm.s32 @!p3 $0x0;
	p3 =	slt.s32 @!p2 s22, $0x1  }
0x692: {  	s5 =	simm.s32 @!p2 $0x8;
	s2 =	smul.u32 @!p2 $0x440, s2;
	p3 =	por p2, p3  }
.Ltmp2:
0x693: {  	_ =	swait.ge @!p2 [sflag:s5], s0;
	(pc) =	sbr.rel @p3 .LBB2_7-.Ltmp2, $4  }
0x694: {  	s6 =	ssub.s32 @!p2 $0x0, s0;
	[sflag:s5] =	ssyncset.done @!p2 $0x0  }
0x695: {  	s2 =	sshrl.u32 @!p2 s2, $0x2;
	[sflag:s5] =	ssyncadd.s32 @!p2 s6;
	s5 =	sshrl.u32 @!p2 s18, $0x3  }
0x696: {  	s2 =	sadd.s32 @!p2 $0xDCE8, s2;
	s6 =	sand.u32 @!p2 $0x7, s18;
	s5 =	sadd.s32 @!p2 s9, s5  }
0x697: {  	[tilespmem:s2], [sflag:$0x9] =	stream.linear.gather @!p2 [hbm4b:s5+s6], s0, $0x38;
	[tilespmem:$0x1EF08] =	vst v63  }
0x698: {  	s0 =	smulhi.u32 $0xAAAAAAAB, s23;
	_ =	sdelay $0x1  }
0x699: {  	s0 =	sshrl.u32 s0, $0x1  }
0x69a: {  	s0 =	smul.u32 $0x3, s0;
	_ =	sdelay $0x1  }
0x69b: {  	s0 =	ssub.s32 s23, s0  }
0x69c: {  	s2 =	simm.s32 $0x1;
	s0 =	smul.u32 $0x440, s0  }
.Ltmp3:
0x69d: {  	s2 =	simm.s32 @!p0 $0x0;
	(pc) =	sbr.rel .LBB2_4-.Ltmp3, $4  }
0x69e: {  	s2 =	smul.u32 $0x22000, s2  }
0x69f: {  	p3 =	slt.s32 @!p2 s22, $0x110;
	s0 =	sshrl.u32 s0, $0x2  }
0x6a0: {  	p2 =	por !p3, p2;
	s2 =	sshrl.u32 s2, $0x2;
	s0 =	sadd.s32 $0xD9B8, s0  }
0x6a1: {  	s24 =	simm.s32 $0x0;
	s22 =	simm.s32 @p2 $0x110;
	s23 =	sadd.s32 $0xDF08, s2;
	v1 =	vmov s0  }
.LBB2_3:
0x6a2: {  	p2 =	sge.s32 s24, s22  }
.Ltmp4:
0x6a3: {  	_ = 	snop;
	(pc) =	sbr.rel @p2 .LBB2_7-.Ltmp4, $2  }
0x6a4: {  	_ =	sdelay $0x2  }
0x6a5: {  	s23 =	sadd.s32 $0x800, s23  }
.LBB2_4:
0x6a6: {  	p2 =	sle.s32 s22, s24  }
.Ltmp5:
0x6a7: {  	_ = 	snop;
	(pc) =	sbr.rel @p2 .LBB2_3-.Ltmp5, $2  }
0x6a8: {  	_ =	sdelay $0x2  }
0x6a9: {  	s0 =	smov.u32 s24;
	s24 =	sadd.s32 $0x10, s24  }
0x6aa: {  	s2 =	ssub.s32 s22, s0  }
0x6ab: {  	p2 =	slt.s32 s2, $0x10  }
0x6ac: {  	s2 =	simm.s32 @!p2 $0x10  }
0x6ad: {  	v2 =	vmov s2  }
0x6ae: {  	vm0 =	vgt.s32 v2, v0;
	_ =	sdelay $0x5  }
0x6af: {  	v2 =	vld.idx.msk [tilespmem:v1+s0+$0x0 ss:$0x1], vm0;
	_ =	sdelay $0x2  }
0x6b0: {  	s5 =	smov.u32 s22;
	p2 =	slt.s32 s24, s22  }
0x6b1: {  	s6 =	smov.u32 s23;
	s25 =	simm.s32 $0x0;
	s5 =	smov.u32 @p2 s24  }
.LBB2_6:
0x6b2: {  	(v2sf) =	vpush v2, s25;
	_ =	sdelay $0xc  }
0x6b3: {  	s25 =	sadd.s32 $0x1, s25  }
0x6b4: {  	s31 =	sadd.s32 s25, s0  }
0x6b5: {  	p2 =	slt.s32 s31, s5;
	s2 =	spop (v2sf)  }
.Ltmp6:
0x6b6: {  	s2 =	sshll.u32 s2, $0x4;
	(pc) =	sbr.rel @p2 .LBB2_6-.Ltmp6, $4  }
0x6b7: {  	s2 =	sand.u32 $0x1FFFFFF0, s2  }
0x6b8: {  	s2 =	sadd.s32 s1, s2  }
0x6b9: {  	[tilespmem:s6], [sflag:$0x7] =	stream.linear.gather [hbm4b:s2+s16], $0x60, $0x38;
	[tilespmem:$0x1EF08] =	vst v63  }
0x6ba: {  	s6 =	sadd.s32 $0x80, s6  }
.Ltmp7:
0x6bb: {  	_ = 	snop;
	(pc) =	sbr.rel .LBB2_3-.Ltmp7, $1  }
0x6bc: {  	_ =	sdelay $0x3  }
.LBB2_7:
0x6bd: {  	p2 =	slt.u32 s20, $0x2  }
.Ltmp8:
0x6be: {  	_ = 	snop;
	(pc) =	sbr.rel @p2 .LBB2_25-.Ltmp8, $1  }
0x6bf: {  	_ =	sdelay $0x3  }
0x6c0: {  	s0 =	ssub.s32 $0x2710, s21;
	p2 =	sgt.s32 s21, $0x2600;
	s2 =	smov.u32 s21  }
0x6c1: {  	s5 =	sshra.s32 s21, $0x1F;
	p3 =	slt.s32 s0, $0x110;
	s6 =	smov.u32 s0  }
0x6c2: {  	s2 =	simm.s32 @!p2 $0x2600;
	s5 =	sand.u32 s5, s21;
	s6 =	simm.s32 @!p3 $0x110  }
0x6c3: {  	s2 =	ssub.s32 s2, s5;
	s24 =	smul.u32 $0x180, s6  }
0x6c4: {  	s2 =	sadd.s32 $0xFFFFDA00, s2  }
0x6c5: {  	s28 =	simm.s32 $0x7;
	s25 =	sshll.u32 s2, $0x2;
	s5 =	sshrl.u32 s24, $0x2  }
0x6c6: {  	p2 =	sgt.s32 s2, $0x10F;
	s26 =	ssub.s32 $0x440, s25;
	_ =	swait.ge [sflag:s28], s5  }
0x6c7: {  	s5 =	ssub.s32 $0x0, s5;
	s2 =	sshrl.u32 s26, $0x2;
	[sflag:s28] =	ssyncset.done $0x0  }
0x6c8: {  	s2 =	simm.s32 @p2 $0x0;
	[sflag:s28] =	ssyncadd.s32 s5  }
0x6c9: {  	_ =	swait.ge [sflag:s11], s2  }
0x6ca: {  	s2 =	ssub.s32 $0x0, s2;
	[sflag:s11] =	ssyncset.done $0x0  }
0x6cb: {  	[sflag:s11] =	ssyncadd.s32 s2  }
0x6cc: {  	v1 =	vld [tilespmem:$0xCD88];
	_ =	sdelay $0x4  }
0x6cd: {  	(v2sf) =	vpush v1, $0x0  }
0x6ce: {  	(v2sf) =	vpush v1, $0x1  }
0x6cf: {  	(v2sf) =	vpush v1, $0x2;
	_ =	sdelay $0x3  }
0x6d0: {  	s2 =	sadd.s32 $0x110, s21  }
0x6d1: {  	p2 =	slt.s32 s8, s2  }
0x6d2: {  	s2 =	smov.u32 @p2 s8;
	p2 =	sgt.s32 s0, $0x0  }
0x6d3: {  	s24 =	ssub.s32 s2, s21;
	s0 =	simm.s32 @!p2 $0x0  }
0x6d4: {  	p2 =	slt.s32 s0, s24  }
0x6d5: {  	s24 =	smov.u32 @p2 s0  }
0x6d6: {  	s25 =	simm.s32 $0x1;
	p2 =	slt.s32 s24, $0x1  }
.Ltmp9:
0x6d7: {  	s25 =	simm.s32 @!p1 $0x0;
	(pc) =	sbr.rel @p2 .LBB2_12-.Ltmp9, $4  }
0x6d8: {  	s30 =	smul.u32 $0x440, s25  }
0x6d9: {  	s26 =	spop (v2sf)  }
0x6da: {  	s31 =	sshrl.u32 s30, $0x2;
	s29 =	spop (v2sf)  }
0x6db: {  	s22 =	sadd.s32 $0xDCE8, s31;
	s21 =	spop (v2sf)  }
0x6dc: {  	s0 =	smin.u32 s24, $0x10  }
0x6dd: {  	v1 =	vmov s0  }
0x6de: {  	p3 =	sgt.s32 s24, $0x10;
	vm1 =	vgt.u32 v1, v0  }
.Ltmp10:
0x6df: {  	_ = 	snop;
	(pc) =	sbr.rel @!p3 .LBB2_11-.Ltmp10, $2  }
0x6e0: {  	_ =	sdelay $0x2  }
0x6e1: {  	s23 =	simm.s32 $0x10;
	s28 =	sadd.s32 $0xFFFFFFF0, s24;
	s0 =	smov.u32 s22;
	vm0 =	vmmov vm1  }
.LBB2_10:
0x6e2: {  	s2 =	smin.u32 s28, $0x10;
	s23 =	sadd.s32 $0x10, s23;
	v1 =	vld.msk [tilespmem:s0+$0x0 ss:$0x1], vm1  }
0x6e3: {  	v2 =	vmov s2;
	p3 =	slt.s32 s23, s24  }
0x6e4: {  	vm1 =	vgt.u32 v2, v0  }
.Ltmp11:
0x6e5: {  	(pc) =	sbr.rel @p3 .LBB2_10-.Ltmp11, $3  }
0x6e6: {  	_ =	sdelay $0x1  }
0x6e7: {  	v1 =	vshll.u32 v1, $0x4  }
0x6e8: {  	s28 =	sadd.s32 $0xFFFFFFF0, s28;
	[tilespmem:s0+$0x0] =	vst.msk vm0, v1;
	s0 =	sadd.s32 $0x10, s0;
	vm0 =	vmmov vm1  }
.LBB2_11:
0x6e9: {  	_ =	sdelay $0x4  }
0x6ea: {  	v1 =	vld.msk [tilespmem:s0+$0x0 ss:$0x1], vm1;
	_ =	sdelay $0x4  }
0x6eb: {  	v1 =	vshll.u32 v1, $0x4  }
0x6ec: {  	[tilespmem:s0+$0x0] =	vst.msk vm0, v1  }
.LBB2_12:
0x6ed: {  	s0 =	sand.u32 $0x1, s20  }
0x6ee: {  	s0 =	smul.u32 $0x110, s0  }
0x6ef: {  	p3 =	sne.s32 s29, $0xFFFFFFFF  }
0x6f0: {  	v1 =	vld.msk @!p3 [tilespmem:s0+$0xDCE8], $0x1;
	_ =	sdelay $0x4  }
0x6f1: {  	(v2sf) =	vpush @!p3 v1, $0x0;
	_ =	sdelay $0xc  }
.Ltmp12:
0x6f2: {  	_ = 	snop;
	(pc) =	sbr.rel @p2 .LBB2_23-.Ltmp12, $4  }
0x6f3: {  	_ = 	snop  }
0x6f4: {  	s28 =	spop @!p3 (v2sf)  }
0x6f5: {  	s21 =	simm.s32 @!p3 $0x0;
	s23 =	smov.u32 s28  }
0x6f6: {  	[sflag:s17] =	ssyncpa.u1 $0x0;
	s28 =	smov.u32 @p3 s26;
	s23 =	smov.u32 @p3 s29  }
0x6f7: {  	v1 =	vld.msk [tilespmem:s22+$0x0], $0x1;
	_ =	sdelay $0x4  }
0x6f8: {  	(v2sf) =	vpush v1, $0x0;
	_ =	sdelay $0xd  }
0x6f9: {  	s10 =	smov.u32 s9  }
0x6fa: {  	s0 =	smul.u32 $0x22000, s25;
	s24 =	ssub.s32 $0x0, s24;
	s31 =	spop (v2sf)  }
0x6fb: {  	s25 =	simm.s32 $0x0;
	s29 =	sadd.s32 $0x1, s24;
	p2 =	seq.s32 s28, s31  }
0x6fc: {  	p4 =	seq.s32 s29, $0x0;
	p3 =	sgt.s32 @!p2 s28, $0x0;
	s2 =	smul.u32 @!p2 $0x180, s25  }
.Ltmp13:
0x6fd: {  	s5 =	smov.u32 s28;
	p3 =	por !p3, p2;
	(pc) =	sbr.rel @p4 .LBB2_15-.Ltmp13, $4  }
0x6fe: {  	s30 =	sadd.s32 $0x1, s22;
	s0 =	sshrl.u32 s0, $0x2;
	s5 =	simm.s32 @p3 $0x0  }
0x6ff: {  	s26 =	sadd.s32 $0xDF38, s0;
	s2 =	sshra.s32 @!p2 s2, $0x2;
	s6 =	smin.u32 @!p2 s5, $0x9C3F4  }
0x700: {  	s0 =	simm.s32 @!p2 $0x1;
	s5 =	sadd.s32 @!p2 $0x6728, s2;
	s2 =	sand.u32 @!p2 $0xFFFF8, s6  }
0x701: {  	s0 =	smov.u32 @p2 s25;
	s6 =	sand.u32 @!p2 $0x7, s6;
	s2 =	sadd.s32 @!p2 s4, s2  }
.LBB2_14:
0x702: {  	s9 =	smov.u32 s0  }
0x703: {  	[tilespmem:s5], [sflag:$0x2] =	stream.linear.gather @!p2 [hbm4b:s2+s6], $0x60, $0x38;
	[tilespmem:$0x1EF08] =	vst v63  }
0x704: {  	s29 =	sadd.s32 $0x1, s29;
	s2 =	smov.u32 s31;
	v1 =	vld.msk [tilespmem:s30+$0x0], $0x1  }
0x705: {  	p3 =	seq.s32 s29, $0x0;
	_ =	sdelay $0x3  }
0x706: {  	(v2sf) =	vpush v1, $0x0;
	_ =	sdelay $0xe  }
0x707: {  	s31 =	spop (v2sf)  }
0x708: {  	p2 =	seq.s32 s2, s31  }
0x709: {  	p4 =	sgt.s32 @!p2 s2, $0x0;
	s5 =	smul.u32 @!p2 $0x180, s0;
	s0 =	sadd.s32 @!p2 $0x1, s0  }
.Ltmp14:
0x70a: {  	p4 =	por !p4, p2;
	s0 =	smov.u32 @p2 s9;
	(pc) =	sbr.rel @!p3 .LBB2_14-.Ltmp14, $4  }
0x70b: {  	s2 =	simm.s32 @p4 $0x0;
	s5 =	sshra.s32 @!p2 s5, $0x2  }
0x70c: {  	s2 =	smin.u32 @!p2 s2, $0x9C3F4;
	s5 =	sadd.s32 @!p2 $0x6728, s5  }
0x70d: {  	s9 =	sand.u32 @!p2 $0xFFFF8, s2;
	s6 =	sand.u32 @!p2 $0x7, s2  }
0x70e: {  	s30 =	sadd.s32 $0x1, s30;
	s2 =	sadd.s32 @!p2 s4, s9  }
.LBB2_15:
0x70f: {  	s0 =	smul.u32 $0x180, s0  }
0x710: {  	[tilespmem:s5], [sflag:$0x2] =	stream.linear.gather @!p2 [hbm4b:s2+s6], $0x60, $0x38;
	[tilespmem:$0x1EF08] =	vst v63  }
.Ltmp15:
0x711: {  	_ = 	snop;
	(pc) =	sbr.rel .LBB2_16-.Ltmp15, $4  }
0x712: {  	s31 =	simm.s32 $0x2;
	s0 =	sshrl.u32 s0, $0x2  }
0x713: {  	_ =	swait.ge [sflag:s31], s0  }
0x714: {  	s0 =	ssub.s32 $0x0, s0;
	[sflag:s31] =	ssyncset.done $0x0  }
0x715: {  	s30 =	simm.s32 $0x0;
	s9 =	smov.u32 s10;
	[sflag:s31] =	ssyncadd.s32 s0  }
.LBB2_17:
0x716: {  	v1 =	vld [tilespmem:s26+$0xFFFFFFD0];
	_ =	sdelay $0x4  }
0x717: {  	[tilespmem:s31+$0xC8] =	vst.add.f32.msk $0xffff, v1  }
0x718: {  	v1 =	vld [tilespmem:s26+$0xFFFFFFE0];
	_ =	sdelay $0x4  }
0x719: {  	[tilespmem:s31+$0xD8] =	vst.add.f32.msk $0xffff, v1  }
0x71a: {  	v1 =	vld [tilespmem:s26+$0xFFFFFFF0];
	_ =	sdelay $0x4  }
0x71b: {  	[tilespmem:s31+$0xE8] =	vst.add.f32.msk $0xffff, v1  }
0x71c: {  	v1 =	vld [tilespmem:s26+$0x0];
	_ =	sdelay $0x4  }
0x71d: {  	[tilespmem:s31+$0xF8] =	vst.add.f32.msk $0xffff, v1  }
0x71e: {  	v1 =	vld [tilespmem:s26+$0x10];
	_ =	sdelay $0x4  }
0x71f: {  	[tilespmem:s31+$0x108] =	vst.add.f32.msk $0xffff, v1  }
0x720: {  	v1 =	vld [tilespmem:s26+$0x20];
	_ =	sdelay $0x4  }
0x721: {  	[tilespmem:s31+$0x118] =	vst.add.f32.msk $0xffff, v1  }
.LBB2_21:
0x722: {  	s24 =	sadd.s32 $0x1, s24  }
0x723: {  	p2 =	seq.s32 s24, $0x0  }
.Ltmp16:
0x724: {  	_ = 	snop;
	(pc) =	sbr.rel @p2 .LBB2_22-.Ltmp16, $2  }
0x725: {  	_ =	sdelay $0x2  }
0x726: {  	s22 =	sadd.s32 $0x1, s22;
	s26 =	sadd.s32 $0x80, s26;
	s28 =	smov.u32 s29  }
.LBB2_16:
0x727: {  	v1 =	vld.msk [tilespmem:s22+$0x0], $0x1;
	_ =	sdelay $0x4  }
0x728: {  	(v2sf) =	vpush v1, $0x0;
	_ =	sdelay $0xe  }
0x729: {  	s29 =	spop (v2sf)  }
0x72a: {  	p2 =	sne.s32 s28, s29  }
.Ltmp17:
0x72b: {  	_ = 	snop;
	(pc) =	sbr.rel @!p2 .LBB2_17-.Ltmp17, $3  }
0x72c: {  	_ = 	snop  }
0x72d: {  	s0 =	smul.u32 $0x180, s21;
	_ =	sdelay $0x1  }
0x72e: {  	s31 =	sshra.s32 s0, $0x2  }
0x72f: {  	p2 =	seq.s32 s28, s23  }
.Ltmp18:
0x730: {  	_ = 	snop;
	(pc) =	sbr.rel @!p2 .LBB2_19-.Ltmp18, $1  }
0x731: {  	_ =	sdelay $0x3  }
.Ltmp19:
0x732: {  	s0 =	sadd.s32 $0xC8, s31;
	(pc) =	sbr.rel .LBB2_20-.Ltmp19, $4  }
0x733: {  	[spmem:s14] =	stream.linear.scatter [tilespmem:s0], [sflag:$0x1], $0x60, $0x38;
	[tilespmem:$0x1EF08] =	vst v63  }
0x734: {  	_ =	swait.ge [sflag:s3], $0x60  }
0x735: {  	[sflag:s3] =	ssyncset.done $0x0  }
0x736: {  	[sflag:s3] =	ssyncadd.s32 $0xFFFFFFA0  }
.LBB2_19:
0x737: {  	s0 =	smul.u32 $0x180, s25;
	_ =	sdelay $0x1  }
0x738: {  	s0 =	sshra.s32 s0, $0x2  }
0x739: {  	v1 =	vld [tilespmem:s0+$0x6728];
	_ =	sdelay $0x4  }
0x73a: {  	[tilespmem:s31+$0xC8] =	vst.add.f32.msk $0xffff, v1  }
0x73b: {  	v1 =	vld [tilespmem:s0+$0x6738];
	_ =	sdelay $0x4  }
0x73c: {  	[tilespmem:s31+$0xD8] =	vst.add.f32.msk $0xffff, v1  }
0x73d: {  	v1 =	vld [tilespmem:s0+$0x6748];
	_ =	sdelay $0x4  }
0x73e: {  	[tilespmem:s31+$0xE8] =	vst.add.f32.msk $0xffff, v1  }
0x73f: {  	v1 =	vld [tilespmem:s0+$0x6758];
	_ =	sdelay $0x4  }
0x740: {  	[tilespmem:s31+$0xF8] =	vst.add.f32.msk $0xffff, v1  }
0x741: {  	v1 =	vld [tilespmem:s0+$0x6768];
	_ =	sdelay $0x4  }
0x742: {  	[tilespmem:s31+$0x108] =	vst.add.f32.msk $0xffff, v1  }
0x743: {  	v1 =	vld [tilespmem:s0+$0x6778];
	_ =	sdelay $0x2  }
0x744: {  	p2 =	sgt.u32 s28, $0x9C3F4  }
0x745: {  	s0 =	sand.u32 @!p2 $0xFFFF8, s28  }
0x746: {  	s2 =	sadd.s32 $0xC8, s31;
	s5 =	sand.u32 @!p2 $0x7, s28;
	s0 =	sadd.s32 @!p2 s4, s0;
	[tilespmem:s31+$0x118] =	vst.add.f32.msk $0xffff, v1  }
0x747: {  	[hbm4b:s0+s5] =	stream.linear.scatter @!p2 [tilespmem:s2], [sflag:$0xA], $0x60, $0x38;
	[tilespmem:$0x1EF08] =	vst v63  }
0x748: {  	s0 =	simm.s32 $0x0  }
0x749: {  	s0 =	simm.s32 @!p2 $0x180  }
0x74a: {  	s30 =	sadd.s32 s0, s30  }
.LBB2_20:
0x74b: {  	s0 =	sadd.s32 $0x1, s21  }
0x74c: {  	s2 =	smulhi.u32 $0xF0F0F0F1, s0;
	_ =	sdelay $0x1  }
0x74d: {  	s2 =	sshrl.u32 s2, $0x8  }
0x74e: {  	s2 =	smul.u32 $0x110, s2  }
0x74f: {  	v1 =	vld [tilespmem:s26+$0xFFFFFFD0]  }
0x750: {  	s21 =	ssub.s32 s0, s2  }
0x751: {  	s0 =	smul.u32 $0x180, s21;
	_ =	sdelay $0x1  }
0x752: {  	s0 =	sshrl.u32 s0, $0x2  }
0x753: {  	[tilespmem:s0+$0xC8] =	vst v1  }
0x754: {  	v1 =	vld [tilespmem:s26+$0xFFFFFFE0];
	_ =	sdelay $0x4  }
0x755: {  	[tilespmem:s0+$0xD8] =	vst v1  }
0x756: {  	v1 =	vld [tilespmem:s26+$0xFFFFFFF0];
	_ =	sdelay $0x4  }
0x757: {  	[tilespmem:s0+$0xE8] =	vst v1  }
0x758: {  	v1 =	vld [tilespmem:s26+$0x0];
	_ =	sdelay $0x4  }
0x759: {  	[tilespmem:s0+$0xF8] =	vst v1  }
0x75a: {  	v1 =	vld [tilespmem:s26+$0x10];
	_ =	sdelay $0x4  }
0x75b: {  	[tilespmem:s0+$0x108] =	vst v1  }
0x75c: {  	v1 =	vld [tilespmem:s26+$0x20]  }
.Ltmp20:
0x75d: {  	_ = 	snop;
	(pc) =	sbr.rel .LBB2_21-.Ltmp20, $2  }
0x75e: {  	_ =	sdelay $0x2  }
0x75f: {  	s25 =	sadd.s32 $0x1, s25;
	[tilespmem:s0+$0x118] =	vst v1  }
.LBB2_23:
.Ltmp21:
0x760: {  	(pc) =	sbr.rel .LBB2_24-.Ltmp21, $4  }
0x761: {  	_ = 	snop  }
0x762: {  	s0 =	simm.s32 $0x2  }
0x763: {  	_ =	swait.ge [sflag:s0], $0x0  }
0x764: {  	s29 =	smov.u32 s28;
	[sflag:s0] =	ssyncset.done $0x0;
	s0 =	simm.s32 $0x0  }
.LBB2_26:
0x765: {  	_ =	sfence.sel $0x180000  }
0x766: {  	s0 =	simm.s32 $0x7;
	[bflag:$0x0] =	sbarrier.arrive $0xFFFF  }
0x767: {  	s24 =	simm.s32 $0x8;
	[sflag:s0] =	ssyncpa.u1 $0x1  }
0x768: {  	s25 =	simm.s32 $0x9;
	[sflag:s24] =	ssyncpa.u1 $0x1  }
0x769: {  	s26 =	simm.s32 $0x2;
	[sflag:s25] =	ssyncpa.u1 $0x1  }
0x76a: {  	[sflag:s26] =	ssyncpa.u1 $0x1  }
0x76b: {  	v0 =	vld [tilespmem:$0xCD88];
	_ =	sdelay $0x4  }
0x76c: {  	(v2sf) =	vpush v0, $0x0  }
0x76d: {  	(v2sf) =	vpush v0, $0x1;
	_ =	sdelay $0x2  }
0x76e: {  	(v2sf) =	vpush v0, $0x2;
	_ =	sdelay $0xa  }
0x76f: {  	s0 =	spop (v2sf)  }
0x770: {  	s1 =	spop (v2sf)  }
0x771: {  	s2 =	smov.u32 s0;
	p0 =	sne.s32 s0, s1  }
0x772: {  	s2 =	simm.s32 @!p0 $0xFFFFFFFF  }
0x773: {  	v1 =	vmov s2;
	s2 =	spop (v2sf)  }
0x774: {  	p0 =	seq.s32 s2, $0xFFFFFFFF  }
0x775: {  	v2 =	vimm.s32 $0x1;
	v3 =	vlaneseq.u32;
	p1 =	sne.s32 @!p0 s0, s1  }
0x776: {  	v0 =	vperm.xlane v0, v2;
	v1 =	vperm.xlane v1, v3;
	s0 =	simm.s32 @!p0 $0x1;
	p1 =	por !p1, p0  }
0x777: {  	vm0 =	vcmask $0x3F04;
	s6 =	rddreg [dreg:$0x3];
	s1 =	smul.u32 @!p0 $0x180, s2;
	s0 =	simm.s32 @p1 $0x0  }
0x778: {  	s5 =	simm.s32 $0xCD88;
	v0 =	vsel vm0, v1, v0;
	s0 =	sor.u32 @!p0 s0, s6  }
0x779: {  	s3 =	sor.u32 $0xC00, s6;
	[tilespmem:$0xCD88] =	vst v0;
	s1 =	sshra.s32 @!p0 s1, $0x2;
	s0 =	smul.u32 @!p0 $0x180, s0  }
0x77a: {  	[spmem:s3] =	stream.linear.scatter [tilespmem:s5], [sflag:$0x1], $0x2, $0x38;
	[tilespmem:$0x1EF08] =	vst v63  }
0x77b: {  	s1 =	sadd.s32 @!p0 $0xC8, s1;
	s0 =	sshrl.u32 @!p0 s0, $0x2  }
0x77c: {  	[spmem:s0] =	stream.linear.scatter @!p0 [tilespmem:s1], [sflag:$0x1], $0x60, $0x38;
	[tilespmem:$0x1EF08] =	vst v63  }
0x77d: {  	s1 =	simm.s32 @!p0 $0x62  }
0x77e: {  	s0 =	simm.s32 $0x1;
	s1 =	simm.s32 @p0 $0x2  }
0x77f: {  	_ =	swait.ge [sflag:s0], s1  }
0x780: {  	s1 =	ssub.s32 $0x0, s1;
	[sflag:s0] =	ssyncset.done $0x0  }
0x781: {  	[sflag:s0] =	ssyncadd.s32 s1  }
0x782: {  	_ =	sfence.stream.spmem  }
0x783: {  	s28 =	simm.s32 $0x3;
	[bflag:$0x0] =	sbarrier.arrive $0xFFFF  }
0x784: {  	s29 =	simm.s32 $0x4;
	[sflag:s28] =	ssyncpa.u1 $0x1  }
0x785: {  	s30 =	simm.s32 $0x3C;
	s31 =	stileid.u32;
	[sflag:s29] =	ssyncpa.u1 $0x1  }
0x786: {  	p0 =	sne.s32 s31, $0x0;
	[sflag:s30] =	ssyncpa.u1 $0x1  }
0x787: {  	_ =	sfence @p0  }
0x788: {  	[sflag:s0] =	ssyncpa.u1 @p0 $0x1  }
0x789: {  	_ =	strace @p0 $0x9000004D  }
0x78a: {  	[bflag:$0x2] =	sbarrier.arrive @p0 $0xFFFF  }
0x78b: {  	_ =	shalt @p0  }
.LBB2_27:
0x78c: {  	_ =	sfence.stream.spmem;
	s0 =	simm.s32 $0x5  }
0x78d: {  	s1 =	simm.s32 $0xC00;
	s2 =	simm.s32 $0xCD98;
	[sflag:s0] =	ssyncpa.u1 $0x0  }
0x78e: {  	[tilespmem:s2], [sflag:$0x5] =	stream.linear.gather [spmem:s1], $0x20, $0x38;
	[tilespmem:$0x1EF08] =	vst v63  }
0x78f: {  	s30 =	simm.s32 $0xCDB8;
	s1 =	simm.s32 $0x0  }
0x790: {  	[tilespmem:s30], [sflag:$0x5] =	stream.linear.gather [spmem:s1], $0xC00, $0x38;
	[tilespmem:$0x1EF08] =	vst v63  }
.Ltmp22:
0x791: {  	_ = 	snop;
	(pc) =	sbr.rel .LBB2_28-.Ltmp22, $4  }
0x792: {  	_ =	swait.ge [sflag:s0], $0xC20  }
0x793: {  	[sflag:s0] =	ssyncset.done $0x0  }
0x794: {  	s31 =	simm.s32 $0x6;
	[sflag:s0] =	ssyncadd.s32 $0xFFFFF3E0  }
0x795: {  	s2 =	simm.s32 $0x0;
	[sflag:s31] =	ssyncpa.u1 $0x0  }
.LBB2_34:
0x796: {  	p0 =	slt.u32 s3, $0x9C3F5  }
0x797: {  	s0 =	sand.u32 @p0 $0xFFFF8, s3  }
0x798: {  	s3 =	sand.u32 @p0 $0x7, s3;
	s5 =	simm.s32 @p0 $0xCD28;
	s0 =	sadd.s32 @p0 s4, s0  }
0x799: {  	[tilespmem:s5], [sflag:$0x6] =	stream.linear.gather @p0 [hbm4b:s0+s3], $0x60, $0x38;
	[tilespmem:$0x1EF08] =	vst v63  }
0x79a: {  	s0 =	simm.s32 @p0 $0x6  }
0x79b: {  	_ =	swait.ge @p0 [sflag:s0], $0x60  }
0x79c: {  	[sflag:s0] =	ssyncset.done @p0 $0x0  }
0x79d: {  	[sflag:s0] =	ssyncadd.s32 @p0 $0xFFFFFFA0  }
0x79e: {  	v1 =	vld @p0 [tilespmem:$0xCD28];
	_ =	sdelay $0x1  }
0x79f: {  	s0 =	smul.u32 @p0 $0x180, s2;
	_ =	sdelay $0x1  }
0x7a0: {  	s3 =	sshra.s32 @p0 s0, $0x2  }
0x7a1: {  	[tilespmem:s3+$0xCDB8] =	vst.add.f32.msk @p0 $0xffff, v1  }
0x7a2: {  	v1 =	vld @p0 [tilespmem:$0xCD38];
	_ =	sdelay $0x4  }
0x7a3: {  	[tilespmem:s3+$0xCDC8] =	vst.add.f32.msk @p0 $0xffff, v1  }
0x7a4: {  	v1 =	vld @p0 [tilespmem:$0xCD48];
	_ =	sdelay $0x4  }
0x7a5: {  	[tilespmem:s3+$0xCDD8] =	vst.add.f32.msk @p0 $0xffff, v1  }
0x7a6: {  	v1 =	vld @p0 [tilespmem:$0xCD58];
	_ =	sdelay $0x4  }
0x7a7: {  	[tilespmem:s3+$0xCDE8] =	vst.add.f32.msk @p0 $0xffff, v1  }
0x7a8: {  	v1 =	vld @p0 [tilespmem:$0xCD68];
	_ =	sdelay $0x4  }
0x7a9: {  	[tilespmem:s3+$0xCDF8] =	vst.add.f32.msk @p0 $0xffff, v1  }
0x7aa: {  	v1 =	vld @p0 [tilespmem:$0xCD78];
	_ =	sdelay $0x2  }
0x7ab: {  	s5 =	smul.u32 @!p0 $0x180, s2;
	_ =	sdelay $0x1  }
0x7ac: {  	s5 =	smov.u32 @p0 s0;
	[tilespmem:s3+$0xCE08] =	vst.add.f32.msk @p0 $0xffff, v1  }
0x7ad: {  	s0 =	sshra.s32 s5, $0x2;
	[tilespmem:s1+$0xCD98] =	vst.msk $0x1, v0  }
0x7ae: {  	v0 =	vld [tilespmem:s0+$0xCDB8];
	_ =	sdelay $0x1  }
0x7af: {  	s31 =	smul.u32 $0x180, s1;
	_ =	sdelay $0x1  }
0x7b0: {  	s3 =	sshra.s32 s31, $0x2  }
0x7b1: {  	[tilespmem:s3+$0xCDB8] =	vst v0  }
0x7b2: {  	v0 =	vld [tilespmem:s0+$0xCDC8];
	_ =	sdelay $0x4  }
0x7b3: {  	[tilespmem:s3+$0xCDC8] =	vst v0  }
0x7b4: {  	v0 =	vld [tilespmem:s0+$0xCDD8];
	_ =	sdelay $0x4  }
0x7b5: {  	[tilespmem:s3+$0xCDD8] =	vst v0  }
0x7b6: {  	v0 =	vld [tilespmem:s0+$0xCDE8];
	_ =	sdelay $0x4  }
0x7b7: {  	[tilespmem:s3+$0xCDE8] =	vst v0  }
0x7b8: {  	v0 =	vld [tilespmem:s0+$0xCDF8];
	_ =	sdelay $0x4  }
0x7b9: {  	[tilespmem:s3+$0xCDF8] =	vst v0  }
0x7ba: {  	v0 =	vld [tilespmem:s0+$0xCE08];
	_ =	sdelay $0x4  }
0x7bb: {  	s1 =	sadd.s32 $0x1, s1;
	[tilespmem:s3+$0xCE08] =	vst v0  }
.LBB2_35:
0x7bc: {  	s2 =	sadd.s32 $0x1, s2  }
0x7bd: {  	p0 =	sne.s32 s2, $0x20  }
.Ltmp23:
0x7be: {  	_ = 	snop;
	(pc) =	sbr.rel @!p0 .LBB2_36-.Ltmp23, $1  }
0x7bf: {  	_ =	sdelay $0x3  }
.LBB2_28:
0x7c0: {  	v0 =	vld.msk [tilespmem:s2+$0xCD98], $0x1;
	_ =	sdelay $0x4  }
0x7c1: {  	(v2sf) =	vpush v0, $0x0;
	_ =	sdelay $0xe  }
0x7c2: {  	s3 =	spop (v2sf)  }
0x7c3: {  	p0 =	seq.s32 s3, $0xFFFFFFFF  }
.Ltmp24:
0x7c4: {  	_ = 	snop;
	(pc) =	sbr.rel @p0 .LBB2_35-.Ltmp24, $1  }
0x7c5: {  	_ =	sdelay $0x3  }
0x7c6: {  	p0 =	slt.s32 s1, $0x1  }
.Ltmp25:
0x7c7: {  	_ = 	snop;
	(pc) =	sbr.rel @p0 .LBB2_34-.Ltmp25, $1  }
0x7c8: {  	_ =	sdelay $0x3  }
0x7c9: {  	s5 =	simm.s32 $0xCD98;
	p0 =	por $0x0, $0x0  }
0x7ca: {  	v1 =	vld.msk @!p0 [tilespmem:s5+$0x0], $0x1;
	_ =	sdelay $0x4  }
0x7cb: {  	(v2sf) =	vpush @!p0 v1, $0x0;
	_ =	sdelay $0xd  }
0x7cc: {  	p2 =	sne.s32 s1, $0x1  }
.Ltmp26:
0x7cd: {  	s0 =	spop @!p0 (v2sf);
	(pc) =	sbr.rel @!p2 .LBB2_32-.Ltmp26, $4  }
0x7ce: {  	p1 =	seq.s32 @!p0 s3, s0  }
0x7cf: {  	s6 =	simm.s32 $0x0;
	p1 =	por !p1, p0  }
0x7d0: {  	s0 =	simm.s32 $0xFFFFFFFF;
	s6 =	simm.s32 @p1 $0xFFFFFFFF  }
0x7d1: {  	s7 =	simm.s32 $0x1;
	s6 =	smov.u32 @p0 s0  }
.LBB2_31:
0x7d2: {  	s0 =	smov.u32 s6;
	p0 =	sne.s32 s6, $0xFFFFFFFF  }
0x7d3: {  	s5 =	sadd.s32 $0x1, s5;
	s6 =	smov.u32 s7;
	s7 =	sadd.s32 $0x1, s7  }
0x7d4: {  	p1 =	sne.s32 s1, s7;
	v1 =	vld.msk @!p0 [tilespmem:s5+$0x0], $0x1;
	_ =	sdelay $0x4  }
0x7d5: {  	(v2sf) =	vpush @!p0 v1, $0x0;
	_ =	sdelay $0xe  }
.Ltmp27:
0x7d6: {  	s8 =	spop @!p0 (v2sf);
	(pc) =	sbr.rel @p1 .LBB2_31-.Ltmp27, $4  }
0x7d7: {  	p2 =	seq.s32 @!p0 s3, s8  }
0x7d8: {  	p2 =	por !p2, p0  }
0x7d9: {  	s6 =	simm.s32 @p2 $0xFFFFFFFF  }
0x7da: {  	s6 =	smov.u32 @p0 s0  }
.LBB2_32:
0x7db: {  	p0 =	seq.s32 s6, $0xFFFFFFFF  }
.Ltmp28:
0x7dc: {  	_ = 	snop;
	(pc) =	sbr.rel @p0 .LBB2_34-.Ltmp28, $1  }
0x7dd: {  	_ =	sdelay $0x3  }
0x7de: {  	s0 =	smul.u32 $0x180, s2;
	_ =	sdelay $0x1  }
0x7df: {  	s0 =	sshra.s32 s0, $0x2  }
0x7e0: {  	v0 =	vld [tilespmem:s0+$0xCDB8];
	_ =	sdelay $0x1  }
0x7e1: {  	s3 =	smul.u32 $0x180, s6;
	_ =	sdelay $0x1  }
0x7e2: {  	s3 =	sshra.s32 s3, $0x2  }
0x7e3: {  	[tilespmem:s3+$0xCDB8] =	vst.add.f32.msk $0xffff, v0  }
0x7e4: {  	v0 =	vld [tilespmem:s0+$0xCDC8];
	_ =	sdelay $0x4  }
0x7e5: {  	[tilespmem:s3+$0xCDC8] =	vst.add.f32.msk $0xffff, v0  }
0x7e6: {  	v0 =	vld [tilespmem:s0+$0xCDD8];
	_ =	sdelay $0x4  }
0x7e7: {  	[tilespmem:s3+$0xCDD8] =	vst.add.f32.msk $0xffff, v0  }
0x7e8: {  	v0 =	vld [tilespmem:s0+$0xCDE8];
	_ =	sdelay $0x4  }
0x7e9: {  	[tilespmem:s3+$0xCDE8] =	vst.add.f32.msk $0xffff, v0  }
0x7ea: {  	v0 =	vld [tilespmem:s0+$0xCDF8];
	_ =	sdelay $0x4  }
0x7eb: {  	[tilespmem:s3+$0xCDF8] =	vst.add.f32.msk $0xffff, v0  }
0x7ec: {  	v0 =	vld [tilespmem:s0+$0xCE08]  }
.Ltmp29:
0x7ed: {  	_ = 	snop;
	(pc) =	sbr.rel .LBB2_35-.Ltmp29, $2  }
0x7ee: {  	_ =	sdelay $0x2  }
0x7ef: {  	[tilespmem:s3+$0xCE08] =	vst.add.f32.msk $0xffff, v0  }
.LBB2_36:
0x7f0: {  	p0 =	slt.s32 s1, $0x1  }
.Ltmp30:
0x7f1: {  	_ = 	snop;
	(pc) =	sbr.rel @p0 .LBB2_40-.Ltmp30, $3  }
0x7f2: {  	_ =	sdelay $0x1  }
0x7f3: {  	s0 =	simm.s32 $0x6  }
0x7f4: {  	s2 =	simm.s32 $0x0;
	[sflag:s0] =	ssyncpa.u1 $0x1  }
0x7f5: {  	s0 =	simm.s32 $0xCD98  }
0x7f6: {  	v0 =	vld.msk [tilespmem:s0+$0x0], $0x1;
	_ =	sdelay $0x4  }
0x7f7: {  	(v2sf) =	vpush v0, $0x0;
	_ =	sdelay $0xe  }
0x7f8: {  	s1 =	sadd.s32 $0xFFFFFFFF, s1;
	s0 =	spop (v2sf)  }
0x7f9: {  	p1 =	sne.s32 s1, $0x0;
	p0 =	sgt.u32 s0, $0x9C3F4  }
.Ltmp31:
0x7fa: {  	s5 =	sand.u32 @!p0 $0xFFFF8, s0;
	(pc) =	sbr.rel @!p1 .LBB2_39-.Ltmp31, $4  }
0x7fb: {  	s3 =	simm.s32 $0xCDB8;
	s0 =	sand.u32 @!p0 $0x7, s0;
	s5 =	sadd.s32 @!p0 s4, s5  }
0x7fc: {  	[hbm4b:s5+s0] =	stream.linear.scatter @!p0 [tilespmem:s3], [sflag:$0x5], $0x60, $0x38;
	[tilespmem:$0x1EF08] =	vst v63  }
0x7fd: {  	s0 =	simm.s32 $0x0  }
0x7fe: {  	s5 =	simm.s32 $0xCD99;
	s0 =	simm.s32 @!p0 $0x180  }
.LBB2_38:
0x7ff: {  	v0 =	vld.msk [tilespmem:s5+$0x0], $0x1;
	s1 =	sadd.s32 $0xFFFFFFFF, s1;
	s2 =	sadd.s32 s2, s0  }
0x800: {  	p0 =	sne.s32 s1, $0x0;
	_ =	sdelay $0x3  }
0x801: {  	(v2sf) =	vpush v0, $0x0;
	_ =	sdelay $0xe  }
.Ltmp32:
0x802: {  	s6 =	spop (v2sf);
	(pc) =	sbr.rel @p0 .LBB2_38-.Ltmp32, $4  }
0x803: {  	s0 =	simm.s32 $0x0;
	p1 =	sgt.u32 s6, $0x9C3F4  }
0x804: {  	s3 =	sadd.s32 $0x60, s3;
	s0 =	simm.s32 @!p1 $0x180;
	s7 =	sand.u32 @!p1 $0xFFFF8, s6  }
0x805: {  	s5 =	sadd.s32 $0x1, s5;
	s6 =	sand.u32 @!p1 $0x7, s6;
	s7 =	sadd.s32 @!p1 s4, s7  }
0x806: {  	[hbm4b:s7+s6] =	stream.linear.scatter @!p1 [tilespmem:s3], [sflag:$0x5], $0x60, $0x38;
	[tilespmem:$0x1EF08] =	vst v63  }
.LBB2_39:
0x807: {  	s0 =	sadd.s32 s2, s0  }
0x808: {  	s2 =	sshrl.u32 s0, $0x2  }
.LBB2_40:
0x809: {  	s0 =	simm.s32 $0x5  }
0x80a: {  	_ =	swait.ge [sflag:s0], s2  }
0x80b: {  	s1 =	ssub.s32 $0x0, s2;
	[sflag:s0] =	ssyncset.done $0x0  }
0x80c: {  	[sflag:s0] =	ssyncadd.s32 s1  }
0x80d: {  	[sflag:s0] =	ssyncpa.u1 $0x1  }
0x80e: {  	s30 =	simm.s32 $0x1;
	_ =	sfence  }
0x80f: {  	[sflag:s30] =	ssyncpa.u1 $0x1  }
0x810: {  	_ =	strace $0x9000004D  }
0x811: {  	[bflag:$0x2] =	sbarrier.arrive $0xFFFF  }
0x812: {  	s31 =	rddreg [dreg:$0x2]  }
0x813: {  	s0 =	sadd.s32 $0x100000, s31  }
0x814: {  	[sflag:s0] =	ssyncadd.tile.s32 $0x1;
	_ =	shalt  }
.Lfunc_end2:
_tile_overlayer_lowered:
.L_overlay_start_2:
0x815: {  	(tag) =	ssettag $0x2  }
0x816: {  	s0 =	rddreg [dreg:$0x0];
	s2 =	stileid.u32  }
0x817: {  	s1 =	rddreg [dreg:$0x1];
	p0 =	sne.s32 s2, $0x0  }
0x818: {  	s3 =	rddreg [dreg:$0x2];
	[bflag:$0x3] =	sbarrier.arrive $0xFFFF;
	s2 =	simm.s32 @!p0 $0x1C01  }
0x819: {  	[timem:s3], [sflag:s2] =	dma.local @!p0 [hbm:s0], s1  }
0x81a: {  	s0 =	simm.s32 @!p0 $0x1  }
0x81b: {  	_ =	swait.ge @!p0 [sflag:s0], s1  }
0x81c: {  	s1 =	ssub.s32 @!p0 $0x0, s1;
	[sflag:s0] =	ssyncset.done @!p0 $0x0  }
0x81d: {  	[sflag:s0] =	ssyncadd.s32 @!p0 s1  }
0x81e: {  	[bflag:$0x3] =	sbarrier.arrive $0xFFFF  }
0x81f: {  	_ =	shalt  }

</sc_bundles>
